<compile_context>
chip_gen: v7x
topology: tpu7x:2x2x1
jax: 0.10.2.dev20260603
libtpu: 0.0.44.dev20260713+nightly
codegen_flags: <defaults>
</compile_context>

<pallas_src>
import jax
import jax.numpy as jnp
from jax import lax
from jax.experimental import pallas as pl
from jax.experimental.pallas import tpu as pltpu
from jax.experimental.pallas import tpu_sc as plsc

N = 10000
E = 320000
NW = 32
R = 313
NPAD = NW * R
CAP = 11264
CHUNK = 1600
NCHUNK_PAIRS = (E // CHUNK) // 2
GCHUNK = 1024
GSUB = 128
BATCH = 16
ADPAD = 10032
NEG_BIG = -3.0e38

_SC_PARAMS = pltpu.CompilerParams(needs_layout_passes=False)


def _make_tc(din, dout, do_relu):
    blk = 400

    def body(x_ref, w_ref, ws_ref, wd_ref, b_ref, h_ref, as_ref, ad_ref):
        xb = x_ref[...]
        if do_relu:
            xb = jnp.maximum(xb + b_ref[...], 0.0)
        h_ref[...] = jnp.dot(xb, w_ref[...],
                             preferred_element_type=jnp.float32)
        as_ref[...] = jnp.sum(xb * ws_ref[...], axis=1)[None, None, :]
        ad_ref[...] = jnp.sum(xb * wd_ref[...], axis=1)[None, None, :]

    h_cols = dout
    h_dtype = jnp.float32
    return pl.pallas_call(
        body,
        grid=(N // blk,),
        in_specs=[
            pl.BlockSpec((blk, din), lambda i: (i, 0)),
            pl.BlockSpec((din, dout), lambda i: (0, 0)),
            pl.BlockSpec((1, din), lambda i: (0, 0)),
            pl.BlockSpec((1, din), lambda i: (0, 0)),
            pl.BlockSpec((1, din), lambda i: (0, 0)),
        ],
        out_specs=[
            pl.BlockSpec((blk, h_cols), lambda i: (i, 0)),
            pl.BlockSpec((1, 1, blk), lambda i: (i, 0, 0)),
            pl.BlockSpec((1, 1, blk), lambda i: (i, 0, 0)),
        ],
        out_shape=[
            jax.ShapeDtypeStruct((N, h_cols), h_dtype),
            jax.ShapeDtypeStruct((N // blk, 1, blk), jnp.float32),
            jax.ShapeDtypeStruct((N // blk, 1, blk), jnp.float32),
        ],
    )


def _final_bias():
    blk = 400

    def body(z_ref, b_ref, o_ref):
        o_ref[...] = z_ref[...] + b_ref[...]

    return pl.pallas_call(
        body,
        grid=(N // blk,),
        in_specs=[
            pl.BlockSpec((blk, 128), lambda i: (i, 0)),
            pl.BlockSpec((1, 128), lambda i: (0, 0)),
        ],
        out_specs=pl.BlockSpec((blk, 128), lambda i: (i, 0)),
        out_shape=jax.ShapeDtypeStruct((N, 128), jnp.float32),
    )


def _make_sc(D, do_scan, packed):
    mesh = plsc.VectorSubcoreMesh(core_axis_name="c", subcore_axis_name="s")
    h_cols = D // 2 if packed else D
    h_dtype = jnp.int32 if packed else jnp.float32
    out_type = [jax.ShapeDtypeStruct((NPAD * D,), jnp.float32)]
    if do_scan:
        out_type += [
            jax.ShapeDtypeStruct((NW, CAP), jnp.int32),
            jax.ShapeDtypeStruct((NW, CAP), jnp.int32),
            jax.ShapeDtypeStruct((NW, 16), jnp.int32),
        ]
    scratch = [
        pltpu.VMEM((CAP,), jnp.int32),
        pltpu.VMEM((CAP,), jnp.int32),
        pltpu.VMEM((CAP,), jnp.float32),
        pltpu.VMEM((CHUNK,), jnp.int32),
        pltpu.VMEM((CHUNK,), jnp.int32),
        pltpu.VMEM((CHUNK,), jnp.int32),
        pltpu.VMEM((CHUNK,), jnp.int32),
        pltpu.VMEM((GCHUNK,), jnp.float32),
        pltpu.VMEM((336,), jnp.float32),
        pltpu.VMEM((R + 7,), jnp.float32),
        pltpu.VMEM((R * D,), jnp.float32),
        pltpu.VMEM((BATCH, h_cols), h_dtype),
        pltpu.VMEM((BATCH, h_cols), h_dtype),
        pltpu.VMEM((16,), jnp.int32),
        pltpu.SemaphoreType.DMA,
        pltpu.SemaphoreType.DMA,
        pltpu.SemaphoreType.DMA,
        pltpu.SemaphoreType.DMA,
        pltpu.SemaphoreType.DMA,
        pltpu.SemaphoreType.DMA,
    ]

    def body(*refs):
        if do_scan:
            (src_hbm, dst_hbm, h_hbm, as_hbm, ad_hbm,
             z_out, sl_out, dl_out, cnt_out,
             src_l, dst_l, alpha_l, eb_s0, eb_d0, eb_s1, eb_d1,
             asg, ad_v, denom_v, out_v, hb0, hb1, cnt16,
             sem0, sem1, sem2, sem3, sem4, sem5) = refs
        else:
            (sl_in, dl_in, cnt_in, h_hbm, as_hbm, ad_hbm,
             z_out,
             src_l, dst_l, alpha_l, eb_s0, eb_d0, eb_s1, eb_d1,
             asg, ad_v, denom_v, out_v, hb0, hb1, cnt16,
             sem0, sem1, sem2, sem3, sem4, sem5) = refs

        w = lax.axis_index("c") * 16 + lax.axis_index("s")
        base = w * R
        iota16 = lax.iota(jnp.int32, 16)
        zeros16i = jnp.zeros((16,), jnp.int32)
        zeros16f = jnp.zeros((16,), jnp.float32)

        if do_scan:
            base_v = jnp.full((16,), base, jnp.int32)
            hi_v = base_v + R

            def zlists(i, _):
                src_l[pl.ds(i * 16, 16)] = zeros16i
                dst_l[pl.ds(i * 16, 16)] = zeros16i
                return 0

            lax.fori_loop(0, CAP // 16, zlists, 0)

            def start_chunk(t, es, ed, ss, sd):
                off = t * CHUNK
                pltpu.async_copy(src_hbm.at[pl.ds(off, CHUNK)], es, ss)
                pltpu.async_copy(dst_hbm.at[pl.ds(off, CHUNK)], ed, sd)

            def wait_chunk(es, ed, ss, sd):
                pltpu.make_async_copy(
                    src_hbm.at[pl.ds(0, CHUNK)], es, ss).wait()
                pltpu.make_async_copy(
                    dst_hbm.at[pl.ds(0, CHUNK)], ed, sd).wait()

            def scan_chunk(es, ed, cnt_v):
                def step(i, cv):
                    for k in range(4):
                        off = (i * 4 + k) * 16
                        s16 = es[pl.ds(off, 16)]
                        d16 = ed[pl.ds(off, 16)]
                        msk = (d16 >= base_v) & (d16 < hi_v)
                        cs = plsc.cumsum(msk.astype(jnp.int32))
                        pos = cs + cv - 1
                        plsc.store_scatter(src_l, [pos], s16, mask=msk)
                        plsc.store_scatter(dst_l, [pos], d16 - base_v,
                                           mask=msk)
                        cv = cv + plsc.all_reduce_population_count(msk)
                    return cv

                return lax.fori_loop(0, CHUNK // 64, step, cnt_v)

            start_chunk(0, eb_s0, eb_d0, sem0, sem1)

            def p1_pair(tp, cnt_v):
                t = tp * 2
                wait_chunk(eb_s0, eb_d0, sem0, sem1)
                start_chunk(t + 1, eb_s1, eb_d1, sem2, sem3)
                cnt_v = scan_chunk(eb_s0, eb_d0, cnt_v)
                start_chunk(t + 2, eb_s0, eb_d0, sem0, sem1)
                wait_chunk(eb_s1, eb_d1, sem2, sem3)
                cnt_v = scan_chunk(eb_s1, eb_d1, cnt_v)
                return cnt_v

            cnt_v = lax.fori_loop(0, NCHUNK_PAIRS, p1_pair, zeros16i)
            wait_chunk(eb_s0, eb_d0, sem0, sem1)

            cnt16[...] = cnt_v
            pltpu.sync_copy(src_l, sl_out.at[w])
            pltpu.sync_copy(dst_l, dl_out.at[w])
            pltpu.sync_copy(cnt16, cnt_out.at[w])
            cnt = jnp.max(cnt_v)
        else:
            pltpu.sync_copy(sl_in.at[w], src_l)
            pltpu.sync_copy(dl_in.at[w], dst_l)
            pltpu.sync_copy(cnt_in.at[w], cnt16)
            cnt = jnp.max(cnt16[...])

        cnt_v16 = jnp.full((16,), cnt, jnp.int32)
        cntp = ((cnt + 63) // 64) * 64
        nch = (cntp + GCHUNK - 1) // GCHUNK

        base_al = (base // 16) * 16
        off_v = jnp.full((16,), base - base_al, jnp.int32)
        pltpu.sync_copy(ad_hbm.at[pl.ds(base_al, 336)], ad_v)

        def gather_scores(c):
            for kk in range(GCHUNK // GSUB):
                pltpu.async_copy(
                    as_hbm.at[src_l.at[pl.ds(c * GCHUNK + kk * GSUB, GSUB)]],
                    asg.at[pl.ds(kk * GSUB, GSUB)], sem0)
            for kk in range(GCHUNK // GSUB):
                pltpu.make_async_copy(
                    as_hbm.at[src_l.at[pl.ds(0, GSUB)]],
                    asg.at[pl.ds(kk * GSUB, GSUB)], sem0).wait()

        def p2a_chunk(c, mvec):
            gather_scores(c)

            def inner(i, mv):
                g = c * GCHUNK + i * 16
                t = asg[pl.ds(i * 16, 16)] + plsc.load_gather(
                    ad_v, [dst_l[pl.ds(g, 16)] + off_v])
                e = jnp.where(t >= 0, t, 0.2 * t)
                alpha_l[pl.ds(g, 16)] = e
                valid = (jnp.full((16,), g, jnp.int32) + iota16) < cnt_v16
                return jnp.maximum(mv, jnp.where(valid, e, NEG_BIG))

            return lax.fori_loop(0, GCHUNK // 16, inner, mvec)

        mvec = lax.fori_loop(0, nch, p2a_chunk,
                             jnp.full((16,), NEG_BIG, jnp.float32))
        m_v = jnp.full((16,), jnp.max(mvec), jnp.float32)

        def zden(i, _):
            denom_v[pl.ds(i * 16, 16)] = zeros16f
            return 0

        lax.fori_loop(0, (R + 7 + 15) // 16, zden, 0)

        def p2b(i, _):
            g = i * 16
            e16 = alpha_l[pl.ds(g, 16)]
            dl16 = dst_l[pl.ds(g, 16)]
            valid = (jnp.full((16,), g, jnp.int32) + iota16) < cnt_v16
            p = jnp.where(valid, jnp.exp(e16 - m_v), 0.0)
            alpha_l[pl.ds(g, 16)] = p
            plsc.addupdate_scatter(denom_v, [dl16], p, mask=valid)
            return 0

        lax.fori_loop(0, nch * (GCHUNK // 16), p2b, 0)

        def p2c(i, _):
            g = i * 16
            p16 = alpha_l[pl.ds(g, 16)]
            dn = plsc.load_gather(denom_v, [dst_l[pl.ds(g, 16)]])
            alpha_l[pl.ds(g, 16)] = p16 / (dn + 1e-16)
            return 0

        lax.fori_loop(0, nch * (GCHUNK // 16), p2c, 0)

        def zout(i, _):
            out_v[pl.ds(i * 16, 16)] = zeros16f
            return 0

        lax.fori_loop(0, R * D // 16, zout, 0)

        def gather_batch(b, hb, sem):
            pltpu.async_copy(
                h_hbm.at[src_l.at[pl.ds(b * BATCH, BATCH)]], hb, sem)

        def wait_batch(b, hb, sem):
            pltpu.make_async_copy(
                h_hbm.at[src_l.at[pl.ds(b * BATCH, BATCH)]], hb, sem).wait()

        def process_batch(b, hb):
            def edge(j, _):
                eidx = jnp.full((16,), b * BATCH + j, jnp.int32)
                av = plsc.load_gather(alpha_l, [eidx])
                bv = plsc.load_gather(dst_l, [eidx]) * D
                if packed:
                    mask_hi = jnp.full((16,), -65536, jnp.int32)
                    for g in range(D // 32):
                        rp = hb[j, pl.ds(g * 16, 16)]
                        u = plsc.bitcast(rp << 16, jnp.float32)
                        v = plsc.bitcast(rp & mask_hi, jnp.float32)
                        idx_u = bv + (g * 32 + 2 * iota16)
                        plsc.addupdate_scatter(out_v, [idx_u], u * av)
                        plsc.addupdate_scatter(out_v, [idx_u + 1], v * av)
                else:
                    for g in range(D // 16):
                        rv = hb[j, pl.ds(g * 16, 16)]
                        plsc.addupdate_scatter(
                            out_v, [bv + (g * 16 + iota16)], rv * av)
                return 0

            lax.fori_loop(0, BATCH, edge, 0)

        npairs = cntp // (2 * BATCH)
        gather_batch(0, hb0, sem4)

        def p3_pair(i, _):
            b = i * 2
            wait_batch(b, hb0, sem4)
            gather_batch(b + 1, hb1, sem5)
            process_batch(b, hb0)
            gather_batch(b + 2, hb0, sem4)
            wait_batch(b + 1, hb1, sem5)
            process_batch(b + 1, hb1)
            return 0

        lax.fori_loop(0, npairs, p3_pair, 0)
        wait_batch(npairs * 2, hb0, sem4)

        pltpu.sync_copy(out_v, z_out.at[pl.ds(base * D, R * D)])

    return pl.kernel(body, out_type=out_type, mesh=mesh,
                     compiler_params=_SC_PARAMS, scratch_types=scratch)


_tc1 = _make_tc(128, 256, do_relu=False)
_tc2 = _make_tc(256, 128, do_relu=True)
_sc_scan = _make_sc(256, do_scan=True, packed=True)
_sc_agg = _make_sc(128, do_scan=False, packed=False)
_final = _final_bias()


def kernel(x, edge_index, W1, a_src1, a_dst1, b1, W2, a_src2, a_dst2, b2):
    ws1 = W1 @ a_src1
    wd1 = W1 @ a_dst1
    ws2 = W2 @ a_src2
    wd2 = W2 @ a_dst2
    src = edge_index[0].astype(jnp.int32)
    dst = edge_index[1].astype(jnp.int32)
    srcp = jnp.concatenate([src, jnp.zeros((CHUNK,), jnp.int32)])
    dstp = jnp.concatenate([dst, jnp.zeros((CHUNK,), jnp.int32)])

    zeros128 = jnp.zeros((1, 128), jnp.float32)
    h1, as1, ad1 = _tc1(x, W1, ws1.reshape(1, -1), wd1.reshape(1, -1),
                        zeros128)
    as1f = as1.reshape(-1)
    ad1p = jnp.pad(ad1.reshape(-1), (0, ADPAD - N))

    bits = lax.bitcast_convert_type(h1, jnp.uint32).reshape(N, 128, 2)
    h1p = lax.bitcast_convert_type(
        (bits[:, :, 0] >> 16) | (bits[:, :, 1] & jnp.uint32(0xFFFF0000)),
        jnp.int32)

    z1f, sl, dl, cn = _sc_scan(srcp, dstp, h1p, as1f, ad1p)
    z1 = z1f.reshape(NPAD, 256)

    h2, as2, ad2 = _tc2(z1, W2, ws2.reshape(1, -1), wd2.reshape(1, -1),
                        b1.reshape(1, -1))
    as2f = as2.reshape(-1)
    ad2p = jnp.pad(ad2.reshape(-1), (0, ADPAD - N))

    (z2f,) = _sc_agg(sl, dl, cn, h2, as2f, ad2p)
    z2 = z2f.reshape(NPAD, 128)

    return _final(z2[:N], b2.reshape(1, -1))

# --- scband reference (transcript-rebuilt; emitter-appended) ---
"""Pipeline reference for scband-gaaencoder-81655918232324 (READ-ONLY COPY).

The authoritative reference and input builder live on the scoring server;
editing this copy changes nothing except your own understanding.
"""

import jax, jax.numpy as jnp
import numpy as np

N = 10000
E = 320000
D_IN = 128
D_HID = 256  # 2 * out_channels
D_OUT = 128


def gat_conv(x, edge_index, W, a_src, a_dst, b, num_nodes):
    # PyG-style single-head GATConv
    h = x @ W                                  # [N, F_out]
    src = edge_index[0]
    dst = edge_index[1]
    alpha_s = h @ a_src                        # [N]
    alpha_d = h @ a_dst                        # [N]
    e = jax.nn.leaky_relu(alpha_s[src] + alpha_d[dst], negative_slope=0.2)  # [E]
    # segment softmax over incoming edges of each dst node
    m = jax.ops.segment_max(e, dst, num_segments=num_nodes)
    m = jnp.where(jnp.isfinite(m), m, 0.0)
    ex = jnp.exp(e - m[dst])
    denom = jax.ops.segment_sum(ex, dst, num_segments=num_nodes)
    alpha = ex / (denom[dst] + 1e-16)          # [E]
    msg = alpha[:, None] * h[src]              # gather + weight
    out = jax.ops.segment_sum(msg, dst, num_segments=num_nodes)  # scatter-add
    return out + b


def setup_inputs(seed: int = 0) -> dict:
    key = jax.random.key(seed)
    ks = jax.random.split(key, 12)
    x = jax.random.normal(ks[0], (N, D_IN), dtype=jnp.float32)
    edge_index = jax.random.randint(ks[1], (2, E), 0, N)
    W1 = jax.random.normal(ks[2], (D_IN, D_HID), dtype=jnp.float32) / np.sqrt(D_IN)
    a_src1 = jax.random.normal(ks[3], (D_HID,), dtype=jnp.float32) / np.sqrt(D_HID)
    a_dst1 = jax.random.normal(ks[4], (D_HID,), dtype=jnp.float32) / np.sqrt(D_HID)
    b1 = jnp.zeros((D_HID,), dtype=jnp.float32)
    W2 = jax.random.normal(ks[5], (D_HID, D_OUT), dtype=jnp.float32) / np.sqrt(D_HID)
    a_src2 = jax.random.normal(ks[6], (D_OUT,), dtype=jnp.float32) / np.sqrt(D_OUT)
    a_dst2 = jax.random.normal(ks[7], (D_OUT,), dtype=jnp.float32) / np.sqrt(D_OUT)
    b2 = jnp.zeros((D_OUT,), dtype=jnp.float32)
    return {"x": x, "edge_index": edge_index,
            "W1": W1, "a_src1": a_src1, "a_dst1": a_dst1, "b1": b1,
            "W2": W2, "a_src2": a_src2, "a_dst2": a_dst2, "b2": b2}


def reference(x, edge_index, W1, a_src1, a_dst1, b1, W2, a_src2, a_dst2, b2):
    h = gat_conv(x, edge_index, W1, a_src1, a_dst1, b1, N)
    h = jax.nn.relu(h)
    out = gat_conv(h, edge_index, W2, a_src2, a_dst2, b2, N)
    return out

if __name__ == "__main__":
    import jax
    _d = setup_inputs()
    print(jax.jit(kernel)(*tuple(_d.values())))

</pallas_src>

<mosaic_0001>
#map = affine_map<(d0, d1) -> (0)>
#map1 = affine_map<(d0, d1) -> (0, 0)>
module attributes {stable_mosaic.version = 14 : i64} {
  func.func @body(%arg0: i32, %arg1: i32, %arg2: memref<321600xi32, #tpu.memory_space<hbm>>, %arg3: memref<321600xi32, #tpu.memory_space<hbm>>, %arg4: memref<10000x128xi32, #tpu.memory_space<hbm>>, %arg5: memref<10000xf32, #tpu.memory_space<hbm>>, %arg6: memref<10032xf32, #tpu.memory_space<hbm>>, %arg7: memref<2564096xf32, #tpu.memory_space<hbm>>, %arg8: memref<32x11264xi32, #tpu.memory_space<hbm>>, %arg9: memref<32x11264xi32, #tpu.memory_space<hbm>>, %arg10: memref<32x16xi32, #tpu.memory_space<hbm>>, %arg11: memref<11264xi32, #tpu.memory_space<vmem>>, %arg12: memref<11264xi32, #tpu.memory_space<vmem>>, %arg13: memref<11264xf32, #tpu.memory_space<vmem>>, %arg14: memref<1600xi32, #tpu.memory_space<vmem>>, %arg15: memref<1600xi32, #tpu.memory_space<vmem>>, %arg16: memref<1600xi32, #tpu.memory_space<vmem>>, %arg17: memref<1600xi32, #tpu.memory_space<vmem>>, %arg18: memref<1024xf32, #tpu.memory_space<vmem>>, %arg19: memref<336xf32, #tpu.memory_space<vmem>>, %arg20: memref<320xf32, #tpu.memory_space<vmem>>, %arg21: memref<80128xf32, #tpu.memory_space<vmem>>, %arg22: memref<16x128xi32, #tpu.memory_space<vmem>>, %arg23: memref<16x128xi32, #tpu.memory_space<vmem>>, %arg24: memref<16xi32, #tpu.memory_space<vmem>>, %arg25: memref<!tpu.dma_semaphore, #tpu.memory_space<semaphore_mem>>, %arg26: memref<!tpu.dma_semaphore, #tpu.memory_space<semaphore_mem>>, %arg27: memref<!tpu.dma_semaphore, #tpu.memory_space<semaphore_mem>>, %arg28: memref<!tpu.dma_semaphore, #tpu.memory_space<semaphore_mem>>, %arg29: memref<!tpu.dma_semaphore, #tpu.memory_space<semaphore_mem>>, %arg30: memref<!tpu.dma_semaphore, #tpu.memory_space<semaphore_mem>>) attributes {dimension_semantics = [#tpu.dimension_semantics<core_parallel>, #tpu.dimension_semantics<subcore_parallel>], iteration_bounds = array<i64: 2, 16>, scalar_prefetch = 0 : i64, scratch_operands = 20 : i64, tpu.core_type = #tpu.core_type<sc_vector_subcore>, window_params = [{transform_indices = #map}, {transform_indices = #map}, {transform_indices = #map1}, {transform_indices = #map}, {transform_indices = #map}, {transform_indices = #map}, {transform_indices = #map1}, {transform_indices = #map1}, {transform_indices = #map1}]} {
    %mul3A = arith.constant 16 : i32
    %mul3A_0 = arith.muli %arg0, %mul3A : i32
    %add3A = arith.addi %mul3A_0, %arg1 : i32
    %mul3A_1 = arith.constant 313 : i32
    %mul3A_2 = arith.muli %add3A, %mul3A_1 : i32
    %iota3A = tpu.iota {dimensions = array<i32: 0>} : vector<16xi32>
    %broadcast_in_dim3A = arith.constant 0 : i32
    %broadcast_in_dim3A_3 = vector.broadcast %broadcast_in_dim3A : i32 to vector<16xi32>
    %broadcast_in_dim3A_4 = arith.constant 0.000000e+00 : f32
    %broadcast_in_dim3A_5 = vector.broadcast %broadcast_in_dim3A_4 : f32 to vector<16xf32>
    %broadcast_in_dim3A_6 = vector.broadcast %mul3A_2 : i32 to vector<16xi32>
    %add3A_7 = arith.constant 313 : i32
    %add3A_8 = vector.broadcast %add3A_7 : i32 to vector<16xi32>
    %add3A_9 = arith.addi %broadcast_in_dim3A_6, %add3A_8 : vector<16xi32>
    %scan3A = arith.constant 0 : i32
    %scan3A_10 = arith.constant 0 : i32
    %scan3A_11 = arith.constant 704 : i32
    %scan3A_12 = arith.addi %scan3A_10, %scan3A_11 : i32
    %scan3A_13 = arith.constant 1 : i32
    %scan3A_14 = scf.for %scan3A_231 = %scan3A_10 to %scan3A_12 step %scan3A_13 iter_args(%scan3A_232 = %scan3A) -> (i32)  : i32 {
      %mul3A_233 = arith.constant 16 : i32
      %mul3A_234 = arith.muli %scan3A_231, %mul3A_233 : i32
      %swap3A_235 = arith.index_cast %mul3A_234 : i32 to index
      %swap3A_236 = tpu.vector_load %arg11[%swap3A_235] {strides = array<i32>} : memref<11264xi32, #tpu.memory_space<vmem>>, vector<16xi32>,
      tpu.vector_store %arg11[%swap3A_235], %broadcast_in_dim3A_3 {strides = array<i32>} : memref<11264xi32, #tpu.memory_space<vmem>>, vector<16xi32>,
      %mul3A_237 = arith.constant 16 : i32
      %mul3A_238 = arith.muli %scan3A_231, %mul3A_237 : i32
      %swap3A_239 = arith.index_cast %mul3A_238 : i32 to index
      %swap3A_240 = tpu.vector_load %arg12[%swap3A_239] {strides = array<i32>} : memref<11264xi32, #tpu.memory_space<vmem>>, vector<16xi32>,
      tpu.vector_store %arg12[%swap3A_239], %broadcast_in_dim3A_3 {strides = array<i32>} : memref<11264xi32, #tpu.memory_space<vmem>>, vector<16xi32>,
      %scan3A_241 = arith.constant 0 : i32
      scf.yield %scan3A_241 : i32
    }
    %scan3A_15 = arith.constant 704 : i32
    %dma_start3A = arith.constant 0 : i32
    %dma_start3A_16 = tpu.memref_slice %arg2[%dma_start3A] : memref<321600xi32, #tpu.memory_space<hbm>> -> memref<1600xi32, #tpu.memory_space<hbm>>
    %dma_start3A_17 = arith.constant 0 : i32
    %dma_start3A_18 = tpu.memref_slice %arg2[%dma_start3A_17] : memref<321600xi32, #tpu.memory_space<hbm>> -> memref<1600xi32, #tpu.memory_space<hbm>>
    tpu.enqueue_dma source(%dma_start3A_18 : memref<1600xi32, #tpu.memory_space<hbm>>) target(%arg14 : memref<1600xi32, #tpu.memory_space<vmem>>) target_semaphore(%arg25 : memref<!tpu.dma_semaphore, #tpu.memory_space<semaphore_mem>>)
    %dma_start3A_19 = arith.constant 0 : i32
    %dma_start3A_20 = tpu.memref_slice %arg3[%dma_start3A_19] : memref<321600xi32, #tpu.memory_space<hbm>> -> memref<1600xi32, #tpu.memory_space<hbm>>
    %dma_start3A_21 = arith.constant 0 : i32
    %dma_start3A_22 = tpu.memref_slice %arg3[%dma_start3A_21] : memref<321600xi32, #tpu.memory_space<hbm>> -> memref<1600xi32, #tpu.memory_space<hbm>>
    tpu.enqueue_dma source(%dma_start3A_22 : memref<1600xi32, #tpu.memory_space<hbm>>) target(%arg15 : memref<1600xi32, #tpu.memory_space<vmem>>) target_semaphore(%arg26 : memref<!tpu.dma_semaphore, #tpu.memory_space<semaphore_mem>>)
    %scan3A_23 = arith.constant 0 : i32
    %scan3A_24 = arith.constant 100 : i32
    %scan3A_25 = arith.addi %scan3A_23, %scan3A_24 : i32
    %scan3A_26 = arith.constant 1 : i32
    %scan3A_27 = scf.for %scan3A_231 = %scan3A_23 to %scan3A_25 step %scan3A_26 iter_args(%scan3A_232 = %broadcast_in_dim3A_3) -> (vector<16xi32>)  : i32 {
      %mul3A_233 = arith.constant 2 : i32
      %mul3A_234 = arith.muli %scan3A_231, %mul3A_233 : i32
      %dma_wait3A_235 = arith.constant 0 : i32
      %dma_wait3A_236 = tpu.memref_slice %arg2[%dma_wait3A_235] : memref<321600xi32, #tpu.memory_space<hbm>> -> memref<1600xi32, #tpu.memory_space<hbm>>
      %dma_wait3A_237 = arith.constant 0 : i32
      %dma_wait3A_238 = tpu.memref_slice %arg2[%dma_wait3A_237] : memref<321600xi32, #tpu.memory_space<hbm>> -> memref<1600xi32, #tpu.memory_space<hbm>>
      tpu.wait_dma2 semaphore(%arg25 : memref<!tpu.dma_semaphore, #tpu.memory_space<semaphore_mem>>) src(%dma_wait3A_238 : memref<1600xi32, #tpu.memory_space<hbm>>) dst(%arg14 : memref<1600xi32, #tpu.memory_space<vmem>>)
      %dma_wait3A_239 = arith.constant 0 : i32
      %dma_wait3A_240 = tpu.memref_slice %arg3[%dma_wait3A_239] : memref<321600xi32, #tpu.memory_space<hbm>> -> memref<1600xi32, #tpu.memory_space<hbm>>
      %dma_wait3A_241 = arith.constant 0 : i32
      %dma_wait3A_242 = tpu.memref_slice %arg3[%dma_wait3A_241] : memref<321600xi32, #tpu.memory_space<hbm>> -> memref<1600xi32, #tpu.memory_space<hbm>>
      tpu.wait_dma2 semaphore(%arg26 : memref<!tpu.dma_semaphore, #tpu.memory_space<semaphore_mem>>) src(%dma_wait3A_242 : memref<1600xi32, #tpu.memory_space<hbm>>) dst(%arg15 : memref<1600xi32, #tpu.memory_space<vmem>>)
      %add3A_243 = arith.constant 1 : i32
      %add3A_244 = arith.addi %mul3A_234, %add3A_243 : i32
      %mul3A_245 = arith.constant 1600 : i32
      %mul3A_246 = arith.muli %add3A_244, %mul3A_245 : i32
      %dma_start3A_247 = tpu.memref_slice %arg2[%mul3A_246] : memref<321600xi32, #tpu.memory_space<hbm>> -> memref<1600xi32, #tpu.memory_space<hbm>>
      %dma_start3A_248 = tpu.memref_slice %arg2[%mul3A_246] : memref<321600xi32, #tpu.memory_space<hbm>> -> memref<1600xi32, #tpu.memory_space<hbm>>
      tpu.enqueue_dma source(%dma_start3A_248 : memref<1600xi32, #tpu.memory_space<hbm>>) target(%arg16 : memref<1600xi32, #tpu.memory_space<vmem>>) target_semaphore(%arg27 : memref<!tpu.dma_semaphore, #tpu.memory_space<semaphore_mem>>)
      %dma_start3A_249 = tpu.memref_slice %arg3[%mul3A_246] : memref<321600xi32, #tpu.memory_space<hbm>> -> memref<1600xi32, #tpu.memory_space<hbm>>
      %dma_start3A_250 = tpu.memref_slice %arg3[%mul3A_246] : memref<321600xi32, #tpu.memory_space<hbm>> -> memref<1600xi32, #tpu.memory_space<hbm>>
      tpu.enqueue_dma source(%dma_start3A_250 : memref<1600xi32, #tpu.memory_space<hbm>>) target(%arg17 : memref<1600xi32, #tpu.memory_space<vmem>>) target_semaphore(%arg28 : memref<!tpu.dma_semaphore, #tpu.memory_space<semaphore_mem>>)
      %scan3A_251 = arith.constant 0 : i32
      %scan3A_252 = arith.constant 25 : i32
      %scan3A_253 = arith.addi %scan3A_251, %scan3A_252 : i32
      %scan3A_254 = arith.constant 1 : i32
      %scan3A_255 = scf.for %scan3A_279 = %scan3A_251 to %scan3A_253 step %scan3A_254 iter_args(%scan3A_280 = %scan3A_232) -> (vector<16xi32>)  : i32 {
        %mul3A_281 = arith.constant 4 : i32
        %mul3A_282 = arith.muli %scan3A_279, %mul3A_281 : i32
        %add3A_283 = arith.constant 0 : i32
        %add3A_284 = arith.addi %mul3A_282, %add3A_283 : i32
        %mul3A_285 = arith.constant 16 : i32
        %mul3A_286 = arith.muli %add3A_284, %mul3A_285 : i32
        %get3A = arith.index_cast %mul3A_286 : i32 to index
        %get3A_287 = tpu.vector_load %arg14[%get3A] {strides = array<i32>} : memref<1600xi32, #tpu.memory_space<vmem>>, vector<16xi32>,
        %get3A_288 = arith.index_cast %mul3A_286 : i32 to index
        %get3A_289 = tpu.vector_load %arg15[%get3A_288] {strides = array<i32>} : memref<1600xi32, #tpu.memory_space<vmem>>, vector<16xi32>,
        %ge3A = arith.cmpi sge, %get3A_289, %broadcast_in_dim3A_6 : vector<16xi32>
        %lt3A = arith.cmpi slt, %get3A_289, %add3A_9 : vector<16xi32>
        %and3A_290 = arith.andi %ge3A, %lt3A : vector<16xi1>
        %convert_element_type3A = arith.extui %and3A_290 : vector<16xi1> to vector<16xi32>
        %broadcast_in_dim3A_291 = arith.constant true
        %broadcast_in_dim3A_292 = vector.broadcast %broadcast_in_dim3A_291 : i1 to vector<16xi1>
        %masked_cumsum3A = tpu.scan <sum>, %convert_element_type3A masked %broadcast_in_dim3A_292 : vector<16xi32>, vector<16xi1> -> vector<16xi32>
        %add3A_293 = arith.addi %masked_cumsum3A, %scan3A_280 : vector<16xi32>
        %sub3A_294 = arith.constant 1 : i32
        %sub3A_295 = vector.broadcast %sub3A_294 : i32 to vector<16xi32>
        %sub3A_296 = arith.subi %add3A_293, %sub3A_295 : vector<16xi32>
        tpu.vector_store_idx %arg11[%sub3A_296], %get3A_287 masked %and3A_290 : memref<11264xi32, #tpu.memory_space<vmem>>[vector<16xi32>], vector<16xi32>, vector<16xi1>
        %sub3A_297 = arith.subi %get3A_289, %broadcast_in_dim3A_6 : vector<16xi32>
        tpu.vector_store_idx %arg12[%sub3A_296], %sub3A_297 masked %and3A_290 : memref<11264xi32, #tpu.memory_space<vmem>>[vector<16xi32>], vector<16xi32>, vector<16xi1>
        %all_reduce_population_count3A = tpu.all_reduce %and3A_290 {dim = 0 : i64, kind = #tpu.reduction_kind<sum>} : vector<16xi1> -> vector<16xi32>
        %add3A_298 = arith.addi %scan3A_280, %all_reduce_population_count3A : vector<16xi32>
        %mul3A_299 = arith.constant 4 : i32
        %mul3A_300 = arith.muli %scan3A_279, %mul3A_299 : i32
        %add3A_301 = arith.constant 1 : i32
        %add3A_302 = arith.addi %mul3A_300, %add3A_301 : i32
        %mul3A_303 = arith.constant 16 : i32
        %mul3A_304 = arith.muli %add3A_302, %mul3A_303 : i32
        %get3A_305 = arith.index_cast %mul3A_304 : i32 to index
        %get3A_306 = tpu.vector_load %arg14[%get3A_305] {strides = array<i32>} : memref<1600xi32, #tpu.memory_space<vmem>>, vector<16xi32>,
        %get3A_307 = arith.index_cast %mul3A_304 : i32 to index
        %get3A_308 = tpu.vector_load %arg15[%get3A_307] {strides = array<i32>} : memref<1600xi32, #tpu.memory_space<vmem>>, vector<16xi32>,
        %ge3A_309 = arith.cmpi sge, %get3A_308, %broadcast_in_dim3A_6 : vector<16xi32>
        %lt3A_310 = arith.cmpi slt, %get3A_308, %add3A_9 : vector<16xi32>
        %and3A_311 = arith.andi %ge3A_309, %lt3A_310 : vector<16xi1>
        %convert_element_type3A_312 = arith.extui %and3A_311 : vector<16xi1> to vector<16xi32>
        %broadcast_in_dim3A_313 = arith.constant true
        %broadcast_in_dim3A_314 = vector.broadcast %broadcast_in_dim3A_313 : i1 to vector<16xi1>
        %masked_cumsum3A_315 = tpu.scan <sum>, %convert_element_type3A_312 masked %broadcast_in_dim3A_314 : vector<16xi32>, vector<16xi1> -> vector<16xi32>
        %add3A_316 = arith.addi %masked_cumsum3A_315, %add3A_298 : vector<16xi32>
        %sub3A_317 = arith.constant 1 : i32
        %sub3A_318 = vector.broadcast %sub3A_317 : i32 to vector<16xi32>
        %sub3A_319 = arith.subi %add3A_316, %sub3A_318 : vector<16xi32>
        tpu.vector_store_idx %arg11[%sub3A_319], %get3A_306 masked %and3A_311 : memref<11264xi32, #tpu.memory_space<vmem>>[vector<16xi32>], vector<16xi32>, vector<16xi1>
        %sub3A_320 = arith.subi %get3A_308, %broadcast_in_dim3A_6 : vector<16xi32>
        tpu.vector_store_idx %arg12[%sub3A_319], %sub3A_320 masked %and3A_311 : memref<11264xi32, #tpu.memory_space<vmem>>[vector<16xi32>], vector<16xi32>, vector<16xi1>
        %all_reduce_population_count3A_321 = tpu.all_reduce %and3A_311 {dim = 0 : i64, kind = #tpu.reduction_kind<sum>} : vector<16xi1> -> vector<16xi32>
        %add3A_322 = arith.addi %add3A_298, %all_reduce_population_count3A_321 : vector<16xi32>
        %mul3A_323 = arith.constant 4 : i32
        %mul3A_324 = arith.muli %scan3A_279, %mul3A_323 : i32
        %add3A_325 = arith.constant 2 : i32
        %add3A_326 = arith.addi %mul3A_324, %add3A_325 : i32
        %mul3A_327 = arith.constant 16 : i32
        %mul3A_328 = arith.muli %add3A_326, %mul3A_327 : i32
        %get3A_329 = arith.index_cast %mul3A_328 : i32 to index
        %get3A_330 = tpu.vector_load %arg14[%get3A_329] {strides = array<i32>} : memref<1600xi32, #tpu.memory_space<vmem>>, vector<16xi32>,
        %get3A_331 = arith.index_cast %mul3A_328 : i32 to index
        %get3A_332 = tpu.vector_load %arg15[%get3A_331] {strides = array<i32>} : memref<1600xi32, #tpu.memory_space<vmem>>, vector<16xi32>,
        %ge3A_333 = arith.cmpi sge, %get3A_332, %broadcast_in_dim3A_6 : vector<16xi32>
        %lt3A_334 = arith.cmpi slt, %get3A_332, %add3A_9 : vector<16xi32>
        %and3A_335 = arith.andi %ge3A_333, %lt3A_334 : vector<16xi1>
        %convert_element_type3A_336 = arith.extui %and3A_335 : vector<16xi1> to vector<16xi32>
        %broadcast_in_dim3A_337 = arith.constant true
        %broadcast_in_dim3A_338 = vector.broadcast %broadcast_in_dim3A_337 : i1 to vector<16xi1>
        %masked_cumsum3A_339 = tpu.scan <sum>, %convert_element_type3A_336 masked %broadcast_in_dim3A_338 : vector<16xi32>, vector<16xi1> -> vector<16xi32>
        %add3A_340 = arith.addi %masked_cumsum3A_339, %add3A_322 : vector<16xi32>
        %sub3A_341 = arith.constant 1 : i32
        %sub3A_342 = vector.broadcast %sub3A_341 : i32 to vector<16xi32>
        %sub3A_343 = arith.subi %add3A_340, %sub3A_342 : vector<16xi32>
        tpu.vector_store_idx %arg11[%sub3A_343], %get3A_330 masked %and3A_335 : memref<11264xi32, #tpu.memory_space<vmem>>[vector<16xi32>], vector<16xi32>, vector<16xi1>
        %sub3A_344 = arith.subi %get3A_332, %broadcast_in_dim3A_6 : vector<16xi32>
        tpu.vector_store_idx %arg12[%sub3A_343], %sub3A_344 masked %and3A_335 : memref<11264xi32, #tpu.memory_space<vmem>>[vector<16xi32>], vector<16xi32>, vector<16xi1>
        %all_reduce_population_count3A_345 = tpu.all_reduce %and3A_335 {dim = 0 : i64, kind = #tpu.reduction_kind<sum>} : vector<16xi1> -> vector<16xi32>
        %add3A_346 = arith.addi %add3A_322, %all_reduce_population_count3A_345 : vector<16xi32>
        %mul3A_347 = arith.constant 4 : i32
        %mul3A_348 = arith.muli %scan3A_279, %mul3A_347 : i32
        %add3A_349 = arith.constant 3 : i32
        %add3A_350 = arith.addi %mul3A_348, %add3A_349 : i32
        %mul3A_351 = arith.constant 16 : i32
        %mul3A_352 = arith.muli %add3A_350, %mul3A_351 : i32
        %get3A_353 = arith.index_cast %mul3A_352 : i32 to index
        %get3A_354 = tpu.vector_load %arg14[%get3A_353] {strides = array<i32>} : memref<1600xi32, #tpu.memory_space<vmem>>, vector<16xi32>,
        %get3A_355 = arith.index_cast %mul3A_352 : i32 to index
        %get3A_356 = tpu.vector_load %arg15[%get3A_355] {strides = array<i32>} : memref<1600xi32, #tpu.memory_space<vmem>>, vector<16xi32>,
        %ge3A_357 = arith.cmpi sge, %get3A_356, %broadcast_in_dim3A_6 : vector<16xi32>
        %lt3A_358 = arith.cmpi slt, %get3A_356, %add3A_9 : vector<16xi32>
        %and3A_359 = arith.andi %ge3A_357, %lt3A_358 : vector<16xi1>
        %convert_element_type3A_360 = arith.extui %and3A_359 : vector<16xi1> to vector<16xi32>
        %broadcast_in_dim3A_361 = arith.constant true
        %broadcast_in_dim3A_362 = vector.broadcast %broadcast_in_dim3A_361 : i1 to vector<16xi1>
        %masked_cumsum3A_363 = tpu.scan <sum>, %convert_element_type3A_360 masked %broadcast_in_dim3A_362 : vector<16xi32>, vector<16xi1> -> vector<16xi32>
        %add3A_364 = arith.addi %masked_cumsum3A_363, %add3A_346 : vector<16xi32>
        %sub3A_365 = arith.constant 1 : i32
        %sub3A_366 = vector.broadcast %sub3A_365 : i32 to vector<16xi32>
        %sub3A_367 = arith.subi %add3A_364, %sub3A_366 : vector<16xi32>
        tpu.vector_store_idx %arg11[%sub3A_367], %get3A_354 masked %and3A_359 : memref<11264xi32, #tpu.memory_space<vmem>>[vector<16xi32>], vector<16xi32>, vector<16xi1>
        %sub3A_368 = arith.subi %get3A_356, %broadcast_in_dim3A_6 : vector<16xi32>
        tpu.vector_store_idx %arg12[%sub3A_367], %sub3A_368 masked %and3A_359 : memref<11264xi32, #tpu.memory_space<vmem>>[vector<16xi32>], vector<16xi32>, vector<16xi1>
        %all_reduce_population_count3A_369 = tpu.all_reduce %and3A_359 {dim = 0 : i64, kind = #tpu.reduction_kind<sum>} : vector<16xi1> -> vector<16xi32>
        %add3A_370 = arith.addi %add3A_346, %all_reduce_population_count3A_369 : vector<16xi32>
        scf.yield %add3A_370 : vector<16xi32>
      }
      %scan3A_256 = arith.constant 25 : i32
      %add3A_257 = arith.constant 2 : i32
      %add3A_258 = arith.addi %mul3A_234, %add3A_257 : i32
      %mul3A_259 = arith.constant 1600 : i32
      %mul3A_260 = arith.muli %add3A_258, %mul3A_259 : i32
      %dma_start3A_261 = tpu.memref_slice %arg2[%mul3A_260] : memref<321600xi32, #tpu.memory_space<hbm>> -> memref<1600xi32, #tpu.memory_space<hbm>>
      %dma_start3A_262 = tpu.memref_slice %arg2[%mul3A_260] : memref<321600xi32, #tpu.memory_space<hbm>> -> memref<1600xi32, #tpu.memory_space<hbm>>
      tpu.enqueue_dma source(%dma_start3A_262 : memref<1600xi32, #tpu.memory_space<hbm>>) target(%arg14 : memref<1600xi32, #tpu.memory_space<vmem>>) target_semaphore(%arg25 : memref<!tpu.dma_semaphore, #tpu.memory_space<semaphore_mem>>)
      %dma_start3A_263 = tpu.memref_slice %arg3[%mul3A_260] : memref<321600xi32, #tpu.memory_space<hbm>> -> memref<1600xi32, #tpu.memory_space<hbm>>
      %dma_start3A_264 = tpu.memref_slice %arg3[%mul3A_260] : memref<321600xi32, #tpu.memory_space<hbm>> -> memref<1600xi32, #tpu.memory_space<hbm>>
      tpu.enqueue_dma source(%dma_start3A_264 : memref<1600xi32, #tpu.memory_space<hbm>>) target(%arg15 : memref<1600xi32, #tpu.memory_space<vmem>>) target_semaphore(%arg26 : memref<!tpu.dma_semaphore, #tpu.memory_space<semaphore_mem>>)
      %dma_wait3A_265 = arith.constant 0 : i32
      %dma_wait3A_266 = tpu.memref_slice %arg2[%dma_wait3A_265] : memref<321600xi32, #tpu.memory_space<hbm>> -> memref<1600xi32, #tpu.memory_space<hbm>>
      %dma_wait3A_267 = arith.constant 0 : i32
      %dma_wait3A_268 = tpu.memref_slice %arg2[%dma_wait3A_267] : memref<321600xi32, #tpu.memory_space<hbm>> -> memref<1600xi32, #tpu.memory_space<hbm>>
      tpu.wait_dma2 semaphore(%arg27 : memref<!tpu.dma_semaphore, #tpu.memory_space<semaphore_mem>>) src(%dma_wait3A_268 : memref<1600xi32, #tpu.memory_space<hbm>>) dst(%arg16 : memref<1600xi32, #tpu.memory_space<vmem>>)
      %dma_wait3A_269 = arith.constant 0 : i32
      %dma_wait3A_270 = tpu.memref_slice %arg3[%dma_wait3A_269] : memref<321600xi32, #tpu.memory_space<hbm>> -> memref<1600xi32, #tpu.memory_space<hbm>>
      %dma_wait3A_271 = arith.constant 0 : i32
      %dma_wait3A_272 = tpu.memref_slice %arg3[%dma_wait3A_271] : memref<321600xi32, #tpu.memory_space<hbm>> -> memref<1600xi32, #tpu.memory_space<hbm>>
      tpu.wait_dma2 semaphore(%arg28 : memref<!tpu.dma_semaphore, #tpu.memory_space<semaphore_mem>>) src(%dma_wait3A_272 : memref<1600xi32, #tpu.memory_space<hbm>>) dst(%arg17 : memref<1600xi32, #tpu.memory_space<vmem>>)
      %scan3A_273 = arith.constant 0 : i32
      %scan3A_274 = arith.constant 25 : i32
      %scan3A_275 = arith.addi %scan3A_273, %scan3A_274 : i32
      %scan3A_276 = arith.constant 1 : i32
      %scan3A_277 = scf.for %scan3A_279 = %scan3A_273 to %scan3A_275 step %scan3A_276 iter_args(%scan3A_280 = %scan3A_255) -> (vector<16xi32>)  : i32 {
        %mul3A_281 = arith.constant 4 : i32
        %mul3A_282 = arith.muli %scan3A_279, %mul3A_281 : i32
        %add3A_283 = arith.constant 0 : i32
        %add3A_284 = arith.addi %mul3A_282, %add3A_283 : i32
        %mul3A_285 = arith.constant 16 : i32
        %mul3A_286 = arith.muli %add3A_284, %mul3A_285 : i32
        %get3A = arith.index_cast %mul3A_286 : i32 to index
        %get3A_287 = tpu.vector_load %arg16[%get3A] {strides = array<i32>} : memref<1600xi32, #tpu.memory_space<vmem>>, vector<16xi32>,
        %get3A_288 = arith.index_cast %mul3A_286 : i32 to index
        %get3A_289 = tpu.vector_load %arg17[%get3A_288] {strides = array<i32>} : memref<1600xi32, #tpu.memory_space<vmem>>, vector<16xi32>,
        %ge3A = arith.cmpi sge, %get3A_289, %broadcast_in_dim3A_6 : vector<16xi32>
        %lt3A = arith.cmpi slt, %get3A_289, %add3A_9 : vector<16xi32>
        %and3A_290 = arith.andi %ge3A, %lt3A : vector<16xi1>
        %convert_element_type3A = arith.extui %and3A_290 : vector<16xi1> to vector<16xi32>
        %broadcast_in_dim3A_291 = arith.constant true
        %broadcast_in_dim3A_292 = vector.broadcast %broadcast_in_dim3A_291 : i1 to vector<16xi1>
        %masked_cumsum3A = tpu.scan <sum>, %convert_element_type3A masked %broadcast_in_dim3A_292 : vector<16xi32>, vector<16xi1> -> vector<16xi32>
        %add3A_293 = arith.addi %masked_cumsum3A, %scan3A_280 : vector<16xi32>
        %sub3A_294 = arith.constant 1 : i32
        %sub3A_295 = vector.broadcast %sub3A_294 : i32 to vector<16xi32>
        %sub3A_296 = arith.subi %add3A_293, %sub3A_295 : vector<16xi32>
        tpu.vector_store_idx %arg11[%sub3A_296], %get3A_287 masked %and3A_290 : memref<11264xi32, #tpu.memory_space<vmem>>[vector<16xi32>], vector<16xi32>, vector<16xi1>
        %sub3A_297 = arith.subi %get3A_289, %broadcast_in_dim3A_6 : vector<16xi32>
        tpu.vector_store_idx %arg12[%sub3A_296], %sub3A_297 masked %and3A_290 : memref<11264xi32, #tpu.memory_space<vmem>>[vector<16xi32>], vector<16xi32>, vector<16xi1>
        %all_reduce_population_count3A = tpu.all_reduce %and3A_290 {dim = 0 : i64, kind = #tpu.reduction_kind<sum>} : vector<16xi1> -> vector<16xi32>
        %add3A_298 = arith.addi %scan3A_280, %all_reduce_population_count3A : vector<16xi32>
        %mul3A_299 = arith.constant 4 : i32
        %mul3A_300 = arith.muli %scan3A_279, %mul3A_299 : i32
        %add3A_301 = arith.constant 1 : i32
        %add3A_302 = arith.addi %mul3A_300, %add3A_301 : i32
        %mul3A_303 = arith.constant 16 : i32
        %mul3A_304 = arith.muli %add3A_302, %mul3A_303 : i32
        %get3A_305 = arith.index_cast %mul3A_304 : i32 to index
        %get3A_306 = tpu.vector_load %arg16[%get3A_305] {strides = array<i32>} : memref<1600xi32, #tpu.memory_space<vmem>>, vector<16xi32>,
        %get3A_307 = arith.index_cast %mul3A_304 : i32 to index
        %get3A_308 = tpu.vector_load %arg17[%get3A_307] {strides = array<i32>} : memref<1600xi32, #tpu.memory_space<vmem>>, vector<16xi32>,
        %ge3A_309 = arith.cmpi sge, %get3A_308, %broadcast_in_dim3A_6 : vector<16xi32>
        %lt3A_310 = arith.cmpi slt, %get3A_308, %add3A_9 : vector<16xi32>
        %and3A_311 = arith.andi %ge3A_309, %lt3A_310 : vector<16xi1>
        %convert_element_type3A_312 = arith.extui %and3A_311 : vector<16xi1> to vector<16xi32>
        %broadcast_in_dim3A_313 = arith.constant true
        %broadcast_in_dim3A_314 = vector.broadcast %broadcast_in_dim3A_313 : i1 to vector<16xi1>
        %masked_cumsum3A_315 = tpu.scan <sum>, %convert_element_type3A_312 masked %broadcast_in_dim3A_314 : vector<16xi32>, vector<16xi1> -> vector<16xi32>
        %add3A_316 = arith.addi %masked_cumsum3A_315, %add3A_298 : vector<16xi32>
        %sub3A_317 = arith.constant 1 : i32
        %sub3A_318 = vector.broadcast %sub3A_317 : i32 to vector<16xi32>
        %sub3A_319 = arith.subi %add3A_316, %sub3A_318 : vector<16xi32>
        tpu.vector_store_idx %arg11[%sub3A_319], %get3A_306 masked %and3A_311 : memref<11264xi32, #tpu.memory_space<vmem>>[vector<16xi32>], vector<16xi32>, vector<16xi1>
        %sub3A_320 = arith.subi %get3A_308, %broadcast_in_dim3A_6 : vector<16xi32>
        tpu.vector_store_idx %arg12[%sub3A_319], %sub3A_320 masked %and3A_311 : memref<11264xi32, #tpu.memory_space<vmem>>[vector<16xi32>], vector<16xi32>, vector<16xi1>
        %all_reduce_population_count3A_321 = tpu.all_reduce %and3A_311 {dim = 0 : i64, kind = #tpu.reduction_kind<sum>} : vector<16xi1> -> vector<16xi32>
        %add3A_322 = arith.addi %add3A_298, %all_reduce_population_count3A_321 : vector<16xi32>
        %mul3A_323 = arith.constant 4 : i32
        %mul3A_324 = arith.muli %scan3A_279, %mul3A_323 : i32
        %add3A_325 = arith.constant 2 : i32
        %add3A_326 = arith.addi %mul3A_324, %add3A_325 : i32
        %mul3A_327 = arith.constant 16 : i32
        %mul3A_328 = arith.muli %add3A_326, %mul3A_327 : i32
        %get3A_329 = arith.index_cast %mul3A_328 : i32 to index
        %get3A_330 = tpu.vector_load %arg16[%get3A_329] {strides = array<i32>} : memref<1600xi32, #tpu.memory_space<vmem>>, vector<16xi32>,
        %get3A_331 = arith.index_cast %mul3A_328 : i32 to index
        %get3A_332 = tpu.vector_load %arg17[%get3A_331] {strides = array<i32>} : memref<1600xi32, #tpu.memory_space<vmem>>, vector<16xi32>,
        %ge3A_333 = arith.cmpi sge, %get3A_332, %broadcast_in_dim3A_6 : vector<16xi32>
        %lt3A_334 = arith.cmpi slt, %get3A_332, %add3A_9 : vector<16xi32>
        %and3A_335 = arith.andi %ge3A_333, %lt3A_334 : vector<16xi1>
        %convert_element_type3A_336 = arith.extui %and3A_335 : vector<16xi1> to vector<16xi32>
        %broadcast_in_dim3A_337 = arith.constant true
        %broadcast_in_dim3A_338 = vector.broadcast %broadcast_in_dim3A_337 : i1 to vector<16xi1>
        %masked_cumsum3A_339 = tpu.scan <sum>, %convert_element_type3A_336 masked %broadcast_in_dim3A_338 : vector<16xi32>, vector<16xi1> -> vector<16xi32>
        %add3A_340 = arith.addi %masked_cumsum3A_339, %add3A_322 : vector<16xi32>
        %sub3A_341 = arith.constant 1 : i32
        %sub3A_342 = vector.broadcast %sub3A_341 : i32 to vector<16xi32>
        %sub3A_343 = arith.subi %add3A_340, %sub3A_342 : vector<16xi32>
        tpu.vector_store_idx %arg11[%sub3A_343], %get3A_330 masked %and3A_335 : memref<11264xi32, #tpu.memory_space<vmem>>[vector<16xi32>], vector<16xi32>, vector<16xi1>
        %sub3A_344 = arith.subi %get3A_332, %broadcast_in_dim3A_6 : vector<16xi32>
        tpu.vector_store_idx %arg12[%sub3A_343], %sub3A_344 masked %and3A_335 : memref<11264xi32, #tpu.memory_space<vmem>>[vector<16xi32>], vector<16xi32>, vector<16xi1>
        %all_reduce_population_count3A_345 = tpu.all_reduce %and3A_335 {dim = 0 : i64, kind = #tpu.reduction_kind<sum>} : vector<16xi1> -> vector<16xi32>
        %add3A_346 = arith.addi %add3A_322, %all_reduce_population_count3A_345 : vector<16xi32>
        %mul3A_347 = arith.constant 4 : i32
        %mul3A_348 = arith.muli %scan3A_279, %mul3A_347 : i32
        %add3A_349 = arith.constant 3 : i32
        %add3A_350 = arith.addi %mul3A_348, %add3A_349 : i32
        %mul3A_351 = arith.constant 16 : i32
        %mul3A_352 = arith.muli %add3A_350, %mul3A_351 : i32
        %get3A_353 = arith.index_cast %mul3A_352 : i32 to index
        %get3A_354 = tpu.vector_load %arg16[%get3A_353] {strides = array<i32>} : memref<1600xi32, #tpu.memory_space<vmem>>, vector<16xi32>,
        %get3A_355 = arith.index_cast %mul3A_352 : i32 to index
        %get3A_356 = tpu.vector_load %arg17[%get3A_355] {strides = array<i32>} : memref<1600xi32, #tpu.memory_space<vmem>>, vector<16xi32>,
        %ge3A_357 = arith.cmpi sge, %get3A_356, %broadcast_in_dim3A_6 : vector<16xi32>
        %lt3A_358 = arith.cmpi slt, %get3A_356, %add3A_9 : vector<16xi32>
        %and3A_359 = arith.andi %ge3A_357, %lt3A_358 : vector<16xi1>
        %convert_element_type3A_360 = arith.extui %and3A_359 : vector<16xi1> to vector<16xi32>
        %broadcast_in_dim3A_361 = arith.constant true
        %broadcast_in_dim3A_362 = vector.broadcast %broadcast_in_dim3A_361 : i1 to vector<16xi1>
        %masked_cumsum3A_363 = tpu.scan <sum>, %convert_element_type3A_360 masked %broadcast_in_dim3A_362 : vector<16xi32>, vector<16xi1> -> vector<16xi32>
        %add3A_364 = arith.addi %masked_cumsum3A_363, %add3A_346 : vector<16xi32>
        %sub3A_365 = arith.constant 1 : i32
        %sub3A_366 = vector.broadcast %sub3A_365 : i32 to vector<16xi32>
        %sub3A_367 = arith.subi %add3A_364, %sub3A_366 : vector<16xi32>
        tpu.vector_store_idx %arg11[%sub3A_367], %get3A_354 masked %and3A_359 : memref<11264xi32, #tpu.memory_space<vmem>>[vector<16xi32>], vector<16xi32>, vector<16xi1>
        %sub3A_368 = arith.subi %get3A_356, %broadcast_in_dim3A_6 : vector<16xi32>
        tpu.vector_store_idx %arg12[%sub3A_367], %sub3A_368 masked %and3A_359 : memref<11264xi32, #tpu.memory_space<vmem>>[vector<16xi32>], vector<16xi32>, vector<16xi1>
        %all_reduce_population_count3A_369 = tpu.all_reduce %and3A_359 {dim = 0 : i64, kind = #tpu.reduction_kind<sum>} : vector<16xi1> -> vector<16xi32>
        %add3A_370 = arith.addi %add3A_346, %all_reduce_population_count3A_369 : vector<16xi32>
        scf.yield %add3A_370 : vector<16xi32>
      }
      %scan3A_278 = arith.constant 25 : i32
      scf.yield %scan3A_277 : vector<16xi32>
    }
    %scan3A_28 = arith.constant 100 : i32
    %dma_wait3A = arith.constant 0 : i32
    %dma_wait3A_29 = tpu.memref_slice %arg2[%dma_wait3A] : memref<321600xi32, #tpu.memory_space<hbm>> -> memref<1600xi32, #tpu.memory_space<hbm>>
    %dma_wait3A_30 = arith.constant 0 : i32
    %dma_wait3A_31 = tpu.memref_slice %arg2[%dma_wait3A_30] : memref<321600xi32, #tpu.memory_space<hbm>> -> memref<1600xi32, #tpu.memory_space<hbm>>
    tpu.wait_dma2 semaphore(%arg25 : memref<!tpu.dma_semaphore, #tpu.memory_space<semaphore_mem>>) src(%dma_wait3A_31 : memref<1600xi32, #tpu.memory_space<hbm>>) dst(%arg14 : memref<1600xi32, #tpu.memory_space<vmem>>)
    %dma_wait3A_32 = arith.constant 0 : i32
    %dma_wait3A_33 = tpu.memref_slice %arg3[%dma_wait3A_32] : memref<321600xi32, #tpu.memory_space<hbm>> -> memref<1600xi32, #tpu.memory_space<hbm>>
    %dma_wait3A_34 = arith.constant 0 : i32
    %dma_wait3A_35 = tpu.memref_slice %arg3[%dma_wait3A_34] : memref<321600xi32, #tpu.memory_space<hbm>> -> memref<1600xi32, #tpu.memory_space<hbm>>
    tpu.wait_dma2 semaphore(%arg26 : memref<!tpu.dma_semaphore, #tpu.memory_space<semaphore_mem>>) src(%dma_wait3A_35 : memref<1600xi32, #tpu.memory_space<hbm>>) dst(%arg15 : memref<1600xi32, #tpu.memory_space<vmem>>)
    %swap3A = arith.constant 0 : index
    %swap3A_36 = tpu.vector_load %arg24[%swap3A] {strides = array<i32>} : memref<16xi32, #tpu.memory_space<vmem>>, vector<16xi32>,
    tpu.vector_store %arg24[%swap3A], %scan3A_27 {strides = array<i32>} : memref<16xi32, #tpu.memory_space<vmem>>, vector<16xi32>,
    "tpu.region"() ({
      %run_scoped3A = tpu.sem_alloc : memref<!tpu.dma_semaphore, #tpu.memory_space<semaphore_mem>>
      %dma_start3A_231 = arith.constant 0 : i32
      %dma_start3A_232 = tpu.memref_slice %arg8[%add3A, %dma_start3A_231] : memref<32x11264xi32, #tpu.memory_space<hbm>> -> memref<1x11264xi32, #tpu.memory_space<hbm>>
      %dma_start3A_233 = tpu.memref_squeeze %dma_start3A_232 : memref<1x11264xi32, #tpu.memory_space<hbm>> -> memref<11264xi32, #tpu.memory_space<hbm>>
      %dma_start3A_234 = arith.constant 0 : i32
      %dma_start3A_235 = tpu.memref_slice %arg8[%add3A, %dma_start3A_234] : memref<32x11264xi32, #tpu.memory_space<hbm>> -> memref<1x11264xi32, #tpu.memory_space<hbm>>
      %dma_start3A_236 = tpu.memref_squeeze %dma_start3A_235 : memref<1x11264xi32, #tpu.memory_space<hbm>> -> memref<11264xi32, #tpu.memory_space<hbm>>
      tpu.enqueue_dma source(%arg11 : memref<11264xi32, #tpu.memory_space<vmem>>) target(%dma_start3A_236 : memref<11264xi32, #tpu.memory_space<hbm>>) target_semaphore(%run_scoped3A : memref<!tpu.dma_semaphore, #tpu.memory_space<semaphore_mem>>)
      %dma_wait3A_237 = arith.constant 0 : i32
      %dma_wait3A_238 = tpu.memref_slice %arg8[%add3A, %dma_wait3A_237] : memref<32x11264xi32, #tpu.memory_space<hbm>> -> memref<1x11264xi32, #tpu.memory_space<hbm>>
      %dma_wait3A_239 = tpu.memref_squeeze %dma_wait3A_238 : memref<1x11264xi32, #tpu.memory_space<hbm>> -> memref<11264xi32, #tpu.memory_space<hbm>>
      %dma_wait3A_240 = arith.constant 0 : i32
      %dma_wait3A_241 = tpu.memref_slice %arg8[%add3A, %dma_wait3A_240] : memref<32x11264xi32, #tpu.memory_space<hbm>> -> memref<1x11264xi32, #tpu.memory_space<hbm>>
      %dma_wait3A_242 = tpu.memref_squeeze %dma_wait3A_241 : memref<1x11264xi32, #tpu.memory_space<hbm>> -> memref<11264xi32, #tpu.memory_space<hbm>>
      tpu.wait_dma2 semaphore(%run_scoped3A : memref<!tpu.dma_semaphore, #tpu.memory_space<semaphore_mem>>) src(%arg11 : memref<11264xi32, #tpu.memory_space<vmem>>) dst(%dma_wait3A_242 : memref<11264xi32, #tpu.memory_space<hbm>>)
      tpu.yield
    }) : () -> ()
    "tpu.region"() ({
      %run_scoped3A = tpu.sem_alloc : memref<!tpu.dma_semaphore, #tpu.memory_space<semaphore_mem>>
      %dma_start3A_231 = arith.constant 0 : i32
      %dma_start3A_232 = tpu.memref_slice %arg9[%add3A, %dma_start3A_231] : memref<32x11264xi32, #tpu.memory_space<hbm>> -> memref<1x11264xi32, #tpu.memory_space<hbm>>
      %dma_start3A_233 = tpu.memref_squeeze %dma_start3A_232 : memref<1x11264xi32, #tpu.memory_space<hbm>> -> memref<11264xi32, #tpu.memory_space<hbm>>
      %dma_start3A_234 = arith.constant 0 : i32
      %dma_start3A_235 = tpu.memref_slice %arg9[%add3A, %dma_start3A_234] : memref<32x11264xi32, #tpu.memory_space<hbm>> -> memref<1x11264xi32, #tpu.memory_space<hbm>>
      %dma_start3A_236 = tpu.memref_squeeze %dma_start3A_235 : memref<1x11264xi32, #tpu.memory_space<hbm>> -> memref<11264xi32, #tpu.memory_space<hbm>>
      tpu.enqueue_dma source(%arg12 : memref<11264xi32, #tpu.memory_space<vmem>>) target(%dma_start3A_236 : memref<11264xi32, #tpu.memory_space<hbm>>) target_semaphore(%run_scoped3A : memref<!tpu.dma_semaphore, #tpu.memory_space<semaphore_mem>>)
      %dma_wait3A_237 = arith.constant 0 : i32
      %dma_wait3A_238 = tpu.memref_slice %arg9[%add3A, %dma_wait3A_237] : memref<32x11264xi32, #tpu.memory_space<hbm>> -> memref<1x11264xi32, #tpu.memory_space<hbm>>
      %dma_wait3A_239 = tpu.memref_squeeze %dma_wait3A_238 : memref<1x11264xi32, #tpu.memory_space<hbm>> -> memref<11264xi32, #tpu.memory_space<hbm>>
      %dma_wait3A_240 = arith.constant 0 : i32
      %dma_wait3A_241 = tpu.memref_slice %arg9[%add3A, %dma_wait3A_240] : memref<32x11264xi32, #tpu.memory_space<hbm>> -> memref<1x11264xi32, #tpu.memory_space<hbm>>
      %dma_wait3A_242 = tpu.memref_squeeze %dma_wait3A_241 : memref<1x11264xi32, #tpu.memory_space<hbm>> -> memref<11264xi32, #tpu.memory_space<hbm>>
      tpu.wait_dma2 semaphore(%run_scoped3A : memref<!tpu.dma_semaphore, #tpu.memory_space<semaphore_mem>>) src(%arg12 : memref<11264xi32, #tpu.memory_space<vmem>>) dst(%dma_wait3A_242 : memref<11264xi32, #tpu.memory_space<hbm>>)
      tpu.yield
    }) : () -> ()
    "tpu.region"() ({
      %run_scoped3A = tpu.sem_alloc : memref<!tpu.dma_semaphore, #tpu.memory_space<semaphore_mem>>
      %dma_start3A_231 = arith.constant 0 : i32
      %dma_start3A_232 = tpu.memref_slice %arg10[%add3A, %dma_start3A_231] : memref<32x16xi32, #tpu.memory_space<hbm>> -> memref<1x16xi32, #tpu.memory_space<hbm>>
      %dma_start3A_233 = tpu.memref_squeeze %dma_start3A_232 : memref<1x16xi32, #tpu.memory_space<hbm>> -> memref<16xi32, #tpu.memory_space<hbm>>
      %dma_start3A_234 = arith.constant 0 : i32
      %dma_start3A_235 = tpu.memref_slice %arg10[%add3A, %dma_start3A_234] : memref<32x16xi32, #tpu.memory_space<hbm>> -> memref<1x16xi32, #tpu.memory_space<hbm>>
      %dma_start3A_236 = tpu.memref_squeeze %dma_start3A_235 : memref<1x16xi32, #tpu.memory_space<hbm>> -> memref<16xi32, #tpu.memory_space<hbm>>
      tpu.enqueue_dma source(%arg24 : memref<16xi32, #tpu.memory_space<vmem>>) target(%dma_start3A_236 : memref<16xi32, #tpu.memory_space<hbm>>) target_semaphore(%run_scoped3A : memref<!tpu.dma_semaphore, #tpu.memory_space<semaphore_mem>>)
      %dma_wait3A_237 = arith.constant 0 : i32
      %dma_wait3A_238 = tpu.memref_slice %arg10[%add3A, %dma_wait3A_237] : memref<32x16xi32, #tpu.memory_space<hbm>> -> memref<1x16xi32, #tpu.memory_space<hbm>>
      %dma_wait3A_239 = tpu.memref_squeeze %dma_wait3A_238 : memref<1x16xi32, #tpu.memory_space<hbm>> -> memref<16xi32, #tpu.memory_space<hbm>>
      %dma_wait3A_240 = arith.constant 0 : i32
      %dma_wait3A_241 = tpu.memref_slice %arg10[%add3A, %dma_wait3A_240] : memref<32x16xi32, #tpu.memory_space<hbm>> -> memref<1x16xi32, #tpu.memory_space<hbm>>
      %dma_wait3A_242 = tpu.memref_squeeze %dma_wait3A_241 : memref<1x16xi32, #tpu.memory_space<hbm>> -> memref<16xi32, #tpu.memory_space<hbm>>
      tpu.wait_dma2 semaphore(%run_scoped3A : memref<!tpu.dma_semaphore, #tpu.memory_space<semaphore_mem>>) src(%arg24 : memref<16xi32, #tpu.memory_space<vmem>>) dst(%dma_wait3A_242 : memref<16xi32, #tpu.memory_space<hbm>>)
      tpu.yield
    }) : () -> ()
    %reduce_max3A = arith.constant true
    %reduce_max3A_37 = vector.broadcast %reduce_max3A : i1 to vector<16xi1>
    %reduce_max3A_38 = arith.constant -2147483648 : i32
    %reduce_max3A_39 = vector.broadcast %reduce_max3A_38 : i32 to vector<16xi32>
    %reduce_max3A_40 = arith.xori %scan3A_27, %reduce_max3A_39 : vector<16xi32>
    %reduce_max3A_41 = tpu.scan <max>, %reduce_max3A_40 masked %reduce_max3A_37 : vector<16xi32>, vector<16xi1> -> vector<16xi32>
    %reduce_max3A_42 = arith.xori %reduce_max3A_41, %reduce_max3A_39 : vector<16xi32>
    %reduce_max3A_43 = vector.extract %reduce_max3A_42[15] : i32 from vector<16xi32>
    %broadcast_in_dim3A_44 = vector.broadcast %reduce_max3A_43 : i32 to vector<16xi32>
    %add3A_45 = arith.constant 63 : i32
    %add3A_46 = arith.addi %reduce_max3A_43, %add3A_45 : i32
    %jit3A = arith.constant 64 : i32
    %div3A = arith.divsi %add3A_46, %jit3A : i32
    %sign3A = arith.constant 0 : i32
    %sign3A_47 = arith.cmpi sgt, %add3A_46, %sign3A : i32
    %sign3A_48 = arith.extui %sign3A_47 : i1 to i32
    %sign3A_49 = arith.constant 0 : i32
    %sign3A_50 = arith.cmpi slt, %add3A_46, %sign3A_49 : i32
    %sign3A_51 = arith.extui %sign3A_50 : i1 to i32
    %sign3A_52 = arith.subi %sign3A_48, %sign3A_51 : i32
    %sign3A_53 = arith.constant 0 : i32
    %sign3A_54 = arith.cmpi sgt, %jit3A, %sign3A_53 : i32
    %sign3A_55 = arith.extui %sign3A_54 : i1 to i32
    %sign3A_56 = arith.constant 0 : i32
    %sign3A_57 = arith.cmpi slt, %jit3A, %sign3A_56 : i32
    %sign3A_58 = arith.extui %sign3A_57 : i1 to i32
    %sign3A_59 = arith.subi %sign3A_55, %sign3A_58 : i32
    %ne3A = arith.cmpi ne, %sign3A_52, %sign3A_59 : i32
    %rem3A = arith.remsi %add3A_46, %jit3A : i32
    %ne3A_60 = arith.constant 0 : i32
    %ne3A_61 = arith.cmpi ne, %rem3A, %ne3A_60 : i32
    %and3A = arith.andi %ne3A, %ne3A_61 : i1
    %sub3A = arith.constant 1 : i32
    %sub3A_62 = arith.subi %div3A, %sub3A : i32
    %select_n3A = arith.select %and3A, %sub3A_62, %div3A : i32
    %mul3A_63 = arith.constant 64 : i32
    %mul3A_64 = arith.muli %select_n3A, %mul3A_63 : i32
    %add3A_65 = arith.constant 1024 : i32
    %add3A_66 = arith.addi %mul3A_64, %add3A_65 : i32
    %sub3A_67 = arith.constant 1 : i32
    %sub3A_68 = arith.subi %add3A_66, %sub3A_67 : i32
    %jit3A_69 = arith.constant 1024 : i32
    %div3A_70 = arith.divsi %sub3A_68, %jit3A_69 : i32
    %sign3A_71 = arith.constant 0 : i32
    %sign3A_72 = arith.cmpi sgt, %sub3A_68, %sign3A_71 : i32
    %sign3A_73 = arith.extui %sign3A_72 : i1 to i32
    %sign3A_74 = arith.constant 0 : i32
    %sign3A_75 = arith.cmpi slt, %sub3A_68, %sign3A_74 : i32
    %sign3A_76 = arith.extui %sign3A_75 : i1 to i32
    %sign3A_77 = arith.subi %sign3A_73, %sign3A_76 : i32
    %sign3A_78 = arith.constant 0 : i32
    %sign3A_79 = arith.cmpi sgt, %jit3A_69, %sign3A_78 : i32
    %sign3A_80 = arith.extui %sign3A_79 : i1 to i32
    %sign3A_81 = arith.constant 0 : i32
    %sign3A_82 = arith.cmpi slt, %jit3A_69, %sign3A_81 : i32
    %sign3A_83 = arith.extui %sign3A_82 : i1 to i32
    %sign3A_84 = arith.subi %sign3A_80, %sign3A_83 : i32
    %ne3A_85 = arith.cmpi ne, %sign3A_77, %sign3A_84 : i32
    %rem3A_86 = arith.remsi %sub3A_68, %jit3A_69 : i32
    %ne3A_87 = arith.constant 0 : i32
    %ne3A_88 = arith.cmpi ne, %rem3A_86, %ne3A_87 : i32
    %and3A_89 = arith.andi %ne3A_85, %ne3A_88 : i1
    %sub3A_90 = arith.constant 1 : i32
    %sub3A_91 = arith.subi %div3A_70, %sub3A_90 : i32
    %select_n3A_92 = arith.select %and3A_89, %sub3A_91, %div3A_70 : i32
    %jit3A_93 = arith.constant 16 : i32
    %div3A_94 = arith.divsi %mul3A_2, %jit3A_93 : i32
    %sign3A_95 = arith.constant 0 : i32
    %sign3A_96 = arith.cmpi sgt, %mul3A_2, %sign3A_95 : i32
    %sign3A_97 = arith.extui %sign3A_96 : i1 to i32
    %sign3A_98 = arith.constant 0 : i32
    %sign3A_99 = arith.cmpi slt, %mul3A_2, %sign3A_98 : i32
    %sign3A_100 = arith.extui %sign3A_99 : i1 to i32
    %sign3A_101 = arith.subi %sign3A_97, %sign3A_100 : i32
    %sign3A_102 = arith.constant 0 : i32
    %sign3A_103 = arith.cmpi sgt, %jit3A_93, %sign3A_102 : i32
    %sign3A_104 = arith.extui %sign3A_103 : i1 to i32
    %sign3A_105 = arith.constant 0 : i32
    %sign3A_106 = arith.cmpi slt, %jit3A_93, %sign3A_105 : i32
    %sign3A_107 = arith.extui %sign3A_106 : i1 to i32
    %sign3A_108 = arith.subi %sign3A_104, %sign3A_107 : i32
    %ne3A_109 = arith.cmpi ne, %sign3A_101, %sign3A_108 : i32
    %rem3A_110 = arith.remsi %mul3A_2, %jit3A_93 : i32
    %ne3A_111 = arith.constant 0 : i32
    %ne3A_112 = arith.cmpi ne, %rem3A_110, %ne3A_111 : i32
    %and3A_113 = arith.andi %ne3A_109, %ne3A_112 : i1
    %sub3A_114 = arith.constant 1 : i32
    %sub3A_115 = arith.subi %div3A_94, %sub3A_114 : i32
    %select_n3A_116 = arith.select %and3A_113, %sub3A_115, %div3A_94 : i32
    %mul3A_117 = arith.constant 16 : i32
    %mul3A_118 = arith.muli %select_n3A_116, %mul3A_117 : i32
    %sub3A_119 = arith.subi %mul3A_2, %mul3A_118 : i32
    %broadcast_in_dim3A_120 = vector.broadcast %sub3A_119 : i32 to vector<16xi32>
    "tpu.region"() ({
      %run_scoped3A = tpu.sem_alloc : memref<!tpu.dma_semaphore, #tpu.memory_space<semaphore_mem>>
      %dma_start3A_231 = tpu.memref_slice %arg6[%mul3A_118] : memref<10032xf32, #tpu.memory_space<hbm>> -> memref<336xf32, #tpu.memory_space<hbm>>
      %dma_start3A_232 = tpu.memref_slice %arg6[%mul3A_118] : memref<10032xf32, #tpu.memory_space<hbm>> -> memref<336xf32, #tpu.memory_space<hbm>>
      tpu.enqueue_dma source(%dma_start3A_232 : memref<336xf32, #tpu.memory_space<hbm>>) target(%arg19 : memref<336xf32, #tpu.memory_space<vmem>>) target_semaphore(%run_scoped3A : memref<!tpu.dma_semaphore, #tpu.memory_space<semaphore_mem>>)
      %dma_wait3A_233 = tpu.memref_slice %arg6[%mul3A_118] : memref<10032xf32, #tpu.memory_space<hbm>> -> memref<336xf32, #tpu.memory_space<hbm>>
      %dma_wait3A_234 = tpu.memref_slice %arg6[%mul3A_118] : memref<10032xf32, #tpu.memory_space<hbm>> -> memref<336xf32, #tpu.memory_space<hbm>>
      tpu.wait_dma2 semaphore(%run_scoped3A : memref<!tpu.dma_semaphore, #tpu.memory_space<semaphore_mem>>) src(%dma_wait3A_234 : memref<336xf32, #tpu.memory_space<hbm>>) dst(%arg19 : memref<336xf32, #tpu.memory_space<vmem>>)
      tpu.yield
    }) : () -> ()
    %broadcast_in_dim3A_121 = arith.constant -3.000000e+38 : f32
    %broadcast_in_dim3A_122 = vector.broadcast %broadcast_in_dim3A_121 : f32 to vector<16xf32>
    %while3A = arith.constant 0 : i32
    %while3A_123 = arith.subi %select_n3A_92, %while3A : i32
    %while3A_124 = arith.addi %while3A, %while3A_123 : i32
    %while3A_125 = arith.constant 1 : i32
    %while3A_126 = arith.divsi %while3A_123, %while3A_125 : i32
    %while3A_127 = arith.muli %while3A_126, %while3A_125 : i32
    %while3A_128 = arith.addi %while3A, %while3A_127 : i32
    %while3A_129 = arith.constant 1 : i32
    %while3A_130 = scf.for %while3A_231 = %while3A to %while3A_128 step %while3A_129 iter_args(%while3A_232 = %broadcast_in_dim3A_122) -> (vector<16xf32>)  : i32 {
      %mul3A_233 = arith.constant 1024 : i32
      %mul3A_234 = arith.muli %while3A_231, %mul3A_233 : i32
      %add3A_235 = arith.constant 0 : i32
      %add3A_236 = arith.addi %mul3A_234, %add3A_235 : i32
      %dma_start3A_237 = arith.constant 0 : i32
      %dma_start3A_238 = tpu.memref_slice %arg18[%dma_start3A_237] : memref<1024xf32, #tpu.memory_space<vmem>> -> memref<128xf32, #tpu.memory_space<vmem>>
      %dma_start3A_239 = tpu.memref_slice %arg11[%add3A_236] : memref<11264xi32, #tpu.memory_space<vmem>> -> memref<128xi32, #tpu.memory_space<vmem>>
      %dma_start3A_240 = arith.constant 0 : i32
      %dma_start3A_241 = tpu.memref_slice %arg5[%dma_start3A_240] : memref<10000xf32, #tpu.memory_space<hbm>> -> memref<10000xf32, #tpu.memory_space<hbm>>
      tpu.enqueue_indirect_dma source(%dma_start3A_241 : memref<10000xf32, #tpu.memory_space<hbm>>) target(%dma_start3A_238 : memref<128xf32, #tpu.memory_space<vmem>>) offsets(%dma_start3A_239 : memref<128xi32, #tpu.memory_space<vmem>>) semaphore(%arg25 : memref<!tpu.dma_semaphore, #tpu.memory_space<semaphore_mem>>)
      %mul3A_242 = arith.constant 1024 : i32
      %mul3A_243 = arith.muli %while3A_231, %mul3A_242 : i32
      %add3A_244 = arith.constant 128 : i32
      %add3A_245 = arith.addi %mul3A_243, %add3A_244 : i32
      %dma_start3A_246 = arith.constant 128 : i32
      %dma_start3A_247 = tpu.memref_slice %arg18[%dma_start3A_246] : memref<1024xf32, #tpu.memory_space<vmem>> -> memref<128xf32, #tpu.memory_space<vmem>>
      %dma_start3A_248 = tpu.memref_slice %arg11[%add3A_245] : memref<11264xi32, #tpu.memory_space<vmem>> -> memref<128xi32, #tpu.memory_space<vmem>>
      %dma_start3A_249 = arith.constant 0 : i32
      %dma_start3A_250 = tpu.memref_slice %arg5[%dma_start3A_249] : memref<10000xf32, #tpu.memory_space<hbm>> -> memref<10000xf32, #tpu.memory_space<hbm>>
      tpu.enqueue_indirect_dma source(%dma_start3A_250 : memref<10000xf32, #tpu.memory_space<hbm>>) target(%dma_start3A_247 : memref<128xf32, #tpu.memory_space<vmem>>) offsets(%dma_start3A_248 : memref<128xi32, #tpu.memory_space<vmem>>) semaphore(%arg25 : memref<!tpu.dma_semaphore, #tpu.memory_space<semaphore_mem>>)
      %mul3A_251 = arith.constant 1024 : i32
      %mul3A_252 = arith.muli %while3A_231, %mul3A_251 : i32
      %add3A_253 = arith.constant 256 : i32
      %add3A_254 = arith.addi %mul3A_252, %add3A_253 : i32
      %dma_start3A_255 = arith.constant 256 : i32
      %dma_start3A_256 = tpu.memref_slice %arg18[%dma_start3A_255] : memref<1024xf32, #tpu.memory_space<vmem>> -> memref<128xf32, #tpu.memory_space<vmem>>
      %dma_start3A_257 = tpu.memref_slice %arg11[%add3A_254] : memref<11264xi32, #tpu.memory_space<vmem>> -> memref<128xi32, #tpu.memory_space<vmem>>
      %dma_start3A_258 = arith.constant 0 : i32
      %dma_start3A_259 = tpu.memref_slice %arg5[%dma_start3A_258] : memref<10000xf32, #tpu.memory_space<hbm>> -> memref<10000xf32, #tpu.memory_space<hbm>>
      tpu.enqueue_indirect_dma source(%dma_start3A_259 : memref<10000xf32, #tpu.memory_space<hbm>>) target(%dma_start3A_256 : memref<128xf32, #tpu.memory_space<vmem>>) offsets(%dma_start3A_257 : memref<128xi32, #tpu.memory_space<vmem>>) semaphore(%arg25 : memref<!tpu.dma_semaphore, #tpu.memory_space<semaphore_mem>>)
      %mul3A_260 = arith.constant 1024 : i32
      %mul3A_261 = arith.muli %while3A_231, %mul3A_260 : i32
      %add3A_262 = arith.constant 384 : i32
      %add3A_263 = arith.addi %mul3A_261, %add3A_262 : i32
      %dma_start3A_264 = arith.constant 384 : i32
      %dma_start3A_265 = tpu.memref_slice %arg18[%dma_start3A_264] : memref<1024xf32, #tpu.memory_space<vmem>> -> memref<128xf32, #tpu.memory_space<vmem>>
      %dma_start3A_266 = tpu.memref_slice %arg11[%add3A_263] : memref<11264xi32, #tpu.memory_space<vmem>> -> memref<128xi32, #tpu.memory_space<vmem>>
      %dma_start3A_267 = arith.constant 0 : i32
      %dma_start3A_268 = tpu.memref_slice %arg5[%dma_start3A_267] : memref<10000xf32, #tpu.memory_space<hbm>> -> memref<10000xf32, #tpu.memory_space<hbm>>
      tpu.enqueue_indirect_dma source(%dma_start3A_268 : memref<10000xf32, #tpu.memory_space<hbm>>) target(%dma_start3A_265 : memref<128xf32, #tpu.memory_space<vmem>>) offsets(%dma_start3A_266 : memref<128xi32, #tpu.memory_space<vmem>>) semaphore(%arg25 : memref<!tpu.dma_semaphore, #tpu.memory_space<semaphore_mem>>)
      %mul3A_269 = arith.constant 1024 : i32
      %mul3A_270 = arith.muli %while3A_231, %mul3A_269 : i32
      %add3A_271 = arith.constant 512 : i32
      %add3A_272 = arith.addi %mul3A_270, %add3A_271 : i32
      %dma_start3A_273 = arith.constant 512 : i32
      %dma_start3A_274 = tpu.memref_slice %arg18[%dma_start3A_273] : memref<1024xf32, #tpu.memory_space<vmem>> -> memref<128xf32, #tpu.memory_space<vmem>>
      %dma_start3A_275 = tpu.memref_slice %arg11[%add3A_272] : memref<11264xi32, #tpu.memory_space<vmem>> -> memref<128xi32, #tpu.memory_space<vmem>>
      %dma_start3A_276 = arith.constant 0 : i32
      %dma_start3A_277 = tpu.memref_slice %arg5[%dma_start3A_276] : memref<10000xf32, #tpu.memory_space<hbm>> -> memref<10000xf32, #tpu.memory_space<hbm>>
      tpu.enqueue_indirect_dma source(%dma_start3A_277 : memref<10000xf32, #tpu.memory_space<hbm>>) target(%dma_start3A_274 : memref<128xf32, #tpu.memory_space<vmem>>) offsets(%dma_start3A_275 : memref<128xi32, #tpu.memory_space<vmem>>) semaphore(%arg25 : memref<!tpu.dma_semaphore, #tpu.memory_space<semaphore_mem>>)
      %mul3A_278 = arith.constant 1024 : i32
      %mul3A_279 = arith.muli %while3A_231, %mul3A_278 : i32
      %add3A_280 = arith.constant 640 : i32
      %add3A_281 = arith.addi %mul3A_279, %add3A_280 : i32
      %dma_start3A_282 = arith.constant 640 : i32
      %dma_start3A_283 = tpu.memref_slice %arg18[%dma_start3A_282] : memref<1024xf32, #tpu.memory_space<vmem>> -> memref<128xf32, #tpu.memory_space<vmem>>
      %dma_start3A_284 = tpu.memref_slice %arg11[%add3A_281] : memref<11264xi32, #tpu.memory_space<vmem>> -> memref<128xi32, #tpu.memory_space<vmem>>
      %dma_start3A_285 = arith.constant 0 : i32
      %dma_start3A_286 = tpu.memref_slice %arg5[%dma_start3A_285] : memref<10000xf32, #tpu.memory_space<hbm>> -> memref<10000xf32, #tpu.memory_space<hbm>>
      tpu.enqueue_indirect_dma source(%dma_start3A_286 : memref<10000xf32, #tpu.memory_space<hbm>>) target(%dma_start3A_283 : memref<128xf32, #tpu.memory_space<vmem>>) offsets(%dma_start3A_284 : memref<128xi32, #tpu.memory_space<vmem>>) semaphore(%arg25 : memref<!tpu.dma_semaphore, #tpu.memory_space<semaphore_mem>>)
      %mul3A_287 = arith.constant 1024 : i32
      %mul3A_288 = arith.muli %while3A_231, %mul3A_287 : i32
      %add3A_289 = arith.constant 768 : i32
      %add3A_290 = arith.addi %mul3A_288, %add3A_289 : i32
      %dma_start3A_291 = arith.constant 768 : i32
      %dma_start3A_292 = tpu.memref_slice %arg18[%dma_start3A_291] : memref<1024xf32, #tpu.memory_space<vmem>> -> memref<128xf32, #tpu.memory_space<vmem>>
      %dma_start3A_293 = tpu.memref_slice %arg11[%add3A_290] : memref<11264xi32, #tpu.memory_space<vmem>> -> memref<128xi32, #tpu.memory_space<vmem>>
      %dma_start3A_294 = arith.constant 0 : i32
      %dma_start3A_295 = tpu.memref_slice %arg5[%dma_start3A_294] : memref<10000xf32, #tpu.memory_space<hbm>> -> memref<10000xf32, #tpu.memory_space<hbm>>
      tpu.enqueue_indirect_dma source(%dma_start3A_295 : memref<10000xf32, #tpu.memory_space<hbm>>) target(%dma_start3A_292 : memref<128xf32, #tpu.memory_space<vmem>>) offsets(%dma_start3A_293 : memref<128xi32, #tpu.memory_space<vmem>>) semaphore(%arg25 : memref<!tpu.dma_semaphore, #tpu.memory_space<semaphore_mem>>)
      %mul3A_296 = arith.constant 1024 : i32
      %mul3A_297 = arith.muli %while3A_231, %mul3A_296 : i32
      %add3A_298 = arith.constant 896 : i32
      %add3A_299 = arith.addi %mul3A_297, %add3A_298 : i32
      %dma_start3A_300 = arith.constant 896 : i32
      %dma_start3A_301 = tpu.memref_slice %arg18[%dma_start3A_300] : memref<1024xf32, #tpu.memory_space<vmem>> -> memref<128xf32, #tpu.memory_space<vmem>>
      %dma_start3A_302 = tpu.memref_slice %arg11[%add3A_299] : memref<11264xi32, #tpu.memory_space<vmem>> -> memref<128xi32, #tpu.memory_space<vmem>>
      %dma_start3A_303 = arith.constant 0 : i32
      %dma_start3A_304 = tpu.memref_slice %arg5[%dma_start3A_303] : memref<10000xf32, #tpu.memory_space<hbm>> -> memref<10000xf32, #tpu.memory_space<hbm>>
      tpu.enqueue_indirect_dma source(%dma_start3A_304 : memref<10000xf32, #tpu.memory_space<hbm>>) target(%dma_start3A_301 : memref<128xf32, #tpu.memory_space<vmem>>) offsets(%dma_start3A_302 : memref<128xi32, #tpu.memory_space<vmem>>) semaphore(%arg25 : memref<!tpu.dma_semaphore, #tpu.memory_space<semaphore_mem>>)
      %dma_wait3A_305 = arith.constant 0 : i32
      %dma_wait3A_306 = tpu.memref_slice %arg18[%dma_wait3A_305] : memref<1024xf32, #tpu.memory_space<vmem>> -> memref<128xf32, #tpu.memory_space<vmem>>
      %dma_wait3A_307 = arith.constant 0 : i32
      %dma_wait3A_308 = tpu.memref_slice %arg11[%dma_wait3A_307] : memref<11264xi32, #tpu.memory_space<vmem>> -> memref<128xi32, #tpu.memory_space<vmem>>
      %dma_wait3A_309 = arith.constant 0 : i32
      %dma_wait3A_310 = tpu.memref_slice %arg5[%dma_wait3A_309] : memref<10000xf32, #tpu.memory_space<hbm>> -> memref<10000xf32, #tpu.memory_space<hbm>>
      tpu.wait_indirect_dma semaphore(%arg25 : memref<!tpu.dma_semaphore, #tpu.memory_space<semaphore_mem>>) src(%dma_wait3A_310 : memref<10000xf32, #tpu.memory_space<hbm>>) dst(%dma_wait3A_306 : memref<128xf32, #tpu.memory_space<vmem>>)
      %dma_wait3A_311 = arith.constant 128 : i32
      %dma_wait3A_312 = tpu.memref_slice %arg18[%dma_wait3A_311] : memref<1024xf32, #tpu.memory_space<vmem>> -> memref<128xf32, #tpu.memory_space<vmem>>
      %dma_wait3A_313 = arith.constant 0 : i32
      %dma_wait3A_314 = tpu.memref_slice %arg11[%dma_wait3A_313] : memref<11264xi32, #tpu.memory_space<vmem>> -> memref<128xi32, #tpu.memory_space<vmem>>
      %dma_wait3A_315 = arith.constant 0 : i32
      %dma_wait3A_316 = tpu.memref_slice %arg5[%dma_wait3A_315] : memref<10000xf32, #tpu.memory_space<hbm>> -> memref<10000xf32, #tpu.memory_space<hbm>>
      tpu.wait_indirect_dma semaphore(%arg25 : memref<!tpu.dma_semaphore, #tpu.memory_space<semaphore_mem>>) src(%dma_wait3A_316 : memref<10000xf32, #tpu.memory_space<hbm>>) dst(%dma_wait3A_312 : memref<128xf32, #tpu.memory_space<vmem>>)
      %dma_wait3A_317 = arith.constant 256 : i32
      %dma_wait3A_318 = tpu.memref_slice %arg18[%dma_wait3A_317] : memref<1024xf32, #tpu.memory_space<vmem>> -> memref<128xf32, #tpu.memory_space<vmem>>
      %dma_wait3A_319 = arith.constant 0 : i32
      %dma_wait3A_320 = tpu.memref_slice %arg11[%dma_wait3A_319] : memref<11264xi32, #tpu.memory_space<vmem>> -> memref<128xi32, #tpu.memory_space<vmem>>
      %dma_wait3A_321 = arith.constant 0 : i32
      %dma_wait3A_322 = tpu.memref_slice %arg5[%dma_wait3A_321] : memref<10000xf32, #tpu.memory_space<hbm>> -> memref<10000xf32, #tpu.memory_space<hbm>>
      tpu.wait_indirect_dma semaphore(%arg25 : memref<!tpu.dma_semaphore, #tpu.memory_space<semaphore_mem>>) src(%dma_wait3A_322 : memref<10000xf32, #tpu.memory_space<hbm>>) dst(%dma_wait3A_318 : memref<128xf32, #tpu.memory_space<vmem>>)
      %dma_wait3A_323 = arith.constant 384 : i32
      %dma_wait3A_324 = tpu.memref_slice %arg18[%dma_wait3A_323] : memref<1024xf32, #tpu.memory_space<vmem>> -> memref<128xf32, #tpu.memory_space<vmem>>
      %dma_wait3A_325 = arith.constant 0 : i32
      %dma_wait3A_326 = tpu.memref_slice %arg11[%dma_wait3A_325] : memref<11264xi32, #tpu.memory_space<vmem>> -> memref<128xi32, #tpu.memory_space<vmem>>
      %dma_wait3A_327 = arith.constant 0 : i32
      %dma_wait3A_328 = tpu.memref_slice %arg5[%dma_wait3A_327] : memref<10000xf32, #tpu.memory_space<hbm>> -> memref<10000xf32, #tpu.memory_space<hbm>>
      tpu.wait_indirect_dma semaphore(%arg25 : memref<!tpu.dma_semaphore, #tpu.memory_space<semaphore_mem>>) src(%dma_wait3A_328 : memref<10000xf32, #tpu.memory_space<hbm>>) dst(%dma_wait3A_324 : memref<128xf32, #tpu.memory_space<vmem>>)
      %dma_wait3A_329 = arith.constant 512 : i32
      %dma_wait3A_330 = tpu.memref_slice %arg18[%dma_wait3A_329] : memref<1024xf32, #tpu.memory_space<vmem>> -> memref<128xf32, #tpu.memory_space<vmem>>
      %dma_wait3A_331 = arith.constant 0 : i32
      %dma_wait3A_332 = tpu.memref_slice %arg11[%dma_wait3A_331] : memref<11264xi32, #tpu.memory_space<vmem>> -> memref<128xi32, #tpu.memory_space<vmem>>
      %dma_wait3A_333 = arith.constant 0 : i32
      %dma_wait3A_334 = tpu.memref_slice %arg5[%dma_wait3A_333] : memref<10000xf32, #tpu.memory_space<hbm>> -> memref<10000xf32, #tpu.memory_space<hbm>>
      tpu.wait_indirect_dma semaphore(%arg25 : memref<!tpu.dma_semaphore, #tpu.memory_space<semaphore_mem>>) src(%dma_wait3A_334 : memref<10000xf32, #tpu.memory_space<hbm>>) dst(%dma_wait3A_330 : memref<128xf32, #tpu.memory_space<vmem>>)
      %dma_wait3A_335 = arith.constant 640 : i32
      %dma_wait3A_336 = tpu.memref_slice %arg18[%dma_wait3A_335] : memref<1024xf32, #tpu.memory_space<vmem>> -> memref<128xf32, #tpu.memory_space<vmem>>
      %dma_wait3A_337 = arith.constant 0 : i32
      %dma_wait3A_338 = tpu.memref_slice %arg11[%dma_wait3A_337] : memref<11264xi32, #tpu.memory_space<vmem>> -> memref<128xi32, #tpu.memory_space<vmem>>
      %dma_wait3A_339 = arith.constant 0 : i32
      %dma_wait3A_340 = tpu.memref_slice %arg5[%dma_wait3A_339] : memref<10000xf32, #tpu.memory_space<hbm>> -> memref<10000xf32, #tpu.memory_space<hbm>>
      tpu.wait_indirect_dma semaphore(%arg25 : memref<!tpu.dma_semaphore, #tpu.memory_space<semaphore_mem>>) src(%dma_wait3A_340 : memref<10000xf32, #tpu.memory_space<hbm>>) dst(%dma_wait3A_336 : memref<128xf32, #tpu.memory_space<vmem>>)
      %dma_wait3A_341 = arith.constant 768 : i32
      %dma_wait3A_342 = tpu.memref_slice %arg18[%dma_wait3A_341] : memref<1024xf32, #tpu.memory_space<vmem>> -> memref<128xf32, #tpu.memory_space<vmem>>
      %dma_wait3A_343 = arith.constant 0 : i32
      %dma_wait3A_344 = tpu.memref_slice %arg11[%dma_wait3A_343] : memref<11264xi32, #tpu.memory_space<vmem>> -> memref<128xi32, #tpu.memory_space<vmem>>
      %dma_wait3A_345 = arith.constant 0 : i32
      %dma_wait3A_346 = tpu.memref_slice %arg5[%dma_wait3A_345] : memref<10000xf32, #tpu.memory_space<hbm>> -> memref<10000xf32, #tpu.memory_space<hbm>>
      tpu.wait_indirect_dma semaphore(%arg25 : memref<!tpu.dma_semaphore, #tpu.memory_space<semaphore_mem>>) src(%dma_wait3A_346 : memref<10000xf32, #tpu.memory_space<hbm>>) dst(%dma_wait3A_342 : memref<128xf32, #tpu.memory_space<vmem>>)
      %dma_wait3A_347 = arith.constant 896 : i32
      %dma_wait3A_348 = tpu.memref_slice %arg18[%dma_wait3A_347] : memref<1024xf32, #tpu.memory_space<vmem>> -> memref<128xf32, #tpu.memory_space<vmem>>
      %dma_wait3A_349 = arith.constant 0 : i32
      %dma_wait3A_350 = tpu.memref_slice %arg11[%dma_wait3A_349] : memref<11264xi32, #tpu.memory_space<vmem>> -> memref<128xi32, #tpu.memory_space<vmem>>
      %dma_wait3A_351 = arith.constant 0 : i32
      %dma_wait3A_352 = tpu.memref_slice %arg5[%dma_wait3A_351] : memref<10000xf32, #tpu.memory_space<hbm>> -> memref<10000xf32, #tpu.memory_space<hbm>>
      tpu.wait_indirect_dma semaphore(%arg25 : memref<!tpu.dma_semaphore, #tpu.memory_space<semaphore_mem>>) src(%dma_wait3A_352 : memref<10000xf32, #tpu.memory_space<hbm>>) dst(%dma_wait3A_348 : memref<128xf32, #tpu.memory_space<vmem>>)
      %scan3A_353 = arith.constant 0 : i32
      %scan3A_354 = arith.constant 64 : i32
      %scan3A_355 = arith.addi %scan3A_353, %scan3A_354 : i32
      %scan3A_356 = arith.constant 1 : i32
      %scan3A_357 = scf.for %scan3A_359 = %scan3A_353 to %scan3A_355 step %scan3A_356 iter_args(%scan3A_360 = %while3A_232) -> (vector<16xf32>)  : i32 {
        %mul3A_361 = arith.constant 1024 : i32
        %mul3A_362 = arith.muli %while3A_231, %mul3A_361 : i32
        %mul3A_363 = arith.constant 16 : i32
        %mul3A_364 = arith.muli %scan3A_359, %mul3A_363 : i32
        %add3A_365 = arith.addi %mul3A_362, %mul3A_364 : i32
        %mul3A_366 = arith.constant 16 : i32
        %mul3A_367 = arith.muli %scan3A_359, %mul3A_366 : i32
        %get3A = arith.index_cast %mul3A_367 : i32 to index
        %get3A_368 = tpu.vector_load %arg18[%get3A] {strides = array<i32>} : memref<1024xf32, #tpu.memory_space<vmem>>, vector<16xf32>,
        %get3A_369 = arith.index_cast %add3A_365 : i32 to index
        %get3A_370 = tpu.vector_load %arg12[%get3A_369] {strides = array<i32>} : memref<11264xi32, #tpu.memory_space<vmem>>, vector<16xi32>,
        %add3A_371 = arith.addi %get3A_370, %broadcast_in_dim3A_120 : vector<16xi32>
        %gather3A = tpu.vector_load_idx %arg19[%add3A_371] : memref<336xf32, #tpu.memory_space<vmem>>[vector<16xi32>], vector<16xf32>,
        %add3A_372 = arith.addf %get3A_368, %gather3A : vector<16xf32>
        %ge3A = arith.constant 0.000000e+00 : f32
        %ge3A_373 = vector.broadcast %ge3A : f32 to vector<16xf32>
        %ge3A_374 = arith.cmpf oge, %add3A_372, %ge3A_373 : vector<16xf32>
        %mul3A_375 = arith.constant 2.000000e-01 : f32
        %mul3A_376 = vector.broadcast %mul3A_375 : f32 to vector<16xf32>
        %mul3A_377 = arith.mulf %mul3A_376, %add3A_372 : vector<16xf32>
        %select_n3A_378 = arith.select %ge3A_374, %add3A_372, %mul3A_377 : vector<16xi1>, vector<16xf32>
        %swap3A_379 = arith.index_cast %add3A_365 : i32 to index
        %swap3A_380 = tpu.vector_load %arg13[%swap3A_379] {strides = array<i32>} : memref<11264xf32, #tpu.memory_space<vmem>>, vector<16xf32>,
        tpu.vector_store %arg13[%swap3A_379], %select_n3A_378 {strides = array<i32>} : memref<11264xf32, #tpu.memory_space<vmem>>, vector<16xf32>,
        %broadcast_in_dim3A_381 = vector.broadcast %add3A_365 : i32 to vector<16xi32>
        %add3A_382 = arith.addi %broadcast_in_dim3A_381, %iota3A : vector<16xi32>
        %lt3A = arith.cmpi slt, %add3A_382, %broadcast_in_dim3A_44 : vector<16xi32>
        %jit3A_383 = arith.constant -3.000000e+38 : f32
        %broadcast_in_dim3A_384 = vector.broadcast %jit3A_383 : f32 to vector<16xf32>
        %select_n3A_385 = arith.select %lt3A, %select_n3A_378, %broadcast_in_dim3A_384 : vector<16xi1>, vector<16xf32>
        %max3A = arith.maximumf %scan3A_360, %select_n3A_385 : vector<16xf32>
        scf.yield %max3A : vector<16xf32>
      }
      %scan3A_358 = arith.constant 64 : i32
      scf.yield %scan3A_357 : vector<16xf32>
    }
    %while3A_131 = arith.constant 1 : i32
    %while3A_132 = scf.for %while3A_231 = %while3A_128 to %while3A_124 step %while3A_131 iter_args(%while3A_232 = %while3A_130) -> (vector<16xf32>)  : i32 {
      %mul3A_233 = arith.constant 1024 : i32
      %mul3A_234 = arith.muli %while3A_231, %mul3A_233 : i32
      %add3A_235 = arith.constant 0 : i32
      %add3A_236 = arith.addi %mul3A_234, %add3A_235 : i32
      %dma_start3A_237 = arith.constant 0 : i32
      %dma_start3A_238 = tpu.memref_slice %arg18[%dma_start3A_237] : memref<1024xf32, #tpu.memory_space<vmem>> -> memref<128xf32, #tpu.memory_space<vmem>>
      %dma_start3A_239 = tpu.memref_slice %arg11[%add3A_236] : memref<11264xi32, #tpu.memory_space<vmem>> -> memref<128xi32, #tpu.memory_space<vmem>>
      %dma_start3A_240 = arith.constant 0 : i32
      %dma_start3A_241 = tpu.memref_slice %arg5[%dma_start3A_240] : memref<10000xf32, #tpu.memory_space<hbm>> -> memref<10000xf32, #tpu.memory_space<hbm>>
      tpu.enqueue_indirect_dma source(%dma_start3A_241 : memref<10000xf32, #tpu.memory_space<hbm>>) target(%dma_start3A_238 : memref<128xf32, #tpu.memory_space<vmem>>) offsets(%dma_start3A_239 : memref<128xi32, #tpu.memory_space<vmem>>) semaphore(%arg25 : memref<!tpu.dma_semaphore, #tpu.memory_space<semaphore_mem>>)
      %mul3A_242 = arith.constant 1024 : i32
      %mul3A_243 = arith.muli %while3A_231, %mul3A_242 : i32
      %add3A_244 = arith.constant 128 : i32
      %add3A_245 = arith.addi %mul3A_243, %add3A_244 : i32
      %dma_start3A_246 = arith.constant 128 : i32
      %dma_start3A_247 = tpu.memref_slice %arg18[%dma_start3A_246] : memref<1024xf32, #tpu.memory_space<vmem>> -> memref<128xf32, #tpu.memory_space<vmem>>
      %dma_start3A_248 = tpu.memref_slice %arg11[%add3A_245] : memref<11264xi32, #tpu.memory_space<vmem>> -> memref<128xi32, #tpu.memory_space<vmem>>
      %dma_start3A_249 = arith.constant 0 : i32
      %dma_start3A_250 = tpu.memref_slice %arg5[%dma_start3A_249] : memref<10000xf32, #tpu.memory_space<hbm>> -> memref<10000xf32, #tpu.memory_space<hbm>>
      tpu.enqueue_indirect_dma source(%dma_start3A_250 : memref<10000xf32, #tpu.memory_space<hbm>>) target(%dma_start3A_247 : memref<128xf32, #tpu.memory_space<vmem>>) offsets(%dma_start3A_248 : memref<128xi32, #tpu.memory_space<vmem>>) semaphore(%arg25 : memref<!tpu.dma_semaphore, #tpu.memory_space<semaphore_mem>>)
      %mul3A_251 = arith.constant 1024 : i32
      %mul3A_252 = arith.muli %while3A_231, %mul3A_251 : i32
      %add3A_253 = arith.constant 256 : i32
      %add3A_254 = arith.addi %mul3A_252, %add3A_253 : i32
      %dma_start3A_255 = arith.constant 256 : i32
      %dma_start3A_256 = tpu.memref_slice %arg18[%dma_start3A_255] : memref<1024xf32, #tpu.memory_space<vmem>> -> memref<128xf32, #tpu.memory_space<vmem>>
      %dma_start3A_257 = tpu.memref_slice %arg11[%add3A_254] : memref<11264xi32, #tpu.memory_space<vmem>> -> memref<128xi32, #tpu.memory_space<vmem>>
      %dma_start3A_258 = arith.constant 0 : i32
      %dma_start3A_259 = tpu.memref_slice %arg5[%dma_start3A_258] : memref<10000xf32, #tpu.memory_space<hbm>> -> memref<10000xf32, #tpu.memory_space<hbm>>
      tpu.enqueue_indirect_dma source(%dma_start3A_259 : memref<10000xf32, #tpu.memory_space<hbm>>) target(%dma_start3A_256 : memref<128xf32, #tpu.memory_space<vmem>>) offsets(%dma_start3A_257 : memref<128xi32, #tpu.memory_space<vmem>>) semaphore(%arg25 : memref<!tpu.dma_semaphore, #tpu.memory_space<semaphore_mem>>)
      %mul3A_260 = arith.constant 1024 : i32
      %mul3A_261 = arith.muli %while3A_231, %mul3A_260 : i32
      %add3A_262 = arith.constant 384 : i32
      %add3A_263 = arith.addi %mul3A_261, %add3A_262 : i32
      %dma_start3A_264 = arith.constant 384 : i32
      %dma_start3A_265 = tpu.memref_slice %arg18[%dma_start3A_264] : memref<1024xf32, #tpu.memory_space<vmem>> -> memref<128xf32, #tpu.memory_space<vmem>>
      %dma_start3A_266 = tpu.memref_slice %arg11[%add3A_263] : memref<11264xi32, #tpu.memory_space<vmem>> -> memref<128xi32, #tpu.memory_space<vmem>>
      %dma_start3A_267 = arith.constant 0 : i32
      %dma_start3A_268 = tpu.memref_slice %arg5[%dma_start3A_267] : memref<10000xf32, #tpu.memory_space<hbm>> -> memref<10000xf32, #tpu.memory_space<hbm>>
      tpu.enqueue_indirect_dma source(%dma_start3A_268 : memref<10000xf32, #tpu.memory_space<hbm>>) target(%dma_start3A_265 : memref<128xf32, #tpu.memory_space<vmem>>) offsets(%dma_start3A_266 : memref<128xi32, #tpu.memory_space<vmem>>) semaphore(%arg25 : memref<!tpu.dma_semaphore, #tpu.memory_space<semaphore_mem>>)
      %mul3A_269 = arith.constant 1024 : i32
      %mul3A_270 = arith.muli %while3A_231, %mul3A_269 : i32
      %add3A_271 = arith.constant 512 : i32
      %add3A_272 = arith.addi %mul3A_270, %add3A_271 : i32
      %dma_start3A_273 = arith.constant 512 : i32
      %dma_start3A_274 = tpu.memref_slice %arg18[%dma_start3A_273] : memref<1024xf32, #tpu.memory_space<vmem>> -> memref<128xf32, #tpu.memory_space<vmem>>
      %dma_start3A_275 = tpu.memref_slice %arg11[%add3A_272] : memref<11264xi32, #tpu.memory_space<vmem>> -> memref<128xi32, #tpu.memory_space<vmem>>
      %dma_start3A_276 = arith.constant 0 : i32
      %dma_start3A_277 = tpu.memref_slice %arg5[%dma_start3A_276] : memref<10000xf32, #tpu.memory_space<hbm>> -> memref<10000xf32, #tpu.memory_space<hbm>>
      tpu.enqueue_indirect_dma source(%dma_start3A_277 : memref<10000xf32, #tpu.memory_space<hbm>>) target(%dma_start3A_274 : memref<128xf32, #tpu.memory_space<vmem>>) offsets(%dma_start3A_275 : memref<128xi32, #tpu.memory_space<vmem>>) semaphore(%arg25 : memref<!tpu.dma_semaphore, #tpu.memory_space<semaphore_mem>>)
      %mul3A_278 = arith.constant 1024 : i32
      %mul3A_279 = arith.muli %while3A_231, %mul3A_278 : i32
      %add3A_280 = arith.constant 640 : i32
      %add3A_281 = arith.addi %mul3A_279, %add3A_280 : i32
      %dma_start3A_282 = arith.constant 640 : i32
      %dma_start3A_283 = tpu.memref_slice %arg18[%dma_start3A_282] : memref<1024xf32, #tpu.memory_space<vmem>> -> memref<128xf32, #tpu.memory_space<vmem>>
      %dma_start3A_284 = tpu.memref_slice %arg11[%add3A_281] : memref<11264xi32, #tpu.memory_space<vmem>> -> memref<128xi32, #tpu.memory_space<vmem>>
      %dma_start3A_285 = arith.constant 0 : i32
      %dma_start3A_286 = tpu.memref_slice %arg5[%dma_start3A_285] : memref<10000xf32, #tpu.memory_space<hbm>> -> memref<10000xf32, #tpu.memory_space<hbm>>
      tpu.enqueue_indirect_dma source(%dma_start3A_286 : memref<10000xf32, #tpu.memory_space<hbm>>) target(%dma_start3A_283 : memref<128xf32, #tpu.memory_space<vmem>>) offsets(%dma_start3A_284 : memref<128xi32, #tpu.memory_space<vmem>>) semaphore(%arg25 : memref<!tpu.dma_semaphore, #tpu.memory_space<semaphore_mem>>)
      %mul3A_287 = arith.constant 1024 : i32
      %mul3A_288 = arith.muli %while3A_231, %mul3A_287 : i32
      %add3A_289 = arith.constant 768 : i32
      %add3A_290 = arith.addi %mul3A_288, %add3A_289 : i32
      %dma_start3A_291 = arith.constant 768 : i32
      %dma_start3A_292 = tpu.memref_slice %arg18[%dma_start3A_291] : memref<1024xf32, #tpu.memory_space<vmem>> -> memref<128xf32, #tpu.memory_space<vmem>>
      %dma_start3A_293 = tpu.memref_slice %arg11[%add3A_290] : memref<11264xi32, #tpu.memory_space<vmem>> -> memref<128xi32, #tpu.memory_space<vmem>>
      %dma_start3A_294 = arith.constant 0 : i32
      %dma_start3A_295 = tpu.memref_slice %arg5[%dma_start3A_294] : memref<10000xf32, #tpu.memory_space<hbm>> -> memref<10000xf32, #tpu.memory_space<hbm>>
      tpu.enqueue_indirect_dma source(%dma_start3A_295 : memref<10000xf32, #tpu.memory_space<hbm>>) target(%dma_start3A_292 : memref<128xf32, #tpu.memory_space<vmem>>) offsets(%dma_start3A_293 : memref<128xi32, #tpu.memory_space<vmem>>) semaphore(%arg25 : memref<!tpu.dma_semaphore, #tpu.memory_space<semaphore_mem>>)
      %mul3A_296 = arith.constant 1024 : i32
      %mul3A_297 = arith.muli %while3A_231, %mul3A_296 : i32
      %add3A_298 = arith.constant 896 : i32
      %add3A_299 = arith.addi %mul3A_297, %add3A_298 : i32
      %dma_start3A_300 = arith.constant 896 : i32
      %dma_start3A_301 = tpu.memref_slice %arg18[%dma_start3A_300] : memref<1024xf32, #tpu.memory_space<vmem>> -> memref<128xf32, #tpu.memory_space<vmem>>
      %dma_start3A_302 = tpu.memref_slice %arg11[%add3A_299] : memref<11264xi32, #tpu.memory_space<vmem>> -> memref<128xi32, #tpu.memory_space<vmem>>
      %dma_start3A_303 = arith.constant 0 : i32
      %dma_start3A_304 = tpu.memref_slice %arg5[%dma_start3A_303] : memref<10000xf32, #tpu.memory_space<hbm>> -> memref<10000xf32, #tpu.memory_space<hbm>>
      tpu.enqueue_indirect_dma source(%dma_start3A_304 : memref<10000xf32, #tpu.memory_space<hbm>>) target(%dma_start3A_301 : memref<128xf32, #tpu.memory_space<vmem>>) offsets(%dma_start3A_302 : memref<128xi32, #tpu.memory_space<vmem>>) semaphore(%arg25 : memref<!tpu.dma_semaphore, #tpu.memory_space<semaphore_mem>>)
      %dma_wait3A_305 = arith.constant 0 : i32
      %dma_wait3A_306 = tpu.memref_slice %arg18[%dma_wait3A_305] : memref<1024xf32, #tpu.memory_space<vmem>> -> memref<128xf32, #tpu.memory_space<vmem>>
      %dma_wait3A_307 = arith.constant 0 : i32
      %dma_wait3A_308 = tpu.memref_slice %arg11[%dma_wait3A_307] : memref<11264xi32, #tpu.memory_space<vmem>> -> memref<128xi32, #tpu.memory_space<vmem>>
      %dma_wait3A_309 = arith.constant 0 : i32
      %dma_wait3A_310 = tpu.memref_slice %arg5[%dma_wait3A_309] : memref<10000xf32, #tpu.memory_space<hbm>> -> memref<10000xf32, #tpu.memory_space<hbm>>
      tpu.wait_indirect_dma semaphore(%arg25 : memref<!tpu.dma_semaphore, #tpu.memory_space<semaphore_mem>>) src(%dma_wait3A_310 : memref<10000xf32, #tpu.memory_space<hbm>>) dst(%dma_wait3A_306 : memref<128xf32, #tpu.memory_space<vmem>>)
      %dma_wait3A_311 = arith.constant 128 : i32
      %dma_wait3A_312 = tpu.memref_slice %arg18[%dma_wait3A_311] : memref<1024xf32, #tpu.memory_space<vmem>> -> memref<128xf32, #tpu.memory_space<vmem>>
      %dma_wait3A_313 = arith.constant 0 : i32
      %dma_wait3A_314 = tpu.memref_slice %arg11[%dma_wait3A_313] : memref<11264xi32, #tpu.memory_space<vmem>> -> memref<128xi32, #tpu.memory_space<vmem>>
      %dma_wait3A_315 = arith.constant 0 : i32
      %dma_wait3A_316 = tpu.memref_slice %arg5[%dma_wait3A_315] : memref<10000xf32, #tpu.memory_space<hbm>> -> memref<10000xf32, #tpu.memory_space<hbm>>
      tpu.wait_indirect_dma semaphore(%arg25 : memref<!tpu.dma_semaphore, #tpu.memory_space<semaphore_mem>>) src(%dma_wait3A_316 : memref<10000xf32, #tpu.memory_space<hbm>>) dst(%dma_wait3A_312 : memref<128xf32, #tpu.memory_space<vmem>>)
      %dma_wait3A_317 = arith.constant 256 : i32
      %dma_wait3A_318 = tpu.memref_slice %arg18[%dma_wait3A_317] : memref<1024xf32, #tpu.memory_space<vmem>> -> memref<128xf32, #tpu.memory_space<vmem>>
      %dma_wait3A_319 = arith.constant 0 : i32
      %dma_wait3A_320 = tpu.memref_slice %arg11[%dma_wait3A_319] : memref<11264xi32, #tpu.memory_space<vmem>> -> memref<128xi32, #tpu.memory_space<vmem>>
      %dma_wait3A_321 = arith.constant 0 : i32
      %dma_wait3A_322 = tpu.memref_slice %arg5[%dma_wait3A_321] : memref<10000xf32, #tpu.memory_space<hbm>> -> memref<10000xf32, #tpu.memory_space<hbm>>
      tpu.wait_indirect_dma semaphore(%arg25 : memref<!tpu.dma_semaphore, #tpu.memory_space<semaphore_mem>>) src(%dma_wait3A_322 : memref<10000xf32, #tpu.memory_space<hbm>>) dst(%dma_wait3A_318 : memref<128xf32, #tpu.memory_space<vmem>>)
      %dma_wait3A_323 = arith.constant 384 : i32
      %dma_wait3A_324 = tpu.memref_slice %arg18[%dma_wait3A_323] : memref<1024xf32, #tpu.memory_space<vmem>> -> memref<128xf32, #tpu.memory_space<vmem>>
      %dma_wait3A_325 = arith.constant 0 : i32
      %dma_wait3A_326 = tpu.memref_slice %arg11[%dma_wait3A_325] : memref<11264xi32, #tpu.memory_space<vmem>> -> memref<128xi32, #tpu.memory_space<vmem>>
      %dma_wait3A_327 = arith.constant 0 : i32
      %dma_wait3A_328 = tpu.memref_slice %arg5[%dma_wait3A_327] : memref<10000xf32, #tpu.memory_space<hbm>> -> memref<10000xf32, #tpu.memory_space<hbm>>
      tpu.wait_indirect_dma semaphore(%arg25 : memref<!tpu.dma_semaphore, #tpu.memory_space<semaphore_mem>>) src(%dma_wait3A_328 : memref<10000xf32, #tpu.memory_space<hbm>>) dst(%dma_wait3A_324 : memref<128xf32, #tpu.memory_space<vmem>>)
      %dma_wait3A_329 = arith.constant 512 : i32
      %dma_wait3A_330 = tpu.memref_slice %arg18[%dma_wait3A_329] : memref<1024xf32, #tpu.memory_space<vmem>> -> memref<128xf32, #tpu.memory_space<vmem>>
      %dma_wait3A_331 = arith.constant 0 : i32
      %dma_wait3A_332 = tpu.memref_slice %arg11[%dma_wait3A_331] : memref<11264xi32, #tpu.memory_space<vmem>> -> memref<128xi32, #tpu.memory_space<vmem>>
      %dma_wait3A_333 = arith.constant 0 : i32
      %dma_wait3A_334 = tpu.memref_slice %arg5[%dma_wait3A_333] : memref<10000xf32, #tpu.memory_space<hbm>> -> memref<10000xf32, #tpu.memory_space<hbm>>
      tpu.wait_indirect_dma semaphore(%arg25 : memref<!tpu.dma_semaphore, #tpu.memory_space<semaphore_mem>>) src(%dma_wait3A_334 : memref<10000xf32, #tpu.memory_space<hbm>>) dst(%dma_wait3A_330 : memref<128xf32, #tpu.memory_space<vmem>>)
      %dma_wait3A_335 = arith.constant 640 : i32
      %dma_wait3A_336 = tpu.memref_slice %arg18[%dma_wait3A_335] : memref<1024xf32, #tpu.memory_space<vmem>> -> memref<128xf32, #tpu.memory_space<vmem>>
      %dma_wait3A_337 = arith.constant 0 : i32
      %dma_wait3A_338 = tpu.memref_slice %arg11[%dma_wait3A_337] : memref<11264xi32, #tpu.memory_space<vmem>> -> memref<128xi32, #tpu.memory_space<vmem>>
      %dma_wait3A_339 = arith.constant 0 : i32
      %dma_wait3A_340 = tpu.memref_slice %arg5[%dma_wait3A_339] : memref<10000xf32, #tpu.memory_space<hbm>> -> memref<10000xf32, #tpu.memory_space<hbm>>
      tpu.wait_indirect_dma semaphore(%arg25 : memref<!tpu.dma_semaphore, #tpu.memory_space<semaphore_mem>>) src(%dma_wait3A_340 : memref<10000xf32, #tpu.memory_space<hbm>>) dst(%dma_wait3A_336 : memref<128xf32, #tpu.memory_space<vmem>>)
      %dma_wait3A_341 = arith.constant 768 : i32
      %dma_wait3A_342 = tpu.memref_slice %arg18[%dma_wait3A_341] : memref<1024xf32, #tpu.memory_space<vmem>> -> memref<128xf32, #tpu.memory_space<vmem>>
      %dma_wait3A_343 = arith.constant 0 : i32
      %dma_wait3A_344 = tpu.memref_slice %arg11[%dma_wait3A_343] : memref<11264xi32, #tpu.memory_space<vmem>> -> memref<128xi32, #tpu.memory_space<vmem>>
      %dma_wait3A_345 = arith.constant 0 : i32
      %dma_wait3A_346 = tpu.memref_slice %arg5[%dma_wait3A_345] : memref<10000xf32, #tpu.memory_space<hbm>> -> memref<10000xf32, #tpu.memory_space<hbm>>
      tpu.wait_indirect_dma semaphore(%arg25 : memref<!tpu.dma_semaphore, #tpu.memory_space<semaphore_mem>>) src(%dma_wait3A_346 : memref<10000xf32, #tpu.memory_space<hbm>>) dst(%dma_wait3A_342 : memref<128xf32, #tpu.memory_space<vmem>>)
      %dma_wait3A_347 = arith.constant 896 : i32
      %dma_wait3A_348 = tpu.memref_slice %arg18[%dma_wait3A_347] : memref<1024xf32, #tpu.memory_space<vmem>> -> memref<128xf32, #tpu.memory_space<vmem>>
      %dma_wait3A_349 = arith.constant 0 : i32
      %dma_wait3A_350 = tpu.memref_slice %arg11[%dma_wait3A_349] : memref<11264xi32, #tpu.memory_space<vmem>> -> memref<128xi32, #tpu.memory_space<vmem>>
      %dma_wait3A_351 = arith.constant 0 : i32
      %dma_wait3A_352 = tpu.memref_slice %arg5[%dma_wait3A_351] : memref<10000xf32, #tpu.memory_space<hbm>> -> memref<10000xf32, #tpu.memory_space<hbm>>
      tpu.wait_indirect_dma semaphore(%arg25 : memref<!tpu.dma_semaphore, #tpu.memory_space<semaphore_mem>>) src(%dma_wait3A_352 : memref<10000xf32, #tpu.memory_space<hbm>>) dst(%dma_wait3A_348 : memref<128xf32, #tpu.memory_space<vmem>>)
      %scan3A_353 = arith.constant 0 : i32
      %scan3A_354 = arith.constant 64 : i32
      %scan3A_355 = arith.addi %scan3A_353, %scan3A_354 : i32
      %scan3A_356 = arith.constant 1 : i32
      %scan3A_357 = scf.for %scan3A_359 = %scan3A_353 to %scan3A_355 step %scan3A_356 iter_args(%scan3A_360 = %while3A_232) -> (vector<16xf32>)  : i32 {
        %mul3A_361 = arith.constant 1024 : i32
        %mul3A_362 = arith.muli %while3A_231, %mul3A_361 : i32
        %mul3A_363 = arith.constant 16 : i32
        %mul3A_364 = arith.muli %scan3A_359, %mul3A_363 : i32
        %add3A_365 = arith.addi %mul3A_362, %mul3A_364 : i32
        %mul3A_366 = arith.constant 16 : i32
        %mul3A_367 = arith.muli %scan3A_359, %mul3A_366 : i32
        %get3A = arith.index_cast %mul3A_367 : i32 to index
        %get3A_368 = tpu.vector_load %arg18[%get3A] {strides = array<i32>} : memref<1024xf32, #tpu.memory_space<vmem>>, vector<16xf32>,
        %get3A_369 = arith.index_cast %add3A_365 : i32 to index
        %get3A_370 = tpu.vector_load %arg12[%get3A_369] {strides = array<i32>} : memref<11264xi32, #tpu.memory_space<vmem>>, vector<16xi32>,
        %add3A_371 = arith.addi %get3A_370, %broadcast_in_dim3A_120 : vector<16xi32>
        %gather3A = tpu.vector_load_idx %arg19[%add3A_371] : memref<336xf32, #tpu.memory_space<vmem>>[vector<16xi32>], vector<16xf32>,
        %add3A_372 = arith.addf %get3A_368, %gather3A : vector<16xf32>
        %ge3A = arith.constant 0.000000e+00 : f32
        %ge3A_373 = vector.broadcast %ge3A : f32 to vector<16xf32>
        %ge3A_374 = arith.cmpf oge, %add3A_372, %ge3A_373 : vector<16xf32>
        %mul3A_375 = arith.constant 2.000000e-01 : f32
        %mul3A_376 = vector.broadcast %mul3A_375 : f32 to vector<16xf32>
        %mul3A_377 = arith.mulf %mul3A_376, %add3A_372 : vector<16xf32>
        %select_n3A_378 = arith.select %ge3A_374, %add3A_372, %mul3A_377 : vector<16xi1>, vector<16xf32>
        %swap3A_379 = arith.index_cast %add3A_365 : i32 to index
        %swap3A_380 = tpu.vector_load %arg13[%swap3A_379] {strides = array<i32>} : memref<11264xf32, #tpu.memory_space<vmem>>, vector<16xf32>,
        tpu.vector_store %arg13[%swap3A_379], %select_n3A_378 {strides = array<i32>} : memref<11264xf32, #tpu.memory_space<vmem>>, vector<16xf32>,
        %broadcast_in_dim3A_381 = vector.broadcast %add3A_365 : i32 to vector<16xi32>
        %add3A_382 = arith.addi %broadcast_in_dim3A_381, %iota3A : vector<16xi32>
        %lt3A = arith.cmpi slt, %add3A_382, %broadcast_in_dim3A_44 : vector<16xi32>
        %jit3A_383 = arith.constant -3.000000e+38 : f32
        %broadcast_in_dim3A_384 = vector.broadcast %jit3A_383 : f32 to vector<16xf32>
        %select_n3A_385 = arith.select %lt3A, %select_n3A_378, %broadcast_in_dim3A_384 : vector<16xi1>, vector<16xf32>
        %max3A = arith.maximumf %scan3A_360, %select_n3A_385 : vector<16xf32>
        scf.yield %max3A : vector<16xf32>
      }
      %scan3A_358 = arith.constant 64 : i32
      scf.yield %scan3A_357 : vector<16xf32>
    }
    %reduce_max3A_133 = arith.constant true
    %reduce_max3A_134 = vector.broadcast %reduce_max3A_133 : i1 to vector<16xi1>
    %reduce_max3A_135 = tpu.scan <max>, %while3A_132 masked %reduce_max3A_134 : vector<16xf32>, vector<16xi1> -> vector<16xf32>
    %reduce_max3A_136 = vector.extract %reduce_max3A_135[15] : f32 from vector<16xf32>
    %broadcast_in_dim3A_137 = vector.broadcast %reduce_max3A_136 : f32 to vector<16xf32>
    %scan3A_138 = arith.constant 0 : i32
    %scan3A_139 = arith.constant 0 : i32
    %scan3A_140 = arith.constant 20 : i32
    %scan3A_141 = arith.addi %scan3A_139, %scan3A_140 : i32
    %scan3A_142 = arith.constant 1 : i32
    %scan3A_143 = scf.for %scan3A_231 = %scan3A_139 to %scan3A_141 step %scan3A_142 iter_args(%scan3A_232 = %scan3A_138) -> (i32)  : i32 {
      %mul3A_233 = arith.constant 16 : i32
      %mul3A_234 = arith.muli %scan3A_231, %mul3A_233 : i32
      %swap3A_235 = arith.index_cast %mul3A_234 : i32 to index
      %swap3A_236 = tpu.vector_load %arg20[%swap3A_235] {strides = array<i32>} : memref<320xf32, #tpu.memory_space<vmem>>, vector<16xf32>,
      tpu.vector_store %arg20[%swap3A_235], %broadcast_in_dim3A_5 {strides = array<i32>} : memref<320xf32, #tpu.memory_space<vmem>>, vector<16xf32>,
      %scan3A_237 = arith.constant 0 : i32
      scf.yield %scan3A_237 : i32
    }
    %scan3A_144 = arith.constant 20 : i32
    %mul3A_145 = arith.constant 64 : i32
    %mul3A_146 = arith.muli %select_n3A_92, %mul3A_145 : i32
    %while3A_147 = arith.constant 0 : i32
    %while3A_148 = arith.constant 0 : i32
    %while3A_149 = arith.subi %mul3A_146, %while3A_147 : i32
    %while3A_150 = arith.addi %while3A_147, %while3A_149 : i32
    %while3A_151 = arith.constant 1 : i32
    %while3A_152 = arith.divsi %while3A_149, %while3A_151 : i32
    %while3A_153 = arith.muli %while3A_152, %while3A_151 : i32
    %while3A_154 = arith.addi %while3A_147, %while3A_153 : i32
    %while3A_155 = arith.constant 1 : i32
    %while3A_156 = scf.for %while3A_231 = %while3A_147 to %while3A_154 step %while3A_155 iter_args(%while3A_232 = %while3A_148) -> (i32)  : i32 {
      %mul3A_233 = arith.constant 16 : i32
      %mul3A_234 = arith.muli %while3A_231, %mul3A_233 : i32
      %get3A = arith.index_cast %mul3A_234 : i32 to index
      %get3A_235 = tpu.vector_load %arg13[%get3A] {strides = array<i32>} : memref<11264xf32, #tpu.memory_space<vmem>>, vector<16xf32>,
      %get3A_236 = arith.index_cast %mul3A_234 : i32 to index
      %get3A_237 = tpu.vector_load %arg12[%get3A_236] {strides = array<i32>} : memref<11264xi32, #tpu.memory_space<vmem>>, vector<16xi32>,
      %broadcast_in_dim3A_238 = vector.broadcast %mul3A_234 : i32 to vector<16xi32>
      %add3A_239 = arith.addi %broadcast_in_dim3A_238, %iota3A : vector<16xi32>
      %lt3A = arith.cmpi slt, %add3A_239, %broadcast_in_dim3A_44 : vector<16xi32>
      %sub3A_240 = arith.subf %get3A_235, %broadcast_in_dim3A_137 : vector<16xf32>
      %exp3A = math.exp %sub3A_240 : vector<16xf32>
      %jit3A_241 = arith.constant 0.000000e+00 : f32
      %broadcast_in_dim3A_242 = vector.broadcast %jit3A_241 : f32 to vector<16xf32>
      %select_n3A_243 = arith.select %lt3A, %exp3A, %broadcast_in_dim3A_242 : vector<16xi1>, vector<16xf32>
      %swap3A_244 = arith.index_cast %mul3A_234 : i32 to index
      %swap3A_245 = tpu.vector_load %arg13[%swap3A_244] {strides = array<i32>} : memref<11264xf32, #tpu.memory_space<vmem>>, vector<16xf32>,
      tpu.vector_store %arg13[%swap3A_244], %select_n3A_243 {strides = array<i32>} : memref<11264xf32, #tpu.memory_space<vmem>>, vector<16xf32>,
      tpu.vector_store_idx %arg20[%get3A_237], %select_n3A_243 masked %lt3A {add = true} : memref<320xf32, #tpu.memory_space<vmem>>[vector<16xi32>], vector<16xf32>, vector<16xi1>
      %while3A_246 = arith.constant 0 : i32
      scf.yield %while3A_246 : i32
    }
    %while3A_157 = arith.constant 1 : i32
    %while3A_158 = scf.for %while3A_231 = %while3A_154 to %while3A_150 step %while3A_157 iter_args(%while3A_232 = %while3A_156) -> (i32)  : i32 {
      %mul3A_233 = arith.constant 16 : i32
      %mul3A_234 = arith.muli %while3A_231, %mul3A_233 : i32
      %get3A = arith.index_cast %mul3A_234 : i32 to index
      %get3A_235 = tpu.vector_load %arg13[%get3A] {strides = array<i32>} : memref<11264xf32, #tpu.memory_space<vmem>>, vector<16xf32>,
      %get3A_236 = arith.index_cast %mul3A_234 : i32 to index
      %get3A_237 = tpu.vector_load %arg12[%get3A_236] {strides = array<i32>} : memref<11264xi32, #tpu.memory_space<vmem>>, vector<16xi32>,
      %broadcast_in_dim3A_238 = vector.broadcast %mul3A_234 : i32 to vector<16xi32>
      %add3A_239 = arith.addi %broadcast_in_dim3A_238, %iota3A : vector<16xi32>
      %lt3A = arith.cmpi slt, %add3A_239, %broadcast_in_dim3A_44 : vector<16xi32>
      %sub3A_240 = arith.subf %get3A_235, %broadcast_in_dim3A_137 : vector<16xf32>
      %exp3A = math.exp %sub3A_240 : vector<16xf32>
      %jit3A_241 = arith.constant 0.000000e+00 : f32
      %broadcast_in_dim3A_242 = vector.broadcast %jit3A_241 : f32 to vector<16xf32>
      %select_n3A_243 = arith.select %lt3A, %exp3A, %broadcast_in_dim3A_242 : vector<16xi1>, vector<16xf32>
      %swap3A_244 = arith.index_cast %mul3A_234 : i32 to index
      %swap3A_245 = tpu.vector_load %arg13[%swap3A_244] {strides = array<i32>} : memref<11264xf32, #tpu.memory_space<vmem>>, vector<16xf32>,
      tpu.vector_store %arg13[%swap3A_244], %select_n3A_243 {strides = array<i32>} : memref<11264xf32, #tpu.memory_space<vmem>>, vector<16xf32>,
      tpu.vector_store_idx %arg20[%get3A_237], %select_n3A_243 masked %lt3A {add = true} : memref<320xf32, #tpu.memory_space<vmem>>[vector<16xi32>], vector<16xf32>, vector<16xi1>
      %while3A_246 = arith.constant 0 : i32
      scf.yield %while3A_246 : i32
    }
    %mul3A_159 = arith.constant 64 : i32
    %mul3A_160 = arith.muli %select_n3A_92, %mul3A_159 : i32
    %while3A_161 = arith.constant 0 : i32
    %while3A_162 = arith.constant 0 : i32
    %while3A_163 = arith.subi %mul3A_160, %while3A_161 : i32
    %while3A_164 = arith.addi %while3A_161, %while3A_163 : i32
    %while3A_165 = arith.constant 1 : i32
    %while3A_166 = arith.divsi %while3A_163, %while3A_165 : i32
    %while3A_167 = arith.muli %while3A_166, %while3A_165 : i32
    %while3A_168 = arith.addi %while3A_161, %while3A_167 : i32
    %while3A_169 = arith.constant 1 : i32
    %while3A_170 = scf.for %while3A_231 = %while3A_161 to %while3A_168 step %while3A_169 iter_args(%while3A_232 = %while3A_162) -> (i32)  : i32 {
      %mul3A_233 = arith.constant 16 : i32
      %mul3A_234 = arith.muli %while3A_231, %mul3A_233 : i32
      %get3A = arith.index_cast %mul3A_234 : i32 to index
      %get3A_235 = tpu.vector_load %arg13[%get3A] {strides = array<i32>} : memref<11264xf32, #tpu.memory_space<vmem>>, vector<16xf32>,
      %get3A_236 = arith.index_cast %mul3A_234 : i32 to index
      %get3A_237 = tpu.vector_load %arg12[%get3A_236] {strides = array<i32>} : memref<11264xi32, #tpu.memory_space<vmem>>, vector<16xi32>,
      %gather3A = tpu.vector_load_idx %arg20[%get3A_237] : memref<320xf32, #tpu.memory_space<vmem>>[vector<16xi32>], vector<16xf32>,
      %add3A_238 = arith.constant 1.000000e-16 : f32
      %add3A_239 = vector.broadcast %add3A_238 : f32 to vector<16xf32>
      %add3A_240 = arith.addf %gather3A, %add3A_239 : vector<16xf32>
      %div3A_241 = arith.divf %get3A_235, %add3A_240 : vector<16xf32>
      %swap3A_242 = arith.index_cast %mul3A_234 : i32 to index
      %swap3A_243 = tpu.vector_load %arg13[%swap3A_242] {strides = array<i32>} : memref<11264xf32, #tpu.memory_space<vmem>>, vector<16xf32>,
      tpu.vector_store %arg13[%swap3A_242], %div3A_241 {strides = array<i32>} : memref<11264xf32, #tpu.memory_space<vmem>>, vector<16xf32>,
      %while3A_244 = arith.constant 0 : i32
      scf.yield %while3A_244 : i32
    }
    %while3A_171 = arith.constant 1 : i32
    %while3A_172 = scf.for %while3A_231 = %while3A_168 to %while3A_164 step %while3A_171 iter_args(%while3A_232 = %while3A_170) -> (i32)  : i32 {
      %mul3A_233 = arith.constant 16 : i32
      %mul3A_234 = arith.muli %while3A_231, %mul3A_233 : i32
      %get3A = arith.index_cast %mul3A_234 : i32 to index
      %get3A_235 = tpu.vector_load %arg13[%get3A] {strides = array<i32>} : memref<11264xf32, #tpu.memory_space<vmem>>, vector<16xf32>,
      %get3A_236 = arith.index_cast %mul3A_234 : i32 to index
      %get3A_237 = tpu.vector_load %arg12[%get3A_236] {strides = array<i32>} : memref<11264xi32, #tpu.memory_space<vmem>>, vector<16xi32>,
      %gather3A = tpu.vector_load_idx %arg20[%get3A_237] : memref<320xf32, #tpu.memory_space<vmem>>[vector<16xi32>], vector<16xf32>,
      %add3A_238 = arith.constant 1.000000e-16 : f32
      %add3A_239 = vector.broadcast %add3A_238 : f32 to vector<16xf32>
      %add3A_240 = arith.addf %gather3A, %add3A_239 : vector<16xf32>
      %div3A_241 = arith.divf %get3A_235, %add3A_240 : vector<16xf32>
      %swap3A_242 = arith.index_cast %mul3A_234 : i32 to index
      %swap3A_243 = tpu.vector_load %arg13[%swap3A_242] {strides = array<i32>} : memref<11264xf32, #tpu.memory_space<vmem>>, vector<16xf32>,
      tpu.vector_store %arg13[%swap3A_242], %div3A_241 {strides = array<i32>} : memref<11264xf32, #tpu.memory_space<vmem>>, vector<16xf32>,
      %while3A_244 = arith.constant 0 : i32
      scf.yield %while3A_244 : i32
    }
    %scan3A_173 = arith.constant 0 : i32
    %scan3A_174 = arith.constant 0 : i32
    %scan3A_175 = arith.constant 5008 : i32
    %scan3A_176 = arith.addi %scan3A_174, %scan3A_175 : i32
    %scan3A_177 = arith.constant 1 : i32
    %scan3A_178 = scf.for %scan3A_231 = %scan3A_174 to %scan3A_176 step %scan3A_177 iter_args(%scan3A_232 = %scan3A_173) -> (i32)  : i32 {
      %mul3A_233 = arith.constant 16 : i32
      %mul3A_234 = arith.muli %scan3A_231, %mul3A_233 : i32
      %swap3A_235 = arith.index_cast %mul3A_234 : i32 to index
      %swap3A_236 = tpu.vector_load %arg21[%swap3A_235] {strides = array<i32>} : memref<80128xf32, #tpu.memory_space<vmem>>, vector<16xf32>,
      tpu.vector_store %arg21[%swap3A_235], %broadcast_in_dim3A_5 {strides = array<i32>} : memref<80128xf32, #tpu.memory_space<vmem>>, vector<16xf32>,
      %scan3A_237 = arith.constant 0 : i32
      scf.yield %scan3A_237 : i32
    }
    %scan3A_179 = arith.constant 5008 : i32
    %jit3A_180 = arith.constant 32 : i32
    %div3A_181 = arith.divsi %mul3A_64, %jit3A_180 : i32
    %sign3A_182 = arith.constant 0 : i32
    %sign3A_183 = arith.cmpi sgt, %mul3A_64, %sign3A_182 : i32
    %sign3A_184 = arith.extui %sign3A_183 : i1 to i32
    %sign3A_185 = arith.constant 0 : i32
    %sign3A_186 = arith.cmpi slt, %mul3A_64, %sign3A_185 : i32
    %sign3A_187 = arith.extui %sign3A_186 : i1 to i32
    %sign3A_188 = arith.subi %sign3A_184, %sign3A_187 : i32
    %sign3A_189 = arith.constant 0 : i32
    %sign3A_190 = arith.cmpi sgt, %jit3A_180, %sign3A_189 : i32
    %sign3A_191 = arith.extui %sign3A_190 : i1 to i32
    %sign3A_192 = arith.constant 0 : i32
    %sign3A_193 = arith.cmpi slt, %jit3A_180, %sign3A_192 : i32
    %sign3A_194 = arith.extui %sign3A_193 : i1 to i32
    %sign3A_195 = arith.subi %sign3A_191, %sign3A_194 : i32
    %ne3A_196 = arith.cmpi ne, %sign3A_188, %sign3A_195 : i32
    %rem3A_197 = arith.remsi %mul3A_64, %jit3A_180 : i32
    %ne3A_198 = arith.constant 0 : i32
    %ne3A_199 = arith.cmpi ne, %rem3A_197, %ne3A_198 : i32
    %and3A_200 = arith.andi %ne3A_196, %ne3A_199 : i1
    %sub3A_201 = arith.constant 1 : i32
    %sub3A_202 = arith.subi %div3A_181, %sub3A_201 : i32
    %select_n3A_203 = arith.select %and3A_200, %sub3A_202, %div3A_181 : i32
    %dma_start3A_204 = arith.constant 0 : i32
    %dma_start3A_205 = tpu.memref_slice %arg11[%dma_start3A_204] : memref<11264xi32, #tpu.memory_space<vmem>> -> memref<16xi32, #tpu.memory_space<vmem>>
    %dma_start3A_206 = arith.constant 0 : i32
    %dma_start3A_207 = arith.constant 0 : i32
    %dma_start3A_208 = tpu.memref_slice %arg4[%dma_start3A_206, %dma_start3A_207] : memref<10000x128xi32, #tpu.memory_space<hbm>> -> memref<10000x128xi32, #tpu.memory_space<hbm>>
    tpu.enqueue_indirect_dma source(%dma_start3A_208 : memref<10000x128xi32, #tpu.memory_space<hbm>>) target(%arg22 : memref<16x128xi32, #tpu.memory_space<vmem>>) offsets(%dma_start3A_205 : memref<16xi32, #tpu.memory_space<vmem>>) semaphore(%arg29 : memref<!tpu.dma_semaphore, #tpu.memory_space<semaphore_mem>>)
    %while3A_209 = arith.constant 0 : i32
    %while3A_210 = arith.constant 0 : i32
    %while3A_211 = arith.subi %select_n3A_203, %while3A_209 : i32
    %while3A_212 = arith.addi %while3A_209, %while3A_211 : i32
    %while3A_213 = arith.constant 1 : i32
    %while3A_214 = arith.divsi %while3A_211, %while3A_213 : i32
    %while3A_215 = arith.muli %while3A_214, %while3A_213 : i32
    %while3A_216 = arith.addi %while3A_209, %while3A_215 : i32
    %while3A_217 = arith.constant 1 : i32
    %while3A_218 = scf.for %while3A_231 = %while3A_209 to %while3A_216 step %while3A_217 iter_args(%while3A_232 = %while3A_210) -> (i32)  : i32 {
      %mul3A_233 = arith.constant 2 : i32
      %mul3A_234 = arith.muli %while3A_231, %mul3A_233 : i32
      %mul3A_235 = arith.constant 16 : i32
      %mul3A_236 = arith.muli %mul3A_234, %mul3A_235 : i32
      %dma_wait3A_237 = tpu.memref_slice %arg11[%mul3A_236] : memref<11264xi32, #tpu.memory_space<vmem>> -> memref<16xi32, #tpu.memory_space<vmem>>
      %dma_wait3A_238 = arith.constant 0 : i32
      %dma_wait3A_239 = arith.constant 0 : i32
      %dma_wait3A_240 = tpu.memref_slice %arg4[%dma_wait3A_238, %dma_wait3A_239] : memref<10000x128xi32, #tpu.memory_space<hbm>> -> memref<10000x128xi32, #tpu.memory_space<hbm>>
      tpu.wait_indirect_dma semaphore(%arg29 : memref<!tpu.dma_semaphore, #tpu.memory_space<semaphore_mem>>) src(%dma_wait3A_240 : memref<10000x128xi32, #tpu.memory_space<hbm>>) dst(%arg22 : memref<16x128xi32, #tpu.memory_space<vmem>>)
      %add3A_241 = arith.constant 1 : i32
      %add3A_242 = arith.addi %mul3A_234, %add3A_241 : i32
      %mul3A_243 = arith.constant 16 : i32
      %mul3A_244 = arith.muli %add3A_242, %mul3A_243 : i32
      %dma_start3A_245 = tpu.memref_slice %arg11[%mul3A_244] : memref<11264xi32, #tpu.memory_space<vmem>> -> memref<16xi32, #tpu.memory_space<vmem>>
      %dma_start3A_246 = arith.constant 0 : i32
      %dma_start3A_247 = arith.constant 0 : i32
      %dma_start3A_248 = tpu.memref_slice %arg4[%dma_start3A_246, %dma_start3A_247] : memref<10000x128xi32, #tpu.memory_space<hbm>> -> memref<10000x128xi32, #tpu.memory_space<hbm>>
      tpu.enqueue_indirect_dma source(%dma_start3A_248 : memref<10000x128xi32, #tpu.memory_space<hbm>>) target(%arg23 : memref<16x128xi32, #tpu.memory_space<vmem>>) offsets(%dma_start3A_245 : memref<16xi32, #tpu.memory_space<vmem>>) semaphore(%arg30 : memref<!tpu.dma_semaphore, #tpu.memory_space<semaphore_mem>>)
      %scan3A_249 = arith.constant 0 : i32
      %scan3A_250 = arith.constant 0 : i32
      %scan3A_251 = arith.constant 16 : i32
      %scan3A_252 = arith.addi %scan3A_250, %scan3A_251 : i32
      %scan3A_253 = arith.constant 1 : i32
      %scan3A_254 = scf.for %scan3A_282 = %scan3A_250 to %scan3A_252 step %scan3A_253 iter_args(%scan3A_283 = %scan3A_249) -> (i32)  : i32 {
        %mul3A_284 = arith.constant 16 : i32
        %mul3A_285 = arith.muli %mul3A_234, %mul3A_284 : i32
        %add3A_286 = arith.addi %mul3A_285, %scan3A_282 : i32
        %broadcast_in_dim3A_287 = vector.broadcast %add3A_286 : i32 to vector<16xi32>
        %gather3A = tpu.vector_load_idx %arg13[%broadcast_in_dim3A_287] : memref<11264xf32, #tpu.memory_space<vmem>>[vector<16xi32>], vector<16xf32>,
        %gather3A_288 = tpu.vector_load_idx %arg12[%broadcast_in_dim3A_287] : memref<11264xi32, #tpu.memory_space<vmem>>[vector<16xi32>], vector<16xi32>,
        %mul3A_289 = arith.constant 256 : i32
        %mul3A_290 = vector.broadcast %mul3A_289 : i32 to vector<16xi32>
        %mul3A_291 = arith.muli %gather3A_288, %mul3A_290 : vector<16xi32>
        %broadcast_in_dim3A_292 = arith.constant -65536 : i32
        %broadcast_in_dim3A_293 = vector.broadcast %broadcast_in_dim3A_292 : i32 to vector<16xi32>
        %get3A = arith.index_cast %scan3A_282 : i32 to index
        %get3A_294 = arith.constant 0 : index
        %get3A_295 = tpu.vector_load %arg22[%get3A, %get3A_294] {strides = array<i32>} : memref<16x128xi32, #tpu.memory_space<vmem>>, vector<16xi32>,
        %shift_left3A = arith.constant 16 : i32
        %shift_left3A_296 = vector.broadcast %shift_left3A : i32 to vector<16xi32>
        %shift_left3A_297 = arith.shli %get3A_295, %shift_left3A_296 : vector<16xi32>
        %bitcast3A = vector.bitcast %shift_left3A_297 : vector<16xi32> to vector<16xf32>
        %and3A_298 = arith.andi %get3A_295, %broadcast_in_dim3A_293 : vector<16xi32>
        %bitcast3A_299 = vector.bitcast %and3A_298 : vector<16xi32> to vector<16xf32>
        %mul3A_300 = arith.constant 2 : i32
        %mul3A_301 = vector.broadcast %mul3A_300 : i32 to vector<16xi32>
        %mul3A_302 = arith.muli %mul3A_301, %iota3A : vector<16xi32>
        %add3A_303 = arith.constant 0 : i32
        %add3A_304 = vector.broadcast %add3A_303 : i32 to vector<16xi32>
        %add3A_305 = arith.addi %add3A_304, %mul3A_302 : vector<16xi32>
        %add3A_306 = arith.addi %mul3A_291, %add3A_305 : vector<16xi32>
        %mul3A_307 = arith.mulf %bitcast3A, %gather3A : vector<16xf32>
        tpu.vector_store_idx %arg21[%add3A_306], %mul3A_307 {add = true} : memref<80128xf32, #tpu.memory_space<vmem>>[vector<16xi32>], vector<16xf32>,
        %add3A_308 = arith.constant 1 : i32
        %add3A_309 = vector.broadcast %add3A_308 : i32 to vector<16xi32>
        %add3A_310 = arith.addi %add3A_306, %add3A_309 : vector<16xi32>
        %mul3A_311 = arith.mulf %bitcast3A_299, %gather3A : vector<16xf32>
        tpu.vector_store_idx %arg21[%add3A_310], %mul3A_311 {add = true} : memref<80128xf32, #tpu.memory_space<vmem>>[vector<16xi32>], vector<16xf32>,
        %get3A_312 = arith.index_cast %scan3A_282 : i32 to index
        %get3A_313 = arith.constant 16 : index
        %get3A_314 = tpu.vector_load %arg22[%get3A_312, %get3A_313] {strides = array<i32>} : memref<16x128xi32, #tpu.memory_space<vmem>>, vector<16xi32>,
        %shift_left3A_315 = arith.constant 16 : i32
        %shift_left3A_316 = vector.broadcast %shift_left3A_315 : i32 to vector<16xi32>
        %shift_left3A_317 = arith.shli %get3A_314, %shift_left3A_316 : vector<16xi32>
        %bitcast3A_318 = vector.bitcast %shift_left3A_317 : vector<16xi32> to vector<16xf32>
        %and3A_319 = arith.andi %get3A_314, %broadcast_in_dim3A_293 : vector<16xi32>
        %bitcast3A_320 = vector.bitcast %and3A_319 : vector<16xi32> to vector<16xf32>
        %mul3A_321 = arith.constant 2 : i32
        %mul3A_322 = vector.broadcast %mul3A_321 : i32 to vector<16xi32>
        %mul3A_323 = arith.muli %mul3A_322, %iota3A : vector<16xi32>
        %add3A_324 = arith.constant 32 : i32
        %add3A_325 = vector.broadcast %add3A_324 : i32 to vector<16xi32>
        %add3A_326 = arith.addi %add3A_325, %mul3A_323 : vector<16xi32>
        %add3A_327 = arith.addi %mul3A_291, %add3A_326 : vector<16xi32>
        %mul3A_328 = arith.mulf %bitcast3A_318, %gather3A : vector<16xf32>
        tpu.vector_store_idx %arg21[%add3A_327], %mul3A_328 {add = true} : memref<80128xf32, #tpu.memory_space<vmem>>[vector<16xi32>], vector<16xf32>,
        %add3A_329 = arith.constant 1 : i32
        %add3A_330 = vector.broadcast %add3A_329 : i32 to vector<16xi32>
        %add3A_331 = arith.addi %add3A_327, %add3A_330 : vector<16xi32>
        %mul3A_332 = arith.mulf %bitcast3A_320, %gather3A : vector<16xf32>
        tpu.vector_store_idx %arg21[%add3A_331], %mul3A_332 {add = true} : memref<80128xf32, #tpu.memory_space<vmem>>[vector<16xi32>], vector<16xf32>,
        %get3A_333 = arith.index_cast %scan3A_282 : i32 to index
        %get3A_334 = arith.constant 32 : index
        %get3A_335 = tpu.vector_load %arg22[%get3A_333, %get3A_334] {strides = array<i32>} : memref<16x128xi32, #tpu.memory_space<vmem>>, vector<16xi32>,
        %shift_left3A_336 = arith.constant 16 : i32
        %shift_left3A_337 = vector.broadcast %shift_left3A_336 : i32 to vector<16xi32>
        %shift_left3A_338 = arith.shli %get3A_335, %shift_left3A_337 : vector<16xi32>
        %bitcast3A_339 = vector.bitcast %shift_left3A_338 : vector<16xi32> to vector<16xf32>
        %and3A_340 = arith.andi %get3A_335, %broadcast_in_dim3A_293 : vector<16xi32>
        %bitcast3A_341 = vector.bitcast %and3A_340 : vector<16xi32> to vector<16xf32>
        %mul3A_342 = arith.constant 2 : i32
        %mul3A_343 = vector.broadcast %mul3A_342 : i32 to vector<16xi32>
        %mul3A_344 = arith.muli %mul3A_343, %iota3A : vector<16xi32>
        %add3A_345 = arith.constant 64 : i32
        %add3A_346 = vector.broadcast %add3A_345 : i32 to vector<16xi32>
        %add3A_347 = arith.addi %add3A_346, %mul3A_344 : vector<16xi32>
        %add3A_348 = arith.addi %mul3A_291, %add3A_347 : vector<16xi32>
        %mul3A_349 = arith.mulf %bitcast3A_339, %gather3A : vector<16xf32>
        tpu.vector_store_idx %arg21[%add3A_348], %mul3A_349 {add = true} : memref<80128xf32, #tpu.memory_space<vmem>>[vector<16xi32>], vector<16xf32>,
        %add3A_350 = arith.constant 1 : i32
        %add3A_351 = vector.broadcast %add3A_350 : i32 to vector<16xi32>
        %add3A_352 = arith.addi %add3A_348, %add3A_351 : vector<16xi32>
        %mul3A_353 = arith.mulf %bitcast3A_341, %gather3A : vector<16xf32>
        tpu.vector_store_idx %arg21[%add3A_352], %mul3A_353 {add = true} : memref<80128xf32, #tpu.memory_space<vmem>>[vector<16xi32>], vector<16xf32>,
        %get3A_354 = arith.index_cast %scan3A_282 : i32 to index
        %get3A_355 = arith.constant 48 : index
        %get3A_356 = tpu.vector_load %arg22[%get3A_354, %get3A_355] {strides = array<i32>} : memref<16x128xi32, #tpu.memory_space<vmem>>, vector<16xi32>,
        %shift_left3A_357 = arith.constant 16 : i32
        %shift_left3A_358 = vector.broadcast %shift_left3A_357 : i32 to vector<16xi32>
        %shift_left3A_359 = arith.shli %get3A_356, %shift_left3A_358 : vector<16xi32>
        %bitcast3A_360 = vector.bitcast %shift_left3A_359 : vector<16xi32> to vector<16xf32>
        %and3A_361 = arith.andi %get3A_356, %broadcast_in_dim3A_293 : vector<16xi32>
        %bitcast3A_362 = vector.bitcast %and3A_361 : vector<16xi32> to vector<16xf32>
        %mul3A_363 = arith.constant 2 : i32
        %mul3A_364 = vector.broadcast %mul3A_363 : i32 to vector<16xi32>
        %mul3A_365 = arith.muli %mul3A_364, %iota3A : vector<16xi32>
        %add3A_366 = arith.constant 96 : i32
        %add3A_367 = vector.broadcast %add3A_366 : i32 to vector<16xi32>
        %add3A_368 = arith.addi %add3A_367, %mul3A_365 : vector<16xi32>
        %add3A_369 = arith.addi %mul3A_291, %add3A_368 : vector<16xi32>
        %mul3A_370 = arith.mulf %bitcast3A_360, %gather3A : vector<16xf32>
        tpu.vector_store_idx %arg21[%add3A_369], %mul3A_370 {add = true} : memref<80128xf32, #tpu.memory_space<vmem>>[vector<16xi32>], vector<16xf32>,
        %add3A_371 = arith.constant 1 : i32
        %add3A_372 = vector.broadcast %add3A_371 : i32 to vector<16xi32>
        %add3A_373 = arith.addi %add3A_369, %add3A_372 : vector<16xi32>
        %mul3A_374 = arith.mulf %bitcast3A_362, %gather3A : vector<16xf32>
        tpu.vector_store_idx %arg21[%add3A_373], %mul3A_374 {add = true} : memref<80128xf32, #tpu.memory_space<vmem>>[vector<16xi32>], vector<16xf32>,
        %get3A_375 = arith.index_cast %scan3A_282 : i32 to index
        %get3A_376 = arith.constant 64 : index
        %get3A_377 = tpu.vector_load %arg22[%get3A_375, %get3A_376] {strides = array<i32>} : memref<16x128xi32, #tpu.memory_space<vmem>>, vector<16xi32>,
        %shift_left3A_378 = arith.constant 16 : i32
        %shift_left3A_379 = vector.broadcast %shift_left3A_378 : i32 to vector<16xi32>
        %shift_left3A_380 = arith.shli %get3A_377, %shift_left3A_379 : vector<16xi32>
        %bitcast3A_381 = vector.bitcast %shift_left3A_380 : vector<16xi32> to vector<16xf32>
        %and3A_382 = arith.andi %get3A_377, %broadcast_in_dim3A_293 : vector<16xi32>
        %bitcast3A_383 = vector.bitcast %and3A_382 : vector<16xi32> to vector<16xf32>
        %mul3A_384 = arith.constant 2 : i32
        %mul3A_385 = vector.broadcast %mul3A_384 : i32 to vector<16xi32>
        %mul3A_386 = arith.muli %mul3A_385, %iota3A : vector<16xi32>
        %add3A_387 = arith.constant 128 : i32
        %add3A_388 = vector.broadcast %add3A_387 : i32 to vector<16xi32>
        %add3A_389 = arith.addi %add3A_388, %mul3A_386 : vector<16xi32>
        %add3A_390 = arith.addi %mul3A_291, %add3A_389 : vector<16xi32>
        %mul3A_391 = arith.mulf %bitcast3A_381, %gather3A : vector<16xf32>
        tpu.vector_store_idx %arg21[%add3A_390], %mul3A_391 {add = true} : memref<80128xf32, #tpu.memory_space<vmem>>[vector<16xi32>], vector<16xf32>,
        %add3A_392 = arith.constant 1 : i32
        %add3A_393 = vector.broadcast %add3A_392 : i32 to vector<16xi32>
        %add3A_394 = arith.addi %add3A_390, %add3A_393 : vector<16xi32>
        %mul3A_395 = arith.mulf %bitcast3A_383, %gather3A : vector<16xf32>
        tpu.vector_store_idx %arg21[%add3A_394], %mul3A_395 {add = true} : memref<80128xf32, #tpu.memory_space<vmem>>[vector<16xi32>], vector<16xf32>,
        %get3A_396 = arith.index_cast %scan3A_282 : i32 to index
        %get3A_397 = arith.constant 80 : index
        %get3A_398 = tpu.vector_load %arg22[%get3A_396, %get3A_397] {strides = array<i32>} : memref<16x128xi32, #tpu.memory_space<vmem>>, vector<16xi32>,
        %shift_left3A_399 = arith.constant 16 : i32
        %shift_left3A_400 = vector.broadcast %shift_left3A_399 : i32 to vector<16xi32>
        %shift_left3A_401 = arith.shli %get3A_398, %shift_left3A_400 : vector<16xi32>
        %bitcast3A_402 = vector.bitcast %shift_left3A_401 : vector<16xi32> to vector<16xf32>
        %and3A_403 = arith.andi %get3A_398, %broadcast_in_dim3A_293 : vector<16xi32>
        %bitcast3A_404 = vector.bitcast %and3A_403 : vector<16xi32> to vector<16xf32>
        %mul3A_405 = arith.constant 2 : i32
        %mul3A_406 = vector.broadcast %mul3A_405 : i32 to vector<16xi32>
        %mul3A_407 = arith.muli %mul3A_406, %iota3A : vector<16xi32>
        %add3A_408 = arith.constant 160 : i32
        %add3A_409 = vector.broadcast %add3A_408 : i32 to vector<16xi32>
        %add3A_410 = arith.addi %add3A_409, %mul3A_407 : vector<16xi32>
        %add3A_411 = arith.addi %mul3A_291, %add3A_410 : vector<16xi32>
        %mul3A_412 = arith.mulf %bitcast3A_402, %gather3A : vector<16xf32>
        tpu.vector_store_idx %arg21[%add3A_411], %mul3A_412 {add = true} : memref<80128xf32, #tpu.memory_space<vmem>>[vector<16xi32>], vector<16xf32>,
        %add3A_413 = arith.constant 1 : i32
        %add3A_414 = vector.broadcast %add3A_413 : i32 to vector<16xi32>
        %add3A_415 = arith.addi %add3A_411, %add3A_414 : vector<16xi32>
        %mul3A_416 = arith.mulf %bitcast3A_404, %gather3A : vector<16xf32>
        tpu.vector_store_idx %arg21[%add3A_415], %mul3A_416 {add = true} : memref<80128xf32, #tpu.memory_space<vmem>>[vector<16xi32>], vector<16xf32>,
        %get3A_417 = arith.index_cast %scan3A_282 : i32 to index
        %get3A_418 = arith.constant 96 : index
        %get3A_419 = tpu.vector_load %arg22[%get3A_417, %get3A_418] {strides = array<i32>} : memref<16x128xi32, #tpu.memory_space<vmem>>, vector<16xi32>,
        %shift_left3A_420 = arith.constant 16 : i32
        %shift_left3A_421 = vector.broadcast %shift_left3A_420 : i32 to vector<16xi32>
        %shift_left3A_422 = arith.shli %get3A_419, %shift_left3A_421 : vector<16xi32>
        %bitcast3A_423 = vector.bitcast %shift_left3A_422 : vector<16xi32> to vector<16xf32>
        %and3A_424 = arith.andi %get3A_419, %broadcast_in_dim3A_293 : vector<16xi32>
        %bitcast3A_425 = vector.bitcast %and3A_424 : vector<16xi32> to vector<16xf32>
        %mul3A_426 = arith.constant 2 : i32
        %mul3A_427 = vector.broadcast %mul3A_426 : i32 to vector<16xi32>
        %mul3A_428 = arith.muli %mul3A_427, %iota3A : vector<16xi32>
        %add3A_429 = arith.constant 192 : i32
        %add3A_430 = vector.broadcast %add3A_429 : i32 to vector<16xi32>
        %add3A_431 = arith.addi %add3A_430, %mul3A_428 : vector<16xi32>
        %add3A_432 = arith.addi %mul3A_291, %add3A_431 : vector<16xi32>
        %mul3A_433 = arith.mulf %bitcast3A_423, %gather3A : vector<16xf32>
        tpu.vector_store_idx %arg21[%add3A_432], %mul3A_433 {add = true} : memref<80128xf32, #tpu.memory_space<vmem>>[vector<16xi32>], vector<16xf32>,
        %add3A_434 = arith.constant 1 : i32
        %add3A_435 = vector.broadcast %add3A_434 : i32 to vector<16xi32>
        %add3A_436 = arith.addi %add3A_432, %add3A_435 : vector<16xi32>
        %mul3A_437 = arith.mulf %bitcast3A_425, %gather3A : vector<16xf32>
        tpu.vector_store_idx %arg21[%add3A_436], %mul3A_437 {add = true} : memref<80128xf32, #tpu.memory_space<vmem>>[vector<16xi32>], vector<16xf32>,
        %get3A_438 = arith.index_cast %scan3A_282 : i32 to index
        %get3A_439 = arith.constant 112 : index
        %get3A_440 = tpu.vector_load %arg22[%get3A_438, %get3A_439] {strides = array<i32>} : memref<16x128xi32, #tpu.memory_space<vmem>>, vector<16xi32>,
        %shift_left3A_441 = arith.constant 16 : i32
        %shift_left3A_442 = vector.broadcast %shift_left3A_441 : i32 to vector<16xi32>
        %shift_left3A_443 = arith.shli %get3A_440, %shift_left3A_442 : vector<16xi32>
        %bitcast3A_444 = vector.bitcast %shift_left3A_443 : vector<16xi32> to vector<16xf32>
        %and3A_445 = arith.andi %get3A_440, %broadcast_in_dim3A_293 : vector<16xi32>
        %bitcast3A_446 = vector.bitcast %and3A_445 : vector<16xi32> to vector<16xf32>
        %mul3A_447 = arith.constant 2 : i32
        %mul3A_448 = vector.broadcast %mul3A_447 : i32 to vector<16xi32>
        %mul3A_449 = arith.muli %mul3A_448, %iota3A : vector<16xi32>
        %add3A_450 = arith.constant 224 : i32
        %add3A_451 = vector.broadcast %add3A_450 : i32 to vector<16xi32>
        %add3A_452 = arith.addi %add3A_451, %mul3A_449 : vector<16xi32>
        %add3A_453 = arith.addi %mul3A_291, %add3A_452 : vector<16xi32>
        %mul3A_454 = arith.mulf %bitcast3A_444, %gather3A : vector<16xf32>
        tpu.vector_store_idx %arg21[%add3A_453], %mul3A_454 {add = true} : memref<80128xf32, #tpu.memory_space<vmem>>[vector<16xi32>], vector<16xf32>,
        %add3A_455 = arith.constant 1 : i32
        %add3A_456 = vector.broadcast %add3A_455 : i32 to vector<16xi32>
        %add3A_457 = arith.addi %add3A_453, %add3A_456 : vector<16xi32>
        %mul3A_458 = arith.mulf %bitcast3A_446, %gather3A : vector<16xf32>
        tpu.vector_store_idx %arg21[%add3A_457], %mul3A_458 {add = true} : memref<80128xf32, #tpu.memory_space<vmem>>[vector<16xi32>], vector<16xf32>,
        %scan3A_459 = arith.constant 0 : i32
        scf.yield %scan3A_459 : i32
      }
      %scan3A_255 = arith.constant 16 : i32
      %add3A_256 = arith.constant 2 : i32
      %add3A_257 = arith.addi %mul3A_234, %add3A_256 : i32
      %mul3A_258 = arith.constant 16 : i32
      %mul3A_259 = arith.muli %add3A_257, %mul3A_258 : i32
      %dma_start3A_260 = tpu.memref_slice %arg11[%mul3A_259] : memref<11264xi32, #tpu.memory_space<vmem>> -> memref<16xi32, #tpu.memory_space<vmem>>
      %dma_start3A_261 = arith.constant 0 : i32
      %dma_start3A_262 = arith.constant 0 : i32
      %dma_start3A_263 = tpu.memref_slice %arg4[%dma_start3A_261, %dma_start3A_262] : memref<10000x128xi32, #tpu.memory_space<hbm>> -> memref<10000x128xi32, #tpu.memory_space<hbm>>
      tpu.enqueue_indirect_dma source(%dma_start3A_263 : memref<10000x128xi32, #tpu.memory_space<hbm>>) target(%arg22 : memref<16x128xi32, #tpu.memory_space<vmem>>) offsets(%dma_start3A_260 : memref<16xi32, #tpu.memory_space<vmem>>) semaphore(%arg29 : memref<!tpu.dma_semaphore, #tpu.memory_space<semaphore_mem>>)
      %add3A_264 = arith.constant 1 : i32
      %add3A_265 = arith.addi %mul3A_234, %add3A_264 : i32
      %mul3A_266 = arith.constant 16 : i32
      %mul3A_267 = arith.muli %add3A_265, %mul3A_266 : i32
      %dma_wait3A_268 = tpu.memref_slice %arg11[%mul3A_267] : memref<11264xi32, #tpu.memory_space<vmem>> -> memref<16xi32, #tpu.memory_space<vmem>>
      %dma_wait3A_269 = arith.constant 0 : i32
      %dma_wait3A_270 = arith.constant 0 : i32
      %dma_wait3A_271 = tpu.memref_slice %arg4[%dma_wait3A_269, %dma_wait3A_270] : memref<10000x128xi32, #tpu.memory_space<hbm>> -> memref<10000x128xi32, #tpu.memory_space<hbm>>
      tpu.wait_indirect_dma semaphore(%arg30 : memref<!tpu.dma_semaphore, #tpu.memory_space<semaphore_mem>>) src(%dma_wait3A_271 : memref<10000x128xi32, #tpu.memory_space<hbm>>) dst(%arg23 : memref<16x128xi32, #tpu.memory_space<vmem>>)
      %add3A_272 = arith.constant 1 : i32
      %add3A_273 = arith.addi %mul3A_234, %add3A_272 : i32
      %scan3A_274 = arith.constant 0 : i32
      %scan3A_275 = arith.constant 0 : i32
      %scan3A_276 = arith.constant 16 : i32
      %scan3A_277 = arith.addi %scan3A_275, %scan3A_276 : i32
      %scan3A_278 = arith.constant 1 : i32
      %scan3A_279 = scf.for %scan3A_282 = %scan3A_275 to %scan3A_277 step %scan3A_278 iter_args(%scan3A_283 = %scan3A_274) -> (i32)  : i32 {
        %mul3A_284 = arith.constant 16 : i32
        %mul3A_285 = arith.muli %add3A_273, %mul3A_284 : i32
        %add3A_286 = arith.addi %mul3A_285, %scan3A_282 : i32
        %broadcast_in_dim3A_287 = vector.broadcast %add3A_286 : i32 to vector<16xi32>
        %gather3A = tpu.vector_load_idx %arg13[%broadcast_in_dim3A_287] : memref<11264xf32, #tpu.memory_space<vmem>>[vector<16xi32>], vector<16xf32>,
        %gather3A_288 = tpu.vector_load_idx %arg12[%broadcast_in_dim3A_287] : memref<11264xi32, #tpu.memory_space<vmem>>[vector<16xi32>], vector<16xi32>,
        %mul3A_289 = arith.constant 256 : i32
        %mul3A_290 = vector.broadcast %mul3A_289 : i32 to vector<16xi32>
        %mul3A_291 = arith.muli %gather3A_288, %mul3A_290 : vector<16xi32>
        %broadcast_in_dim3A_292 = arith.constant -65536 : i32
        %broadcast_in_dim3A_293 = vector.broadcast %broadcast_in_dim3A_292 : i32 to vector<16xi32>
        %get3A = arith.index_cast %scan3A_282 : i32 to index
        %get3A_294 = arith.constant 0 : index
        %get3A_295 = tpu.vector_load %arg23[%get3A, %get3A_294] {strides = array<i32>} : memref<16x128xi32, #tpu.memory_space<vmem>>, vector<16xi32>,
        %shift_left3A = arith.constant 16 : i32
        %shift_left3A_296 = vector.broadcast %shift_left3A : i32 to vector<16xi32>
        %shift_left3A_297 = arith.shli %get3A_295, %shift_left3A_296 : vector<16xi32>
        %bitcast3A = vector.bitcast %shift_left3A_297 : vector<16xi32> to vector<16xf32>
        %and3A_298 = arith.andi %get3A_295, %broadcast_in_dim3A_293 : vector<16xi32>
        %bitcast3A_299 = vector.bitcast %and3A_298 : vector<16xi32> to vector<16xf32>
        %mul3A_300 = arith.constant 2 : i32
        %mul3A_301 = vector.broadcast %mul3A_300 : i32 to vector<16xi32>
        %mul3A_302 = arith.muli %mul3A_301, %iota3A : vector<16xi32>
        %add3A_303 = arith.constant 0 : i32
        %add3A_304 = vector.broadcast %add3A_303 : i32 to vector<16xi32>
        %add3A_305 = arith.addi %add3A_304, %mul3A_302 : vector<16xi32>
        %add3A_306 = arith.addi %mul3A_291, %add3A_305 : vector<16xi32>
        %mul3A_307 = arith.mulf %bitcast3A, %gather3A : vector<16xf32>
        tpu.vector_store_idx %arg21[%add3A_306], %mul3A_307 {add = true} : memref<80128xf32, #tpu.memory_space<vmem>>[vector<16xi32>], vector<16xf32>,
        %add3A_308 = arith.constant 1 : i32
        %add3A_309 = vector.broadcast %add3A_308 : i32 to vector<16xi32>
        %add3A_310 = arith.addi %add3A_306, %add3A_309 : vector<16xi32>
        %mul3A_311 = arith.mulf %bitcast3A_299, %gather3A : vector<16xf32>
        tpu.vector_store_idx %arg21[%add3A_310], %mul3A_311 {add = true} : memref<80128xf32, #tpu.memory_space<vmem>>[vector<16xi32>], vector<16xf32>,
        %get3A_312 = arith.index_cast %scan3A_282 : i32 to index
        %get3A_313 = arith.constant 16 : index
        %get3A_314 = tpu.vector_load %arg23[%get3A_312, %get3A_313] {strides = array<i32>} : memref<16x128xi32, #tpu.memory_space<vmem>>, vector<16xi32>,
        %shift_left3A_315 = arith.constant 16 : i32
        %shift_left3A_316 = vector.broadcast %shift_left3A_315 : i32 to vector<16xi32>
        %shift_left3A_317 = arith.shli %get3A_314, %shift_left3A_316 : vector<16xi32>
        %bitcast3A_318 = vector.bitcast %shift_left3A_317 : vector<16xi32> to vector<16xf32>
        %and3A_319 = arith.andi %get3A_314, %broadcast_in_dim3A_293 : vector<16xi32>
        %bitcast3A_320 = vector.bitcast %and3A_319 : vector<16xi32> to vector<16xf32>
        %mul3A_321 = arith.constant 2 : i32
        %mul3A_322 = vector.broadcast %mul3A_321 : i32 to vector<16xi32>
        %mul3A_323 = arith.muli %mul3A_322, %iota3A : vector<16xi32>
        %add3A_324 = arith.constant 32 : i32
        %add3A_325 = vector.broadcast %add3A_324 : i32 to vector<16xi32>
        %add3A_326 = arith.addi %add3A_325, %mul3A_323 : vector<16xi32>
        %add3A_327 = arith.addi %mul3A_291, %add3A_326 : vector<16xi32>
        %mul3A_328 = arith.mulf %bitcast3A_318, %gather3A : vector<16xf32>
        tpu.vector_store_idx %arg21[%add3A_327], %mul3A_328 {add = true} : memref<80128xf32, #tpu.memory_space<vmem>>[vector<16xi32>], vector<16xf32>,
        %add3A_329 = arith.constant 1 : i32
        %add3A_330 = vector.broadcast %add3A_329 : i32 to vector<16xi32>
        %add3A_331 = arith.addi %add3A_327, %add3A_330 : vector<16xi32>
        %mul3A_332 = arith.mulf %bitcast3A_320, %gather3A : vector<16xf32>
        tpu.vector_store_idx %arg21[%add3A_331], %mul3A_332 {add = true} : memref<80128xf32, #tpu.memory_space<vmem>>[vector<16xi32>], vector<16xf32>,
        %get3A_333 = arith.index_cast %scan3A_282 : i32 to index
        %get3A_334 = arith.constant 32 : index
        %get3A_335 = tpu.vector_load %arg23[%get3A_333, %get3A_334] {strides = array<i32>} : memref<16x128xi32, #tpu.memory_space<vmem>>, vector<16xi32>,
        %shift_left3A_336 = arith.constant 16 : i32
        %shift_left3A_337 = vector.broadcast %shift_left3A_336 : i32 to vector<16xi32>
        %shift_left3A_338 = arith.shli %get3A_335, %shift_left3A_337 : vector<16xi32>
        %bitcast3A_339 = vector.bitcast %shift_left3A_338 : vector<16xi32> to vector<16xf32>
        %and3A_340 = arith.andi %get3A_335, %broadcast_in_dim3A_293 : vector<16xi32>
        %bitcast3A_341 = vector.bitcast %and3A_340 : vector<16xi32> to vector<16xf32>
        %mul3A_342 = arith.constant 2 : i32
        %mul3A_343 = vector.broadcast %mul3A_342 : i32 to vector<16xi32>
        %mul3A_344 = arith.muli %mul3A_343, %iota3A : vector<16xi32>
        %add3A_345 = arith.constant 64 : i32
        %add3A_346 = vector.broadcast %add3A_345 : i32 to vector<16xi32>
        %add3A_347 = arith.addi %add3A_346, %mul3A_344 : vector<16xi32>
        %add3A_348 = arith.addi %mul3A_291, %add3A_347 : vector<16xi32>
        %mul3A_349 = arith.mulf %bitcast3A_339, %gather3A : vector<16xf32>
        tpu.vector_store_idx %arg21[%add3A_348], %mul3A_349 {add = true} : memref<80128xf32, #tpu.memory_space<vmem>>[vector<16xi32>], vector<16xf32>,
        %add3A_350 = arith.constant 1 : i32
        %add3A_351 = vector.broadcast %add3A_350 : i32 to vector<16xi32>
        %add3A_352 = arith.addi %add3A_348, %add3A_351 : vector<16xi32>
        %mul3A_353 = arith.mulf %bitcast3A_341, %gather3A : vector<16xf32>
        tpu.vector_store_idx %arg21[%add3A_352], %mul3A_353 {add = true} : memref<80128xf32, #tpu.memory_space<vmem>>[vector<16xi32>], vector<16xf32>,
        %get3A_354 = arith.index_cast %scan3A_282 : i32 to index
        %get3A_355 = arith.constant 48 : index
        %get3A_356 = tpu.vector_load %arg23[%get3A_354, %get3A_355] {strides = array<i32>} : memref<16x128xi32, #tpu.memory_space<vmem>>, vector<16xi32>,
        %shift_left3A_357 = arith.constant 16 : i32
        %shift_left3A_358 = vector.broadcast %shift_left3A_357 : i32 to vector<16xi32>
        %shift_left3A_359 = arith.shli %get3A_356, %shift_left3A_358 : vector<16xi32>
        %bitcast3A_360 = vector.bitcast %shift_left3A_359 : vector<16xi32> to vector<16xf32>
        %and3A_361 = arith.andi %get3A_356, %broadcast_in_dim3A_293 : vector<16xi32>
        %bitcast3A_362 = vector.bitcast %and3A_361 : vector<16xi32> to vector<16xf32>
        %mul3A_363 = arith.constant 2 : i32
        %mul3A_364 = vector.broadcast %mul3A_363 : i32 to vector<16xi32>
        %mul3A_365 = arith.muli %mul3A_364, %iota3A : vector<16xi32>
        %add3A_366 = arith.constant 96 : i32
        %add3A_367 = vector.broadcast %add3A_366 : i32 to vector<16xi32>
        %add3A_368 = arith.addi %add3A_367, %mul3A_365 : vector<16xi32>
        %add3A_369 = arith.addi %mul3A_291, %add3A_368 : vector<16xi32>
        %mul3A_370 = arith.mulf %bitcast3A_360, %gather3A : vector<16xf32>
        tpu.vector_store_idx %arg21[%add3A_369], %mul3A_370 {add = true} : memref<80128xf32, #tpu.memory_space<vmem>>[vector<16xi32>], vector<16xf32>,
        %add3A_371 = arith.constant 1 : i32
        %add3A_372 = vector.broadcast %add3A_371 : i32 to vector<16xi32>
        %add3A_373 = arith.addi %add3A_369, %add3A_372 : vector<16xi32>
        %mul3A_374 = arith.mulf %bitcast3A_362, %gather3A : vector<16xf32>
        tpu.vector_store_idx %arg21[%add3A_373], %mul3A_374 {add = true} : memref<80128xf32, #tpu.memory_space<vmem>>[vector<16xi32>], vector<16xf32>,
        %get3A_375 = arith.index_cast %scan3A_282 : i32 to index
        %get3A_376 = arith.constant 64 : index
        %get3A_377 = tpu.vector_load %arg23[%get3A_375, %get3A_376] {strides = array<i32>} : memref<16x128xi32, #tpu.memory_space<vmem>>, vector<16xi32>,
        %shift_left3A_378 = arith.constant 16 : i32
        %shift_left3A_379 = vector.broadcast %shift_left3A_378 : i32 to vector<16xi32>
        %shift_left3A_380 = arith.shli %get3A_377, %shift_left3A_379 : vector<16xi32>
        %bitcast3A_381 = vector.bitcast %shift_left3A_380 : vector<16xi32> to vector<16xf32>
        %and3A_382 = arith.andi %get3A_377, %broadcast_in_dim3A_293 : vector<16xi32>
        %bitcast3A_383 = vector.bitcast %and3A_382 : vector<16xi32> to vector<16xf32>
        %mul3A_384 = arith.constant 2 : i32
        %mul3A_385 = vector.broadcast %mul3A_384 : i32 to vector<16xi32>
        %mul3A_386 = arith.muli %mul3A_385, %iota3A : vector<16xi32>
        %add3A_387 = arith.constant 128 : i32
        %add3A_388 = vector.broadcast %add3A_387 : i32 to vector<16xi32>
        %add3A_389 = arith.addi %add3A_388, %mul3A_386 : vector<16xi32>
        %add3A_390 = arith.addi %mul3A_291, %add3A_389 : vector<16xi32>
        %mul3A_391 = arith.mulf %bitcast3A_381, %gather3A : vector<16xf32>
        tpu.vector_store_idx %arg21[%add3A_390], %mul3A_391 {add = true} : memref<80128xf32, #tpu.memory_space<vmem>>[vector<16xi32>], vector<16xf32>,
        %add3A_392 = arith.constant 1 : i32
        %add3A_393 = vector.broadcast %add3A_392 : i32 to vector<16xi32>
        %add3A_394 = arith.addi %add3A_390, %add3A_393 : vector<16xi32>
        %mul3A_395 = arith.mulf %bitcast3A_383, %gather3A : vector<16xf32>
        tpu.vector_store_idx %arg21[%add3A_394], %mul3A_395 {add = true} : memref<80128xf32, #tpu.memory_space<vmem>>[vector<16xi32>], vector<16xf32>,
        %get3A_396 = arith.index_cast %scan3A_282 : i32 to index
        %get3A_397 = arith.constant 80 : index
        %get3A_398 = tpu.vector_load %arg23[%get3A_396, %get3A_397] {strides = array<i32>} : memref<16x128xi32, #tpu.memory_space<vmem>>, vector<16xi32>,
        %shift_left3A_399 = arith.constant 16 : i32
        %shift_left3A_400 = vector.broadcast %shift_left3A_399 : i32 to vector<16xi32>
        %shift_left3A_401 = arith.shli %get3A_398, %shift_left3A_400 : vector<16xi32>
        %bitcast3A_402 = vector.bitcast %shift_left3A_401 : vector<16xi32> to vector<16xf32>
        %and3A_403 = arith.andi %get3A_398, %broadcast_in_dim3A_293 : vector<16xi32>
        %bitcast3A_404 = vector.bitcast %and3A_403 : vector<16xi32> to vector<16xf32>
        %mul3A_405 = arith.constant 2 : i32
        %mul3A_406 = vector.broadcast %mul3A_405 : i32 to vector<16xi32>
        %mul3A_407 = arith.muli %mul3A_406, %iota3A : vector<16xi32>
        %add3A_408 = arith.constant 160 : i32
        %add3A_409 = vector.broadcast %add3A_408 : i32 to vector<16xi32>
        %add3A_410 = arith.addi %add3A_409, %mul3A_407 : vector<16xi32>
        %add3A_411 = arith.addi %mul3A_291, %add3A_410 : vector<16xi32>
        %mul3A_412 = arith.mulf %bitcast3A_402, %gather3A : vector<16xf32>
        tpu.vector_store_idx %arg21[%add3A_411], %mul3A_412 {add = true} : memref<80128xf32, #tpu.memory_space<vmem>>[vector<16xi32>], vector<16xf32>,
        %add3A_413 = arith.constant 1 : i32
        %add3A_414 = vector.broadcast %add3A_413 : i32 to vector<16xi32>
        %add3A_415 = arith.addi %add3A_411, %add3A_414 : vector<16xi32>
        %mul3A_416 = arith.mulf %bitcast3A_404, %gather3A : vector<16xf32>
        tpu.vector_store_idx %arg21[%add3A_415], %mul3A_416 {add = true} : memref<80128xf32, #tpu.memory_space<vmem>>[vector<16xi32>], vector<16xf32>,
        %get3A_417 = arith.index_cast %scan3A_282 : i32 to index
        %get3A_418 = arith.constant 96 : index
        %get3A_419 = tpu.vector_load %arg23[%get3A_417, %get3A_418] {strides = array<i32>} : memref<16x128xi32, #tpu.memory_space<vmem>>, vector<16xi32>,
        %shift_left3A_420 = arith.constant 16 : i32
        %shift_left3A_421 = vector.broadcast %shift_left3A_420 : i32 to vector<16xi32>
        %shift_left3A_422 = arith.shli %get3A_419, %shift_left3A_421 : vector<16xi32>
        %bitcast3A_423 = vector.bitcast %shift_left3A_422 : vector<16xi32> to vector<16xf32>
        %and3A_424 = arith.andi %get3A_419, %broadcast_in_dim3A_293 : vector<16xi32>
        %bitcast3A_425 = vector.bitcast %and3A_424 : vector<16xi32> to vector<16xf32>
        %mul3A_426 = arith.constant 2 : i32
        %mul3A_427 = vector.broadcast %mul3A_426 : i32 to vector<16xi32>
        %mul3A_428 = arith.muli %mul3A_427, %iota3A : vector<16xi32>
        %add3A_429 = arith.constant 192 : i32
        %add3A_430 = vector.broadcast %add3A_429 : i32 to vector<16xi32>
        %add3A_431 = arith.addi %add3A_430, %mul3A_428 : vector<16xi32>
        %add3A_432 = arith.addi %mul3A_291, %add3A_431 : vector<16xi32>
        %mul3A_433 = arith.mulf %bitcast3A_423, %gather3A : vector<16xf32>
        tpu.vector_store_idx %arg21[%add3A_432], %mul3A_433 {add = true} : memref<80128xf32, #tpu.memory_space<vmem>>[vector<16xi32>], vector<16xf32>,
        %add3A_434 = arith.constant 1 : i32
        %add3A_435 = vector.broadcast %add3A_434 : i32 to vector<16xi32>
        %add3A_436 = arith.addi %add3A_432, %add3A_435 : vector<16xi32>
        %mul3A_437 = arith.mulf %bitcast3A_425, %gather3A : vector<16xf32>
        tpu.vector_store_idx %arg21[%add3A_436], %mul3A_437 {add = true} : memref<80128xf32, #tpu.memory_space<vmem>>[vector<16xi32>], vector<16xf32>,
        %get3A_438 = arith.index_cast %scan3A_282 : i32 to index
        %get3A_439 = arith.constant 112 : index
        %get3A_440 = tpu.vector_load %arg23[%get3A_438, %get3A_439] {strides = array<i32>} : memref<16x128xi32, #tpu.memory_space<vmem>>, vector<16xi32>,
        %shift_left3A_441 = arith.constant 16 : i32
        %shift_left3A_442 = vector.broadcast %shift_left3A_441 : i32 to vector<16xi32>
        %shift_left3A_443 = arith.shli %get3A_440, %shift_left3A_442 : vector<16xi32>
        %bitcast3A_444 = vector.bitcast %shift_left3A_443 : vector<16xi32> to vector<16xf32>
        %and3A_445 = arith.andi %get3A_440, %broadcast_in_dim3A_293 : vector<16xi32>
        %bitcast3A_446 = vector.bitcast %and3A_445 : vector<16xi32> to vector<16xf32>
        %mul3A_447 = arith.constant 2 : i32
        %mul3A_448 = vector.broadcast %mul3A_447 : i32 to vector<16xi32>
        %mul3A_449 = arith.muli %mul3A_448, %iota3A : vector<16xi32>
        %add3A_450 = arith.constant 224 : i32
        %add3A_451 = vector.broadcast %add3A_450 : i32 to vector<16xi32>
        %add3A_452 = arith.addi %add3A_451, %mul3A_449 : vector<16xi32>
        %add3A_453 = arith.addi %mul3A_291, %add3A_452 : vector<16xi32>
        %mul3A_454 = arith.mulf %bitcast3A_444, %gather3A : vector<16xf32>
        tpu.vector_store_idx %arg21[%add3A_453], %mul3A_454 {add = true} : memref<80128xf32, #tpu.memory_space<vmem>>[vector<16xi32>], vector<16xf32>,
        %add3A_455 = arith.constant 1 : i32
        %add3A_456 = vector.broadcast %add3A_455 : i32 to vector<16xi32>
        %add3A_457 = arith.addi %add3A_453, %add3A_456 : vector<16xi32>
        %mul3A_458 = arith.mulf %bitcast3A_446, %gather3A : vector<16xf32>
        tpu.vector_store_idx %arg21[%add3A_457], %mul3A_458 {add = true} : memref<80128xf32, #tpu.memory_space<vmem>>[vector<16xi32>], vector<16xf32>,
        %scan3A_459 = arith.constant 0 : i32
        scf.yield %scan3A_459 : i32
      }
      %scan3A_280 = arith.constant 16 : i32
      %while3A_281 = arith.constant 0 : i32
      scf.yield %while3A_281 : i32
    }
    %while3A_219 = arith.constant 1 : i32
    %while3A_220 = scf.for %while3A_231 = %while3A_216 to %while3A_212 step %while3A_219 iter_args(%while3A_232 = %while3A_218) -> (i32)  : i32 {
      %mul3A_233 = arith.constant 2 : i32
      %mul3A_234 = arith.muli %while3A_231, %mul3A_233 : i32
      %mul3A_235 = arith.constant 16 : i32
      %mul3A_236 = arith.muli %mul3A_234, %mul3A_235 : i32
      %dma_wait3A_237 = tpu.memref_slice %arg11[%mul3A_236] : memref<11264xi32, #tpu.memory_space<vmem>> -> memref<16xi32, #tpu.memory_space<vmem>>
      %dma_wait3A_238 = arith.constant 0 : i32
      %dma_wait3A_239 = arith.constant 0 : i32
      %dma_wait3A_240 = tpu.memref_slice %arg4[%dma_wait3A_238, %dma_wait3A_239] : memref<10000x128xi32, #tpu.memory_space<hbm>> -> memref<10000x128xi32, #tpu.memory_space<hbm>>
      tpu.wait_indirect_dma semaphore(%arg29 : memref<!tpu.dma_semaphore, #tpu.memory_space<semaphore_mem>>) src(%dma_wait3A_240 : memref<10000x128xi32, #tpu.memory_space<hbm>>) dst(%arg22 : memref<16x128xi32, #tpu.memory_space<vmem>>)
      %add3A_241 = arith.constant 1 : i32
      %add3A_242 = arith.addi %mul3A_234, %add3A_241 : i32
      %mul3A_243 = arith.constant 16 : i32
      %mul3A_244 = arith.muli %add3A_242, %mul3A_243 : i32
      %dma_start3A_245 = tpu.memref_slice %arg11[%mul3A_244] : memref<11264xi32, #tpu.memory_space<vmem>> -> memref<16xi32, #tpu.memory_space<vmem>>
      %dma_start3A_246 = arith.constant 0 : i32
      %dma_start3A_247 = arith.constant 0 : i32
      %dma_start3A_248 = tpu.memref_slice %arg4[%dma_start3A_246, %dma_start3A_247] : memref<10000x128xi32, #tpu.memory_space<hbm>> -> memref<10000x128xi32, #tpu.memory_space<hbm>>
      tpu.enqueue_indirect_dma source(%dma_start3A_248 : memref<10000x128xi32, #tpu.memory_space<hbm>>) target(%arg23 : memref<16x128xi32, #tpu.memory_space<vmem>>) offsets(%dma_start3A_245 : memref<16xi32, #tpu.memory_space<vmem>>) semaphore(%arg30 : memref<!tpu.dma_semaphore, #tpu.memory_space<semaphore_mem>>)
      %scan3A_249 = arith.constant 0 : i32
      %scan3A_250 = arith.constant 0 : i32
      %scan3A_251 = arith.constant 16 : i32
      %scan3A_252 = arith.addi %scan3A_250, %scan3A_251 : i32
      %scan3A_253 = arith.constant 1 : i32
      %scan3A_254 = scf.for %scan3A_282 = %scan3A_250 to %scan3A_252 step %scan3A_253 iter_args(%scan3A_283 = %scan3A_249) -> (i32)  : i32 {
        %mul3A_284 = arith.constant 16 : i32
        %mul3A_285 = arith.muli %mul3A_234, %mul3A_284 : i32
        %add3A_286 = arith.addi %mul3A_285, %scan3A_282 : i32
        %broadcast_in_dim3A_287 = vector.broadcast %add3A_286 : i32 to vector<16xi32>
        %gather3A = tpu.vector_load_idx %arg13[%broadcast_in_dim3A_287] : memref<11264xf32, #tpu.memory_space<vmem>>[vector<16xi32>], vector<16xf32>,
        %gather3A_288 = tpu.vector_load_idx %arg12[%broadcast_in_dim3A_287] : memref<11264xi32, #tpu.memory_space<vmem>>[vector<16xi32>], vector<16xi32>,
        %mul3A_289 = arith.constant 256 : i32
        %mul3A_290 = vector.broadcast %mul3A_289 : i32 to vector<16xi32>
        %mul3A_291 = arith.muli %gather3A_288, %mul3A_290 : vector<16xi32>
        %broadcast_in_dim3A_292 = arith.constant -65536 : i32
        %broadcast_in_dim3A_293 = vector.broadcast %broadcast_in_dim3A_292 : i32 to vector<16xi32>
        %get3A = arith.index_cast %scan3A_282 : i32 to index
        %get3A_294 = arith.constant 0 : index
        %get3A_295 = tpu.vector_load %arg22[%get3A, %get3A_294] {strides = array<i32>} : memref<16x128xi32, #tpu.memory_space<vmem>>, vector<16xi32>,
        %shift_left3A = arith.constant 16 : i32
        %shift_left3A_296 = vector.broadcast %shift_left3A : i32 to vector<16xi32>
        %shift_left3A_297 = arith.shli %get3A_295, %shift_left3A_296 : vector<16xi32>
        %bitcast3A = vector.bitcast %shift_left3A_297 : vector<16xi32> to vector<16xf32>
        %and3A_298 = arith.andi %get3A_295, %broadcast_in_dim3A_293 : vector<16xi32>
        %bitcast3A_299 = vector.bitcast %and3A_298 : vector<16xi32> to vector<16xf32>
        %mul3A_300 = arith.constant 2 : i32
        %mul3A_301 = vector.broadcast %mul3A_300 : i32 to vector<16xi32>
        %mul3A_302 = arith.muli %mul3A_301, %iota3A : vector<16xi32>
        %add3A_303 = arith.constant 0 : i32
        %add3A_304 = vector.broadcast %add3A_303 : i32 to vector<16xi32>
        %add3A_305 = arith.addi %add3A_304, %mul3A_302 : vector<16xi32>
        %add3A_306 = arith.addi %mul3A_291, %add3A_305 : vector<16xi32>
        %mul3A_307 = arith.mulf %bitcast3A, %gather3A : vector<16xf32>
        tpu.vector_store_idx %arg21[%add3A_306], %mul3A_307 {add = true} : memref<80128xf32, #tpu.memory_space<vmem>>[vector<16xi32>], vector<16xf32>,
        %add3A_308 = arith.constant 1 : i32
        %add3A_309 = vector.broadcast %add3A_308 : i32 to vector<16xi32>
        %add3A_310 = arith.addi %add3A_306, %add3A_309 : vector<16xi32>
        %mul3A_311 = arith.mulf %bitcast3A_299, %gather3A : vector<16xf32>
        tpu.vector_store_idx %arg21[%add3A_310], %mul3A_311 {add = true} : memref<80128xf32, #tpu.memory_space<vmem>>[vector<16xi32>], vector<16xf32>,
        %get3A_312 = arith.index_cast %scan3A_282 : i32 to index
        %get3A_313 = arith.constant 16 : index
        %get3A_314 = tpu.vector_load %arg22[%get3A_312, %get3A_313] {strides = array<i32>} : memref<16x128xi32, #tpu.memory_space<vmem>>, vector<16xi32>,
        %shift_left3A_315 = arith.constant 16 : i32
        %shift_left3A_316 = vector.broadcast %shift_left3A_315 : i32 to vector<16xi32>
        %shift_left3A_317 = arith.shli %get3A_314, %shift_left3A_316 : vector<16xi32>
        %bitcast3A_318 = vector.bitcast %shift_left3A_317 : vector<16xi32> to vector<16xf32>
        %and3A_319 = arith.andi %get3A_314, %broadcast_in_dim3A_293 : vector<16xi32>
        %bitcast3A_320 = vector.bitcast %and3A_319 : vector<16xi32> to vector<16xf32>
        %mul3A_321 = arith.constant 2 : i32
        %mul3A_322 = vector.broadcast %mul3A_321 : i32 to vector<16xi32>
        %mul3A_323 = arith.muli %mul3A_322, %iota3A : vector<16xi32>
        %add3A_324 = arith.constant 32 : i32
        %add3A_325 = vector.broadcast %add3A_324 : i32 to vector<16xi32>
        %add3A_326 = arith.addi %add3A_325, %mul3A_323 : vector<16xi32>
        %add3A_327 = arith.addi %mul3A_291, %add3A_326 : vector<16xi32>
        %mul3A_328 = arith.mulf %bitcast3A_318, %gather3A : vector<16xf32>
        tpu.vector_store_idx %arg21[%add3A_327], %mul3A_328 {add = true} : memref<80128xf32, #tpu.memory_space<vmem>>[vector<16xi32>], vector<16xf32>,
        %add3A_329 = arith.constant 1 : i32
        %add3A_330 = vector.broadcast %add3A_329 : i32 to vector<16xi32>
        %add3A_331 = arith.addi %add3A_327, %add3A_330 : vector<16xi32>
        %mul3A_332 = arith.mulf %bitcast3A_320, %gather3A : vector<16xf32>
        tpu.vector_store_idx %arg21[%add3A_331], %mul3A_332 {add = true} : memref<80128xf32, #tpu.memory_space<vmem>>[vector<16xi32>], vector<16xf32>,
        %get3A_333 = arith.index_cast %scan3A_282 : i32 to index
        %get3A_334 = arith.constant 32 : index
        %get3A_335 = tpu.vector_load %arg22[%get3A_333, %get3A_334] {strides = array<i32>} : memref<16x128xi32, #tpu.memory_space<vmem>>, vector<16xi32>,
        %shift_left3A_336 = arith.constant 16 : i32
        %shift_left3A_337 = vector.broadcast %shift_left3A_336 : i32 to vector<16xi32>
        %shift_left3A_338 = arith.shli %get3A_335, %shift_left3A_337 : vector<16xi32>
        %bitcast3A_339 = vector.bitcast %shift_left3A_338 : vector<16xi32> to vector<16xf32>
        %and3A_340 = arith.andi %get3A_335, %broadcast_in_dim3A_293 : vector<16xi32>
        %bitcast3A_341 = vector.bitcast %and3A_340 : vector<16xi32> to vector<16xf32>
        %mul3A_342 = arith.constant 2 : i32
        %mul3A_343 = vector.broadcast %mul3A_342 : i32 to vector<16xi32>
        %mul3A_344 = arith.muli %mul3A_343, %iota3A : vector<16xi32>
        %add3A_345 = arith.constant 64 : i32
        %add3A_346 = vector.broadcast %add3A_345 : i32 to vector<16xi32>
        %add3A_347 = arith.addi %add3A_346, %mul3A_344 : vector<16xi32>
        %add3A_348 = arith.addi %mul3A_291, %add3A_347 : vector<16xi32>
        %mul3A_349 = arith.mulf %bitcast3A_339, %gather3A : vector<16xf32>
        tpu.vector_store_idx %arg21[%add3A_348], %mul3A_349 {add = true} : memref<80128xf32, #tpu.memory_space<vmem>>[vector<16xi32>], vector<16xf32>,
        %add3A_350 = arith.constant 1 : i32
        %add3A_351 = vector.broadcast %add3A_350 : i32 to vector<16xi32>
        %add3A_352 = arith.addi %add3A_348, %add3A_351 : vector<16xi32>
        %mul3A_353 = arith.mulf %bitcast3A_341, %gather3A : vector<16xf32>
        tpu.vector_store_idx %arg21[%add3A_352], %mul3A_353 {add = true} : memref<80128xf32, #tpu.memory_space<vmem>>[vector<16xi32>], vector<16xf32>,
        %get3A_354 = arith.index_cast %scan3A_282 : i32 to index
        %get3A_355 = arith.constant 48 : index
        %get3A_356 = tpu.vector_load %arg22[%get3A_354, %get3A_355] {strides = array<i32>} : memref<16x128xi32, #tpu.memory_space<vmem>>, vector<16xi32>,
        %shift_left3A_357 = arith.constant 16 : i32
        %shift_left3A_358 = vector.broadcast %shift_left3A_357 : i32 to vector<16xi32>
        %shift_left3A_359 = arith.shli %get3A_356, %shift_left3A_358 : vector<16xi32>
        %bitcast3A_360 = vector.bitcast %shift_left3A_359 : vector<16xi32> to vector<16xf32>
        %and3A_361 = arith.andi %get3A_356, %broadcast_in_dim3A_293 : vector<16xi32>
        %bitcast3A_362 = vector.bitcast %and3A_361 : vector<16xi32> to vector<16xf32>
        %mul3A_363 = arith.constant 2 : i32
        %mul3A_364 = vector.broadcast %mul3A_363 : i32 to vector<16xi32>
        %mul3A_365 = arith.muli %mul3A_364, %iota3A : vector<16xi32>
        %add3A_366 = arith.constant 96 : i32
        %add3A_367 = vector.broadcast %add3A_366 : i32 to vector<16xi32>
        %add3A_368 = arith.addi %add3A_367, %mul3A_365 : vector<16xi32>
        %add3A_369 = arith.addi %mul3A_291, %add3A_368 : vector<16xi32>
        %mul3A_370 = arith.mulf %bitcast3A_360, %gather3A : vector<16xf32>
        tpu.vector_store_idx %arg21[%add3A_369], %mul3A_370 {add = true} : memref<80128xf32, #tpu.memory_space<vmem>>[vector<16xi32>], vector<16xf32>,
        %add3A_371 = arith.constant 1 : i32
        %add3A_372 = vector.broadcast %add3A_371 : i32 to vector<16xi32>
        %add3A_373 = arith.addi %add3A_369, %add3A_372 : vector<16xi32>
        %mul3A_374 = arith.mulf %bitcast3A_362, %gather3A : vector<16xf32>
        tpu.vector_store_idx %arg21[%add3A_373], %mul3A_374 {add = true} : memref<80128xf32, #tpu.memory_space<vmem>>[vector<16xi32>], vector<16xf32>,
        %get3A_375 = arith.index_cast %scan3A_282 : i32 to index
        %get3A_376 = arith.constant 64 : index
        %get3A_377 = tpu.vector_load %arg22[%get3A_375, %get3A_376] {strides = array<i32>} : memref<16x128xi32, #tpu.memory_space<vmem>>, vector<16xi32>,
        %shift_left3A_378 = arith.constant 16 : i32
        %shift_left3A_379 = vector.broadcast %shift_left3A_378 : i32 to vector<16xi32>
        %shift_left3A_380 = arith.shli %get3A_377, %shift_left3A_379 : vector<16xi32>
        %bitcast3A_381 = vector.bitcast %shift_left3A_380 : vector<16xi32> to vector<16xf32>
        %and3A_382 = arith.andi %get3A_377, %broadcast_in_dim3A_293 : vector<16xi32>
        %bitcast3A_383 = vector.bitcast %and3A_382 : vector<16xi32> to vector<16xf32>
        %mul3A_384 = arith.constant 2 : i32
        %mul3A_385 = vector.broadcast %mul3A_384 : i32 to vector<16xi32>
        %mul3A_386 = arith.muli %mul3A_385, %iota3A : vector<16xi32>
        %add3A_387 = arith.constant 128 : i32
        %add3A_388 = vector.broadcast %add3A_387 : i32 to vector<16xi32>
        %add3A_389 = arith.addi %add3A_388, %mul3A_386 : vector<16xi32>
        %add3A_390 = arith.addi %mul3A_291, %add3A_389 : vector<16xi32>
        %mul3A_391 = arith.mulf %bitcast3A_381, %gather3A : vector<16xf32>
        tpu.vector_store_idx %arg21[%add3A_390], %mul3A_391 {add = true} : memref<80128xf32, #tpu.memory_space<vmem>>[vector<16xi32>], vector<16xf32>,
        %add3A_392 = arith.constant 1 : i32
        %add3A_393 = vector.broadcast %add3A_392 : i32 to vector<16xi32>
        %add3A_394 = arith.addi %add3A_390, %add3A_393 : vector<16xi32>
        %mul3A_395 = arith.mulf %bitcast3A_383, %gather3A : vector<16xf32>
        tpu.vector_store_idx %arg21[%add3A_394], %mul3A_395 {add = true} : memref<80128xf32, #tpu.memory_space<vmem>>[vector<16xi32>], vector<16xf32>,
        %get3A_396 = arith.index_cast %scan3A_282 : i32 to index
        %get3A_397 = arith.constant 80 : index
        %get3A_398 = tpu.vector_load %arg22[%get3A_396, %get3A_397] {strides = array<i32>} : memref<16x128xi32, #tpu.memory_space<vmem>>, vector<16xi32>,
        %shift_left3A_399 = arith.constant 16 : i32
        %shift_left3A_400 = vector.broadcast %shift_left3A_399 : i32 to vector<16xi32>
        %shift_left3A_401 = arith.shli %get3A_398, %shift_left3A_400 : vector<16xi32>
        %bitcast3A_402 = vector.bitcast %shift_left3A_401 : vector<16xi32> to vector<16xf32>
        %and3A_403 = arith.andi %get3A_398, %broadcast_in_dim3A_293 : vector<16xi32>
        %bitcast3A_404 = vector.bitcast %and3A_403 : vector<16xi32> to vector<16xf32>
        %mul3A_405 = arith.constant 2 : i32
        %mul3A_406 = vector.broadcast %mul3A_405 : i32 to vector<16xi32>
        %mul3A_407 = arith.muli %mul3A_406, %iota3A : vector<16xi32>
        %add3A_408 = arith.constant 160 : i32
        %add3A_409 = vector.broadcast %add3A_408 : i32 to vector<16xi32>
        %add3A_410 = arith.addi %add3A_409, %mul3A_407 : vector<16xi32>
        %add3A_411 = arith.addi %mul3A_291, %add3A_410 : vector<16xi32>
        %mul3A_412 = arith.mulf %bitcast3A_402, %gather3A : vector<16xf32>
        tpu.vector_store_idx %arg21[%add3A_411], %mul3A_412 {add = true} : memref<80128xf32, #tpu.memory_space<vmem>>[vector<16xi32>], vector<16xf32>,
        %add3A_413 = arith.constant 1 : i32
        %add3A_414 = vector.broadcast %add3A_413 : i32 to vector<16xi32>
        %add3A_415 = arith.addi %add3A_411, %add3A_414 : vector<16xi32>
        %mul3A_416 = arith.mulf %bitcast3A_404, %gather3A : vector<16xf32>
        tpu.vector_store_idx %arg21[%add3A_415], %mul3A_416 {add = true} : memref<80128xf32, #tpu.memory_space<vmem>>[vector<16xi32>], vector<16xf32>,
        %get3A_417 = arith.index_cast %scan3A_282 : i32 to index
        %get3A_418 = arith.constant 96 : index
        %get3A_419 = tpu.vector_load %arg22[%get3A_417, %get3A_418] {strides = array<i32>} : memref<16x128xi32, #tpu.memory_space<vmem>>, vector<16xi32>,
        %shift_left3A_420 = arith.constant 16 : i32
        %shift_left3A_421 = vector.broadcast %shift_left3A_420 : i32 to vector<16xi32>
        %shift_left3A_422 = arith.shli %get3A_419, %shift_left3A_421 : vector<16xi32>
        %bitcast3A_423 = vector.bitcast %shift_left3A_422 : vector<16xi32> to vector<16xf32>
        %and3A_424 = arith.andi %get3A_419, %broadcast_in_dim3A_293 : vector<16xi32>
        %bitcast3A_425 = vector.bitcast %and3A_424 : vector<16xi32> to vector<16xf32>
        %mul3A_426 = arith.constant 2 : i32
        %mul3A_427 = vector.broadcast %mul3A_426 : i32 to vector<16xi32>
        %mul3A_428 = arith.muli %mul3A_427, %iota3A : vector<16xi32>
        %add3A_429 = arith.constant 192 : i32
        %add3A_430 = vector.broadcast %add3A_429 : i32 to vector<16xi32>
        %add3A_431 = arith.addi %add3A_430, %mul3A_428 : vector<16xi32>
        %add3A_432 = arith.addi %mul3A_291, %add3A_431 : vector<16xi32>
        %mul3A_433 = arith.mulf %bitcast3A_423, %gather3A : vector<16xf32>
        tpu.vector_store_idx %arg21[%add3A_432], %mul3A_433 {add = true} : memref<80128xf32, #tpu.memory_space<vmem>>[vector<16xi32>], vector<16xf32>,
        %add3A_434 = arith.constant 1 : i32
        %add3A_435 = vector.broadcast %add3A_434 : i32 to vector<16xi32>
        %add3A_436 = arith.addi %add3A_432, %add3A_435 : vector<16xi32>
        %mul3A_437 = arith.mulf %bitcast3A_425, %gather3A : vector<16xf32>
        tpu.vector_store_idx %arg21[%add3A_436], %mul3A_437 {add = true} : memref<80128xf32, #tpu.memory_space<vmem>>[vector<16xi32>], vector<16xf32>,
        %get3A_438 = arith.index_cast %scan3A_282 : i32 to index
        %get3A_439 = arith.constant 112 : index
        %get3A_440 = tpu.vector_load %arg22[%get3A_438, %get3A_439] {strides = array<i32>} : memref<16x128xi32, #tpu.memory_space<vmem>>, vector<16xi32>,
        %shift_left3A_441 = arith.constant 16 : i32
        %shift_left3A_442 = vector.broadcast %shift_left3A_441 : i32 to vector<16xi32>
        %shift_left3A_443 = arith.shli %get3A_440, %shift_left3A_442 : vector<16xi32>
        %bitcast3A_444 = vector.bitcast %shift_left3A_443 : vector<16xi32> to vector<16xf32>
        %and3A_445 = arith.andi %get3A_440, %broadcast_in_dim3A_293 : vector<16xi32>
        %bitcast3A_446 = vector.bitcast %and3A_445 : vector<16xi32> to vector<16xf32>
        %mul3A_447 = arith.constant 2 : i32
        %mul3A_448 = vector.broadcast %mul3A_447 : i32 to vector<16xi32>
        %mul3A_449 = arith.muli %mul3A_448, %iota3A : vector<16xi32>
        %add3A_450 = arith.constant 224 : i32
        %add3A_451 = vector.broadcast %add3A_450 : i32 to vector<16xi32>
        %add3A_452 = arith.addi %add3A_451, %mul3A_449 : vector<16xi32>
        %add3A_453 = arith.addi %mul3A_291, %add3A_452 : vector<16xi32>
        %mul3A_454 = arith.mulf %bitcast3A_444, %gather3A : vector<16xf32>
        tpu.vector_store_idx %arg21[%add3A_453], %mul3A_454 {add = true} : memref<80128xf32, #tpu.memory_space<vmem>>[vector<16xi32>], vector<16xf32>,
        %add3A_455 = arith.constant 1 : i32
        %add3A_456 = vector.broadcast %add3A_455 : i32 to vector<16xi32>
        %add3A_457 = arith.addi %add3A_453, %add3A_456 : vector<16xi32>
        %mul3A_458 = arith.mulf %bitcast3A_446, %gather3A : vector<16xf32>
        tpu.vector_store_idx %arg21[%add3A_457], %mul3A_458 {add = true} : memref<80128xf32, #tpu.memory_space<vmem>>[vector<16xi32>], vector<16xf32>,
        %scan3A_459 = arith.constant 0 : i32
        scf.yield %scan3A_459 : i32
      }
      %scan3A_255 = arith.constant 16 : i32
      %add3A_256 = arith.constant 2 : i32
      %add3A_257 = arith.addi %mul3A_234, %add3A_256 : i32
      %mul3A_258 = arith.constant 16 : i32
      %mul3A_259 = arith.muli %add3A_257, %mul3A_258 : i32
      %dma_start3A_260 = tpu.memref_slice %arg11[%mul3A_259] : memref<11264xi32, #tpu.memory_space<vmem>> -> memref<16xi32, #tpu.memory_space<vmem>>
      %dma_start3A_261 = arith.constant 0 : i32
      %dma_start3A_262 = arith.constant 0 : i32
      %dma_start3A_263 = tpu.memref_slice %arg4[%dma_start3A_261, %dma_start3A_262] : memref<10000x128xi32, #tpu.memory_space<hbm>> -> memref<10000x128xi32, #tpu.memory_space<hbm>>
      tpu.enqueue_indirect_dma source(%dma_start3A_263 : memref<10000x128xi32, #tpu.memory_space<hbm>>) target(%arg22 : memref<16x128xi32, #tpu.memory_space<vmem>>) offsets(%dma_start3A_260 : memref<16xi32, #tpu.memory_space<vmem>>) semaphore(%arg29 : memref<!tpu.dma_semaphore, #tpu.memory_space<semaphore_mem>>)
      %add3A_264 = arith.constant 1 : i32
      %add3A_265 = arith.addi %mul3A_234, %add3A_264 : i32
      %mul3A_266 = arith.constant 16 : i32
      %mul3A_267 = arith.muli %add3A_265, %mul3A_266 : i32
      %dma_wait3A_268 = tpu.memref_slice %arg11[%mul3A_267] : memref<11264xi32, #tpu.memory_space<vmem>> -> memref<16xi32, #tpu.memory_space<vmem>>
      %dma_wait3A_269 = arith.constant 0 : i32
      %dma_wait3A_270 = arith.constant 0 : i32
      %dma_wait3A_271 = tpu.memref_slice %arg4[%dma_wait3A_269, %dma_wait3A_270] : memref<10000x128xi32, #tpu.memory_space<hbm>> -> memref<10000x128xi32, #tpu.memory_space<hbm>>
      tpu.wait_indirect_dma semaphore(%arg30 : memref<!tpu.dma_semaphore, #tpu.memory_space<semaphore_mem>>) src(%dma_wait3A_271 : memref<10000x128xi32, #tpu.memory_space<hbm>>) dst(%arg23 : memref<16x128xi32, #tpu.memory_space<vmem>>)
      %add3A_272 = arith.constant 1 : i32
      %add3A_273 = arith.addi %mul3A_234, %add3A_272 : i32
      %scan3A_274 = arith.constant 0 : i32
      %scan3A_275 = arith.constant 0 : i32
      %scan3A_276 = arith.constant 16 : i32
      %scan3A_277 = arith.addi %scan3A_275, %scan3A_276 : i32
      %scan3A_278 = arith.constant 1 : i32
      %scan3A_279 = scf.for %scan3A_282 = %scan3A_275 to %scan3A_277 step %scan3A_278 iter_args(%scan3A_283 = %scan3A_274) -> (i32)  : i32 {
        %mul3A_284 = arith.constant 16 : i32
        %mul3A_285 = arith.muli %add3A_273, %mul3A_284 : i32
        %add3A_286 = arith.addi %mul3A_285, %scan3A_282 : i32
        %broadcast_in_dim3A_287 = vector.broadcast %add3A_286 : i32 to vector<16xi32>
        %gather3A = tpu.vector_load_idx %arg13[%broadcast_in_dim3A_287] : memref<11264xf32, #tpu.memory_space<vmem>>[vector<16xi32>], vector<16xf32>,
        %gather3A_288 = tpu.vector_load_idx %arg12[%broadcast_in_dim3A_287] : memref<11264xi32, #tpu.memory_space<vmem>>[vector<16xi32>], vector<16xi32>,
        %mul3A_289 = arith.constant 256 : i32
        %mul3A_290 = vector.broadcast %mul3A_289 : i32 to vector<16xi32>
        %mul3A_291 = arith.muli %gather3A_288, %mul3A_290 : vector<16xi32>
        %broadcast_in_dim3A_292 = arith.constant -65536 : i32
        %broadcast_in_dim3A_293 = vector.broadcast %broadcast_in_dim3A_292 : i32 to vector<16xi32>
        %get3A = arith.index_cast %scan3A_282 : i32 to index
        %get3A_294 = arith.constant 0 : index
        %get3A_295 = tpu.vector_load %arg23[%get3A, %get3A_294] {strides = array<i32>} : memref<16x128xi32, #tpu.memory_space<vmem>>, vector<16xi32>,
        %shift_left3A = arith.constant 16 : i32
        %shift_left3A_296 = vector.broadcast %shift_left3A : i32 to vector<16xi32>
        %shift_left3A_297 = arith.shli %get3A_295, %shift_left3A_296 : vector<16xi32>
        %bitcast3A = vector.bitcast %shift_left3A_297 : vector<16xi32> to vector<16xf32>
        %and3A_298 = arith.andi %get3A_295, %broadcast_in_dim3A_293 : vector<16xi32>
        %bitcast3A_299 = vector.bitcast %and3A_298 : vector<16xi32> to vector<16xf32>
        %mul3A_300 = arith.constant 2 : i32
        %mul3A_301 = vector.broadcast %mul3A_300 : i32 to vector<16xi32>
        %mul3A_302 = arith.muli %mul3A_301, %iota3A : vector<16xi32>
        %add3A_303 = arith.constant 0 : i32
        %add3A_304 = vector.broadcast %add3A_303 : i32 to vector<16xi32>
        %add3A_305 = arith.addi %add3A_304, %mul3A_302 : vector<16xi32>
        %add3A_306 = arith.addi %mul3A_291, %add3A_305 : vector<16xi32>
        %mul3A_307 = arith.mulf %bitcast3A, %gather3A : vector<16xf32>
        tpu.vector_store_idx %arg21[%add3A_306], %mul3A_307 {add = true} : memref<80128xf32, #tpu.memory_space<vmem>>[vector<16xi32>], vector<16xf32>,
        %add3A_308 = arith.constant 1 : i32
        %add3A_309 = vector.broadcast %add3A_308 : i32 to vector<16xi32>
        %add3A_310 = arith.addi %add3A_306, %add3A_309 : vector<16xi32>
        %mul3A_311 = arith.mulf %bitcast3A_299, %gather3A : vector<16xf32>
        tpu.vector_store_idx %arg21[%add3A_310], %mul3A_311 {add = true} : memref<80128xf32, #tpu.memory_space<vmem>>[vector<16xi32>], vector<16xf32>,
        %get3A_312 = arith.index_cast %scan3A_282 : i32 to index
        %get3A_313 = arith.constant 16 : index
        %get3A_314 = tpu.vector_load %arg23[%get3A_312, %get3A_313] {strides = array<i32>} : memref<16x128xi32, #tpu.memory_space<vmem>>, vector<16xi32>,
        %shift_left3A_315 = arith.constant 16 : i32
        %shift_left3A_316 = vector.broadcast %shift_left3A_315 : i32 to vector<16xi32>
        %shift_left3A_317 = arith.shli %get3A_314, %shift_left3A_316 : vector<16xi32>
        %bitcast3A_318 = vector.bitcast %shift_left3A_317 : vector<16xi32> to vector<16xf32>
        %and3A_319 = arith.andi %get3A_314, %broadcast_in_dim3A_293 : vector<16xi32>
        %bitcast3A_320 = vector.bitcast %and3A_319 : vector<16xi32> to vector<16xf32>
        %mul3A_321 = arith.constant 2 : i32
        %mul3A_322 = vector.broadcast %mul3A_321 : i32 to vector<16xi32>
        %mul3A_323 = arith.muli %mul3A_322, %iota3A : vector<16xi32>
        %add3A_324 = arith.constant 32 : i32
        %add3A_325 = vector.broadcast %add3A_324 : i32 to vector<16xi32>
        %add3A_326 = arith.addi %add3A_325, %mul3A_323 : vector<16xi32>
        %add3A_327 = arith.addi %mul3A_291, %add3A_326 : vector<16xi32>
        %mul3A_328 = arith.mulf %bitcast3A_318, %gather3A : vector<16xf32>
        tpu.vector_store_idx %arg21[%add3A_327], %mul3A_328 {add = true} : memref<80128xf32, #tpu.memory_space<vmem>>[vector<16xi32>], vector<16xf32>,
        %add3A_329 = arith.constant 1 : i32
        %add3A_330 = vector.broadcast %add3A_329 : i32 to vector<16xi32>
        %add3A_331 = arith.addi %add3A_327, %add3A_330 : vector<16xi32>
        %mul3A_332 = arith.mulf %bitcast3A_320, %gather3A : vector<16xf32>
        tpu.vector_store_idx %arg21[%add3A_331], %mul3A_332 {add = true} : memref<80128xf32, #tpu.memory_space<vmem>>[vector<16xi32>], vector<16xf32>,
        %get3A_333 = arith.index_cast %scan3A_282 : i32 to index
        %get3A_334 = arith.constant 32 : index
        %get3A_335 = tpu.vector_load %arg23[%get3A_333, %get3A_334] {strides = array<i32>} : memref<16x128xi32, #tpu.memory_space<vmem>>, vector<16xi32>,
        %shift_left3A_336 = arith.constant 16 : i32
        %shift_left3A_337 = vector.broadcast %shift_left3A_336 : i32 to vector<16xi32>
        %shift_left3A_338 = arith.shli %get3A_335, %shift_left3A_337 : vector<16xi32>
        %bitcast3A_339 = vector.bitcast %shift_left3A_338 : vector<16xi32> to vector<16xf32>
        %and3A_340 = arith.andi %get3A_335, %broadcast_in_dim3A_293 : vector<16xi32>
        %bitcast3A_341 = vector.bitcast %and3A_340 : vector<16xi32> to vector<16xf32>
        %mul3A_342 = arith.constant 2 : i32
        %mul3A_343 = vector.broadcast %mul3A_342 : i32 to vector<16xi32>
        %mul3A_344 = arith.muli %mul3A_343, %iota3A : vector<16xi32>
        %add3A_345 = arith.constant 64 : i32
        %add3A_346 = vector.broadcast %add3A_345 : i32 to vector<16xi32>
        %add3A_347 = arith.addi %add3A_346, %mul3A_344 : vector<16xi32>
        %add3A_348 = arith.addi %mul3A_291, %add3A_347 : vector<16xi32>
        %mul3A_349 = arith.mulf %bitcast3A_339, %gather3A : vector<16xf32>
        tpu.vector_store_idx %arg21[%add3A_348], %mul3A_349 {add = true} : memref<80128xf32, #tpu.memory_space<vmem>>[vector<16xi32>], vector<16xf32>,
        %add3A_350 = arith.constant 1 : i32
        %add3A_351 = vector.broadcast %add3A_350 : i32 to vector<16xi32>
        %add3A_352 = arith.addi %add3A_348, %add3A_351 : vector<16xi32>
        %mul3A_353 = arith.mulf %bitcast3A_341, %gather3A : vector<16xf32>
        tpu.vector_store_idx %arg21[%add3A_352], %mul3A_353 {add = true} : memref<80128xf32, #tpu.memory_space<vmem>>[vector<16xi32>], vector<16xf32>,
        %get3A_354 = arith.index_cast %scan3A_282 : i32 to index
        %get3A_355 = arith.constant 48 : index
        %get3A_356 = tpu.vector_load %arg23[%get3A_354, %get3A_355] {strides = array<i32>} : memref<16x128xi32, #tpu.memory_space<vmem>>, vector<16xi32>,
        %shift_left3A_357 = arith.constant 16 : i32
        %shift_left3A_358 = vector.broadcast %shift_left3A_357 : i32 to vector<16xi32>
        %shift_left3A_359 = arith.shli %get3A_356, %shift_left3A_358 : vector<16xi32>
        %bitcast3A_360 = vector.bitcast %shift_left3A_359 : vector<16xi32> to vector<16xf32>
        %and3A_361 = arith.andi %get3A_356, %broadcast_in_dim3A_293 : vector<16xi32>
        %bitcast3A_362 = vector.bitcast %and3A_361 : vector<16xi32> to vector<16xf32>
        %mul3A_363 = arith.constant 2 : i32
        %mul3A_364 = vector.broadcast %mul3A_363 : i32 to vector<16xi32>
        %mul3A_365 = arith.muli %mul3A_364, %iota3A : vector<16xi32>
        %add3A_366 = arith.constant 96 : i32
        %add3A_367 = vector.broadcast %add3A_366 : i32 to vector<16xi32>
        %add3A_368 = arith.addi %add3A_367, %mul3A_365 : vector<16xi32>
        %add3A_369 = arith.addi %mul3A_291, %add3A_368 : vector<16xi32>
        %mul3A_370 = arith.mulf %bitcast3A_360, %gather3A : vector<16xf32>
        tpu.vector_store_idx %arg21[%add3A_369], %mul3A_370 {add = true} : memref<80128xf32, #tpu.memory_space<vmem>>[vector<16xi32>], vector<16xf32>,
        %add3A_371 = arith.constant 1 : i32
        %add3A_372 = vector.broadcast %add3A_371 : i32 to vector<16xi32>
        %add3A_373 = arith.addi %add3A_369, %add3A_372 : vector<16xi32>
        %mul3A_374 = arith.mulf %bitcast3A_362, %gather3A : vector<16xf32>
        tpu.vector_store_idx %arg21[%add3A_373], %mul3A_374 {add = true} : memref<80128xf32, #tpu.memory_space<vmem>>[vector<16xi32>], vector<16xf32>,
        %get3A_375 = arith.index_cast %scan3A_282 : i32 to index
        %get3A_376 = arith.constant 64 : index
        %get3A_377 = tpu.vector_load %arg23[%get3A_375, %get3A_376] {strides = array<i32>} : memref<16x128xi32, #tpu.memory_space<vmem>>, vector<16xi32>,
        %shift_left3A_378 = arith.constant 16 : i32
        %shift_left3A_379 = vector.broadcast %shift_left3A_378 : i32 to vector<16xi32>
        %shift_left3A_380 = arith.shli %get3A_377, %shift_left3A_379 : vector<16xi32>
        %bitcast3A_381 = vector.bitcast %shift_left3A_380 : vector<16xi32> to vector<16xf32>
        %and3A_382 = arith.andi %get3A_377, %broadcast_in_dim3A_293 : vector<16xi32>
        %bitcast3A_383 = vector.bitcast %and3A_382 : vector<16xi32> to vector<16xf32>
        %mul3A_384 = arith.constant 2 : i32
        %mul3A_385 = vector.broadcast %mul3A_384 : i32 to vector<16xi32>
        %mul3A_386 = arith.muli %mul3A_385, %iota3A : vector<16xi32>
        %add3A_387 = arith.constant 128 : i32
        %add3A_388 = vector.broadcast %add3A_387 : i32 to vector<16xi32>
        %add3A_389 = arith.addi %add3A_388, %mul3A_386 : vector<16xi32>
        %add3A_390 = arith.addi %mul3A_291, %add3A_389 : vector<16xi32>
        %mul3A_391 = arith.mulf %bitcast3A_381, %gather3A : vector<16xf32>
        tpu.vector_store_idx %arg21[%add3A_390], %mul3A_391 {add = true} : memref<80128xf32, #tpu.memory_space<vmem>>[vector<16xi32>], vector<16xf32>,
        %add3A_392 = arith.constant 1 : i32
        %add3A_393 = vector.broadcast %add3A_392 : i32 to vector<16xi32>
        %add3A_394 = arith.addi %add3A_390, %add3A_393 : vector<16xi32>
        %mul3A_395 = arith.mulf %bitcast3A_383, %gather3A : vector<16xf32>
        tpu.vector_store_idx %arg21[%add3A_394], %mul3A_395 {add = true} : memref<80128xf32, #tpu.memory_space<vmem>>[vector<16xi32>], vector<16xf32>,
        %get3A_396 = arith.index_cast %scan3A_282 : i32 to index
        %get3A_397 = arith.constant 80 : index
        %get3A_398 = tpu.vector_load %arg23[%get3A_396, %get3A_397] {strides = array<i32>} : memref<16x128xi32, #tpu.memory_space<vmem>>, vector<16xi32>,
        %shift_left3A_399 = arith.constant 16 : i32
        %shift_left3A_400 = vector.broadcast %shift_left3A_399 : i32 to vector<16xi32>
        %shift_left3A_401 = arith.shli %get3A_398, %shift_left3A_400 : vector<16xi32>
        %bitcast3A_402 = vector.bitcast %shift_left3A_401 : vector<16xi32> to vector<16xf32>
        %and3A_403 = arith.andi %get3A_398, %broadcast_in_dim3A_293 : vector<16xi32>
        %bitcast3A_404 = vector.bitcast %and3A_403 : vector<16xi32> to vector<16xf32>
        %mul3A_405 = arith.constant 2 : i32
        %mul3A_406 = vector.broadcast %mul3A_405 : i32 to vector<16xi32>
        %mul3A_407 = arith.muli %mul3A_406, %iota3A : vector<16xi32>
        %add3A_408 = arith.constant 160 : i32
        %add3A_409 = vector.broadcast %add3A_408 : i32 to vector<16xi32>
        %add3A_410 = arith.addi %add3A_409, %mul3A_407 : vector<16xi32>
        %add3A_411 = arith.addi %mul3A_291, %add3A_410 : vector<16xi32>
        %mul3A_412 = arith.mulf %bitcast3A_402, %gather3A : vector<16xf32>
        tpu.vector_store_idx %arg21[%add3A_411], %mul3A_412 {add = true} : memref<80128xf32, #tpu.memory_space<vmem>>[vector<16xi32>], vector<16xf32>,
        %add3A_413 = arith.constant 1 : i32
        %add3A_414 = vector.broadcast %add3A_413 : i32 to vector<16xi32>
        %add3A_415 = arith.addi %add3A_411, %add3A_414 : vector<16xi32>
        %mul3A_416 = arith.mulf %bitcast3A_404, %gather3A : vector<16xf32>
        tpu.vector_store_idx %arg21[%add3A_415], %mul3A_416 {add = true} : memref<80128xf32, #tpu.memory_space<vmem>>[vector<16xi32>], vector<16xf32>,
        %get3A_417 = arith.index_cast %scan3A_282 : i32 to index
        %get3A_418 = arith.constant 96 : index
        %get3A_419 = tpu.vector_load %arg23[%get3A_417, %get3A_418] {strides = array<i32>} : memref<16x128xi32, #tpu.memory_space<vmem>>, vector<16xi32>,
        %shift_left3A_420 = arith.constant 16 : i32
        %shift_left3A_421 = vector.broadcast %shift_left3A_420 : i32 to vector<16xi32>
        %shift_left3A_422 = arith.shli %get3A_419, %shift_left3A_421 : vector<16xi32>
        %bitcast3A_423 = vector.bitcast %shift_left3A_422 : vector<16xi32> to vector<16xf32>
        %and3A_424 = arith.andi %get3A_419, %broadcast_in_dim3A_293 : vector<16xi32>
        %bitcast3A_425 = vector.bitcast %and3A_424 : vector<16xi32> to vector<16xf32>
        %mul3A_426 = arith.constant 2 : i32
        %mul3A_427 = vector.broadcast %mul3A_426 : i32 to vector<16xi32>
        %mul3A_428 = arith.muli %mul3A_427, %iota3A : vector<16xi32>
        %add3A_429 = arith.constant 192 : i32
        %add3A_430 = vector.broadcast %add3A_429 : i32 to vector<16xi32>
        %add3A_431 = arith.addi %add3A_430, %mul3A_428 : vector<16xi32>
        %add3A_432 = arith.addi %mul3A_291, %add3A_431 : vector<16xi32>
        %mul3A_433 = arith.mulf %bitcast3A_423, %gather3A : vector<16xf32>
        tpu.vector_store_idx %arg21[%add3A_432], %mul3A_433 {add = true} : memref<80128xf32, #tpu.memory_space<vmem>>[vector<16xi32>], vector<16xf32>,
        %add3A_434 = arith.constant 1 : i32
        %add3A_435 = vector.broadcast %add3A_434 : i32 to vector<16xi32>
        %add3A_436 = arith.addi %add3A_432, %add3A_435 : vector<16xi32>
        %mul3A_437 = arith.mulf %bitcast3A_425, %gather3A : vector<16xf32>
        tpu.vector_store_idx %arg21[%add3A_436], %mul3A_437 {add = true} : memref<80128xf32, #tpu.memory_space<vmem>>[vector<16xi32>], vector<16xf32>,
        %get3A_438 = arith.index_cast %scan3A_282 : i32 to index
        %get3A_439 = arith.constant 112 : index
        %get3A_440 = tpu.vector_load %arg23[%get3A_438, %get3A_439] {strides = array<i32>} : memref<16x128xi32, #tpu.memory_space<vmem>>, vector<16xi32>,
        %shift_left3A_441 = arith.constant 16 : i32
        %shift_left3A_442 = vector.broadcast %shift_left3A_441 : i32 to vector<16xi32>
        %shift_left3A_443 = arith.shli %get3A_440, %shift_left3A_442 : vector<16xi32>
        %bitcast3A_444 = vector.bitcast %shift_left3A_443 : vector<16xi32> to vector<16xf32>
        %and3A_445 = arith.andi %get3A_440, %broadcast_in_dim3A_293 : vector<16xi32>
        %bitcast3A_446 = vector.bitcast %and3A_445 : vector<16xi32> to vector<16xf32>
        %mul3A_447 = arith.constant 2 : i32
        %mul3A_448 = vector.broadcast %mul3A_447 : i32 to vector<16xi32>
        %mul3A_449 = arith.muli %mul3A_448, %iota3A : vector<16xi32>
        %add3A_450 = arith.constant 224 : i32
        %add3A_451 = vector.broadcast %add3A_450 : i32 to vector<16xi32>
        %add3A_452 = arith.addi %add3A_451, %mul3A_449 : vector<16xi32>
        %add3A_453 = arith.addi %mul3A_291, %add3A_452 : vector<16xi32>
        %mul3A_454 = arith.mulf %bitcast3A_444, %gather3A : vector<16xf32>
        tpu.vector_store_idx %arg21[%add3A_453], %mul3A_454 {add = true} : memref<80128xf32, #tpu.memory_space<vmem>>[vector<16xi32>], vector<16xf32>,
        %add3A_455 = arith.constant 1 : i32
        %add3A_456 = vector.broadcast %add3A_455 : i32 to vector<16xi32>
        %add3A_457 = arith.addi %add3A_453, %add3A_456 : vector<16xi32>
        %mul3A_458 = arith.mulf %bitcast3A_446, %gather3A : vector<16xf32>
        tpu.vector_store_idx %arg21[%add3A_457], %mul3A_458 {add = true} : memref<80128xf32, #tpu.memory_space<vmem>>[vector<16xi32>], vector<16xf32>,
        %scan3A_459 = arith.constant 0 : i32
        scf.yield %scan3A_459 : i32
      }
      %scan3A_280 = arith.constant 16 : i32
      %while3A_281 = arith.constant 0 : i32
      scf.yield %while3A_281 : i32
    }
    %mul3A_221 = arith.constant 2 : i32
    %mul3A_222 = arith.muli %select_n3A_203, %mul3A_221 : i32
    %mul3A_223 = arith.constant 16 : i32
    %mul3A_224 = arith.muli %mul3A_222, %mul3A_223 : i32
    %dma_wait3A_225 = tpu.memref_slice %arg11[%mul3A_224] : memref<11264xi32, #tpu.memory_space<vmem>> -> memref<16xi32, #tpu.memory_space<vmem>>
    %dma_wait3A_226 = arith.constant 0 : i32
    %dma_wait3A_227 = arith.constant 0 : i32
    %dma_wait3A_228 = tpu.memref_slice %arg4[%dma_wait3A_226, %dma_wait3A_227] : memref<10000x128xi32, #tpu.memory_space<hbm>> -> memref<10000x128xi32, #tpu.memory_space<hbm>>
    tpu.wait_indirect_dma semaphore(%arg29 : memref<!tpu.dma_semaphore, #tpu.memory_space<semaphore_mem>>) src(%dma_wait3A_228 : memref<10000x128xi32, #tpu.memory_space<hbm>>) dst(%arg22 : memref<16x128xi32, #tpu.memory_space<vmem>>)
    %mul3A_229 = arith.constant 256 : i32
    %mul3A_230 = arith.muli %mul3A_2, %mul3A_229 : i32
    "tpu.region"() ({
      %run_scoped3A = tpu.sem_alloc : memref<!tpu.dma_semaphore, #tpu.memory_space<semaphore_mem>>
      %dma_start3A_231 = tpu.memref_slice %arg7[%mul3A_230] : memref<2564096xf32, #tpu.memory_space<hbm>> -> memref<80128xf32, #tpu.memory_space<hbm>>
      %dma_start3A_232 = tpu.memref_slice %arg7[%mul3A_230] : memref<2564096xf32, #tpu.memory_space<hbm>> -> memref<80128xf32, #tpu.memory_space<hbm>>
      tpu.enqueue_dma source(%arg21 : memref<80128xf32, #tpu.memory_space<vmem>>) target(%dma_start3A_232 : memref<80128xf32, #tpu.memory_space<hbm>>) target_semaphore(%run_scoped3A : memref<!tpu.dma_semaphore, #tpu.memory_space<semaphore_mem>>)
      %dma_wait3A_233 = tpu.memref_slice %arg7[%mul3A_230] : memref<2564096xf32, #tpu.memory_space<hbm>> -> memref<80128xf32, #tpu.memory_space<hbm>>
      %dma_wait3A_234 = tpu.memref_slice %arg7[%mul3A_230] : memref<2564096xf32, #tpu.memory_space<hbm>> -> memref<80128xf32, #tpu.memory_space<hbm>>
      tpu.wait_dma2 semaphore(%run_scoped3A : memref<!tpu.dma_semaphore, #tpu.memory_space<semaphore_mem>>) src(%arg21 : memref<80128xf32, #tpu.memory_space<vmem>>) dst(%dma_wait3A_234 : memref<80128xf32, #tpu.memory_space<hbm>>)
      tpu.yield
    }) : () -> ()
    return
  }
}

#map = affine_map<(d0, d1) -> (0, 0)>
#map1 = affine_map<(d0, d1) -> (0)>
module attributes {stable_mosaic.version = 14 : i64} {
  func.func @body(%arg0: i32, %arg1: i32, %arg2: memref<32x11264xi32, #tpu.memory_space<hbm>>, %arg3: memref<32x11264xi32, #tpu.memory_space<hbm>>, %arg4: memref<32x16xi32, #tpu.memory_space<hbm>>, %arg5: memref<10000x128xf32, #tpu.memory_space<hbm>>, %arg6: memref<10000xf32, #tpu.memory_space<hbm>>, %arg7: memref<10032xf32, #tpu.memory_space<hbm>>, %arg8: memref<1282048xf32, #tpu.memory_space<hbm>>, %arg9: memref<11264xi32, #tpu.memory_space<vmem>>, %arg10: memref<11264xi32, #tpu.memory_space<vmem>>, %arg11: memref<11264xf32, #tpu.memory_space<vmem>>, %arg12: memref<1600xi32, #tpu.memory_space<vmem>>, %arg13: memref<1600xi32, #tpu.memory_space<vmem>>, %arg14: memref<1600xi32, #tpu.memory_space<vmem>>, %arg15: memref<1600xi32, #tpu.memory_space<vmem>>, %arg16: memref<1024xf32, #tpu.memory_space<vmem>>, %arg17: memref<336xf32, #tpu.memory_space<vmem>>, %arg18: memref<320xf32, #tpu.memory_space<vmem>>, %arg19: memref<40064xf32, #tpu.memory_space<vmem>>, %arg20: memref<16x128xf32, #tpu.memory_space<vmem>>, %arg21: memref<16x128xf32, #tpu.memory_space<vmem>>, %arg22: memref<16xi32, #tpu.memory_space<vmem>>, %arg23: memref<!tpu.dma_semaphore, #tpu.memory_space<semaphore_mem>>, %arg24: memref<!tpu.dma_semaphore, #tpu.memory_space<semaphore_mem>>, %arg25: memref<!tpu.dma_semaphore, #tpu.memory_space<semaphore_mem>>, %arg26: memref<!tpu.dma_semaphore, #tpu.memory_space<semaphore_mem>>, %arg27: memref<!tpu.dma_semaphore, #tpu.memory_space<semaphore_mem>>, %arg28: memref<!tpu.dma_semaphore, #tpu.memory_space<semaphore_mem>>) attributes {dimension_semantics = [#tpu.dimension_semantics<core_parallel>, #tpu.dimension_semantics<subcore_parallel>], iteration_bounds = array<i64: 2, 16>, scalar_prefetch = 0 : i64, scratch_operands = 20 : i64, tpu.core_type = #tpu.core_type<sc_vector_subcore>, window_params = [{transform_indices = #map}, {transform_indices = #map}, {transform_indices = #map}, {transform_indices = #map}, {transform_indices = #map1}, {transform_indices = #map1}, {transform_indices = #map1}]} {
    %mul3A = arith.constant 16 : i32
    %mul3A_0 = arith.muli %arg0, %mul3A : i32
    %add3A = arith.addi %mul3A_0, %arg1 : i32
    %mul3A_1 = arith.constant 313 : i32
    %mul3A_2 = arith.muli %add3A, %mul3A_1 : i32
    %iota3A = tpu.iota {dimensions = array<i32: 0>} : vector<16xi32>
    %broadcast_in_dim3A = arith.constant 0 : i32
    %broadcast_in_dim3A_3 = vector.broadcast %broadcast_in_dim3A : i32 to vector<16xi32>
    %broadcast_in_dim3A_4 = arith.constant 0.000000e+00 : f32
    %broadcast_in_dim3A_5 = vector.broadcast %broadcast_in_dim3A_4 : f32 to vector<16xf32>
    "tpu.region"() ({
      %run_scoped3A = tpu.sem_alloc : memref<!tpu.dma_semaphore, #tpu.memory_space<semaphore_mem>>
      %dma_start3A_198 = arith.constant 0 : i32
      %dma_start3A_199 = tpu.memref_slice %arg2[%add3A, %dma_start3A_198] : memref<32x11264xi32, #tpu.memory_space<hbm>> -> memref<1x11264xi32, #tpu.memory_space<hbm>>
      %dma_start3A_200 = tpu.memref_squeeze %dma_start3A_199 : memref<1x11264xi32, #tpu.memory_space<hbm>> -> memref<11264xi32, #tpu.memory_space<hbm>>
      %dma_start3A_201 = arith.constant 0 : i32
      %dma_start3A_202 = tpu.memref_slice %arg2[%add3A, %dma_start3A_201] : memref<32x11264xi32, #tpu.memory_space<hbm>> -> memref<1x11264xi32, #tpu.memory_space<hbm>>
      %dma_start3A_203 = tpu.memref_squeeze %dma_start3A_202 : memref<1x11264xi32, #tpu.memory_space<hbm>> -> memref<11264xi32, #tpu.memory_space<hbm>>
      tpu.enqueue_dma source(%dma_start3A_203 : memref<11264xi32, #tpu.memory_space<hbm>>) target(%arg9 : memref<11264xi32, #tpu.memory_space<vmem>>) target_semaphore(%run_scoped3A : memref<!tpu.dma_semaphore, #tpu.memory_space<semaphore_mem>>)
      %dma_wait3A_204 = arith.constant 0 : i32
      %dma_wait3A_205 = tpu.memref_slice %arg2[%add3A, %dma_wait3A_204] : memref<32x11264xi32, #tpu.memory_space<hbm>> -> memref<1x11264xi32, #tpu.memory_space<hbm>>
      %dma_wait3A_206 = tpu.memref_squeeze %dma_wait3A_205 : memref<1x11264xi32, #tpu.memory_space<hbm>> -> memref<11264xi32, #tpu.memory_space<hbm>>
      %dma_wait3A_207 = arith.constant 0 : i32
      %dma_wait3A_208 = tpu.memref_slice %arg2[%add3A, %dma_wait3A_207] : memref<32x11264xi32, #tpu.memory_space<hbm>> -> memref<1x11264xi32, #tpu.memory_space<hbm>>
      %dma_wait3A_209 = tpu.memref_squeeze %dma_wait3A_208 : memref<1x11264xi32, #tpu.memory_space<hbm>> -> memref<11264xi32, #tpu.memory_space<hbm>>
      tpu.wait_dma2 semaphore(%run_scoped3A : memref<!tpu.dma_semaphore, #tpu.memory_space<semaphore_mem>>) src(%dma_wait3A_209 : memref<11264xi32, #tpu.memory_space<hbm>>) dst(%arg9 : memref<11264xi32, #tpu.memory_space<vmem>>)
      tpu.yield
    }) : () -> ()
    "tpu.region"() ({
      %run_scoped3A = tpu.sem_alloc : memref<!tpu.dma_semaphore, #tpu.memory_space<semaphore_mem>>
      %dma_start3A_198 = arith.constant 0 : i32
      %dma_start3A_199 = tpu.memref_slice %arg3[%add3A, %dma_start3A_198] : memref<32x11264xi32, #tpu.memory_space<hbm>> -> memref<1x11264xi32, #tpu.memory_space<hbm>>
      %dma_start3A_200 = tpu.memref_squeeze %dma_start3A_199 : memref<1x11264xi32, #tpu.memory_space<hbm>> -> memref<11264xi32, #tpu.memory_space<hbm>>
      %dma_start3A_201 = arith.constant 0 : i32
      %dma_start3A_202 = tpu.memref_slice %arg3[%add3A, %dma_start3A_201] : memref<32x11264xi32, #tpu.memory_space<hbm>> -> memref<1x11264xi32, #tpu.memory_space<hbm>>
      %dma_start3A_203 = tpu.memref_squeeze %dma_start3A_202 : memref<1x11264xi32, #tpu.memory_space<hbm>> -> memref<11264xi32, #tpu.memory_space<hbm>>
      tpu.enqueue_dma source(%dma_start3A_203 : memref<11264xi32, #tpu.memory_space<hbm>>) target(%arg10 : memref<11264xi32, #tpu.memory_space<vmem>>) target_semaphore(%run_scoped3A : memref<!tpu.dma_semaphore, #tpu.memory_space<semaphore_mem>>)
      %dma_wait3A_204 = arith.constant 0 : i32
      %dma_wait3A_205 = tpu.memref_slice %arg3[%add3A, %dma_wait3A_204] : memref<32x11264xi32, #tpu.memory_space<hbm>> -> memref<1x11264xi32, #tpu.memory_space<hbm>>
      %dma_wait3A_206 = tpu.memref_squeeze %dma_wait3A_205 : memref<1x11264xi32, #tpu.memory_space<hbm>> -> memref<11264xi32, #tpu.memory_space<hbm>>
      %dma_wait3A_207 = arith.constant 0 : i32
      %dma_wait3A_208 = tpu.memref_slice %arg3[%add3A, %dma_wait3A_207] : memref<32x11264xi32, #tpu.memory_space<hbm>> -> memref<1x11264xi32, #tpu.memory_space<hbm>>
      %dma_wait3A_209 = tpu.memref_squeeze %dma_wait3A_208 : memref<1x11264xi32, #tpu.memory_space<hbm>> -> memref<11264xi32, #tpu.memory_space<hbm>>
      tpu.wait_dma2 semaphore(%run_scoped3A : memref<!tpu.dma_semaphore, #tpu.memory_space<semaphore_mem>>) src(%dma_wait3A_209 : memref<11264xi32, #tpu.memory_space<hbm>>) dst(%arg10 : memref<11264xi32, #tpu.memory_space<vmem>>)
      tpu.yield
    }) : () -> ()
    "tpu.region"() ({
      %run_scoped3A = tpu.sem_alloc : memref<!tpu.dma_semaphore, #tpu.memory_space<semaphore_mem>>
      %dma_start3A_198 = arith.constant 0 : i32
      %dma_start3A_199 = tpu.memref_slice %arg4[%add3A, %dma_start3A_198] : memref<32x16xi32, #tpu.memory_space<hbm>> -> memref<1x16xi32, #tpu.memory_space<hbm>>
      %dma_start3A_200 = tpu.memref_squeeze %dma_start3A_199 : memref<1x16xi32, #tpu.memory_space<hbm>> -> memref<16xi32, #tpu.memory_space<hbm>>
      %dma_start3A_201 = arith.constant 0 : i32
      %dma_start3A_202 = tpu.memref_slice %arg4[%add3A, %dma_start3A_201] : memref<32x16xi32, #tpu.memory_space<hbm>> -> memref<1x16xi32, #tpu.memory_space<hbm>>
      %dma_start3A_203 = tpu.memref_squeeze %dma_start3A_202 : memref<1x16xi32, #tpu.memory_space<hbm>> -> memref<16xi32, #tpu.memory_space<hbm>>
      tpu.enqueue_dma source(%dma_start3A_203 : memref<16xi32, #tpu.memory_space<hbm>>) target(%arg22 : memref<16xi32, #tpu.memory_space<vmem>>) target_semaphore(%run_scoped3A : memref<!tpu.dma_semaphore, #tpu.memory_space<semaphore_mem>>)
      %dma_wait3A_204 = arith.constant 0 : i32
      %dma_wait3A_205 = tpu.memref_slice %arg4[%add3A, %dma_wait3A_204] : memref<32x16xi32, #tpu.memory_space<hbm>> -> memref<1x16xi32, #tpu.memory_space<hbm>>
      %dma_wait3A_206 = tpu.memref_squeeze %dma_wait3A_205 : memref<1x16xi32, #tpu.memory_space<hbm>> -> memref<16xi32, #tpu.memory_space<hbm>>
      %dma_wait3A_207 = arith.constant 0 : i32
      %dma_wait3A_208 = tpu.memref_slice %arg4[%add3A, %dma_wait3A_207] : memref<32x16xi32, #tpu.memory_space<hbm>> -> memref<1x16xi32, #tpu.memory_space<hbm>>
      %dma_wait3A_209 = tpu.memref_squeeze %dma_wait3A_208 : memref<1x16xi32, #tpu.memory_space<hbm>> -> memref<16xi32, #tpu.memory_space<hbm>>
      tpu.wait_dma2 semaphore(%run_scoped3A : memref<!tpu.dma_semaphore, #tpu.memory_space<semaphore_mem>>) src(%dma_wait3A_209 : memref<16xi32, #tpu.memory_space<hbm>>) dst(%arg22 : memref<16xi32, #tpu.memory_space<vmem>>)
      tpu.yield
    }) : () -> ()
    %get3A = arith.constant 0 : index
    %get3A_6 = tpu.vector_load %arg22[%get3A] {strides = array<i32>} : memref<16xi32, #tpu.memory_space<vmem>>, vector<16xi32>,
    %reduce_max3A = arith.constant true
    %reduce_max3A_7 = vector.broadcast %reduce_max3A : i1 to vector<16xi1>
    %reduce_max3A_8 = arith.constant -2147483648 : i32
    %reduce_max3A_9 = vector.broadcast %reduce_max3A_8 : i32 to vector<16xi32>
    %reduce_max3A_10 = arith.xori %get3A_6, %reduce_max3A_9 : vector<16xi32>
    %reduce_max3A_11 = tpu.scan <max>, %reduce_max3A_10 masked %reduce_max3A_7 : vector<16xi32>, vector<16xi1> -> vector<16xi32>
    %reduce_max3A_12 = arith.xori %reduce_max3A_11, %reduce_max3A_9 : vector<16xi32>
    %reduce_max3A_13 = vector.extract %reduce_max3A_12[15] : i32 from vector<16xi32>
    %broadcast_in_dim3A_14 = vector.broadcast %reduce_max3A_13 : i32 to vector<16xi32>
    %add3A_15 = arith.constant 63 : i32
    %add3A_16 = arith.addi %reduce_max3A_13, %add3A_15 : i32
    %jit3A = arith.constant 64 : i32
    %div3A = arith.divsi %add3A_16, %jit3A : i32
    %sign3A = arith.constant 0 : i32
    %sign3A_17 = arith.cmpi sgt, %add3A_16, %sign3A : i32
    %sign3A_18 = arith.extui %sign3A_17 : i1 to i32
    %sign3A_19 = arith.constant 0 : i32
    %sign3A_20 = arith.cmpi slt, %add3A_16, %sign3A_19 : i32
    %sign3A_21 = arith.extui %sign3A_20 : i1 to i32
    %sign3A_22 = arith.subi %sign3A_18, %sign3A_21 : i32
    %sign3A_23 = arith.constant 0 : i32
    %sign3A_24 = arith.cmpi sgt, %jit3A, %sign3A_23 : i32
    %sign3A_25 = arith.extui %sign3A_24 : i1 to i32
    %sign3A_26 = arith.constant 0 : i32
    %sign3A_27 = arith.cmpi slt, %jit3A, %sign3A_26 : i32
    %sign3A_28 = arith.extui %sign3A_27 : i1 to i32
    %sign3A_29 = arith.subi %sign3A_25, %sign3A_28 : i32
    %ne3A = arith.cmpi ne, %sign3A_22, %sign3A_29 : i32
    %rem3A = arith.remsi %add3A_16, %jit3A : i32
    %ne3A_30 = arith.constant 0 : i32
    %ne3A_31 = arith.cmpi ne, %rem3A, %ne3A_30 : i32
    %and3A = arith.andi %ne3A, %ne3A_31 : i1
    %sub3A = arith.constant 1 : i32
    %sub3A_32 = arith.subi %div3A, %sub3A : i32
    %select_n3A = arith.select %and3A, %sub3A_32, %div3A : i32
    %mul3A_33 = arith.constant 64 : i32
    %mul3A_34 = arith.muli %select_n3A, %mul3A_33 : i32
    %add3A_35 = arith.constant 1024 : i32
    %add3A_36 = arith.addi %mul3A_34, %add3A_35 : i32
    %sub3A_37 = arith.constant 1 : i32
    %sub3A_38 = arith.subi %add3A_36, %sub3A_37 : i32
    %jit3A_39 = arith.constant 1024 : i32
    %div3A_40 = arith.divsi %sub3A_38, %jit3A_39 : i32
    %sign3A_41 = arith.constant 0 : i32
    %sign3A_42 = arith.cmpi sgt, %sub3A_38, %sign3A_41 : i32
    %sign3A_43 = arith.extui %sign3A_42 : i1 to i32
    %sign3A_44 = arith.constant 0 : i32
    %sign3A_45 = arith.cmpi slt, %sub3A_38, %sign3A_44 : i32
    %sign3A_46 = arith.extui %sign3A_45 : i1 to i32
    %sign3A_47 = arith.subi %sign3A_43, %sign3A_46 : i32
    %sign3A_48 = arith.constant 0 : i32
    %sign3A_49 = arith.cmpi sgt, %jit3A_39, %sign3A_48 : i32
    %sign3A_50 = arith.extui %sign3A_49 : i1 to i32
    %sign3A_51 = arith.constant 0 : i32
    %sign3A_52 = arith.cmpi slt, %jit3A_39, %sign3A_51 : i32
    %sign3A_53 = arith.extui %sign3A_52 : i1 to i32
    %sign3A_54 = arith.subi %sign3A_50, %sign3A_53 : i32
    %ne3A_55 = arith.cmpi ne, %sign3A_47, %sign3A_54 : i32
    %rem3A_56 = arith.remsi %sub3A_38, %jit3A_39 : i32
    %ne3A_57 = arith.constant 0 : i32
    %ne3A_58 = arith.cmpi ne, %rem3A_56, %ne3A_57 : i32
    %and3A_59 = arith.andi %ne3A_55, %ne3A_58 : i1
    %sub3A_60 = arith.constant 1 : i32
    %sub3A_61 = arith.subi %div3A_40, %sub3A_60 : i32
    %select_n3A_62 = arith.select %and3A_59, %sub3A_61, %div3A_40 : i32
    %jit3A_63 = arith.constant 16 : i32
    %div3A_64 = arith.divsi %mul3A_2, %jit3A_63 : i32
    %sign3A_65 = arith.constant 0 : i32
    %sign3A_66 = arith.cmpi sgt, %mul3A_2, %sign3A_65 : i32
    %sign3A_67 = arith.extui %sign3A_66 : i1 to i32
    %sign3A_68 = arith.constant 0 : i32
    %sign3A_69 = arith.cmpi slt, %mul3A_2, %sign3A_68 : i32
    %sign3A_70 = arith.extui %sign3A_69 : i1 to i32
    %sign3A_71 = arith.subi %sign3A_67, %sign3A_70 : i32
    %sign3A_72 = arith.constant 0 : i32
    %sign3A_73 = arith.cmpi sgt, %jit3A_63, %sign3A_72 : i32
    %sign3A_74 = arith.extui %sign3A_73 : i1 to i32
    %sign3A_75 = arith.constant 0 : i32
    %sign3A_76 = arith.cmpi slt, %jit3A_63, %sign3A_75 : i32
    %sign3A_77 = arith.extui %sign3A_76 : i1 to i32
    %sign3A_78 = arith.subi %sign3A_74, %sign3A_77 : i32
    %ne3A_79 = arith.cmpi ne, %sign3A_71, %sign3A_78 : i32
    %rem3A_80 = arith.remsi %mul3A_2, %jit3A_63 : i32
    %ne3A_81 = arith.constant 0 : i32
    %ne3A_82 = arith.cmpi ne, %rem3A_80, %ne3A_81 : i32
    %and3A_83 = arith.andi %ne3A_79, %ne3A_82 : i1
    %sub3A_84 = arith.constant 1 : i32
    %sub3A_85 = arith.subi %div3A_64, %sub3A_84 : i32
    %select_n3A_86 = arith.select %and3A_83, %sub3A_85, %div3A_64 : i32
    %mul3A_87 = arith.constant 16 : i32
    %mul3A_88 = arith.muli %select_n3A_86, %mul3A_87 : i32
    %sub3A_89 = arith.subi %mul3A_2, %mul3A_88 : i32
    %broadcast_in_dim3A_90 = vector.broadcast %sub3A_89 : i32 to vector<16xi32>
    "tpu.region"() ({
      %run_scoped3A = tpu.sem_alloc : memref<!tpu.dma_semaphore, #tpu.memory_space<semaphore_mem>>
      %dma_start3A_198 = tpu.memref_slice %arg7[%mul3A_88] : memref<10032xf32, #tpu.memory_space<hbm>> -> memref<336xf32, #tpu.memory_space<hbm>>
      %dma_start3A_199 = tpu.memref_slice %arg7[%mul3A_88] : memref<10032xf32, #tpu.memory_space<hbm>> -> memref<336xf32, #tpu.memory_space<hbm>>
      tpu.enqueue_dma source(%dma_start3A_199 : memref<336xf32, #tpu.memory_space<hbm>>) target(%arg17 : memref<336xf32, #tpu.memory_space<vmem>>) target_semaphore(%run_scoped3A : memref<!tpu.dma_semaphore, #tpu.memory_space<semaphore_mem>>)
      %dma_wait3A_200 = tpu.memref_slice %arg7[%mul3A_88] : memref<10032xf32, #tpu.memory_space<hbm>> -> memref<336xf32, #tpu.memory_space<hbm>>
      %dma_wait3A_201 = tpu.memref_slice %arg7[%mul3A_88] : memref<10032xf32, #tpu.memory_space<hbm>> -> memref<336xf32, #tpu.memory_space<hbm>>
      tpu.wait_dma2 semaphore(%run_scoped3A : memref<!tpu.dma_semaphore, #tpu.memory_space<semaphore_mem>>) src(%dma_wait3A_201 : memref<336xf32, #tpu.memory_space<hbm>>) dst(%arg17 : memref<336xf32, #tpu.memory_space<vmem>>)
      tpu.yield
    }) : () -> ()
    %broadcast_in_dim3A_91 = arith.constant -3.000000e+38 : f32
    %broadcast_in_dim3A_92 = vector.broadcast %broadcast_in_dim3A_91 : f32 to vector<16xf32>
    %while3A = arith.constant 0 : i32
    %while3A_93 = arith.subi %select_n3A_62, %while3A : i32
    %while3A_94 = arith.addi %while3A, %while3A_93 : i32
    %while3A_95 = arith.constant 1 : i32
    %while3A_96 = arith.divsi %while3A_93, %while3A_95 : i32
    %while3A_97 = arith.muli %while3A_96, %while3A_95 : i32
    %while3A_98 = arith.addi %while3A, %while3A_97 : i32
    %while3A_99 = arith.constant 1 : i32
    %while3A_100 = scf.for %while3A_198 = %while3A to %while3A_98 step %while3A_99 iter_args(%while3A_199 = %broadcast_in_dim3A_92) -> (vector<16xf32>)  : i32 {
      %mul3A_200 = arith.constant 1024 : i32
      %mul3A_201 = arith.muli %while3A_198, %mul3A_200 : i32
      %add3A_202 = arith.constant 0 : i32
      %add3A_203 = arith.addi %mul3A_201, %add3A_202 : i32
      %dma_start3A_204 = arith.constant 0 : i32
      %dma_start3A_205 = tpu.memref_slice %arg16[%dma_start3A_204] : memref<1024xf32, #tpu.memory_space<vmem>> -> memref<128xf32, #tpu.memory_space<vmem>>
      %dma_start3A_206 = tpu.memref_slice %arg9[%add3A_203] : memref<11264xi32, #tpu.memory_space<vmem>> -> memref<128xi32, #tpu.memory_space<vmem>>
      %dma_start3A_207 = arith.constant 0 : i32
      %dma_start3A_208 = tpu.memref_slice %arg6[%dma_start3A_207] : memref<10000xf32, #tpu.memory_space<hbm>> -> memref<10000xf32, #tpu.memory_space<hbm>>
      tpu.enqueue_indirect_dma source(%dma_start3A_208 : memref<10000xf32, #tpu.memory_space<hbm>>) target(%dma_start3A_205 : memref<128xf32, #tpu.memory_space<vmem>>) offsets(%dma_start3A_206 : memref<128xi32, #tpu.memory_space<vmem>>) semaphore(%arg23 : memref<!tpu.dma_semaphore, #tpu.memory_space<semaphore_mem>>)
      %mul3A_209 = arith.constant 1024 : i32
      %mul3A_210 = arith.muli %while3A_198, %mul3A_209 : i32
      %add3A_211 = arith.constant 128 : i32
      %add3A_212 = arith.addi %mul3A_210, %add3A_211 : i32
      %dma_start3A_213 = arith.constant 128 : i32
      %dma_start3A_214 = tpu.memref_slice %arg16[%dma_start3A_213] : memref<1024xf32, #tpu.memory_space<vmem>> -> memref<128xf32, #tpu.memory_space<vmem>>
      %dma_start3A_215 = tpu.memref_slice %arg9[%add3A_212] : memref<11264xi32, #tpu.memory_space<vmem>> -> memref<128xi32, #tpu.memory_space<vmem>>
      %dma_start3A_216 = arith.constant 0 : i32
      %dma_start3A_217 = tpu.memref_slice %arg6[%dma_start3A_216] : memref<10000xf32, #tpu.memory_space<hbm>> -> memref<10000xf32, #tpu.memory_space<hbm>>
      tpu.enqueue_indirect_dma source(%dma_start3A_217 : memref<10000xf32, #tpu.memory_space<hbm>>) target(%dma_start3A_214 : memref<128xf32, #tpu.memory_space<vmem>>) offsets(%dma_start3A_215 : memref<128xi32, #tpu.memory_space<vmem>>) semaphore(%arg23 : memref<!tpu.dma_semaphore, #tpu.memory_space<semaphore_mem>>)
      %mul3A_218 = arith.constant 1024 : i32
      %mul3A_219 = arith.muli %while3A_198, %mul3A_218 : i32
      %add3A_220 = arith.constant 256 : i32
      %add3A_221 = arith.addi %mul3A_219, %add3A_220 : i32
      %dma_start3A_222 = arith.constant 256 : i32
      %dma_start3A_223 = tpu.memref_slice %arg16[%dma_start3A_222] : memref<1024xf32, #tpu.memory_space<vmem>> -> memref<128xf32, #tpu.memory_space<vmem>>
      %dma_start3A_224 = tpu.memref_slice %arg9[%add3A_221] : memref<11264xi32, #tpu.memory_space<vmem>> -> memref<128xi32, #tpu.memory_space<vmem>>
      %dma_start3A_225 = arith.constant 0 : i32
      %dma_start3A_226 = tpu.memref_slice %arg6[%dma_start3A_225] : memref<10000xf32, #tpu.memory_space<hbm>> -> memref<10000xf32, #tpu.memory_space<hbm>>
      tpu.enqueue_indirect_dma source(%dma_start3A_226 : memref<10000xf32, #tpu.memory_space<hbm>>) target(%dma_start3A_223 : memref<128xf32, #tpu.memory_space<vmem>>) offsets(%dma_start3A_224 : memref<128xi32, #tpu.memory_space<vmem>>) semaphore(%arg23 : memref<!tpu.dma_semaphore, #tpu.memory_space<semaphore_mem>>)
      %mul3A_227 = arith.constant 1024 : i32
      %mul3A_228 = arith.muli %while3A_198, %mul3A_227 : i32
      %add3A_229 = arith.constant 384 : i32
      %add3A_230 = arith.addi %mul3A_228, %add3A_229 : i32
      %dma_start3A_231 = arith.constant 384 : i32
      %dma_start3A_232 = tpu.memref_slice %arg16[%dma_start3A_231] : memref<1024xf32, #tpu.memory_space<vmem>> -> memref<128xf32, #tpu.memory_space<vmem>>
      %dma_start3A_233 = tpu.memref_slice %arg9[%add3A_230] : memref<11264xi32, #tpu.memory_space<vmem>> -> memref<128xi32, #tpu.memory_space<vmem>>
      %dma_start3A_234 = arith.constant 0 : i32
      %dma_start3A_235 = tpu.memref_slice %arg6[%dma_start3A_234] : memref<10000xf32, #tpu.memory_space<hbm>> -> memref<10000xf32, #tpu.memory_space<hbm>>
      tpu.enqueue_indirect_dma source(%dma_start3A_235 : memref<10000xf32, #tpu.memory_space<hbm>>) target(%dma_start3A_232 : memref<128xf32, #tpu.memory_space<vmem>>) offsets(%dma_start3A_233 : memref<128xi32, #tpu.memory_space<vmem>>) semaphore(%arg23 : memref<!tpu.dma_semaphore, #tpu.memory_space<semaphore_mem>>)
      %mul3A_236 = arith.constant 1024 : i32
      %mul3A_237 = arith.muli %while3A_198, %mul3A_236 : i32
      %add3A_238 = arith.constant 512 : i32
      %add3A_239 = arith.addi %mul3A_237, %add3A_238 : i32
      %dma_start3A_240 = arith.constant 512 : i32
      %dma_start3A_241 = tpu.memref_slice %arg16[%dma_start3A_240] : memref<1024xf32, #tpu.memory_space<vmem>> -> memref<128xf32, #tpu.memory_space<vmem>>
      %dma_start3A_242 = tpu.memref_slice %arg9[%add3A_239] : memref<11264xi32, #tpu.memory_space<vmem>> -> memref<128xi32, #tpu.memory_space<vmem>>
      %dma_start3A_243 = arith.constant 0 : i32
      %dma_start3A_244 = tpu.memref_slice %arg6[%dma_start3A_243] : memref<10000xf32, #tpu.memory_space<hbm>> -> memref<10000xf32, #tpu.memory_space<hbm>>
      tpu.enqueue_indirect_dma source(%dma_start3A_244 : memref<10000xf32, #tpu.memory_space<hbm>>) target(%dma_start3A_241 : memref<128xf32, #tpu.memory_space<vmem>>) offsets(%dma_start3A_242 : memref<128xi32, #tpu.memory_space<vmem>>) semaphore(%arg23 : memref<!tpu.dma_semaphore, #tpu.memory_space<semaphore_mem>>)
      %mul3A_245 = arith.constant 1024 : i32
      %mul3A_246 = arith.muli %while3A_198, %mul3A_245 : i32
      %add3A_247 = arith.constant 640 : i32
      %add3A_248 = arith.addi %mul3A_246, %add3A_247 : i32
      %dma_start3A_249 = arith.constant 640 : i32
      %dma_start3A_250 = tpu.memref_slice %arg16[%dma_start3A_249] : memref<1024xf32, #tpu.memory_space<vmem>> -> memref<128xf32, #tpu.memory_space<vmem>>
      %dma_start3A_251 = tpu.memref_slice %arg9[%add3A_248] : memref<11264xi32, #tpu.memory_space<vmem>> -> memref<128xi32, #tpu.memory_space<vmem>>
      %dma_start3A_252 = arith.constant 0 : i32
      %dma_start3A_253 = tpu.memref_slice %arg6[%dma_start3A_252] : memref<10000xf32, #tpu.memory_space<hbm>> -> memref<10000xf32, #tpu.memory_space<hbm>>
      tpu.enqueue_indirect_dma source(%dma_start3A_253 : memref<10000xf32, #tpu.memory_space<hbm>>) target(%dma_start3A_250 : memref<128xf32, #tpu.memory_space<vmem>>) offsets(%dma_start3A_251 : memref<128xi32, #tpu.memory_space<vmem>>) semaphore(%arg23 : memref<!tpu.dma_semaphore, #tpu.memory_space<semaphore_mem>>)
      %mul3A_254 = arith.constant 1024 : i32
      %mul3A_255 = arith.muli %while3A_198, %mul3A_254 : i32
      %add3A_256 = arith.constant 768 : i32
      %add3A_257 = arith.addi %mul3A_255, %add3A_256 : i32
      %dma_start3A_258 = arith.constant 768 : i32
      %dma_start3A_259 = tpu.memref_slice %arg16[%dma_start3A_258] : memref<1024xf32, #tpu.memory_space<vmem>> -> memref<128xf32, #tpu.memory_space<vmem>>
      %dma_start3A_260 = tpu.memref_slice %arg9[%add3A_257] : memref<11264xi32, #tpu.memory_space<vmem>> -> memref<128xi32, #tpu.memory_space<vmem>>
      %dma_start3A_261 = arith.constant 0 : i32
      %dma_start3A_262 = tpu.memref_slice %arg6[%dma_start3A_261] : memref<10000xf32, #tpu.memory_space<hbm>> -> memref<10000xf32, #tpu.memory_space<hbm>>
      tpu.enqueue_indirect_dma source(%dma_start3A_262 : memref<10000xf32, #tpu.memory_space<hbm>>) target(%dma_start3A_259 : memref<128xf32, #tpu.memory_space<vmem>>) offsets(%dma_start3A_260 : memref<128xi32, #tpu.memory_space<vmem>>) semaphore(%arg23 : memref<!tpu.dma_semaphore, #tpu.memory_space<semaphore_mem>>)
      %mul3A_263 = arith.constant 1024 : i32
      %mul3A_264 = arith.muli %while3A_198, %mul3A_263 : i32
      %add3A_265 = arith.constant 896 : i32
      %add3A_266 = arith.addi %mul3A_264, %add3A_265 : i32
      %dma_start3A_267 = arith.constant 896 : i32
      %dma_start3A_268 = tpu.memref_slice %arg16[%dma_start3A_267] : memref<1024xf32, #tpu.memory_space<vmem>> -> memref<128xf32, #tpu.memory_space<vmem>>
      %dma_start3A_269 = tpu.memref_slice %arg9[%add3A_266] : memref<11264xi32, #tpu.memory_space<vmem>> -> memref<128xi32, #tpu.memory_space<vmem>>
      %dma_start3A_270 = arith.constant 0 : i32
      %dma_start3A_271 = tpu.memref_slice %arg6[%dma_start3A_270] : memref<10000xf32, #tpu.memory_space<hbm>> -> memref<10000xf32, #tpu.memory_space<hbm>>
      tpu.enqueue_indirect_dma source(%dma_start3A_271 : memref<10000xf32, #tpu.memory_space<hbm>>) target(%dma_start3A_268 : memref<128xf32, #tpu.memory_space<vmem>>) offsets(%dma_start3A_269 : memref<128xi32, #tpu.memory_space<vmem>>) semaphore(%arg23 : memref<!tpu.dma_semaphore, #tpu.memory_space<semaphore_mem>>)
      %dma_wait3A_272 = arith.constant 0 : i32
      %dma_wait3A_273 = tpu.memref_slice %arg16[%dma_wait3A_272] : memref<1024xf32, #tpu.memory_space<vmem>> -> memref<128xf32, #tpu.memory_space<vmem>>
      %dma_wait3A_274 = arith.constant 0 : i32
      %dma_wait3A_275 = tpu.memref_slice %arg9[%dma_wait3A_274] : memref<11264xi32, #tpu.memory_space<vmem>> -> memref<128xi32, #tpu.memory_space<vmem>>
      %dma_wait3A_276 = arith.constant 0 : i32
      %dma_wait3A_277 = tpu.memref_slice %arg6[%dma_wait3A_276] : memref<10000xf32, #tpu.memory_space<hbm>> -> memref<10000xf32, #tpu.memory_space<hbm>>
      tpu.wait_indirect_dma semaphore(%arg23 : memref<!tpu.dma_semaphore, #tpu.memory_space<semaphore_mem>>) src(%dma_wait3A_277 : memref<10000xf32, #tpu.memory_space<hbm>>) dst(%dma_wait3A_273 : memref<128xf32, #tpu.memory_space<vmem>>)
      %dma_wait3A_278 = arith.constant 128 : i32
      %dma_wait3A_279 = tpu.memref_slice %arg16[%dma_wait3A_278] : memref<1024xf32, #tpu.memory_space<vmem>> -> memref<128xf32, #tpu.memory_space<vmem>>
      %dma_wait3A_280 = arith.constant 0 : i32
      %dma_wait3A_281 = tpu.memref_slice %arg9[%dma_wait3A_280] : memref<11264xi32, #tpu.memory_space<vmem>> -> memref<128xi32, #tpu.memory_space<vmem>>
      %dma_wait3A_282 = arith.constant 0 : i32
      %dma_wait3A_283 = tpu.memref_slice %arg6[%dma_wait3A_282] : memref<10000xf32, #tpu.memory_space<hbm>> -> memref<10000xf32, #tpu.memory_space<hbm>>
      tpu.wait_indirect_dma semaphore(%arg23 : memref<!tpu.dma_semaphore, #tpu.memory_space<semaphore_mem>>) src(%dma_wait3A_283 : memref<10000xf32, #tpu.memory_space<hbm>>) dst(%dma_wait3A_279 : memref<128xf32, #tpu.memory_space<vmem>>)
      %dma_wait3A_284 = arith.constant 256 : i32
      %dma_wait3A_285 = tpu.memref_slice %arg16[%dma_wait3A_284] : memref<1024xf32, #tpu.memory_space<vmem>> -> memref<128xf32, #tpu.memory_space<vmem>>
      %dma_wait3A_286 = arith.constant 0 : i32
      %dma_wait3A_287 = tpu.memref_slice %arg9[%dma_wait3A_286] : memref<11264xi32, #tpu.memory_space<vmem>> -> memref<128xi32, #tpu.memory_space<vmem>>
      %dma_wait3A_288 = arith.constant 0 : i32
      %dma_wait3A_289 = tpu.memref_slice %arg6[%dma_wait3A_288] : memref<10000xf32, #tpu.memory_space<hbm>> -> memref<10000xf32, #tpu.memory_space<hbm>>
      tpu.wait_indirect_dma semaphore(%arg23 : memref<!tpu.dma_semaphore, #tpu.memory_space<semaphore_mem>>) src(%dma_wait3A_289 : memref<10000xf32, #tpu.memory_space<hbm>>) dst(%dma_wait3A_285 : memref<128xf32, #tpu.memory_space<vmem>>)
      %dma_wait3A_290 = arith.constant 384 : i32
      %dma_wait3A_291 = tpu.memref_slice %arg16[%dma_wait3A_290] : memref<1024xf32, #tpu.memory_space<vmem>> -> memref<128xf32, #tpu.memory_space<vmem>>
      %dma_wait3A_292 = arith.constant 0 : i32
      %dma_wait3A_293 = tpu.memref_slice %arg9[%dma_wait3A_292] : memref<11264xi32, #tpu.memory_space<vmem>> -> memref<128xi32, #tpu.memory_space<vmem>>
      %dma_wait3A_294 = arith.constant 0 : i32
      %dma_wait3A_295 = tpu.memref_slice %arg6[%dma_wait3A_294] : memref<10000xf32, #tpu.memory_space<hbm>> -> memref<10000xf32, #tpu.memory_space<hbm>>
      tpu.wait_indirect_dma semaphore(%arg23 : memref<!tpu.dma_semaphore, #tpu.memory_space<semaphore_mem>>) src(%dma_wait3A_295 : memref<10000xf32, #tpu.memory_space<hbm>>) dst(%dma_wait3A_291 : memref<128xf32, #tpu.memory_space<vmem>>)
      %dma_wait3A_296 = arith.constant 512 : i32
      %dma_wait3A_297 = tpu.memref_slice %arg16[%dma_wait3A_296] : memref<1024xf32, #tpu.memory_space<vmem>> -> memref<128xf32, #tpu.memory_space<vmem>>
      %dma_wait3A_298 = arith.constant 0 : i32
      %dma_wait3A_299 = tpu.memref_slice %arg9[%dma_wait3A_298] : memref<11264xi32, #tpu.memory_space<vmem>> -> memref<128xi32, #tpu.memory_space<vmem>>
      %dma_wait3A_300 = arith.constant 0 : i32
      %dma_wait3A_301 = tpu.memref_slice %arg6[%dma_wait3A_300] : memref<10000xf32, #tpu.memory_space<hbm>> -> memref<10000xf32, #tpu.memory_space<hbm>>
      tpu.wait_indirect_dma semaphore(%arg23 : memref<!tpu.dma_semaphore, #tpu.memory_space<semaphore_mem>>) src(%dma_wait3A_301 : memref<10000xf32, #tpu.memory_space<hbm>>) dst(%dma_wait3A_297 : memref<128xf32, #tpu.memory_space<vmem>>)
      %dma_wait3A_302 = arith.constant 640 : i32
      %dma_wait3A_303 = tpu.memref_slice %arg16[%dma_wait3A_302] : memref<1024xf32, #tpu.memory_space<vmem>> -> memref<128xf32, #tpu.memory_space<vmem>>
      %dma_wait3A_304 = arith.constant 0 : i32
      %dma_wait3A_305 = tpu.memref_slice %arg9[%dma_wait3A_304] : memref<11264xi32, #tpu.memory_space<vmem>> -> memref<128xi32, #tpu.memory_space<vmem>>
      %dma_wait3A_306 = arith.constant 0 : i32
      %dma_wait3A_307 = tpu.memref_slice %arg6[%dma_wait3A_306] : memref<10000xf32, #tpu.memory_space<hbm>> -> memref<10000xf32, #tpu.memory_space<hbm>>
      tpu.wait_indirect_dma semaphore(%arg23 : memref<!tpu.dma_semaphore, #tpu.memory_space<semaphore_mem>>) src(%dma_wait3A_307 : memref<10000xf32, #tpu.memory_space<hbm>>) dst(%dma_wait3A_303 : memref<128xf32, #tpu.memory_space<vmem>>)
      %dma_wait3A_308 = arith.constant 768 : i32
      %dma_wait3A_309 = tpu.memref_slice %arg16[%dma_wait3A_308] : memref<1024xf32, #tpu.memory_space<vmem>> -> memref<128xf32, #tpu.memory_space<vmem>>
      %dma_wait3A_310 = arith.constant 0 : i32
      %dma_wait3A_311 = tpu.memref_slice %arg9[%dma_wait3A_310] : memref<11264xi32, #tpu.memory_space<vmem>> -> memref<128xi32, #tpu.memory_space<vmem>>
      %dma_wait3A_312 = arith.constant 0 : i32
      %dma_wait3A_313 = tpu.memref_slice %arg6[%dma_wait3A_312] : memref<10000xf32, #tpu.memory_space<hbm>> -> memref<10000xf32, #tpu.memory_space<hbm>>
      tpu.wait_indirect_dma semaphore(%arg23 : memref<!tpu.dma_semaphore, #tpu.memory_space<semaphore_mem>>) src(%dma_wait3A_313 : memref<10000xf32, #tpu.memory_space<hbm>>) dst(%dma_wait3A_309 : memref<128xf32, #tpu.memory_space<vmem>>)
      %dma_wait3A_314 = arith.constant 896 : i32
      %dma_wait3A_315 = tpu.memref_slice %arg16[%dma_wait3A_314] : memref<1024xf32, #tpu.memory_space<vmem>> -> memref<128xf32, #tpu.memory_space<vmem>>
      %dma_wait3A_316 = arith.constant 0 : i32
      %dma_wait3A_317 = tpu.memref_slice %arg9[%dma_wait3A_316] : memref<11264xi32, #tpu.memory_space<vmem>> -> memref<128xi32, #tpu.memory_space<vmem>>
      %dma_wait3A_318 = arith.constant 0 : i32
      %dma_wait3A_319 = tpu.memref_slice %arg6[%dma_wait3A_318] : memref<10000xf32, #tpu.memory_space<hbm>> -> memref<10000xf32, #tpu.memory_space<hbm>>
      tpu.wait_indirect_dma semaphore(%arg23 : memref<!tpu.dma_semaphore, #tpu.memory_space<semaphore_mem>>) src(%dma_wait3A_319 : memref<10000xf32, #tpu.memory_space<hbm>>) dst(%dma_wait3A_315 : memref<128xf32, #tpu.memory_space<vmem>>)
      %scan3A_320 = arith.constant 0 : i32
      %scan3A_321 = arith.constant 64 : i32
      %scan3A_322 = arith.addi %scan3A_320, %scan3A_321 : i32
      %scan3A_323 = arith.constant 1 : i32
      %scan3A_324 = scf.for %scan3A_326 = %scan3A_320 to %scan3A_322 step %scan3A_323 iter_args(%scan3A_327 = %while3A_199) -> (vector<16xf32>)  : i32 {
        %mul3A_328 = arith.constant 1024 : i32
        %mul3A_329 = arith.muli %while3A_198, %mul3A_328 : i32
        %mul3A_330 = arith.constant 16 : i32
        %mul3A_331 = arith.muli %scan3A_326, %mul3A_330 : i32
        %add3A_332 = arith.addi %mul3A_329, %mul3A_331 : i32
        %mul3A_333 = arith.constant 16 : i32
        %mul3A_334 = arith.muli %scan3A_326, %mul3A_333 : i32
        %get3A_335 = arith.index_cast %mul3A_334 : i32 to index
        %get3A_336 = tpu.vector_load %arg16[%get3A_335] {strides = array<i32>} : memref<1024xf32, #tpu.memory_space<vmem>>, vector<16xf32>,
        %get3A_337 = arith.index_cast %add3A_332 : i32 to index
        %get3A_338 = tpu.vector_load %arg10[%get3A_337] {strides = array<i32>} : memref<11264xi32, #tpu.memory_space<vmem>>, vector<16xi32>,
        %add3A_339 = arith.addi %get3A_338, %broadcast_in_dim3A_90 : vector<16xi32>
        %gather3A = tpu.vector_load_idx %arg17[%add3A_339] : memref<336xf32, #tpu.memory_space<vmem>>[vector<16xi32>], vector<16xf32>,
        %add3A_340 = arith.addf %get3A_336, %gather3A : vector<16xf32>
        %ge3A = arith.constant 0.000000e+00 : f32
        %ge3A_341 = vector.broadcast %ge3A : f32 to vector<16xf32>
        %ge3A_342 = arith.cmpf oge, %add3A_340, %ge3A_341 : vector<16xf32>
        %mul3A_343 = arith.constant 2.000000e-01 : f32
        %mul3A_344 = vector.broadcast %mul3A_343 : f32 to vector<16xf32>
        %mul3A_345 = arith.mulf %mul3A_344, %add3A_340 : vector<16xf32>
        %select_n3A_346 = arith.select %ge3A_342, %add3A_340, %mul3A_345 : vector<16xi1>, vector<16xf32>
        %swap3A = arith.index_cast %add3A_332 : i32 to index
        %swap3A_347 = tpu.vector_load %arg11[%swap3A] {strides = array<i32>} : memref<11264xf32, #tpu.memory_space<vmem>>, vector<16xf32>,
        tpu.vector_store %arg11[%swap3A], %select_n3A_346 {strides = array<i32>} : memref<11264xf32, #tpu.memory_space<vmem>>, vector<16xf32>,
        %broadcast_in_dim3A_348 = vector.broadcast %add3A_332 : i32 to vector<16xi32>
        %add3A_349 = arith.addi %broadcast_in_dim3A_348, %iota3A : vector<16xi32>
        %lt3A = arith.cmpi slt, %add3A_349, %broadcast_in_dim3A_14 : vector<16xi32>
        %jit3A_350 = arith.constant -3.000000e+38 : f32
        %broadcast_in_dim3A_351 = vector.broadcast %jit3A_350 : f32 to vector<16xf32>
        %select_n3A_352 = arith.select %lt3A, %select_n3A_346, %broadcast_in_dim3A_351 : vector<16xi1>, vector<16xf32>
        %max3A = arith.maximumf %scan3A_327, %select_n3A_352 : vector<16xf32>
        scf.yield %max3A : vector<16xf32>
      }
      %scan3A_325 = arith.constant 64 : i32
      scf.yield %scan3A_324 : vector<16xf32>
    }
    %while3A_101 = arith.constant 1 : i32
    %while3A_102 = scf.for %while3A_198 = %while3A_98 to %while3A_94 step %while3A_101 iter_args(%while3A_199 = %while3A_100) -> (vector<16xf32>)  : i32 {
      %mul3A_200 = arith.constant 1024 : i32
      %mul3A_201 = arith.muli %while3A_198, %mul3A_200 : i32
      %add3A_202 = arith.constant 0 : i32
      %add3A_203 = arith.addi %mul3A_201, %add3A_202 : i32
      %dma_start3A_204 = arith.constant 0 : i32
      %dma_start3A_205 = tpu.memref_slice %arg16[%dma_start3A_204] : memref<1024xf32, #tpu.memory_space<vmem>> -> memref<128xf32, #tpu.memory_space<vmem>>
      %dma_start3A_206 = tpu.memref_slice %arg9[%add3A_203] : memref<11264xi32, #tpu.memory_space<vmem>> -> memref<128xi32, #tpu.memory_space<vmem>>
      %dma_start3A_207 = arith.constant 0 : i32
      %dma_start3A_208 = tpu.memref_slice %arg6[%dma_start3A_207] : memref<10000xf32, #tpu.memory_space<hbm>> -> memref<10000xf32, #tpu.memory_space<hbm>>
      tpu.enqueue_indirect_dma source(%dma_start3A_208 : memref<10000xf32, #tpu.memory_space<hbm>>) target(%dma_start3A_205 : memref<128xf32, #tpu.memory_space<vmem>>) offsets(%dma_start3A_206 : memref<128xi32, #tpu.memory_space<vmem>>) semaphore(%arg23 : memref<!tpu.dma_semaphore, #tpu.memory_space<semaphore_mem>>)
      %mul3A_209 = arith.constant 1024 : i32
      %mul3A_210 = arith.muli %while3A_198, %mul3A_209 : i32
      %add3A_211 = arith.constant 128 : i32
      %add3A_212 = arith.addi %mul3A_210, %add3A_211 : i32
      %dma_start3A_213 = arith.constant 128 : i32
      %dma_start3A_214 = tpu.memref_slice %arg16[%dma_start3A_213] : memref<1024xf32, #tpu.memory_space<vmem>> -> memref<128xf32, #tpu.memory_space<vmem>>
      %dma_start3A_215 = tpu.memref_slice %arg9[%add3A_212] : memref<11264xi32, #tpu.memory_space<vmem>> -> memref<128xi32, #tpu.memory_space<vmem>>
      %dma_start3A_216 = arith.constant 0 : i32
      %dma_start3A_217 = tpu.memref_slice %arg6[%dma_start3A_216] : memref<10000xf32, #tpu.memory_space<hbm>> -> memref<10000xf32, #tpu.memory_space<hbm>>
      tpu.enqueue_indirect_dma source(%dma_start3A_217 : memref<10000xf32, #tpu.memory_space<hbm>>) target(%dma_start3A_214 : memref<128xf32, #tpu.memory_space<vmem>>) offsets(%dma_start3A_215 : memref<128xi32, #tpu.memory_space<vmem>>) semaphore(%arg23 : memref<!tpu.dma_semaphore, #tpu.memory_space<semaphore_mem>>)
      %mul3A_218 = arith.constant 1024 : i32
      %mul3A_219 = arith.muli %while3A_198, %mul3A_218 : i32
      %add3A_220 = arith.constant 256 : i32
      %add3A_221 = arith.addi %mul3A_219, %add3A_220 : i32
      %dma_start3A_222 = arith.constant 256 : i32
      %dma_start3A_223 = tpu.memref_slice %arg16[%dma_start3A_222] : memref<1024xf32, #tpu.memory_space<vmem>> -> memref<128xf32, #tpu.memory_space<vmem>>
      %dma_start3A_224 = tpu.memref_slice %arg9[%add3A_221] : memref<11264xi32, #tpu.memory_space<vmem>> -> memref<128xi32, #tpu.memory_space<vmem>>
      %dma_start3A_225 = arith.constant 0 : i32
      %dma_start3A_226 = tpu.memref_slice %arg6[%dma_start3A_225] : memref<10000xf32, #tpu.memory_space<hbm>> -> memref<10000xf32, #tpu.memory_space<hbm>>
      tpu.enqueue_indirect_dma source(%dma_start3A_226 : memref<10000xf32, #tpu.memory_space<hbm>>) target(%dma_start3A_223 : memref<128xf32, #tpu.memory_space<vmem>>) offsets(%dma_start3A_224 : memref<128xi32, #tpu.memory_space<vmem>>) semaphore(%arg23 : memref<!tpu.dma_semaphore, #tpu.memory_space<semaphore_mem>>)
      %mul3A_227 = arith.constant 1024 : i32
      %mul3A_228 = arith.muli %while3A_198, %mul3A_227 : i32
      %add3A_229 = arith.constant 384 : i32
      %add3A_230 = arith.addi %mul3A_228, %add3A_229 : i32
      %dma_start3A_231 = arith.constant 384 : i32
      %dma_start3A_232 = tpu.memref_slice %arg16[%dma_start3A_231] : memref<1024xf32, #tpu.memory_space<vmem>> -> memref<128xf32, #tpu.memory_space<vmem>>
      %dma_start3A_233 = tpu.memref_slice %arg9[%add3A_230] : memref<11264xi32, #tpu.memory_space<vmem>> -> memref<128xi32, #tpu.memory_space<vmem>>
      %dma_start3A_234 = arith.constant 0 : i32
      %dma_start3A_235 = tpu.memref_slice %arg6[%dma_start3A_234] : memref<10000xf32, #tpu.memory_space<hbm>> -> memref<10000xf32, #tpu.memory_space<hbm>>
      tpu.enqueue_indirect_dma source(%dma_start3A_235 : memref<10000xf32, #tpu.memory_space<hbm>>) target(%dma_start3A_232 : memref<128xf32, #tpu.memory_space<vmem>>) offsets(%dma_start3A_233 : memref<128xi32, #tpu.memory_space<vmem>>) semaphore(%arg23 : memref<!tpu.dma_semaphore, #tpu.memory_space<semaphore_mem>>)
      %mul3A_236 = arith.constant 1024 : i32
      %mul3A_237 = arith.muli %while3A_198, %mul3A_236 : i32
      %add3A_238 = arith.constant 512 : i32
      %add3A_239 = arith.addi %mul3A_237, %add3A_238 : i32
      %dma_start3A_240 = arith.constant 512 : i32
      %dma_start3A_241 = tpu.memref_slice %arg16[%dma_start3A_240] : memref<1024xf32, #tpu.memory_space<vmem>> -> memref<128xf32, #tpu.memory_space<vmem>>
      %dma_start3A_242 = tpu.memref_slice %arg9[%add3A_239] : memref<11264xi32, #tpu.memory_space<vmem>> -> memref<128xi32, #tpu.memory_space<vmem>>
      %dma_start3A_243 = arith.constant 0 : i32
      %dma_start3A_244 = tpu.memref_slice %arg6[%dma_start3A_243] : memref<10000xf32, #tpu.memory_space<hbm>> -> memref<10000xf32, #tpu.memory_space<hbm>>
      tpu.enqueue_indirect_dma source(%dma_start3A_244 : memref<10000xf32, #tpu.memory_space<hbm>>) target(%dma_start3A_241 : memref<128xf32, #tpu.memory_space<vmem>>) offsets(%dma_start3A_242 : memref<128xi32, #tpu.memory_space<vmem>>) semaphore(%arg23 : memref<!tpu.dma_semaphore, #tpu.memory_space<semaphore_mem>>)
      %mul3A_245 = arith.constant 1024 : i32
      %mul3A_246 = arith.muli %while3A_198, %mul3A_245 : i32
      %add3A_247 = arith.constant 640 : i32
      %add3A_248 = arith.addi %mul3A_246, %add3A_247 : i32
      %dma_start3A_249 = arith.constant 640 : i32
      %dma_start3A_250 = tpu.memref_slice %arg16[%dma_start3A_249] : memref<1024xf32, #tpu.memory_space<vmem>> -> memref<128xf32, #tpu.memory_space<vmem>>
      %dma_start3A_251 = tpu.memref_slice %arg9[%add3A_248] : memref<11264xi32, #tpu.memory_space<vmem>> -> memref<128xi32, #tpu.memory_space<vmem>>
      %dma_start3A_252 = arith.constant 0 : i32
      %dma_start3A_253 = tpu.memref_slice %arg6[%dma_start3A_252] : memref<10000xf32, #tpu.memory_space<hbm>> -> memref<10000xf32, #tpu.memory_space<hbm>>
      tpu.enqueue_indirect_dma source(%dma_start3A_253 : memref<10000xf32, #tpu.memory_space<hbm>>) target(%dma_start3A_250 : memref<128xf32, #tpu.memory_space<vmem>>) offsets(%dma_start3A_251 : memref<128xi32, #tpu.memory_space<vmem>>) semaphore(%arg23 : memref<!tpu.dma_semaphore, #tpu.memory_space<semaphore_mem>>)
      %mul3A_254 = arith.constant 1024 : i32
      %mul3A_255 = arith.muli %while3A_198, %mul3A_254 : i32
      %add3A_256 = arith.constant 768 : i32
      %add3A_257 = arith.addi %mul3A_255, %add3A_256 : i32
      %dma_start3A_258 = arith.constant 768 : i32
      %dma_start3A_259 = tpu.memref_slice %arg16[%dma_start3A_258] : memref<1024xf32, #tpu.memory_space<vmem>> -> memref<128xf32, #tpu.memory_space<vmem>>
      %dma_start3A_260 = tpu.memref_slice %arg9[%add3A_257] : memref<11264xi32, #tpu.memory_space<vmem>> -> memref<128xi32, #tpu.memory_space<vmem>>
      %dma_start3A_261 = arith.constant 0 : i32
      %dma_start3A_262 = tpu.memref_slice %arg6[%dma_start3A_261] : memref<10000xf32, #tpu.memory_space<hbm>> -> memref<10000xf32, #tpu.memory_space<hbm>>
      tpu.enqueue_indirect_dma source(%dma_start3A_262 : memref<10000xf32, #tpu.memory_space<hbm>>) target(%dma_start3A_259 : memref<128xf32, #tpu.memory_space<vmem>>) offsets(%dma_start3A_260 : memref<128xi32, #tpu.memory_space<vmem>>) semaphore(%arg23 : memref<!tpu.dma_semaphore, #tpu.memory_space<semaphore_mem>>)
      %mul3A_263 = arith.constant 1024 : i32
      %mul3A_264 = arith.muli %while3A_198, %mul3A_263 : i32
      %add3A_265 = arith.constant 896 : i32
      %add3A_266 = arith.addi %mul3A_264, %add3A_265 : i32
      %dma_start3A_267 = arith.constant 896 : i32
      %dma_start3A_268 = tpu.memref_slice %arg16[%dma_start3A_267] : memref<1024xf32, #tpu.memory_space<vmem>> -> memref<128xf32, #tpu.memory_space<vmem>>
      %dma_start3A_269 = tpu.memref_slice %arg9[%add3A_266] : memref<11264xi32, #tpu.memory_space<vmem>> -> memref<128xi32, #tpu.memory_space<vmem>>
      %dma_start3A_270 = arith.constant 0 : i32
      %dma_start3A_271 = tpu.memref_slice %arg6[%dma_start3A_270] : memref<10000xf32, #tpu.memory_space<hbm>> -> memref<10000xf32, #tpu.memory_space<hbm>>
      tpu.enqueue_indirect_dma source(%dma_start3A_271 : memref<10000xf32, #tpu.memory_space<hbm>>) target(%dma_start3A_268 : memref<128xf32, #tpu.memory_space<vmem>>) offsets(%dma_start3A_269 : memref<128xi32, #tpu.memory_space<vmem>>) semaphore(%arg23 : memref<!tpu.dma_semaphore, #tpu.memory_space<semaphore_mem>>)
      %dma_wait3A_272 = arith.constant 0 : i32
      %dma_wait3A_273 = tpu.memref_slice %arg16[%dma_wait3A_272] : memref<1024xf32, #tpu.memory_space<vmem>> -> memref<128xf32, #tpu.memory_space<vmem>>
      %dma_wait3A_274 = arith.constant 0 : i32
      %dma_wait3A_275 = tpu.memref_slice %arg9[%dma_wait3A_274] : memref<11264xi32, #tpu.memory_space<vmem>> -> memref<128xi32, #tpu.memory_space<vmem>>
      %dma_wait3A_276 = arith.constant 0 : i32
      %dma_wait3A_277 = tpu.memref_slice %arg6[%dma_wait3A_276] : memref<10000xf32, #tpu.memory_space<hbm>> -> memref<10000xf32, #tpu.memory_space<hbm>>
      tpu.wait_indirect_dma semaphore(%arg23 : memref<!tpu.dma_semaphore, #tpu.memory_space<semaphore_mem>>) src(%dma_wait3A_277 : memref<10000xf32, #tpu.memory_space<hbm>>) dst(%dma_wait3A_273 : memref<128xf32, #tpu.memory_space<vmem>>)
      %dma_wait3A_278 = arith.constant 128 : i32
      %dma_wait3A_279 = tpu.memref_slice %arg16[%dma_wait3A_278] : memref<1024xf32, #tpu.memory_space<vmem>> -> memref<128xf32, #tpu.memory_space<vmem>>
      %dma_wait3A_280 = arith.constant 0 : i32
      %dma_wait3A_281 = tpu.memref_slice %arg9[%dma_wait3A_280] : memref<11264xi32, #tpu.memory_space<vmem>> -> memref<128xi32, #tpu.memory_space<vmem>>
      %dma_wait3A_282 = arith.constant 0 : i32
      %dma_wait3A_283 = tpu.memref_slice %arg6[%dma_wait3A_282] : memref<10000xf32, #tpu.memory_space<hbm>> -> memref<10000xf32, #tpu.memory_space<hbm>>
      tpu.wait_indirect_dma semaphore(%arg23 : memref<!tpu.dma_semaphore, #tpu.memory_space<semaphore_mem>>) src(%dma_wait3A_283 : memref<10000xf32, #tpu.memory_space<hbm>>) dst(%dma_wait3A_279 : memref<128xf32, #tpu.memory_space<vmem>>)
      %dma_wait3A_284 = arith.constant 256 : i32
      %dma_wait3A_285 = tpu.memref_slice %arg16[%dma_wait3A_284] : memref<1024xf32, #tpu.memory_space<vmem>> -> memref<128xf32, #tpu.memory_space<vmem>>
      %dma_wait3A_286 = arith.constant 0 : i32
      %dma_wait3A_287 = tpu.memref_slice %arg9[%dma_wait3A_286] : memref<11264xi32, #tpu.memory_space<vmem>> -> memref<128xi32, #tpu.memory_space<vmem>>
      %dma_wait3A_288 = arith.constant 0 : i32
      %dma_wait3A_289 = tpu.memref_slice %arg6[%dma_wait3A_288] : memref<10000xf32, #tpu.memory_space<hbm>> -> memref<10000xf32, #tpu.memory_space<hbm>>
      tpu.wait_indirect_dma semaphore(%arg23 : memref<!tpu.dma_semaphore, #tpu.memory_space<semaphore_mem>>) src(%dma_wait3A_289 : memref<10000xf32, #tpu.memory_space<hbm>>) dst(%dma_wait3A_285 : memref<128xf32, #tpu.memory_space<vmem>>)
      %dma_wait3A_290 = arith.constant 384 : i32
      %dma_wait3A_291 = tpu.memref_slice %arg16[%dma_wait3A_290] : memref<1024xf32, #tpu.memory_space<vmem>> -> memref<128xf32, #tpu.memory_space<vmem>>
      %dma_wait3A_292 = arith.constant 0 : i32
      %dma_wait3A_293 = tpu.memref_slice %arg9[%dma_wait3A_292] : memref<11264xi32, #tpu.memory_space<vmem>> -> memref<128xi32, #tpu.memory_space<vmem>>
      %dma_wait3A_294 = arith.constant 0 : i32
      %dma_wait3A_295 = tpu.memref_slice %arg6[%dma_wait3A_294] : memref<10000xf32, #tpu.memory_space<hbm>> -> memref<10000xf32, #tpu.memory_space<hbm>>
      tpu.wait_indirect_dma semaphore(%arg23 : memref<!tpu.dma_semaphore, #tpu.memory_space<semaphore_mem>>) src(%dma_wait3A_295 : memref<10000xf32, #tpu.memory_space<hbm>>) dst(%dma_wait3A_291 : memref<128xf32, #tpu.memory_space<vmem>>)
      %dma_wait3A_296 = arith.constant 512 : i32
      %dma_wait3A_297 = tpu.memref_slice %arg16[%dma_wait3A_296] : memref<1024xf32, #tpu.memory_space<vmem>> -> memref<128xf32, #tpu.memory_space<vmem>>
      %dma_wait3A_298 = arith.constant 0 : i32
      %dma_wait3A_299 = tpu.memref_slice %arg9[%dma_wait3A_298] : memref<11264xi32, #tpu.memory_space<vmem>> -> memref<128xi32, #tpu.memory_space<vmem>>
      %dma_wait3A_300 = arith.constant 0 : i32
      %dma_wait3A_301 = tpu.memref_slice %arg6[%dma_wait3A_300] : memref<10000xf32, #tpu.memory_space<hbm>> -> memref<10000xf32, #tpu.memory_space<hbm>>
      tpu.wait_indirect_dma semaphore(%arg23 : memref<!tpu.dma_semaphore, #tpu.memory_space<semaphore_mem>>) src(%dma_wait3A_301 : memref<10000xf32, #tpu.memory_space<hbm>>) dst(%dma_wait3A_297 : memref<128xf32, #tpu.memory_space<vmem>>)
      %dma_wait3A_302 = arith.constant 640 : i32
      %dma_wait3A_303 = tpu.memref_slice %arg16[%dma_wait3A_302] : memref<1024xf32, #tpu.memory_space<vmem>> -> memref<128xf32, #tpu.memory_space<vmem>>
      %dma_wait3A_304 = arith.constant 0 : i32
      %dma_wait3A_305 = tpu.memref_slice %arg9[%dma_wait3A_304] : memref<11264xi32, #tpu.memory_space<vmem>> -> memref<128xi32, #tpu.memory_space<vmem>>
      %dma_wait3A_306 = arith.constant 0 : i32
      %dma_wait3A_307 = tpu.memref_slice %arg6[%dma_wait3A_306] : memref<10000xf32, #tpu.memory_space<hbm>> -> memref<10000xf32, #tpu.memory_space<hbm>>
      tpu.wait_indirect_dma semaphore(%arg23 : memref<!tpu.dma_semaphore, #tpu.memory_space<semaphore_mem>>) src(%dma_wait3A_307 : memref<10000xf32, #tpu.memory_space<hbm>>) dst(%dma_wait3A_303 : memref<128xf32, #tpu.memory_space<vmem>>)
      %dma_wait3A_308 = arith.constant 768 : i32
      %dma_wait3A_309 = tpu.memref_slice %arg16[%dma_wait3A_308] : memref<1024xf32, #tpu.memory_space<vmem>> -> memref<128xf32, #tpu.memory_space<vmem>>
      %dma_wait3A_310 = arith.constant 0 : i32
      %dma_wait3A_311 = tpu.memref_slice %arg9[%dma_wait3A_310] : memref<11264xi32, #tpu.memory_space<vmem>> -> memref<128xi32, #tpu.memory_space<vmem>>
      %dma_wait3A_312 = arith.constant 0 : i32
      %dma_wait3A_313 = tpu.memref_slice %arg6[%dma_wait3A_312] : memref<10000xf32, #tpu.memory_space<hbm>> -> memref<10000xf32, #tpu.memory_space<hbm>>
      tpu.wait_indirect_dma semaphore(%arg23 : memref<!tpu.dma_semaphore, #tpu.memory_space<semaphore_mem>>) src(%dma_wait3A_313 : memref<10000xf32, #tpu.memory_space<hbm>>) dst(%dma_wait3A_309 : memref<128xf32, #tpu.memory_space<vmem>>)
      %dma_wait3A_314 = arith.constant 896 : i32
      %dma_wait3A_315 = tpu.memref_slice %arg16[%dma_wait3A_314] : memref<1024xf32, #tpu.memory_space<vmem>> -> memref<128xf32, #tpu.memory_space<vmem>>
      %dma_wait3A_316 = arith.constant 0 : i32
      %dma_wait3A_317 = tpu.memref_slice %arg9[%dma_wait3A_316] : memref<11264xi32, #tpu.memory_space<vmem>> -> memref<128xi32, #tpu.memory_space<vmem>>
      %dma_wait3A_318 = arith.constant 0 : i32
      %dma_wait3A_319 = tpu.memref_slice %arg6[%dma_wait3A_318] : memref<10000xf32, #tpu.memory_space<hbm>> -> memref<10000xf32, #tpu.memory_space<hbm>>
      tpu.wait_indirect_dma semaphore(%arg23 : memref<!tpu.dma_semaphore, #tpu.memory_space<semaphore_mem>>) src(%dma_wait3A_319 : memref<10000xf32, #tpu.memory_space<hbm>>) dst(%dma_wait3A_315 : memref<128xf32, #tpu.memory_space<vmem>>)
      %scan3A_320 = arith.constant 0 : i32
      %scan3A_321 = arith.constant 64 : i32
      %scan3A_322 = arith.addi %scan3A_320, %scan3A_321 : i32
      %scan3A_323 = arith.constant 1 : i32
      %scan3A_324 = scf.for %scan3A_326 = %scan3A_320 to %scan3A_322 step %scan3A_323 iter_args(%scan3A_327 = %while3A_199) -> (vector<16xf32>)  : i32 {
        %mul3A_328 = arith.constant 1024 : i32
        %mul3A_329 = arith.muli %while3A_198, %mul3A_328 : i32
        %mul3A_330 = arith.constant 16 : i32
        %mul3A_331 = arith.muli %scan3A_326, %mul3A_330 : i32
        %add3A_332 = arith.addi %mul3A_329, %mul3A_331 : i32
        %mul3A_333 = arith.constant 16 : i32
        %mul3A_334 = arith.muli %scan3A_326, %mul3A_333 : i32
        %get3A_335 = arith.index_cast %mul3A_334 : i32 to index
        %get3A_336 = tpu.vector_load %arg16[%get3A_335] {strides = array<i32>} : memref<1024xf32, #tpu.memory_space<vmem>>, vector<16xf32>,
        %get3A_337 = arith.index_cast %add3A_332 : i32 to index
        %get3A_338 = tpu.vector_load %arg10[%get3A_337] {strides = array<i32>} : memref<11264xi32, #tpu.memory_space<vmem>>, vector<16xi32>,
        %add3A_339 = arith.addi %get3A_338, %broadcast_in_dim3A_90 : vector<16xi32>
        %gather3A = tpu.vector_load_idx %arg17[%add3A_339] : memref<336xf32, #tpu.memory_space<vmem>>[vector<16xi32>], vector<16xf32>,
        %add3A_340 = arith.addf %get3A_336, %gather3A : vector<16xf32>
        %ge3A = arith.constant 0.000000e+00 : f32
        %ge3A_341 = vector.broadcast %ge3A : f32 to vector<16xf32>
        %ge3A_342 = arith.cmpf oge, %add3A_340, %ge3A_341 : vector<16xf32>
        %mul3A_343 = arith.constant 2.000000e-01 : f32
        %mul3A_344 = vector.broadcast %mul3A_343 : f32 to vector<16xf32>
        %mul3A_345 = arith.mulf %mul3A_344, %add3A_340 : vector<16xf32>
        %select_n3A_346 = arith.select %ge3A_342, %add3A_340, %mul3A_345 : vector<16xi1>, vector<16xf32>
        %swap3A = arith.index_cast %add3A_332 : i32 to index
        %swap3A_347 = tpu.vector_load %arg11[%swap3A] {strides = array<i32>} : memref<11264xf32, #tpu.memory_space<vmem>>, vector<16xf32>,
        tpu.vector_store %arg11[%swap3A], %select_n3A_346 {strides = array<i32>} : memref<11264xf32, #tpu.memory_space<vmem>>, vector<16xf32>,
        %broadcast_in_dim3A_348 = vector.broadcast %add3A_332 : i32 to vector<16xi32>
        %add3A_349 = arith.addi %broadcast_in_dim3A_348, %iota3A : vector<16xi32>
        %lt3A = arith.cmpi slt, %add3A_349, %broadcast_in_dim3A_14 : vector<16xi32>
        %jit3A_350 = arith.constant -3.000000e+38 : f32
        %broadcast_in_dim3A_351 = vector.broadcast %jit3A_350 : f32 to vector<16xf32>
        %select_n3A_352 = arith.select %lt3A, %select_n3A_346, %broadcast_in_dim3A_351 : vector<16xi1>, vector<16xf32>
        %max3A = arith.maximumf %scan3A_327, %select_n3A_352 : vector<16xf32>
        scf.yield %max3A : vector<16xf32>
      }
      %scan3A_325 = arith.constant 64 : i32
      scf.yield %scan3A_324 : vector<16xf32>
    }
    %reduce_max3A_103 = arith.constant true
    %reduce_max3A_104 = vector.broadcast %reduce_max3A_103 : i1 to vector<16xi1>
    %reduce_max3A_105 = tpu.scan <max>, %while3A_102 masked %reduce_max3A_104 : vector<16xf32>, vector<16xi1> -> vector<16xf32>
    %reduce_max3A_106 = vector.extract %reduce_max3A_105[15] : f32 from vector<16xf32>
    %broadcast_in_dim3A_107 = vector.broadcast %reduce_max3A_106 : f32 to vector<16xf32>
    %scan3A = arith.constant 0 : i32
    %scan3A_108 = arith.constant 0 : i32
    %scan3A_109 = arith.constant 20 : i32
    %scan3A_110 = arith.addi %scan3A_108, %scan3A_109 : i32
    %scan3A_111 = arith.constant 1 : i32
    %scan3A_112 = scf.for %scan3A_198 = %scan3A_108 to %scan3A_110 step %scan3A_111 iter_args(%scan3A_199 = %scan3A) -> (i32)  : i32 {
      %mul3A_200 = arith.constant 16 : i32
      %mul3A_201 = arith.muli %scan3A_198, %mul3A_200 : i32
      %swap3A = arith.index_cast %mul3A_201 : i32 to index
      %swap3A_202 = tpu.vector_load %arg18[%swap3A] {strides = array<i32>} : memref<320xf32, #tpu.memory_space<vmem>>, vector<16xf32>,
      tpu.vector_store %arg18[%swap3A], %broadcast_in_dim3A_5 {strides = array<i32>} : memref<320xf32, #tpu.memory_space<vmem>>, vector<16xf32>,
      %scan3A_203 = arith.constant 0 : i32
      scf.yield %scan3A_203 : i32
    }
    %scan3A_113 = arith.constant 20 : i32
    %mul3A_114 = arith.constant 64 : i32
    %mul3A_115 = arith.muli %select_n3A_62, %mul3A_114 : i32
    %while3A_116 = arith.constant 0 : i32
    %while3A_117 = arith.constant 0 : i32
    %while3A_118 = arith.subi %mul3A_115, %while3A_116 : i32
    %while3A_119 = arith.addi %while3A_116, %while3A_118 : i32
    %while3A_120 = arith.constant 1 : i32
    %while3A_121 = arith.divsi %while3A_118, %while3A_120 : i32
    %while3A_122 = arith.muli %while3A_121, %while3A_120 : i32
    %while3A_123 = arith.addi %while3A_116, %while3A_122 : i32
    %while3A_124 = arith.constant 1 : i32
    %while3A_125 = scf.for %while3A_198 = %while3A_116 to %while3A_123 step %while3A_124 iter_args(%while3A_199 = %while3A_117) -> (i32)  : i32 {
      %mul3A_200 = arith.constant 16 : i32
      %mul3A_201 = arith.muli %while3A_198, %mul3A_200 : i32
      %get3A_202 = arith.index_cast %mul3A_201 : i32 to index
      %get3A_203 = tpu.vector_load %arg11[%get3A_202] {strides = array<i32>} : memref<11264xf32, #tpu.memory_space<vmem>>, vector<16xf32>,
      %get3A_204 = arith.index_cast %mul3A_201 : i32 to index
      %get3A_205 = tpu.vector_load %arg10[%get3A_204] {strides = array<i32>} : memref<11264xi32, #tpu.memory_space<vmem>>, vector<16xi32>,
      %broadcast_in_dim3A_206 = vector.broadcast %mul3A_201 : i32 to vector<16xi32>
      %add3A_207 = arith.addi %broadcast_in_dim3A_206, %iota3A : vector<16xi32>
      %lt3A = arith.cmpi slt, %add3A_207, %broadcast_in_dim3A_14 : vector<16xi32>
      %sub3A_208 = arith.subf %get3A_203, %broadcast_in_dim3A_107 : vector<16xf32>
      %exp3A = math.exp %sub3A_208 : vector<16xf32>
      %jit3A_209 = arith.constant 0.000000e+00 : f32
      %broadcast_in_dim3A_210 = vector.broadcast %jit3A_209 : f32 to vector<16xf32>
      %select_n3A_211 = arith.select %lt3A, %exp3A, %broadcast_in_dim3A_210 : vector<16xi1>, vector<16xf32>
      %swap3A = arith.index_cast %mul3A_201 : i32 to index
      %swap3A_212 = tpu.vector_load %arg11[%swap3A] {strides = array<i32>} : memref<11264xf32, #tpu.memory_space<vmem>>, vector<16xf32>,
      tpu.vector_store %arg11[%swap3A], %select_n3A_211 {strides = array<i32>} : memref<11264xf32, #tpu.memory_space<vmem>>, vector<16xf32>,
      tpu.vector_store_idx %arg18[%get3A_205], %select_n3A_211 masked %lt3A {add = true} : memref<320xf32, #tpu.memory_space<vmem>>[vector<16xi32>], vector<16xf32>, vector<16xi1>
      %while3A_213 = arith.constant 0 : i32
      scf.yield %while3A_213 : i32
    }
    %while3A_126 = arith.constant 1 : i32
    %while3A_127 = scf.for %while3A_198 = %while3A_123 to %while3A_119 step %while3A_126 iter_args(%while3A_199 = %while3A_125) -> (i32)  : i32 {
      %mul3A_200 = arith.constant 16 : i32
      %mul3A_201 = arith.muli %while3A_198, %mul3A_200 : i32
      %get3A_202 = arith.index_cast %mul3A_201 : i32 to index
      %get3A_203 = tpu.vector_load %arg11[%get3A_202] {strides = array<i32>} : memref<11264xf32, #tpu.memory_space<vmem>>, vector<16xf32>,
      %get3A_204 = arith.index_cast %mul3A_201 : i32 to index
      %get3A_205 = tpu.vector_load %arg10[%get3A_204] {strides = array<i32>} : memref<11264xi32, #tpu.memory_space<vmem>>, vector<16xi32>,
      %broadcast_in_dim3A_206 = vector.broadcast %mul3A_201 : i32 to vector<16xi32>
      %add3A_207 = arith.addi %broadcast_in_dim3A_206, %iota3A : vector<16xi32>
      %lt3A = arith.cmpi slt, %add3A_207, %broadcast_in_dim3A_14 : vector<16xi32>
      %sub3A_208 = arith.subf %get3A_203, %broadcast_in_dim3A_107 : vector<16xf32>
      %exp3A = math.exp %sub3A_208 : vector<16xf32>
      %jit3A_209 = arith.constant 0.000000e+00 : f32
      %broadcast_in_dim3A_210 = vector.broadcast %jit3A_209 : f32 to vector<16xf32>
      %select_n3A_211 = arith.select %lt3A, %exp3A, %broadcast_in_dim3A_210 : vector<16xi1>, vector<16xf32>
      %swap3A = arith.index_cast %mul3A_201 : i32 to index
      %swap3A_212 = tpu.vector_load %arg11[%swap3A] {strides = array<i32>} : memref<11264xf32, #tpu.memory_space<vmem>>, vector<16xf32>,
      tpu.vector_store %arg11[%swap3A], %select_n3A_211 {strides = array<i32>} : memref<11264xf32, #tpu.memory_space<vmem>>, vector<16xf32>,
      tpu.vector_store_idx %arg18[%get3A_205], %select_n3A_211 masked %lt3A {add = true} : memref<320xf32, #tpu.memory_space<vmem>>[vector<16xi32>], vector<16xf32>, vector<16xi1>
      %while3A_213 = arith.constant 0 : i32
      scf.yield %while3A_213 : i32
    }
    %mul3A_128 = arith.constant 64 : i32
    %mul3A_129 = arith.muli %select_n3A_62, %mul3A_128 : i32
    %while3A_130 = arith.constant 0 : i32
    %while3A_131 = arith.constant 0 : i32
    %while3A_132 = arith.subi %mul3A_129, %while3A_130 : i32
    %while3A_133 = arith.addi %while3A_130, %while3A_132 : i32
    %while3A_134 = arith.constant 1 : i32
    %while3A_135 = arith.divsi %while3A_132, %while3A_134 : i32
    %while3A_136 = arith.muli %while3A_135, %while3A_134 : i32
    %while3A_137 = arith.addi %while3A_130, %while3A_136 : i32
    %while3A_138 = arith.constant 1 : i32
    %while3A_139 = scf.for %while3A_198 = %while3A_130 to %while3A_137 step %while3A_138 iter_args(%while3A_199 = %while3A_131) -> (i32)  : i32 {
      %mul3A_200 = arith.constant 16 : i32
      %mul3A_201 = arith.muli %while3A_198, %mul3A_200 : i32
      %get3A_202 = arith.index_cast %mul3A_201 : i32 to index
      %get3A_203 = tpu.vector_load %arg11[%get3A_202] {strides = array<i32>} : memref<11264xf32, #tpu.memory_space<vmem>>, vector<16xf32>,
      %get3A_204 = arith.index_cast %mul3A_201 : i32 to index
      %get3A_205 = tpu.vector_load %arg10[%get3A_204] {strides = array<i32>} : memref<11264xi32, #tpu.memory_space<vmem>>, vector<16xi32>,
      %gather3A = tpu.vector_load_idx %arg18[%get3A_205] : memref<320xf32, #tpu.memory_space<vmem>>[vector<16xi32>], vector<16xf32>,
      %add3A_206 = arith.constant 1.000000e-16 : f32
      %add3A_207 = vector.broadcast %add3A_206 : f32 to vector<16xf32>
      %add3A_208 = arith.addf %gather3A, %add3A_207 : vector<16xf32>
      %div3A_209 = arith.divf %get3A_203, %add3A_208 : vector<16xf32>
      %swap3A = arith.index_cast %mul3A_201 : i32 to index
      %swap3A_210 = tpu.vector_load %arg11[%swap3A] {strides = array<i32>} : memref<11264xf32, #tpu.memory_space<vmem>>, vector<16xf32>,
      tpu.vector_store %arg11[%swap3A], %div3A_209 {strides = array<i32>} : memref<11264xf32, #tpu.memory_space<vmem>>, vector<16xf32>,
      %while3A_211 = arith.constant 0 : i32
      scf.yield %while3A_211 : i32
    }
    %while3A_140 = arith.constant 1 : i32
    %while3A_141 = scf.for %while3A_198 = %while3A_137 to %while3A_133 step %while3A_140 iter_args(%while3A_199 = %while3A_139) -> (i32)  : i32 {
      %mul3A_200 = arith.constant 16 : i32
      %mul3A_201 = arith.muli %while3A_198, %mul3A_200 : i32
      %get3A_202 = arith.index_cast %mul3A_201 : i32 to index
      %get3A_203 = tpu.vector_load %arg11[%get3A_202] {strides = array<i32>} : memref<11264xf32, #tpu.memory_space<vmem>>, vector<16xf32>,
      %get3A_204 = arith.index_cast %mul3A_201 : i32 to index
      %get3A_205 = tpu.vector_load %arg10[%get3A_204] {strides = array<i32>} : memref<11264xi32, #tpu.memory_space<vmem>>, vector<16xi32>,
      %gather3A = tpu.vector_load_idx %arg18[%get3A_205] : memref<320xf32, #tpu.memory_space<vmem>>[vector<16xi32>], vector<16xf32>,
      %add3A_206 = arith.constant 1.000000e-16 : f32
      %add3A_207 = vector.broadcast %add3A_206 : f32 to vector<16xf32>
      %add3A_208 = arith.addf %gather3A, %add3A_207 : vector<16xf32>
      %div3A_209 = arith.divf %get3A_203, %add3A_208 : vector<16xf32>
      %swap3A = arith.index_cast %mul3A_201 : i32 to index
      %swap3A_210 = tpu.vector_load %arg11[%swap3A] {strides = array<i32>} : memref<11264xf32, #tpu.memory_space<vmem>>, vector<16xf32>,
      tpu.vector_store %arg11[%swap3A], %div3A_209 {strides = array<i32>} : memref<11264xf32, #tpu.memory_space<vmem>>, vector<16xf32>,
      %while3A_211 = arith.constant 0 : i32
      scf.yield %while3A_211 : i32
    }
    %scan3A_142 = arith.constant 0 : i32
    %scan3A_143 = arith.constant 0 : i32
    %scan3A_144 = arith.constant 2504 : i32
    %scan3A_145 = arith.addi %scan3A_143, %scan3A_144 : i32
    %scan3A_146 = arith.constant 1 : i32
    %scan3A_147 = scf.for %scan3A_198 = %scan3A_143 to %scan3A_145 step %scan3A_146 iter_args(%scan3A_199 = %scan3A_142) -> (i32)  : i32 {
      %mul3A_200 = arith.constant 16 : i32
      %mul3A_201 = arith.muli %scan3A_198, %mul3A_200 : i32
      %swap3A = arith.index_cast %mul3A_201 : i32 to index
      %swap3A_202 = tpu.vector_load %arg19[%swap3A] {strides = array<i32>} : memref<40064xf32, #tpu.memory_space<vmem>>, vector<16xf32>,
      tpu.vector_store %arg19[%swap3A], %broadcast_in_dim3A_5 {strides = array<i32>} : memref<40064xf32, #tpu.memory_space<vmem>>, vector<16xf32>,
      %scan3A_203 = arith.constant 0 : i32
      scf.yield %scan3A_203 : i32
    }
    %scan3A_148 = arith.constant 2504 : i32
    %jit3A_149 = arith.constant 32 : i32
    %div3A_150 = arith.divsi %mul3A_34, %jit3A_149 : i32
    %sign3A_151 = arith.constant 0 : i32
    %sign3A_152 = arith.cmpi sgt, %mul3A_34, %sign3A_151 : i32
    %sign3A_153 = arith.extui %sign3A_152 : i1 to i32
    %sign3A_154 = arith.constant 0 : i32
    %sign3A_155 = arith.cmpi slt, %mul3A_34, %sign3A_154 : i32
    %sign3A_156 = arith.extui %sign3A_155 : i1 to i32
    %sign3A_157 = arith.subi %sign3A_153, %sign3A_156 : i32
    %sign3A_158 = arith.constant 0 : i32
    %sign3A_159 = arith.cmpi sgt, %jit3A_149, %sign3A_158 : i32
    %sign3A_160 = arith.extui %sign3A_159 : i1 to i32
    %sign3A_161 = arith.constant 0 : i32
    %sign3A_162 = arith.cmpi slt, %jit3A_149, %sign3A_161 : i32
    %sign3A_163 = arith.extui %sign3A_162 : i1 to i32
    %sign3A_164 = arith.subi %sign3A_160, %sign3A_163 : i32
    %ne3A_165 = arith.cmpi ne, %sign3A_157, %sign3A_164 : i32
    %rem3A_166 = arith.remsi %mul3A_34, %jit3A_149 : i32
    %ne3A_167 = arith.constant 0 : i32
    %ne3A_168 = arith.cmpi ne, %rem3A_166, %ne3A_167 : i32
    %and3A_169 = arith.andi %ne3A_165, %ne3A_168 : i1
    %sub3A_170 = arith.constant 1 : i32
    %sub3A_171 = arith.subi %div3A_150, %sub3A_170 : i32
    %select_n3A_172 = arith.select %and3A_169, %sub3A_171, %div3A_150 : i32
    %dma_start3A = arith.constant 0 : i32
    %dma_start3A_173 = tpu.memref_slice %arg9[%dma_start3A] : memref<11264xi32, #tpu.memory_space<vmem>> -> memref<16xi32, #tpu.memory_space<vmem>>
    %dma_start3A_174 = arith.constant 0 : i32
    %dma_start3A_175 = arith.constant 0 : i32
    %dma_start3A_176 = tpu.memref_slice %arg5[%dma_start3A_174, %dma_start3A_175] : memref<10000x128xf32, #tpu.memory_space<hbm>> -> memref<10000x128xf32, #tpu.memory_space<hbm>>
    tpu.enqueue_indirect_dma source(%dma_start3A_176 : memref<10000x128xf32, #tpu.memory_space<hbm>>) target(%arg20 : memref<16x128xf32, #tpu.memory_space<vmem>>) offsets(%dma_start3A_173 : memref<16xi32, #tpu.memory_space<vmem>>) semaphore(%arg27 : memref<!tpu.dma_semaphore, #tpu.memory_space<semaphore_mem>>)
    %while3A_177 = arith.constant 0 : i32
    %while3A_178 = arith.constant 0 : i32
    %while3A_179 = arith.subi %select_n3A_172, %while3A_177 : i32
    %while3A_180 = arith.addi %while3A_177, %while3A_179 : i32
    %while3A_181 = arith.constant 1 : i32
    %while3A_182 = arith.divsi %while3A_179, %while3A_181 : i32
    %while3A_183 = arith.muli %while3A_182, %while3A_181 : i32
    %while3A_184 = arith.addi %while3A_177, %while3A_183 : i32
    %while3A_185 = arith.constant 1 : i32
    %while3A_186 = scf.for %while3A_198 = %while3A_177 to %while3A_184 step %while3A_185 iter_args(%while3A_199 = %while3A_178) -> (i32)  : i32 {
      %mul3A_200 = arith.constant 2 : i32
      %mul3A_201 = arith.muli %while3A_198, %mul3A_200 : i32
      %mul3A_202 = arith.constant 16 : i32
      %mul3A_203 = arith.muli %mul3A_201, %mul3A_202 : i32
      %dma_wait3A_204 = tpu.memref_slice %arg9[%mul3A_203] : memref<11264xi32, #tpu.memory_space<vmem>> -> memref<16xi32, #tpu.memory_space<vmem>>
      %dma_wait3A_205 = arith.constant 0 : i32
      %dma_wait3A_206 = arith.constant 0 : i32
      %dma_wait3A_207 = tpu.memref_slice %arg5[%dma_wait3A_205, %dma_wait3A_206] : memref<10000x128xf32, #tpu.memory_space<hbm>> -> memref<10000x128xf32, #tpu.memory_space<hbm>>
      tpu.wait_indirect_dma semaphore(%arg27 : memref<!tpu.dma_semaphore, #tpu.memory_space<semaphore_mem>>) src(%dma_wait3A_207 : memref<10000x128xf32, #tpu.memory_space<hbm>>) dst(%arg20 : memref<16x128xf32, #tpu.memory_space<vmem>>)
      %add3A_208 = arith.constant 1 : i32
      %add3A_209 = arith.addi %mul3A_201, %add3A_208 : i32
      %mul3A_210 = arith.constant 16 : i32
      %mul3A_211 = arith.muli %add3A_209, %mul3A_210 : i32
      %dma_start3A_212 = tpu.memref_slice %arg9[%mul3A_211] : memref<11264xi32, #tpu.memory_space<vmem>> -> memref<16xi32, #tpu.memory_space<vmem>>
      %dma_start3A_213 = arith.constant 0 : i32
      %dma_start3A_214 = arith.constant 0 : i32
      %dma_start3A_215 = tpu.memref_slice %arg5[%dma_start3A_213, %dma_start3A_214] : memref<10000x128xf32, #tpu.memory_space<hbm>> -> memref<10000x128xf32, #tpu.memory_space<hbm>>
      tpu.enqueue_indirect_dma source(%dma_start3A_215 : memref<10000x128xf32, #tpu.memory_space<hbm>>) target(%arg21 : memref<16x128xf32, #tpu.memory_space<vmem>>) offsets(%dma_start3A_212 : memref<16xi32, #tpu.memory_space<vmem>>) semaphore(%arg28 : memref<!tpu.dma_semaphore, #tpu.memory_space<semaphore_mem>>)
      %scan3A_216 = arith.constant 0 : i32
      %scan3A_217 = arith.constant 0 : i32
      %scan3A_218 = arith.constant 16 : i32
      %scan3A_219 = arith.addi %scan3A_217, %scan3A_218 : i32
      %scan3A_220 = arith.constant 1 : i32
      %scan3A_221 = scf.for %scan3A_249 = %scan3A_217 to %scan3A_219 step %scan3A_220 iter_args(%scan3A_250 = %scan3A_216) -> (i32)  : i32 {
        %mul3A_251 = arith.constant 16 : i32
        %mul3A_252 = arith.muli %mul3A_201, %mul3A_251 : i32
        %add3A_253 = arith.addi %mul3A_252, %scan3A_249 : i32
        %broadcast_in_dim3A_254 = vector.broadcast %add3A_253 : i32 to vector<16xi32>
        %gather3A = tpu.vector_load_idx %arg11[%broadcast_in_dim3A_254] : memref<11264xf32, #tpu.memory_space<vmem>>[vector<16xi32>], vector<16xf32>,
        %gather3A_255 = tpu.vector_load_idx %arg10[%broadcast_in_dim3A_254] : memref<11264xi32, #tpu.memory_space<vmem>>[vector<16xi32>], vector<16xi32>,
        %mul3A_256 = arith.constant 128 : i32
        %mul3A_257 = vector.broadcast %mul3A_256 : i32 to vector<16xi32>
        %mul3A_258 = arith.muli %gather3A_255, %mul3A_257 : vector<16xi32>
        %get3A_259 = arith.index_cast %scan3A_249 : i32 to index
        %get3A_260 = arith.constant 0 : index
        %get3A_261 = tpu.vector_load %arg20[%get3A_259, %get3A_260] {strides = array<i32>} : memref<16x128xf32, #tpu.memory_space<vmem>>, vector<16xf32>,
        %add3A_262 = arith.constant 0 : i32
        %add3A_263 = vector.broadcast %add3A_262 : i32 to vector<16xi32>
        %add3A_264 = arith.addi %add3A_263, %iota3A : vector<16xi32>
        %add3A_265 = arith.addi %mul3A_258, %add3A_264 : vector<16xi32>
        %mul3A_266 = arith.mulf %get3A_261, %gather3A : vector<16xf32>
        tpu.vector_store_idx %arg19[%add3A_265], %mul3A_266 {add = true} : memref<40064xf32, #tpu.memory_space<vmem>>[vector<16xi32>], vector<16xf32>,
        %get3A_267 = arith.index_cast %scan3A_249 : i32 to index
        %get3A_268 = arith.constant 16 : index
        %get3A_269 = tpu.vector_load %arg20[%get3A_267, %get3A_268] {strides = array<i32>} : memref<16x128xf32, #tpu.memory_space<vmem>>, vector<16xf32>,
        %add3A_270 = arith.constant 16 : i32
        %add3A_271 = vector.broadcast %add3A_270 : i32 to vector<16xi32>
        %add3A_272 = arith.addi %add3A_271, %iota3A : vector<16xi32>
        %add3A_273 = arith.addi %mul3A_258, %add3A_272 : vector<16xi32>
        %mul3A_274 = arith.mulf %get3A_269, %gather3A : vector<16xf32>
        tpu.vector_store_idx %arg19[%add3A_273], %mul3A_274 {add = true} : memref<40064xf32, #tpu.memory_space<vmem>>[vector<16xi32>], vector<16xf32>,
        %get3A_275 = arith.index_cast %scan3A_249 : i32 to index
        %get3A_276 = arith.constant 32 : index
        %get3A_277 = tpu.vector_load %arg20[%get3A_275, %get3A_276] {strides = array<i32>} : memref<16x128xf32, #tpu.memory_space<vmem>>, vector<16xf32>,
        %add3A_278 = arith.constant 32 : i32
        %add3A_279 = vector.broadcast %add3A_278 : i32 to vector<16xi32>
        %add3A_280 = arith.addi %add3A_279, %iota3A : vector<16xi32>
        %add3A_281 = arith.addi %mul3A_258, %add3A_280 : vector<16xi32>
        %mul3A_282 = arith.mulf %get3A_277, %gather3A : vector<16xf32>
        tpu.vector_store_idx %arg19[%add3A_281], %mul3A_282 {add = true} : memref<40064xf32, #tpu.memory_space<vmem>>[vector<16xi32>], vector<16xf32>,
        %get3A_283 = arith.index_cast %scan3A_249 : i32 to index
        %get3A_284 = arith.constant 48 : index
        %get3A_285 = tpu.vector_load %arg20[%get3A_283, %get3A_284] {strides = array<i32>} : memref<16x128xf32, #tpu.memory_space<vmem>>, vector<16xf32>,
        %add3A_286 = arith.constant 48 : i32
        %add3A_287 = vector.broadcast %add3A_286 : i32 to vector<16xi32>
        %add3A_288 = arith.addi %add3A_287, %iota3A : vector<16xi32>
        %add3A_289 = arith.addi %mul3A_258, %add3A_288 : vector<16xi32>
        %mul3A_290 = arith.mulf %get3A_285, %gather3A : vector<16xf32>
        tpu.vector_store_idx %arg19[%add3A_289], %mul3A_290 {add = true} : memref<40064xf32, #tpu.memory_space<vmem>>[vector<16xi32>], vector<16xf32>,
        %get3A_291 = arith.index_cast %scan3A_249 : i32 to index
        %get3A_292 = arith.constant 64 : index
        %get3A_293 = tpu.vector_load %arg20[%get3A_291, %get3A_292] {strides = array<i32>} : memref<16x128xf32, #tpu.memory_space<vmem>>, vector<16xf32>,
        %add3A_294 = arith.constant 64 : i32
        %add3A_295 = vector.broadcast %add3A_294 : i32 to vector<16xi32>
        %add3A_296 = arith.addi %add3A_295, %iota3A : vector<16xi32>
        %add3A_297 = arith.addi %mul3A_258, %add3A_296 : vector<16xi32>
        %mul3A_298 = arith.mulf %get3A_293, %gather3A : vector<16xf32>
        tpu.vector_store_idx %arg19[%add3A_297], %mul3A_298 {add = true} : memref<40064xf32, #tpu.memory_space<vmem>>[vector<16xi32>], vector<16xf32>,
        %get3A_299 = arith.index_cast %scan3A_249 : i32 to index
        %get3A_300 = arith.constant 80 : index
        %get3A_301 = tpu.vector_load %arg20[%get3A_299, %get3A_300] {strides = array<i32>} : memref<16x128xf32, #tpu.memory_space<vmem>>, vector<16xf32>,
        %add3A_302 = arith.constant 80 : i32
        %add3A_303 = vector.broadcast %add3A_302 : i32 to vector<16xi32>
        %add3A_304 = arith.addi %add3A_303, %iota3A : vector<16xi32>
        %add3A_305 = arith.addi %mul3A_258, %add3A_304 : vector<16xi32>
        %mul3A_306 = arith.mulf %get3A_301, %gather3A : vector<16xf32>
        tpu.vector_store_idx %arg19[%add3A_305], %mul3A_306 {add = true} : memref<40064xf32, #tpu.memory_space<vmem>>[vector<16xi32>], vector<16xf32>,
        %get3A_307 = arith.index_cast %scan3A_249 : i32 to index
        %get3A_308 = arith.constant 96 : index
        %get3A_309 = tpu.vector_load %arg20[%get3A_307, %get3A_308] {strides = array<i32>} : memref<16x128xf32, #tpu.memory_space<vmem>>, vector<16xf32>,
        %add3A_310 = arith.constant 96 : i32
        %add3A_311 = vector.broadcast %add3A_310 : i32 to vector<16xi32>
        %add3A_312 = arith.addi %add3A_311, %iota3A : vector<16xi32>
        %add3A_313 = arith.addi %mul3A_258, %add3A_312 : vector<16xi32>
        %mul3A_314 = arith.mulf %get3A_309, %gather3A : vector<16xf32>
        tpu.vector_store_idx %arg19[%add3A_313], %mul3A_314 {add = true} : memref<40064xf32, #tpu.memory_space<vmem>>[vector<16xi32>], vector<16xf32>,
        %get3A_315 = arith.index_cast %scan3A_249 : i32 to index
        %get3A_316 = arith.constant 112 : index
        %get3A_317 = tpu.vector_load %arg20[%get3A_315, %get3A_316] {strides = array<i32>} : memref<16x128xf32, #tpu.memory_space<vmem>>, vector<16xf32>,
        %add3A_318 = arith.constant 112 : i32
        %add3A_319 = vector.broadcast %add3A_318 : i32 to vector<16xi32>
        %add3A_320 = arith.addi %add3A_319, %iota3A : vector<16xi32>
        %add3A_321 = arith.addi %mul3A_258, %add3A_320 : vector<16xi32>
        %mul3A_322 = arith.mulf %get3A_317, %gather3A : vector<16xf32>
        tpu.vector_store_idx %arg19[%add3A_321], %mul3A_322 {add = true} : memref<40064xf32, #tpu.memory_space<vmem>>[vector<16xi32>], vector<16xf32>,
        %scan3A_323 = arith.constant 0 : i32
        scf.yield %scan3A_323 : i32
      }
      %scan3A_222 = arith.constant 16 : i32
      %add3A_223 = arith.constant 2 : i32
      %add3A_224 = arith.addi %mul3A_201, %add3A_223 : i32
      %mul3A_225 = arith.constant 16 : i32
      %mul3A_226 = arith.muli %add3A_224, %mul3A_225 : i32
      %dma_start3A_227 = tpu.memref_slice %arg9[%mul3A_226] : memref<11264xi32, #tpu.memory_space<vmem>> -> memref<16xi32, #tpu.memory_space<vmem>>
      %dma_start3A_228 = arith.constant 0 : i32
      %dma_start3A_229 = arith.constant 0 : i32
      %dma_start3A_230 = tpu.memref_slice %arg5[%dma_start3A_228, %dma_start3A_229] : memref<10000x128xf32, #tpu.memory_space<hbm>> -> memref<10000x128xf32, #tpu.memory_space<hbm>>
      tpu.enqueue_indirect_dma source(%dma_start3A_230 : memref<10000x128xf32, #tpu.memory_space<hbm>>) target(%arg20 : memref<16x128xf32, #tpu.memory_space<vmem>>) offsets(%dma_start3A_227 : memref<16xi32, #tpu.memory_space<vmem>>) semaphore(%arg27 : memref<!tpu.dma_semaphore, #tpu.memory_space<semaphore_mem>>)
      %add3A_231 = arith.constant 1 : i32
      %add3A_232 = arith.addi %mul3A_201, %add3A_231 : i32
      %mul3A_233 = arith.constant 16 : i32
      %mul3A_234 = arith.muli %add3A_232, %mul3A_233 : i32
      %dma_wait3A_235 = tpu.memref_slice %arg9[%mul3A_234] : memref<11264xi32, #tpu.memory_space<vmem>> -> memref<16xi32, #tpu.memory_space<vmem>>
      %dma_wait3A_236 = arith.constant 0 : i32
      %dma_wait3A_237 = arith.constant 0 : i32
      %dma_wait3A_238 = tpu.memref_slice %arg5[%dma_wait3A_236, %dma_wait3A_237] : memref<10000x128xf32, #tpu.memory_space<hbm>> -> memref<10000x128xf32, #tpu.memory_space<hbm>>
      tpu.wait_indirect_dma semaphore(%arg28 : memref<!tpu.dma_semaphore, #tpu.memory_space<semaphore_mem>>) src(%dma_wait3A_238 : memref<10000x128xf32, #tpu.memory_space<hbm>>) dst(%arg21 : memref<16x128xf32, #tpu.memory_space<vmem>>)
      %add3A_239 = arith.constant 1 : i32
      %add3A_240 = arith.addi %mul3A_201, %add3A_239 : i32
      %scan3A_241 = arith.constant 0 : i32
      %scan3A_242 = arith.constant 0 : i32
      %scan3A_243 = arith.constant 16 : i32
      %scan3A_244 = arith.addi %scan3A_242, %scan3A_243 : i32
      %scan3A_245 = arith.constant 1 : i32
      %scan3A_246 = scf.for %scan3A_249 = %scan3A_242 to %scan3A_244 step %scan3A_245 iter_args(%scan3A_250 = %scan3A_241) -> (i32)  : i32 {
        %mul3A_251 = arith.constant 16 : i32
        %mul3A_252 = arith.muli %add3A_240, %mul3A_251 : i32
        %add3A_253 = arith.addi %mul3A_252, %scan3A_249 : i32
        %broadcast_in_dim3A_254 = vector.broadcast %add3A_253 : i32 to vector<16xi32>
        %gather3A = tpu.vector_load_idx %arg11[%broadcast_in_dim3A_254] : memref<11264xf32, #tpu.memory_space<vmem>>[vector<16xi32>], vector<16xf32>,
        %gather3A_255 = tpu.vector_load_idx %arg10[%broadcast_in_dim3A_254] : memref<11264xi32, #tpu.memory_space<vmem>>[vector<16xi32>], vector<16xi32>,
        %mul3A_256 = arith.constant 128 : i32
        %mul3A_257 = vector.broadcast %mul3A_256 : i32 to vector<16xi32>
        %mul3A_258 = arith.muli %gather3A_255, %mul3A_257 : vector<16xi32>
        %get3A_259 = arith.index_cast %scan3A_249 : i32 to index
        %get3A_260 = arith.constant 0 : index
        %get3A_261 = tpu.vector_load %arg21[%get3A_259, %get3A_260] {strides = array<i32>} : memref<16x128xf32, #tpu.memory_space<vmem>>, vector<16xf32>,
        %add3A_262 = arith.constant 0 : i32
        %add3A_263 = vector.broadcast %add3A_262 : i32 to vector<16xi32>
        %add3A_264 = arith.addi %add3A_263, %iota3A : vector<16xi32>
        %add3A_265 = arith.addi %mul3A_258, %add3A_264 : vector<16xi32>
        %mul3A_266 = arith.mulf %get3A_261, %gather3A : vector<16xf32>
        tpu.vector_store_idx %arg19[%add3A_265], %mul3A_266 {add = true} : memref<40064xf32, #tpu.memory_space<vmem>>[vector<16xi32>], vector<16xf32>,
        %get3A_267 = arith.index_cast %scan3A_249 : i32 to index
        %get3A_268 = arith.constant 16 : index
        %get3A_269 = tpu.vector_load %arg21[%get3A_267, %get3A_268] {strides = array<i32>} : memref<16x128xf32, #tpu.memory_space<vmem>>, vector<16xf32>,
        %add3A_270 = arith.constant 16 : i32
        %add3A_271 = vector.broadcast %add3A_270 : i32 to vector<16xi32>
        %add3A_272 = arith.addi %add3A_271, %iota3A : vector<16xi32>
        %add3A_273 = arith.addi %mul3A_258, %add3A_272 : vector<16xi32>
        %mul3A_274 = arith.mulf %get3A_269, %gather3A : vector<16xf32>
        tpu.vector_store_idx %arg19[%add3A_273], %mul3A_274 {add = true} : memref<40064xf32, #tpu.memory_space<vmem>>[vector<16xi32>], vector<16xf32>,
        %get3A_275 = arith.index_cast %scan3A_249 : i32 to index
        %get3A_276 = arith.constant 32 : index
        %get3A_277 = tpu.vector_load %arg21[%get3A_275, %get3A_276] {strides = array<i32>} : memref<16x128xf32, #tpu.memory_space<vmem>>, vector<16xf32>,
        %add3A_278 = arith.constant 32 : i32
        %add3A_279 = vector.broadcast %add3A_278 : i32 to vector<16xi32>
        %add3A_280 = arith.addi %add3A_279, %iota3A : vector<16xi32>
        %add3A_281 = arith.addi %mul3A_258, %add3A_280 : vector<16xi32>
        %mul3A_282 = arith.mulf %get3A_277, %gather3A : vector<16xf32>
        tpu.vector_store_idx %arg19[%add3A_281], %mul3A_282 {add = true} : memref<40064xf32, #tpu.memory_space<vmem>>[vector<16xi32>], vector<16xf32>,
        %get3A_283 = arith.index_cast %scan3A_249 : i32 to index
        %get3A_284 = arith.constant 48 : index
        %get3A_285 = tpu.vector_load %arg21[%get3A_283, %get3A_284] {strides = array<i32>} : memref<16x128xf32, #tpu.memory_space<vmem>>, vector<16xf32>,
        %add3A_286 = arith.constant 48 : i32
        %add3A_287 = vector.broadcast %add3A_286 : i32 to vector<16xi32>
        %add3A_288 = arith.addi %add3A_287, %iota3A : vector<16xi32>
        %add3A_289 = arith.addi %mul3A_258, %add3A_288 : vector<16xi32>
        %mul3A_290 = arith.mulf %get3A_285, %gather3A : vector<16xf32>
        tpu.vector_store_idx %arg19[%add3A_289], %mul3A_290 {add = true} : memref<40064xf32, #tpu.memory_space<vmem>>[vector<16xi32>], vector<16xf32>,
        %get3A_291 = arith.index_cast %scan3A_249 : i32 to index
        %get3A_292 = arith.constant 64 : index
        %get3A_293 = tpu.vector_load %arg21[%get3A_291, %get3A_292] {strides = array<i32>} : memref<16x128xf32, #tpu.memory_space<vmem>>, vector<16xf32>,
        %add3A_294 = arith.constant 64 : i32
        %add3A_295 = vector.broadcast %add3A_294 : i32 to vector<16xi32>
        %add3A_296 = arith.addi %add3A_295, %iota3A : vector<16xi32>
        %add3A_297 = arith.addi %mul3A_258, %add3A_296 : vector<16xi32>
        %mul3A_298 = arith.mulf %get3A_293, %gather3A : vector<16xf32>
        tpu.vector_store_idx %arg19[%add3A_297], %mul3A_298 {add = true} : memref<40064xf32, #tpu.memory_space<vmem>>[vector<16xi32>], vector<16xf32>,
        %get3A_299 = arith.index_cast %scan3A_249 : i32 to index
        %get3A_300 = arith.constant 80 : index
        %get3A_301 = tpu.vector_load %arg21[%get3A_299, %get3A_300] {strides = array<i32>} : memref<16x128xf32, #tpu.memory_space<vmem>>, vector<16xf32>,
        %add3A_302 = arith.constant 80 : i32
        %add3A_303 = vector.broadcast %add3A_302 : i32 to vector<16xi32>
        %add3A_304 = arith.addi %add3A_303, %iota3A : vector<16xi32>
        %add3A_305 = arith.addi %mul3A_258, %add3A_304 : vector<16xi32>
        %mul3A_306 = arith.mulf %get3A_301, %gather3A : vector<16xf32>
        tpu.vector_store_idx %arg19[%add3A_305], %mul3A_306 {add = true} : memref<40064xf32, #tpu.memory_space<vmem>>[vector<16xi32>], vector<16xf32>,
        %get3A_307 = arith.index_cast %scan3A_249 : i32 to index
        %get3A_308 = arith.constant 96 : index
        %get3A_309 = tpu.vector_load %arg21[%get3A_307, %get3A_308] {strides = array<i32>} : memref<16x128xf32, #tpu.memory_space<vmem>>, vector<16xf32>,
        %add3A_310 = arith.constant 96 : i32
        %add3A_311 = vector.broadcast %add3A_310 : i32 to vector<16xi32>
        %add3A_312 = arith.addi %add3A_311, %iota3A : vector<16xi32>
        %add3A_313 = arith.addi %mul3A_258, %add3A_312 : vector<16xi32>
        %mul3A_314 = arith.mulf %get3A_309, %gather3A : vector<16xf32>
        tpu.vector_store_idx %arg19[%add3A_313], %mul3A_314 {add = true} : memref<40064xf32, #tpu.memory_space<vmem>>[vector<16xi32>], vector<16xf32>,
        %get3A_315 = arith.index_cast %scan3A_249 : i32 to index
        %get3A_316 = arith.constant 112 : index
        %get3A_317 = tpu.vector_load %arg21[%get3A_315, %get3A_316] {strides = array<i32>} : memref<16x128xf32, #tpu.memory_space<vmem>>, vector<16xf32>,
        %add3A_318 = arith.constant 112 : i32
        %add3A_319 = vector.broadcast %add3A_318 : i32 to vector<16xi32>
        %add3A_320 = arith.addi %add3A_319, %iota3A : vector<16xi32>
        %add3A_321 = arith.addi %mul3A_258, %add3A_320 : vector<16xi32>
        %mul3A_322 = arith.mulf %get3A_317, %gather3A : vector<16xf32>
        tpu.vector_store_idx %arg19[%add3A_321], %mul3A_322 {add = true} : memref<40064xf32, #tpu.memory_space<vmem>>[vector<16xi32>], vector<16xf32>,
        %scan3A_323 = arith.constant 0 : i32
        scf.yield %scan3A_323 : i32
      }
      %scan3A_247 = arith.constant 16 : i32
      %while3A_248 = arith.constant 0 : i32
      scf.yield %while3A_248 : i32
    }
    %while3A_187 = arith.constant 1 : i32
    %while3A_188 = scf.for %while3A_198 = %while3A_184 to %while3A_180 step %while3A_187 iter_args(%while3A_199 = %while3A_186) -> (i32)  : i32 {
      %mul3A_200 = arith.constant 2 : i32
      %mul3A_201 = arith.muli %while3A_198, %mul3A_200 : i32
      %mul3A_202 = arith.constant 16 : i32
      %mul3A_203 = arith.muli %mul3A_201, %mul3A_202 : i32
      %dma_wait3A_204 = tpu.memref_slice %arg9[%mul3A_203] : memref<11264xi32, #tpu.memory_space<vmem>> -> memref<16xi32, #tpu.memory_space<vmem>>
      %dma_wait3A_205 = arith.constant 0 : i32
      %dma_wait3A_206 = arith.constant 0 : i32
      %dma_wait3A_207 = tpu.memref_slice %arg5[%dma_wait3A_205, %dma_wait3A_206] : memref<10000x128xf32, #tpu.memory_space<hbm>> -> memref<10000x128xf32, #tpu.memory_space<hbm>>
      tpu.wait_indirect_dma semaphore(%arg27 : memref<!tpu.dma_semaphore, #tpu.memory_space<semaphore_mem>>) src(%dma_wait3A_207 : memref<10000x128xf32, #tpu.memory_space<hbm>>) dst(%arg20 : memref<16x128xf32, #tpu.memory_space<vmem>>)
      %add3A_208 = arith.constant 1 : i32
      %add3A_209 = arith.addi %mul3A_201, %add3A_208 : i32
      %mul3A_210 = arith.constant 16 : i32
      %mul3A_211 = arith.muli %add3A_209, %mul3A_210 : i32
      %dma_start3A_212 = tpu.memref_slice %arg9[%mul3A_211] : memref<11264xi32, #tpu.memory_space<vmem>> -> memref<16xi32, #tpu.memory_space<vmem>>
      %dma_start3A_213 = arith.constant 0 : i32
      %dma_start3A_214 = arith.constant 0 : i32
      %dma_start3A_215 = tpu.memref_slice %arg5[%dma_start3A_213, %dma_start3A_214] : memref<10000x128xf32, #tpu.memory_space<hbm>> -> memref<10000x128xf32, #tpu.memory_space<hbm>>
      tpu.enqueue_indirect_dma source(%dma_start3A_215 : memref<10000x128xf32, #tpu.memory_space<hbm>>) target(%arg21 : memref<16x128xf32, #tpu.memory_space<vmem>>) offsets(%dma_start3A_212 : memref<16xi32, #tpu.memory_space<vmem>>) semaphore(%arg28 : memref<!tpu.dma_semaphore, #tpu.memory_space<semaphore_mem>>)
      %scan3A_216 = arith.constant 0 : i32
      %scan3A_217 = arith.constant 0 : i32
      %scan3A_218 = arith.constant 16 : i32
      %scan3A_219 = arith.addi %scan3A_217, %scan3A_218 : i32
      %scan3A_220 = arith.constant 1 : i32
      %scan3A_221 = scf.for %scan3A_249 = %scan3A_217 to %scan3A_219 step %scan3A_220 iter_args(%scan3A_250 = %scan3A_216) -> (i32)  : i32 {
        %mul3A_251 = arith.constant 16 : i32
        %mul3A_252 = arith.muli %mul3A_201, %mul3A_251 : i32
        %add3A_253 = arith.addi %mul3A_252, %scan3A_249 : i32
        %broadcast_in_dim3A_254 = vector.broadcast %add3A_253 : i32 to vector<16xi32>
        %gather3A = tpu.vector_load_idx %arg11[%broadcast_in_dim3A_254] : memref<11264xf32, #tpu.memory_space<vmem>>[vector<16xi32>], vector<16xf32>,
        %gather3A_255 = tpu.vector_load_idx %arg10[%broadcast_in_dim3A_254] : memref<11264xi32, #tpu.memory_space<vmem>>[vector<16xi32>], vector<16xi32>,
        %mul3A_256 = arith.constant 128 : i32
        %mul3A_257 = vector.broadcast %mul3A_256 : i32 to vector<16xi32>
        %mul3A_258 = arith.muli %gather3A_255, %mul3A_257 : vector<16xi32>
        %get3A_259 = arith.index_cast %scan3A_249 : i32 to index
        %get3A_260 = arith.constant 0 : index
        %get3A_261 = tpu.vector_load %arg20[%get3A_259, %get3A_260] {strides = array<i32>} : memref<16x128xf32, #tpu.memory_space<vmem>>, vector<16xf32>,
        %add3A_262 = arith.constant 0 : i32
        %add3A_263 = vector.broadcast %add3A_262 : i32 to vector<16xi32>
        %add3A_264 = arith.addi %add3A_263, %iota3A : vector<16xi32>
        %add3A_265 = arith.addi %mul3A_258, %add3A_264 : vector<16xi32>
        %mul3A_266 = arith.mulf %get3A_261, %gather3A : vector<16xf32>
        tpu.vector_store_idx %arg19[%add3A_265], %mul3A_266 {add = true} : memref<40064xf32, #tpu.memory_space<vmem>>[vector<16xi32>], vector<16xf32>,
        %get3A_267 = arith.index_cast %scan3A_249 : i32 to index
        %get3A_268 = arith.constant 16 : index
        %get3A_269 = tpu.vector_load %arg20[%get3A_267, %get3A_268] {strides = array<i32>} : memref<16x128xf32, #tpu.memory_space<vmem>>, vector<16xf32>,
        %add3A_270 = arith.constant 16 : i32
        %add3A_271 = vector.broadcast %add3A_270 : i32 to vector<16xi32>
        %add3A_272 = arith.addi %add3A_271, %iota3A : vector<16xi32>
        %add3A_273 = arith.addi %mul3A_258, %add3A_272 : vector<16xi32>
        %mul3A_274 = arith.mulf %get3A_269, %gather3A : vector<16xf32>
        tpu.vector_store_idx %arg19[%add3A_273], %mul3A_274 {add = true} : memref<40064xf32, #tpu.memory_space<vmem>>[vector<16xi32>], vector<16xf32>,
        %get3A_275 = arith.index_cast %scan3A_249 : i32 to index
        %get3A_276 = arith.constant 32 : index
        %get3A_277 = tpu.vector_load %arg20[%get3A_275, %get3A_276] {strides = array<i32>} : memref<16x128xf32, #tpu.memory_space<vmem>>, vector<16xf32>,
        %add3A_278 = arith.constant 32 : i32
        %add3A_279 = vector.broadcast %add3A_278 : i32 to vector<16xi32>
        %add3A_280 = arith.addi %add3A_279, %iota3A : vector<16xi32>
        %add3A_281 = arith.addi %mul3A_258, %add3A_280 : vector<16xi32>
        %mul3A_282 = arith.mulf %get3A_277, %gather3A : vector<16xf32>
        tpu.vector_store_idx %arg19[%add3A_281], %mul3A_282 {add = true} : memref<40064xf32, #tpu.memory_space<vmem>>[vector<16xi32>], vector<16xf32>,
        %get3A_283 = arith.index_cast %scan3A_249 : i32 to index
        %get3A_284 = arith.constant 48 : index
        %get3A_285 = tpu.vector_load %arg20[%get3A_283, %get3A_284] {strides = array<i32>} : memref<16x128xf32, #tpu.memory_space<vmem>>, vector<16xf32>,
        %add3A_286 = arith.constant 48 : i32
        %add3A_287 = vector.broadcast %add3A_286 : i32 to vector<16xi32>
        %add3A_288 = arith.addi %add3A_287, %iota3A : vector<16xi32>
        %add3A_289 = arith.addi %mul3A_258, %add3A_288 : vector<16xi32>
        %mul3A_290 = arith.mulf %get3A_285, %gather3A : vector<16xf32>
        tpu.vector_store_idx %arg19[%add3A_289], %mul3A_290 {add = true} : memref<40064xf32, #tpu.memory_space<vmem>>[vector<16xi32>], vector<16xf32>,
        %get3A_291 = arith.index_cast %scan3A_249 : i32 to index
        %get3A_292 = arith.constant 64 : index
        %get3A_293 = tpu.vector_load %arg20[%get3A_291, %get3A_292] {strides = array<i32>} : memref<16x128xf32, #tpu.memory_space<vmem>>, vector<16xf32>,
        %add3A_294 = arith.constant 64 : i32
        %add3A_295 = vector.broadcast %add3A_294 : i32 to vector<16xi32>
        %add3A_296 = arith.addi %add3A_295, %iota3A : vector<16xi32>
        %add3A_297 = arith.addi %mul3A_258, %add3A_296 : vector<16xi32>
        %mul3A_298 = arith.mulf %get3A_293, %gather3A : vector<16xf32>
        tpu.vector_store_idx %arg19[%add3A_297], %mul3A_298 {add = true} : memref<40064xf32, #tpu.memory_space<vmem>>[vector<16xi32>], vector<16xf32>,
        %get3A_299 = arith.index_cast %scan3A_249 : i32 to index
        %get3A_300 = arith.constant 80 : index
        %get3A_301 = tpu.vector_load %arg20[%get3A_299, %get3A_300] {strides = array<i32>} : memref<16x128xf32, #tpu.memory_space<vmem>>, vector<16xf32>,
        %add3A_302 = arith.constant 80 : i32
        %add3A_303 = vector.broadcast %add3A_302 : i32 to vector<16xi32>
        %add3A_304 = arith.addi %add3A_303, %iota3A : vector<16xi32>
        %add3A_305 = arith.addi %mul3A_258, %add3A_304 : vector<16xi32>
        %mul3A_306 = arith.mulf %get3A_301, %gather3A : vector<16xf32>
        tpu.vector_store_idx %arg19[%add3A_305], %mul3A_306 {add = true} : memref<40064xf32, #tpu.memory_space<vmem>>[vector<16xi32>], vector<16xf32>,
        %get3A_307 = arith.index_cast %scan3A_249 : i32 to index
        %get3A_308 = arith.constant 96 : index
        %get3A_309 = tpu.vector_load %arg20[%get3A_307, %get3A_308] {strides = array<i32>} : memref<16x128xf32, #tpu.memory_space<vmem>>, vector<16xf32>,
        %add3A_310 = arith.constant 96 : i32
        %add3A_311 = vector.broadcast %add3A_310 : i32 to vector<16xi32>
        %add3A_312 = arith.addi %add3A_311, %iota3A : vector<16xi32>
        %add3A_313 = arith.addi %mul3A_258, %add3A_312 : vector<16xi32>
        %mul3A_314 = arith.mulf %get3A_309, %gather3A : vector<16xf32>
        tpu.vector_store_idx %arg19[%add3A_313], %mul3A_314 {add = true} : memref<40064xf32, #tpu.memory_space<vmem>>[vector<16xi32>], vector<16xf32>,
        %get3A_315 = arith.index_cast %scan3A_249 : i32 to index
        %get3A_316 = arith.constant 112 : index
        %get3A_317 = tpu.vector_load %arg20[%get3A_315, %get3A_316] {strides = array<i32>} : memref<16x128xf32, #tpu.memory_space<vmem>>, vector<16xf32>,
        %add3A_318 = arith.constant 112 : i32
        %add3A_319 = vector.broadcast %add3A_318 : i32 to vector<16xi32>
        %add3A_320 = arith.addi %add3A_319, %iota3A : vector<16xi32>
        %add3A_321 = arith.addi %mul3A_258, %add3A_320 : vector<16xi32>
        %mul3A_322 = arith.mulf %get3A_317, %gather3A : vector<16xf32>
        tpu.vector_store_idx %arg19[%add3A_321], %mul3A_322 {add = true} : memref<40064xf32, #tpu.memory_space<vmem>>[vector<16xi32>], vector<16xf32>,
        %scan3A_323 = arith.constant 0 : i32
        scf.yield %scan3A_323 : i32
      }
      %scan3A_222 = arith.constant 16 : i32
      %add3A_223 = arith.constant 2 : i32
      %add3A_224 = arith.addi %mul3A_201, %add3A_223 : i32
      %mul3A_225 = arith.constant 16 : i32
      %mul3A_226 = arith.muli %add3A_224, %mul3A_225 : i32
      %dma_start3A_227 = tpu.memref_slice %arg9[%mul3A_226] : memref<11264xi32, #tpu.memory_space<vmem>> -> memref<16xi32, #tpu.memory_space<vmem>>
      %dma_start3A_228 = arith.constant 0 : i32
      %dma_start3A_229 = arith.constant 0 : i32
      %dma_start3A_230 = tpu.memref_slice %arg5[%dma_start3A_228, %dma_start3A_229] : memref<10000x128xf32, #tpu.memory_space<hbm>> -> memref<10000x128xf32, #tpu.memory_space<hbm>>
      tpu.enqueue_indirect_dma source(%dma_start3A_230 : memref<10000x128xf32, #tpu.memory_space<hbm>>) target(%arg20 : memref<16x128xf32, #tpu.memory_space<vmem>>) offsets(%dma_start3A_227 : memref<16xi32, #tpu.memory_space<vmem>>) semaphore(%arg27 : memref<!tpu.dma_semaphore, #tpu.memory_space<semaphore_mem>>)
      %add3A_231 = arith.constant 1 : i32
      %add3A_232 = arith.addi %mul3A_201, %add3A_231 : i32
      %mul3A_233 = arith.constant 16 : i32
      %mul3A_234 = arith.muli %add3A_232, %mul3A_233 : i32
      %dma_wait3A_235 = tpu.memref_slice %arg9[%mul3A_234] : memref<11264xi32, #tpu.memory_space<vmem>> -> memref<16xi32, #tpu.memory_space<vmem>>
      %dma_wait3A_236 = arith.constant 0 : i32
      %dma_wait3A_237 = arith.constant 0 : i32
      %dma_wait3A_238 = tpu.memref_slice %arg5[%dma_wait3A_236, %dma_wait3A_237] : memref<10000x128xf32, #tpu.memory_space<hbm>> -> memref<10000x128xf32, #tpu.memory_space<hbm>>
      tpu.wait_indirect_dma semaphore(%arg28 : memref<!tpu.dma_semaphore, #tpu.memory_space<semaphore_mem>>) src(%dma_wait3A_238 : memref<10000x128xf32, #tpu.memory_space<hbm>>) dst(%arg21 : memref<16x128xf32, #tpu.memory_space<vmem>>)
      %add3A_239 = arith.constant 1 : i32
      %add3A_240 = arith.addi %mul3A_201, %add3A_239 : i32
      %scan3A_241 = arith.constant 0 : i32
      %scan3A_242 = arith.constant 0 : i32
      %scan3A_243 = arith.constant 16 : i32
      %scan3A_244 = arith.addi %scan3A_242, %scan3A_243 : i32
      %scan3A_245 = arith.constant 1 : i32
      %scan3A_246 = scf.for %scan3A_249 = %scan3A_242 to %scan3A_244 step %scan3A_245 iter_args(%scan3A_250 = %scan3A_241) -> (i32)  : i32 {
        %mul3A_251 = arith.constant 16 : i32
        %mul3A_252 = arith.muli %add3A_240, %mul3A_251 : i32
        %add3A_253 = arith.addi %mul3A_252, %scan3A_249 : i32
        %broadcast_in_dim3A_254 = vector.broadcast %add3A_253 : i32 to vector<16xi32>
        %gather3A = tpu.vector_load_idx %arg11[%broadcast_in_dim3A_254] : memref<11264xf32, #tpu.memory_space<vmem>>[vector<16xi32>], vector<16xf32>,
        %gather3A_255 = tpu.vector_load_idx %arg10[%broadcast_in_dim3A_254] : memref<11264xi32, #tpu.memory_space<vmem>>[vector<16xi32>], vector<16xi32>,
        %mul3A_256 = arith.constant 128 : i32
        %mul3A_257 = vector.broadcast %mul3A_256 : i32 to vector<16xi32>
        %mul3A_258 = arith.muli %gather3A_255, %mul3A_257 : vector<16xi32>
        %get3A_259 = arith.index_cast %scan3A_249 : i32 to index
        %get3A_260 = arith.constant 0 : index
        %get3A_261 = tpu.vector_load %arg21[%get3A_259, %get3A_260] {strides = array<i32>} : memref<16x128xf32, #tpu.memory_space<vmem>>, vector<16xf32>,
        %add3A_262 = arith.constant 0 : i32
        %add3A_263 = vector.broadcast %add3A_262 : i32 to vector<16xi32>
        %add3A_264 = arith.addi %add3A_263, %iota3A : vector<16xi32>
        %add3A_265 = arith.addi %mul3A_258, %add3A_264 : vector<16xi32>
        %mul3A_266 = arith.mulf %get3A_261, %gather3A : vector<16xf32>
        tpu.vector_store_idx %arg19[%add3A_265], %mul3A_266 {add = true} : memref<40064xf32, #tpu.memory_space<vmem>>[vector<16xi32>], vector<16xf32>,
        %get3A_267 = arith.index_cast %scan3A_249 : i32 to index
        %get3A_268 = arith.constant 16 : index
        %get3A_269 = tpu.vector_load %arg21[%get3A_267, %get3A_268] {strides = array<i32>} : memref<16x128xf32, #tpu.memory_space<vmem>>, vector<16xf32>,
        %add3A_270 = arith.constant 16 : i32
        %add3A_271 = vector.broadcast %add3A_270 : i32 to vector<16xi32>
        %add3A_272 = arith.addi %add3A_271, %iota3A : vector<16xi32>
        %add3A_273 = arith.addi %mul3A_258, %add3A_272 : vector<16xi32>
        %mul3A_274 = arith.mulf %get3A_269, %gather3A : vector<16xf32>
        tpu.vector_store_idx %arg19[%add3A_273], %mul3A_274 {add = true} : memref<40064xf32, #tpu.memory_space<vmem>>[vector<16xi32>], vector<16xf32>,
        %get3A_275 = arith.index_cast %scan3A_249 : i32 to index
        %get3A_276 = arith.constant 32 : index
        %get3A_277 = tpu.vector_load %arg21[%get3A_275, %get3A_276] {strides = array<i32>} : memref<16x128xf32, #tpu.memory_space<vmem>>, vector<16xf32>,
        %add3A_278 = arith.constant 32 : i32
        %add3A_279 = vector.broadcast %add3A_278 : i32 to vector<16xi32>
        %add3A_280 = arith.addi %add3A_279, %iota3A : vector<16xi32>
        %add3A_281 = arith.addi %mul3A_258, %add3A_280 : vector<16xi32>
        %mul3A_282 = arith.mulf %get3A_277, %gather3A : vector<16xf32>
        tpu.vector_store_idx %arg19[%add3A_281], %mul3A_282 {add = true} : memref<40064xf32, #tpu.memory_space<vmem>>[vector<16xi32>], vector<16xf32>,
        %get3A_283 = arith.index_cast %scan3A_249 : i32 to index
        %get3A_284 = arith.constant 48 : index
        %get3A_285 = tpu.vector_load %arg21[%get3A_283, %get3A_284] {strides = array<i32>} : memref<16x128xf32, #tpu.memory_space<vmem>>, vector<16xf32>,
        %add3A_286 = arith.constant 48 : i32
        %add3A_287 = vector.broadcast %add3A_286 : i32 to vector<16xi32>
        %add3A_288 = arith.addi %add3A_287, %iota3A : vector<16xi32>
        %add3A_289 = arith.addi %mul3A_258, %add3A_288 : vector<16xi32>
        %mul3A_290 = arith.mulf %get3A_285, %gather3A : vector<16xf32>
        tpu.vector_store_idx %arg19[%add3A_289], %mul3A_290 {add = true} : memref<40064xf32, #tpu.memory_space<vmem>>[vector<16xi32>], vector<16xf32>,
        %get3A_291 = arith.index_cast %scan3A_249 : i32 to index
        %get3A_292 = arith.constant 64 : index
        %get3A_293 = tpu.vector_load %arg21[%get3A_291, %get3A_292] {strides = array<i32>} : memref<16x128xf32, #tpu.memory_space<vmem>>, vector<16xf32>,
        %add3A_294 = arith.constant 64 : i32
        %add3A_295 = vector.broadcast %add3A_294 : i32 to vector<16xi32>
        %add3A_296 = arith.addi %add3A_295, %iota3A : vector<16xi32>
        %add3A_297 = arith.addi %mul3A_258, %add3A_296 : vector<16xi32>
        %mul3A_298 = arith.mulf %get3A_293, %gather3A : vector<16xf32>
        tpu.vector_store_idx %arg19[%add3A_297], %mul3A_298 {add = true} : memref<40064xf32, #tpu.memory_space<vmem>>[vector<16xi32>], vector<16xf32>,
        %get3A_299 = arith.index_cast %scan3A_249 : i32 to index
        %get3A_300 = arith.constant 80 : index
        %get3A_301 = tpu.vector_load %arg21[%get3A_299, %get3A_300] {strides = array<i32>} : memref<16x128xf32, #tpu.memory_space<vmem>>, vector<16xf32>,
        %add3A_302 = arith.constant 80 : i32
        %add3A_303 = vector.broadcast %add3A_302 : i32 to vector<16xi32>
        %add3A_304 = arith.addi %add3A_303, %iota3A : vector<16xi32>
        %add3A_305 = arith.addi %mul3A_258, %add3A_304 : vector<16xi32>
        %mul3A_306 = arith.mulf %get3A_301, %gather3A : vector<16xf32>
        tpu.vector_store_idx %arg19[%add3A_305], %mul3A_306 {add = true} : memref<40064xf32, #tpu.memory_space<vmem>>[vector<16xi32>], vector<16xf32>,
        %get3A_307 = arith.index_cast %scan3A_249 : i32 to index
        %get3A_308 = arith.constant 96 : index
        %get3A_309 = tpu.vector_load %arg21[%get3A_307, %get3A_308] {strides = array<i32>} : memref<16x128xf32, #tpu.memory_space<vmem>>, vector<16xf32>,
        %add3A_310 = arith.constant 96 : i32
        %add3A_311 = vector.broadcast %add3A_310 : i32 to vector<16xi32>
        %add3A_312 = arith.addi %add3A_311, %iota3A : vector<16xi32>
        %add3A_313 = arith.addi %mul3A_258, %add3A_312 : vector<16xi32>
        %mul3A_314 = arith.mulf %get3A_309, %gather3A : vector<16xf32>
        tpu.vector_store_idx %arg19[%add3A_313], %mul3A_314 {add = true} : memref<40064xf32, #tpu.memory_space<vmem>>[vector<16xi32>], vector<16xf32>,
        %get3A_315 = arith.index_cast %scan3A_249 : i32 to index
        %get3A_316 = arith.constant 112 : index
        %get3A_317 = tpu.vector_load %arg21[%get3A_315, %get3A_316] {strides = array<i32>} : memref<16x128xf32, #tpu.memory_space<vmem>>, vector<16xf32>,
        %add3A_318 = arith.constant 112 : i32
        %add3A_319 = vector.broadcast %add3A_318 : i32 to vector<16xi32>
        %add3A_320 = arith.addi %add3A_319, %iota3A : vector<16xi32>
        %add3A_321 = arith.addi %mul3A_258, %add3A_320 : vector<16xi32>
        %mul3A_322 = arith.mulf %get3A_317, %gather3A : vector<16xf32>
        tpu.vector_store_idx %arg19[%add3A_321], %mul3A_322 {add = true} : memref<40064xf32, #tpu.memory_space<vmem>>[vector<16xi32>], vector<16xf32>,
        %scan3A_323 = arith.constant 0 : i32
        scf.yield %scan3A_323 : i32
      }
      %scan3A_247 = arith.constant 16 : i32
      %while3A_248 = arith.constant 0 : i32
      scf.yield %while3A_248 : i32
    }
    %mul3A_189 = arith.constant 2 : i32
    %mul3A_190 = arith.muli %select_n3A_172, %mul3A_189 : i32
    %mul3A_191 = arith.constant 16 : i32
    %mul3A_192 = arith.muli %mul3A_190, %mul3A_191 : i32
    %dma_wait3A = tpu.memref_slice %arg9[%mul3A_192] : memref<11264xi32, #tpu.memory_space<vmem>> -> memref<16xi32, #tpu.memory_space<vmem>>
    %dma_wait3A_193 = arith.constant 0 : i32
    %dma_wait3A_194 = arith.constant 0 : i32
    %dma_wait3A_195 = tpu.memref_slice %arg5[%dma_wait3A_193, %dma_wait3A_194] : memref<10000x128xf32, #tpu.memory_space<hbm>> -> memref<10000x128xf32, #tpu.memory_space<hbm>>
    tpu.wait_indirect_dma semaphore(%arg27 : memref<!tpu.dma_semaphore, #tpu.memory_space<semaphore_mem>>) src(%dma_wait3A_195 : memref<10000x128xf32, #tpu.memory_space<hbm>>) dst(%arg20 : memref<16x128xf32, #tpu.memory_space<vmem>>)
    %mul3A_196 = arith.constant 128 : i32
    %mul3A_197 = arith.muli %mul3A_2, %mul3A_196 : i32
    "tpu.region"() ({
      %run_scoped3A = tpu.sem_alloc : memref<!tpu.dma_semaphore, #tpu.memory_space<semaphore_mem>>
      %dma_start3A_198 = tpu.memref_slice %arg8[%mul3A_197] : memref<1282048xf32, #tpu.memory_space<hbm>> -> memref<40064xf32, #tpu.memory_space<hbm>>
      %dma_start3A_199 = tpu.memref_slice %arg8[%mul3A_197] : memref<1282048xf32, #tpu.memory_space<hbm>> -> memref<40064xf32, #tpu.memory_space<hbm>>
      tpu.enqueue_dma source(%arg19 : memref<40064xf32, #tpu.memory_space<vmem>>) target(%dma_start3A_199 : memref<40064xf32, #tpu.memory_space<hbm>>) target_semaphore(%run_scoped3A : memref<!tpu.dma_semaphore, #tpu.memory_space<semaphore_mem>>)
      %dma_wait3A_200 = tpu.memref_slice %arg8[%mul3A_197] : memref<1282048xf32, #tpu.memory_space<hbm>> -> memref<40064xf32, #tpu.memory_space<hbm>>
      %dma_wait3A_201 = tpu.memref_slice %arg8[%mul3A_197] : memref<1282048xf32, #tpu.memory_space<hbm>> -> memref<40064xf32, #tpu.memory_space<hbm>>
      tpu.wait_dma2 semaphore(%run_scoped3A : memref<!tpu.dma_semaphore, #tpu.memory_space<semaphore_mem>>) src(%arg19 : memref<40064xf32, #tpu.memory_space<vmem>>) dst(%dma_wait3A_201 : memref<40064xf32, #tpu.memory_space<hbm>>)
      tpu.yield
    }) : () -> ()
    return
  }
}

module attributes {stable_mosaic.version = 14 : i64} {
  func.func @body(%arg0: i32, %arg1: memref<400x128xf32, #tpu.memory_space<vmem>>, %arg2: memref<128x256xf32, #tpu.memory_space<vmem>>, %arg3: memref<1x128xf32, #tpu.memory_space<vmem>>, %arg4: memref<1x128xf32, #tpu.memory_space<vmem>>, %arg5: memref<1x128xf32, #tpu.memory_space<vmem>>, %arg6: memref<400x256xf32, #tpu.memory_space<vmem>>, %arg7: memref<1x1x400xf32, #tpu.memory_space<vmem>>, %arg8: memref<1x1x400xf32, #tpu.memory_space<vmem>>) attributes {dimension_semantics = [#tpu.dimension_semantics<arbitrary>], iteration_bounds = array<i64: 25>, scalar_prefetch = 0 : i64, scratch_operands = 0 : i64, tpu.core_type = #tpu.core_type<tc>, window_params = [{transform_indices = @transform_0, window_bounds = array<i64: 400, 128>}, {pipeline_mode = #tpu.pipeline_mode<synchronous>, transform_indices = @transform_1, window_bounds = array<i64: 128, 256>}, {pipeline_mode = #tpu.pipeline_mode<synchronous>, transform_indices = @transform_2, window_bounds = array<i64: 1, 128>}, {pipeline_mode = #tpu.pipeline_mode<synchronous>, transform_indices = @transform_3, window_bounds = array<i64: 1, 128>}, {pipeline_mode = #tpu.pipeline_mode<synchronous>, transform_indices = @transform_4, window_bounds = array<i64: 1, 128>}, {transform_indices = @transform_5, window_bounds = array<i64: 400, 256>}, {transform_indices = @transform_6, window_bounds = array<i64: 1, 1, 400>}, {transform_indices = @transform_7, window_bounds = array<i64: 1, 1, 400>}]} {
    %get3A = arith.constant 0 : index
    %get3A_0 = arith.constant 0 : index
    %get3A_1 = vector.load %arg1[%get3A, %get3A_0] : memref<400x128xf32, #tpu.memory_space<vmem>>, vector<400x128xf32>
    %get3A_2 = arith.constant 0 : index
    %get3A_3 = arith.constant 0 : index
    %get3A_4 = vector.load %arg2[%get3A_2, %get3A_3] : memref<128x256xf32, #tpu.memory_space<vmem>>, vector<128x256xf32>
    %dot_general3A = arith.constant dense<0.000000e+00> : vector<400x256xf32>
    %dot_general3A_5 = tpu.matmul %get3A_1, %get3A_4, %dot_general3A {dimension_numbers = #tpu.dot_dimension_numbers<[1], [0], [0], [1], [0, 0, 1, 1], [], []>, transpose_lhs_hint = false} : vector<400x128xf32>, vector<128x256xf32>, vector<400x256xf32> -> vector<400x256xf32>
    %swap3A = arith.constant 0 : index
    %swap3A_6 = arith.constant 0 : index
    %swap3A_7 = vector.load %arg6[%swap3A, %swap3A_6] : memref<400x256xf32, #tpu.memory_space<vmem>>, vector<400x256xf32>
    tpu.vector_store %arg6[%swap3A, %swap3A_6], %dot_general3A_5 {strides = array<i32>} : memref<400x256xf32, #tpu.memory_space<vmem>>, vector<400x256xf32>,
    %get3A_8 = arith.constant 0 : index
    %get3A_9 = arith.constant 0 : index
    %get3A_10 = vector.load %arg3[%get3A_8, %get3A_9] : memref<1x128xf32, #tpu.memory_space<vmem>>, vector<1x128xf32>
    %mul3A = vector.broadcast %get3A_10 : vector<1x128xf32> to vector<400x128xf32>
    %mul3A_11 = arith.mulf %get3A_1, %mul3A : vector<400x128xf32>
    %reduce_sum3A = arith.constant dense<0.000000e+00> : vector<400xf32>
    %reduce_sum3A_12 = vector.multi_reduction <add>, %mul3A_11, %reduce_sum3A [1] : vector<400x128xf32> to vector<400xf32>
    %broadcast_in_dim3A = vector.shape_cast %reduce_sum3A_12 : vector<400xf32> to vector<1x1x400xf32>
    %swap3A_13 = arith.constant 0 : index
    %swap3A_14 = arith.constant 0 : index
    %swap3A_15 = arith.constant 0 : index
    %swap3A_16 = vector.load %arg7[%swap3A_13, %swap3A_14, %swap3A_15] : memref<1x1x400xf32, #tpu.memory_space<vmem>>, vector<1x1x400xf32>
    tpu.vector_store %arg7[%swap3A_13, %swap3A_14, %swap3A_15], %broadcast_in_dim3A {strides = array<i32>} : memref<1x1x400xf32, #tpu.memory_space<vmem>>, vector<1x1x400xf32>,
    %get3A_17 = arith.constant 0 : index
    %get3A_18 = arith.constant 0 : index
    %get3A_19 = vector.load %arg4[%get3A_17, %get3A_18] : memref<1x128xf32, #tpu.memory_space<vmem>>, vector<1x128xf32>
    %mul3A_20 = vector.broadcast %get3A_19 : vector<1x128xf32> to vector<400x128xf32>
    %mul3A_21 = arith.mulf %get3A_1, %mul3A_20 : vector<400x128xf32>
    %reduce_sum3A_22 = arith.constant dense<0.000000e+00> : vector<400xf32>
    %reduce_sum3A_23 = vector.multi_reduction <add>, %mul3A_21, %reduce_sum3A_22 [1] : vector<400x128xf32> to vector<400xf32>
    %broadcast_in_dim3A_24 = vector.shape_cast %reduce_sum3A_23 : vector<400xf32> to vector<1x1x400xf32>
    %swap3A_25 = arith.constant 0 : index
    %swap3A_26 = arith.constant 0 : index
    %swap3A_27 = arith.constant 0 : index
    %swap3A_28 = vector.load %arg8[%swap3A_25, %swap3A_26, %swap3A_27] : memref<1x1x400xf32, #tpu.memory_space<vmem>>, vector<1x1x400xf32>
    tpu.vector_store %arg8[%swap3A_25, %swap3A_26, %swap3A_27], %broadcast_in_dim3A_24 {strides = array<i32>} : memref<1x1x400xf32, #tpu.memory_space<vmem>>, vector<1x1x400xf32>,
    return
  }
  func.func @transform_0(%arg0: i32) -> (i32, i32) {
    %c0_i32 = arith.constant 0 : i32
    %c0_i32_0 = arith.constant 0 : i32
    return %arg0, %c0_i32 : i32, i32
  }
  func.func @transform_1(%arg0: i32) -> (i32, i32) {
    %c0_i32 = arith.constant 0 : i32
    %c0_i32_0 = arith.constant 0 : i32
    %c0_i32_1 = arith.constant 0 : i32
    return %c0_i32, %c0_i32_0 : i32, i32
  }
  func.func @transform_2(%arg0: i32) -> (i32, i32) {
    %c0_i32 = arith.constant 0 : i32
    %c0_i32_0 = arith.constant 0 : i32
    %c0_i32_1 = arith.constant 0 : i32
    return %c0_i32, %c0_i32_0 : i32, i32
  }
  func.func @transform_3(%arg0: i32) -> (i32, i32) {
    %c0_i32 = arith.constant 0 : i32
    %c0_i32_0 = arith.constant 0 : i32
    %c0_i32_1 = arith.constant 0 : i32
    return %c0_i32, %c0_i32_0 : i32, i32
  }
  func.func @transform_4(%arg0: i32) -> (i32, i32) {
    %c0_i32 = arith.constant 0 : i32
    %c0_i32_0 = arith.constant 0 : i32
    %c0_i32_1 = arith.constant 0 : i32
    return %c0_i32, %c0_i32_0 : i32, i32
  }
  func.func @transform_5(%arg0: i32) -> (i32, i32) {
    %c0_i32 = arith.constant 0 : i32
    %c0_i32_0 = arith.constant 0 : i32
    return %arg0, %c0_i32 : i32, i32
  }
  func.func @transform_6(%arg0: i32) -> (i32, i32, i32) {
    %c0_i32 = arith.constant 0 : i32
    %c0_i32_0 = arith.constant 0 : i32
    %c0_i32_1 = arith.constant 0 : i32
    return %arg0, %c0_i32, %c0_i32_0 : i32, i32, i32
  }
  func.func @transform_7(%arg0: i32) -> (i32, i32, i32) {
    %c0_i32 = arith.constant 0 : i32
    %c0_i32_0 = arith.constant 0 : i32
    %c0_i32_1 = arith.constant 0 : i32
    return %arg0, %c0_i32, %c0_i32_0 : i32, i32, i32
  }
}

module attributes {stable_mosaic.version = 14 : i64} {
  func.func @body(%arg0: i32, %arg1: memref<400x256xf32, #tpu.memory_space<vmem>>, %arg2: memref<256x128xf32, #tpu.memory_space<vmem>>, %arg3: memref<1x256xf32, #tpu.memory_space<vmem>>, %arg4: memref<1x256xf32, #tpu.memory_space<vmem>>, %arg5: memref<1x256xf32, #tpu.memory_space<vmem>>, %arg6: memref<400x128xf32, #tpu.memory_space<vmem>>, %arg7: memref<1x1x400xf32, #tpu.memory_space<vmem>>, %arg8: memref<1x1x400xf32, #tpu.memory_space<vmem>>) attributes {dimension_semantics = [#tpu.dimension_semantics<arbitrary>], iteration_bounds = array<i64: 25>, scalar_prefetch = 0 : i64, scratch_operands = 0 : i64, tpu.core_type = #tpu.core_type<tc>, window_params = [{transform_indices = @transform_0, window_bounds = array<i64: 400, 256>}, {pipeline_mode = #tpu.pipeline_mode<synchronous>, transform_indices = @transform_1, window_bounds = array<i64: 256, 128>}, {pipeline_mode = #tpu.pipeline_mode<synchronous>, transform_indices = @transform_2, window_bounds = array<i64: 1, 256>}, {pipeline_mode = #tpu.pipeline_mode<synchronous>, transform_indices = @transform_3, window_bounds = array<i64: 1, 256>}, {pipeline_mode = #tpu.pipeline_mode<synchronous>, transform_indices = @transform_4, window_bounds = array<i64: 1, 256>}, {transform_indices = @transform_5, window_bounds = array<i64: 400, 128>}, {transform_indices = @transform_6, window_bounds = array<i64: 1, 1, 400>}, {transform_indices = @transform_7, window_bounds = array<i64: 1, 1, 400>}]} {
    %get3A = arith.constant 0 : index
    %get3A_0 = arith.constant 0 : index
    %get3A_1 = vector.load %arg1[%get3A, %get3A_0] : memref<400x256xf32, #tpu.memory_space<vmem>>, vector<400x256xf32>
    %get3A_2 = arith.constant 0 : index
    %get3A_3 = arith.constant 0 : index
    %get3A_4 = vector.load %arg5[%get3A_2, %get3A_3] : memref<1x256xf32, #tpu.memory_space<vmem>>, vector<1x256xf32>
    %add3A = vector.broadcast %get3A_4 : vector<1x256xf32> to vector<400x256xf32>
    %add3A_5 = arith.addf %get3A_1, %add3A : vector<400x256xf32>
    %max3A = arith.constant 0.000000e+00 : f32
    %max3A_6 = vector.broadcast %max3A : f32 to vector<400x256xf32>
    %max3A_7 = arith.maximumf %add3A_5, %max3A_6 : vector<400x256xf32>
    %get3A_8 = arith.constant 0 : index
    %get3A_9 = arith.constant 0 : index
    %get3A_10 = vector.load %arg2[%get3A_8, %get3A_9] : memref<256x128xf32, #tpu.memory_space<vmem>>, vector<256x128xf32>
    %dot_general3A = arith.constant dense<0.000000e+00> : vector<400x128xf32>
    %dot_general3A_11 = tpu.matmul %max3A_7, %get3A_10, %dot_general3A {dimension_numbers = #tpu.dot_dimension_numbers<[1], [0], [0], [1], [0, 0, 1, 1], [], []>, transpose_lhs_hint = false} : vector<400x256xf32>, vector<256x128xf32>, vector<400x128xf32> -> vector<400x128xf32>
    %swap3A = arith.constant 0 : index
    %swap3A_12 = arith.constant 0 : index
    %swap3A_13 = vector.load %arg6[%swap3A, %swap3A_12] : memref<400x128xf32, #tpu.memory_space<vmem>>, vector<400x128xf32>
    tpu.vector_store %arg6[%swap3A, %swap3A_12], %dot_general3A_11 {strides = array<i32>} : memref<400x128xf32, #tpu.memory_space<vmem>>, vector<400x128xf32>,
    %get3A_14 = arith.constant 0 : index
    %get3A_15 = arith.constant 0 : index
    %get3A_16 = vector.load %arg3[%get3A_14, %get3A_15] : memref<1x256xf32, #tpu.memory_space<vmem>>, vector<1x256xf32>
    %mul3A = vector.broadcast %get3A_16 : vector<1x256xf32> to vector<400x256xf32>
    %mul3A_17 = arith.mulf %max3A_7, %mul3A : vector<400x256xf32>
    %reduce_sum3A = arith.constant dense<0.000000e+00> : vector<400xf32>
    %reduce_sum3A_18 = vector.multi_reduction <add>, %mul3A_17, %reduce_sum3A [1] : vector<400x256xf32> to vector<400xf32>
    %broadcast_in_dim3A = vector.shape_cast %reduce_sum3A_18 : vector<400xf32> to vector<1x1x400xf32>
    %swap3A_19 = arith.constant 0 : index
    %swap3A_20 = arith.constant 0 : index
    %swap3A_21 = arith.constant 0 : index
    %swap3A_22 = vector.load %arg7[%swap3A_19, %swap3A_20, %swap3A_21] : memref<1x1x400xf32, #tpu.memory_space<vmem>>, vector<1x1x400xf32>
    tpu.vector_store %arg7[%swap3A_19, %swap3A_20, %swap3A_21], %broadcast_in_dim3A {strides = array<i32>} : memref<1x1x400xf32, #tpu.memory_space<vmem>>, vector<1x1x400xf32>,
    %get3A_23 = arith.constant 0 : index
    %get3A_24 = arith.constant 0 : index
    %get3A_25 = vector.load %arg4[%get3A_23, %get3A_24] : memref<1x256xf32, #tpu.memory_space<vmem>>, vector<1x256xf32>
    %mul3A_26 = vector.broadcast %get3A_25 : vector<1x256xf32> to vector<400x256xf32>
    %mul3A_27 = arith.mulf %max3A_7, %mul3A_26 : vector<400x256xf32>
    %reduce_sum3A_28 = arith.constant dense<0.000000e+00> : vector<400xf32>
    %reduce_sum3A_29 = vector.multi_reduction <add>, %mul3A_27, %reduce_sum3A_28 [1] : vector<400x256xf32> to vector<400xf32>
    %broadcast_in_dim3A_30 = vector.shape_cast %reduce_sum3A_29 : vector<400xf32> to vector<1x1x400xf32>
    %swap3A_31 = arith.constant 0 : index
    %swap3A_32 = arith.constant 0 : index
    %swap3A_33 = arith.constant 0 : index
    %swap3A_34 = vector.load %arg8[%swap3A_31, %swap3A_32, %swap3A_33] : memref<1x1x400xf32, #tpu.memory_space<vmem>>, vector<1x1x400xf32>
    tpu.vector_store %arg8[%swap3A_31, %swap3A_32, %swap3A_33], %broadcast_in_dim3A_30 {strides = array<i32>} : memref<1x1x400xf32, #tpu.memory_space<vmem>>, vector<1x1x400xf32>,
    return
  }
  func.func @transform_0(%arg0: i32) -> (i32, i32) {
    %c0_i32 = arith.constant 0 : i32
    %c0_i32_0 = arith.constant 0 : i32
    return %arg0, %c0_i32 : i32, i32
  }
  func.func @transform_1(%arg0: i32) -> (i32, i32) {
    %c0_i32 = arith.constant 0 : i32
    %c0_i32_0 = arith.constant 0 : i32
    %c0_i32_1 = arith.constant 0 : i32
    return %c0_i32, %c0_i32_0 : i32, i32
  }
  func.func @transform_2(%arg0: i32) -> (i32, i32) {
    %c0_i32 = arith.constant 0 : i32
    %c0_i32_0 = arith.constant 0 : i32
    %c0_i32_1 = arith.constant 0 : i32
    return %c0_i32, %c0_i32_0 : i32, i32
  }
  func.func @transform_3(%arg0: i32) -> (i32, i32) {
    %c0_i32 = arith.constant 0 : i32
    %c0_i32_0 = arith.constant 0 : i32
    %c0_i32_1 = arith.constant 0 : i32
    return %c0_i32, %c0_i32_0 : i32, i32
  }
  func.func @transform_4(%arg0: i32) -> (i32, i32) {
    %c0_i32 = arith.constant 0 : i32
    %c0_i32_0 = arith.constant 0 : i32
    %c0_i32_1 = arith.constant 0 : i32
    return %c0_i32, %c0_i32_0 : i32, i32
  }
  func.func @transform_5(%arg0: i32) -> (i32, i32) {
    %c0_i32 = arith.constant 0 : i32
    %c0_i32_0 = arith.constant 0 : i32
    return %arg0, %c0_i32 : i32, i32
  }
  func.func @transform_6(%arg0: i32) -> (i32, i32, i32) {
    %c0_i32 = arith.constant 0 : i32
    %c0_i32_0 = arith.constant 0 : i32
    %c0_i32_1 = arith.constant 0 : i32
    return %arg0, %c0_i32, %c0_i32_0 : i32, i32, i32
  }
  func.func @transform_7(%arg0: i32) -> (i32, i32, i32) {
    %c0_i32 = arith.constant 0 : i32
    %c0_i32_0 = arith.constant 0 : i32
    %c0_i32_1 = arith.constant 0 : i32
    return %arg0, %c0_i32, %c0_i32_0 : i32, i32, i32
  }
}

module attributes {stable_mosaic.version = 14 : i64} {
  func.func @body(%arg0: i32, %arg1: memref<400x128xf32, #tpu.memory_space<vmem>>, %arg2: memref<1x128xf32, #tpu.memory_space<vmem>>, %arg3: memref<400x128xf32, #tpu.memory_space<vmem>>) attributes {dimension_semantics = [#tpu.dimension_semantics<arbitrary>], iteration_bounds = array<i64: 25>, scalar_prefetch = 0 : i64, scratch_operands = 0 : i64, tpu.core_type = #tpu.core_type<tc>, window_params = [{transform_indices = @transform_0, window_bounds = array<i64: 400, 128>}, {pipeline_mode = #tpu.pipeline_mode<synchronous>, transform_indices = @transform_1, window_bounds = array<i64: 1, 128>}, {transform_indices = @transform_2, window_bounds = array<i64: 400, 128>}]} {
    %get3A = arith.constant 0 : index
    %get3A_0 = arith.constant 0 : index
    %get3A_1 = vector.load %arg1[%get3A, %get3A_0] : memref<400x128xf32, #tpu.memory_space<vmem>>, vector<400x128xf32>
    %get3A_2 = arith.constant 0 : index
    %get3A_3 = arith.constant 0 : index
    %get3A_4 = vector.load %arg2[%get3A_2, %get3A_3] : memref<1x128xf32, #tpu.memory_space<vmem>>, vector<1x128xf32>
    %add3A = vector.broadcast %get3A_4 : vector<1x128xf32> to vector<400x128xf32>
    %add3A_5 = arith.addf %get3A_1, %add3A : vector<400x128xf32>
    %swap3A = arith.constant 0 : index
    %swap3A_6 = arith.constant 0 : index
    %swap3A_7 = vector.load %arg3[%swap3A, %swap3A_6] : memref<400x128xf32, #tpu.memory_space<vmem>>, vector<400x128xf32>
    tpu.vector_store %arg3[%swap3A, %swap3A_6], %add3A_5 {strides = array<i32>} : memref<400x128xf32, #tpu.memory_space<vmem>>, vector<400x128xf32>,
    return
  }
  func.func @transform_0(%arg0: i32) -> (i32, i32) {
    %c0_i32 = arith.constant 0 : i32
    %c0_i32_0 = arith.constant 0 : i32
    return %arg0, %c0_i32 : i32, i32
  }
  func.func @transform_1(%arg0: i32) -> (i32, i32) {
    %c0_i32 = arith.constant 0 : i32
    %c0_i32_0 = arith.constant 0 : i32
    %c0_i32_1 = arith.constant 0 : i32
    return %c0_i32, %c0_i32_0 : i32, i32
  }
  func.func @transform_2(%arg0: i32) -> (i32, i32) {
    %c0_i32 = arith.constant 0 : i32
    %c0_i32_0 = arith.constant 0 : i32
    return %arg0, %c0_i32 : i32, i32
  }
}

</mosaic_0001>

<sc_bundles>
// kernel: kernel.10.cloned.1.call-start
scs
__scs_entry_jumppad:
0x0: {  	(pc) =	sbr.rel $0x88, $3  }
0x1: {  	(tag) =	ssettag $0x0;
	lr =	simm.s32 $0x1  }
0x2: {  	[smem:$0x3F97] =	sst lr;
	_ =	strace $0xD0000000  }
0x3: {  	_ = 	snop  }
0x4: {  	_ = 	snop  }
0x5: {  	_ = 	snop  }
0x6: {  	_ = 	snop  }
0x7: {  	_ = 	snop  }
__scs_overlays_trampoline_lowered:
0x8: {  	[smem:$0x3FA6] =	sst s0  }
0x9: {  	[smem:$0x3FA7] =	sst s1  }
0xa: {  	[smem:$0x3FA8] =	sst s2  }
0xb: {  	[smem:$0x3FA9] =	sst s3  }
0xc: {  	[smem:$0x3FAA] =	sst s4  }
0xd: {  	[smem:$0x3FAB] =	sst s5  }
0xe: {  	[smem:$0x3FAC] =	sst s6  }
0xf: {  	[smem:$0x3FAD] =	sst s7  }
0x10: {  	[smem:$0x3FAE] =	sst s8  }
0x11: {  	[smem:$0x3FAF] =	sst s9;
	s0 =	simm.s32 @!p0 $0x0  }
0x12: {  	s1 =	sld [smem:$0x3F95];
	s0 =	simm.s32 @p0 $0x1  }
0x13: {  	[smem:$0x3FB0] =	sst s0;
	s0 =	simm.s32 @!p1 $0x0  }
0x14: {  	s2 =	sld [smem:$0x3F94];
	s0 =	simm.s32 @p1 $0x1  }
0x15: {  	[smem:$0x3FB1] =	sst s0;
	s0 =	simm.s32 @!p2 $0x0  }
0x16: {  	s3 =	sld [smem:$0x3FDB];
	s0 =	simm.s32 @p2 $0x1  }
0x17: {  	s4 =	simm.s32 $0x1BF5;
	[smem:$0x3FB3] =	sst s0  }
0x18: {  	s0 =	sld [smem:$0x3F96];
	_ =	swait.ge [sflag:s4], $0x0  }
0x19: {  	s7 =	sld [smem:$0x3F97]  }
0x1a: {  	s8 =	sadd.s32 $0xFFFFE003, lr  }
0x1b: {  	s9 =	sadd.s32 $0xFFFFFEF7, lr;
	s5 =	simm.s32 $0xFFFFFFFF;
	p2 =	slt.u32 s8, $0xFFFFF086  }
0x1c: {  	p1 =	slt.u32 s9, $0xF7A;
	s5 =	simm.s32 @!p2 $0x0  }
0x1d: {  	s5 =	simm.s32 @p1 $0x1;
	p0 =	seq.s32 s7, s2  }
0x1e: {  	s7 =	smul.u32 @!p0 $0xF7A, s2;
	p2 =	seq.s32 @!p0 s5, $0x0  }
0x1f: {  	s9 =	smul.u32 $0xF7A, s1;
	s8 =	simm.s32 @!p0 $0x1BF5;
	p2 =	por !p2, p0  }
0x20: {  	[sflag:s8] =	ssyncset.s32 @!p0 $0xFFFFF086;
	s6 =	sadd.s32 @!p0 s3, s7;
	s7 =	simm.s32 @!p0 $0x108  }
0x21: {  	s3 =	sadd.s32 s3, s9;
	s6 =	sadd.s32 @!p0 $0x88, s6;
	s7 =	simm.s32 @p2 $0x1082  }
0x22: {  	[simem:s7], [sflag:s8] =	dma.local @!p0 [hbm:s6], $0xF7A  }
0x23: {  	s9 =	sor.u32 $0xD0000000, s2;
	s6 =	simm.s32 $0x108;
	_ =	swait.ge @!p0 [sflag:s8], $0x0  }
0x24: {  	s3 =	sadd.s32 $0x88, s3;
	s6 =	simm.s32 @!p1 $0x1082;
	[sflag:s4] =	ssyncset.s32 $0xFFFFF086  }
0x25: {  	[simem:s6], [sflag:s4] =	dma.local [hbm:s3], $0xF7A  }
0x26: {  	[smem:$0x3F97] =	sst s1;
	(tag) =	ssettag s2;
	_ =	strace s9  }
0x27: {  	s1 =	sld [smem:$0x3FA7]  }
0x28: {  	s2 =	sld [smem:$0x3FA8]  }
0x29: {  	s4 =	sld [smem:$0x3FAA]  }
0x2a: {  	p0 =	seq.s32 s5, $0x0;
	s5 =	sld [smem:$0x3FAB]  }
0x2b: {  	s6 =	sld [smem:$0x3FAC]  }
0x2c: {  	s7 =	sld [smem:$0x3FAD]  }
0x2d: {  	s3 =	simm.s32 $0x108;
	s8 =	sld [smem:$0x3FAE]  }
0x2e: {  	s3 =	simm.s32 @!p0 $0x1082;
	s9 =	sld [smem:$0x3FAF]  }
0x2f: {  	lr =	sadd.s32 s0, s3;
	s0 =	sld [smem:$0x3FA6]  }
0x30: {  	s3 =	sld [smem:$0x3FA9]  }
0x31: {  	[smem:$0x3FB2] =	sst s10  }
0x32: {  	s10 =	sld [smem:$0x3FB0];
	_ =	sdelay $0x3  }
0x33: {  	p0 =	seq.s32 s10, $0x1;
	s10 =	sld [smem:$0x3FB2];
	_ =	sdelay $0x3  }
0x34: {  	[smem:$0x3FB2] =	sst s10  }
0x35: {  	s10 =	sld [smem:$0x3FB1];
	_ =	sdelay $0x3  }
0x36: {  	p1 =	seq.s32 s10, $0x1;
	s10 =	sld [smem:$0x3FB2];
	_ =	sdelay $0x3  }
0x37: {  	[smem:$0x3FB2] =	sst s10  }
0x38: {  	s10 =	sld [smem:$0x3FB3]  }
0x39: {  	_ = 	snop;
	(pc) =	sbr.ind lr, $3  }
0x3a: {  	_ = 	snop  }
0x3b: {  	_ = 	snop  }
0x3c: {  	p2 =	seq.s32 s10, $0x1;
	s10 =	sld [smem:$0x3FB2]  }
0x3d: {  	_ =	shalt  }
0x3e: {  	_ =	shalt  }
0x3f: {  	_ =	shalt  }
0x40: {  	_ =	shalt  }
0x41: {  	_ =	shalt  }
0x42: {  	_ =	shalt  }
0x43: {  	_ =	shalt  }
0x44: {  	_ =	shalt  }
0x45: {  	_ =	shalt  }
0x46: {  	_ =	shalt  }
0x47: {  	_ =	shalt  }
0x48: {  	_ =	shalt  }
0x49: {  	_ =	shalt  }
0x4a: {  	_ =	shalt  }
0x4b: {  	_ =	shalt  }
0x4c: {  	_ =	shalt  }
0x4d: {  	_ =	shalt  }
0x4e: {  	_ =	shalt  }
0x4f: {  	_ =	shalt  }
0x50: {  	_ =	shalt  }
0x51: {  	_ =	shalt  }
0x52: {  	_ =	shalt  }
0x53: {  	_ =	shalt  }
0x54: {  	_ =	shalt  }
0x55: {  	_ =	shalt  }
0x56: {  	_ =	shalt  }
0x57: {  	_ =	shalt  }
0x58: {  	_ =	shalt  }
0x59: {  	_ =	shalt  }
0x5a: {  	_ =	shalt  }
0x5b: {  	_ =	shalt  }
0x5c: {  	_ =	shalt  }
0x5d: {  	_ =	shalt  }
0x5e: {  	_ =	shalt  }
0x5f: {  	_ =	shalt  }
0x60: {  	_ =	shalt  }
0x61: {  	_ =	shalt  }
0x62: {  	_ =	shalt  }
0x63: {  	_ =	shalt  }
0x64: {  	_ =	shalt  }
0x65: {  	_ =	shalt  }
0x66: {  	_ =	shalt  }
0x67: {  	_ =	shalt  }
0x68: {  	_ =	shalt  }
0x69: {  	_ =	shalt  }
0x6a: {  	_ =	shalt  }
0x6b: {  	_ =	shalt  }
0x6c: {  	_ =	shalt  }
0x6d: {  	_ =	shalt  }
0x6e: {  	_ =	shalt  }
0x6f: {  	_ =	shalt  }
0x70: {  	_ =	shalt  }
0x71: {  	_ =	shalt  }
0x72: {  	_ =	shalt  }
0x73: {  	_ =	shalt  }
0x74: {  	_ =	shalt  }
0x75: {  	_ =	shalt  }
0x76: {  	_ =	shalt  }
0x77: {  	_ =	shalt  }
0x78: {  	_ =	shalt  }
0x79: {  	_ =	shalt  }
0x7a: {  	_ =	shalt  }
0x7b: {  	_ =	shalt  }
0x7c: {  	_ =	shalt  }
0x7d: {  	_ =	shalt  }
0x7e: {  	_ =	shalt  }
0x7f: {  	_ =	shalt  }
0x80: {  	_ =	shalt  }
0x81: {  	_ =	shalt  }
0x82: {  	_ =	shalt  }
0x83: {  	_ =	shalt  }
0x84: {  	_ =	shalt  }
0x85: {  	_ =	shalt  }
0x86: {  	_ =	shalt  }
0x87: {  	_ =	shalt  }
.Lfunc_end0:
.L_simem_size_0:
called_computation.1_lowered:
.L_overlay_start_0:
0x88: {  	s2 =	sld [smem:$0x3FD9]  }
0x89: {  	s3 =	sld [smem:$0x3FFE];
	_ =	sdelay $0x1  }
0x8a: {  	s1 =	srdreg.scid  }
0x8b: {  	s0 =	sand.u32 $0x1, s1  }
0x8c: {  	s17 =	sshll.u32 s0, $0xA;
	s2 =	sadd.s32 s3, s2  }
0x8d: {  	s2 =	sadd.s32 s2, s17  }
0x8e: {  	[smem:$0x3FBE] =	sst s2  }
0x8f: {  	_ = 	snop  }
0x90: {  	s2 =	sld [smem:$0x3FD0];
	(tm) =	ssettm $0x1  }
0x91: {  	s18 =	sld [smem:$0x3FFB];
	_ =	sdelay $0x3  }
0x92: {  	_ =	strace s18  }
0x93: {  	s3 =	sld [smem:$0x3FFC];
	_ =	sdelay $0x3  }
0x94: {  	_ =	strace s3  }
0x95: {  	s3 =	sld [smem:$0x3FFD];
	_ =	sdelay $0x3  }
0x96: {  	_ =	strace s3  }
0x97: {  	_ =	strace $0x8FFFFFFF  }
0x98: {  	s19 =	sld [smem:$0x3FDB];
	_ =	sdelay $0x1  }
0x99: {  	s4 =	simm.s32 $_scs_section_size  }
0x9a: {  	s5 =	simm.s32 $_size__tile_overlayer_lowered;
	s6 =	simm.s32 $_tile_overlayer_lowered  }
0x9b: {  	s22 =	simm.s32 $0x1BFF;
	s21 =	sshll.u32 s6, $0x1;
	s3 =	sadd.s32 s4, s19  }
0x9c: {  	s7 =	simm.s32 $0x0;
	s20 =	sshll.u32 s5, $0x1;
	s5 =	sadd.s32 s21, s3  }
0x9d: {  	[timem:s7], [sflag:s22] =	dma.local [hbm:s5], s20  }
0x9e: {  	_ =	swait.ge [sflag:s22], s20  }
0x9f: {  	s4 =	ssub.s32 $0x0, s20;
	[sflag:s22] =	ssyncset.done $0x0  }
0xa0: {  	[sflag:s22] =	ssyncadd.s32 s4;
	_ =	sdelay $0x1  }
0xa1: {  	s23 =	simm.s32 $0x1B8B  }
0xa2: {  	_ =	swait.ge [sflag:s23], $0x1  }
0xa3: {  	[sflag:s23] =	ssyncset.done $0x0  }
0xa4: {  	s25 =	simm.s32 $0x1B8E;
	s24 =	sld [smem:$0x3FFE];
	[sflag:s23] =	ssyncadd.s32 $0xFFFFFFFF  }
0xa5: {  	s26 =	simm.s32 $execute0_lowered;
	[smem:$0x3FD2] =	sst s25  }
0xa6: {  	s5 =	sshll.u32 s26, $0x1;
	_ =	strace $0x80000049;
	[dreg:$0x1] =	wrdreg $0xFFFFFFFF  }
0xa7: {  	s28 =	simm.s32 $_size_execute0_lowered;
	s3 =	sadd.s32 s3, s5;
	[dreg:$0x0] =	wrdreg $0x0  }
0xa8: {  	s5 =	sshll.u32 s28, $0x1;
	[dreg:$0x2] =	wrdreg s3  }
0xa9: {  	[dreg:$0x3] =	wrdreg s5  }
0xaa: {  	[dreg:$0x4] =	wrdreg $0xC0  }
0xab: {  	_ =	task [dreg:s7], $0x5FFFF  }
0xac: {  	[dreg:$0x1] =	wrdreg $0xFFFFFFFF  }
0xad: {  	[dreg:$0x0] =	wrdreg $0x60  }
0xae: {  	[dreg:$0x2] =	wrdreg s24  }
0xaf: {  	[dreg:$0x3] =	wrdreg s2  }
0xb0: {  	[dreg:$0x4] =	wrdreg $0x9  }
0xb1: {  	_ =	task.clear_ibuf [dreg:s7], $0x5FFFF;
	_ =	strace $0x90000049  }
0xb2: {  	s29 =	simm.s32 $0x9;
	_ =	strace $0x8000004B  }
0xb3: {  	_ =	swait.ge [sflag:s29], $0x1  }
0xb4: {  	[sflag:s29] =	ssyncadd.s32 $0xFFFFFFFF  }
0xb5: {  	_ =	strace $0x9000004B  }
0xb6: {  	_ =	sfence  }
0xb7: {  	s30 =	sld [smem:$0x0];
	_ =	sdelay $0x2  }
0xb8: {  	s31 =	sshll.u32 s1, $0xD;
	s1 =	sshrl.u32 s1, $0x2  }
0xb9: {  	s3 =	sand.u32 $0x4000, s31;
	s1 =	sadd.s32 s1, s30  }
0xba: {  	s0 =	sor.u32 s3, s0;
	s1 =	sshll.u32 s1, $0x11  }
0xbb: {  	s0 =	sor.u32 s1, s0  }
0xbc: {  	s0 =	sadd.s32 $0x8F2B, s0  }
0xbd: {  	[sflag:s0] =	ssyncadd.remote.s32 $0x1  }
0xbe: {  	_ =	sfence.sel $0xFFFF  }
0xbf: {  	[dreg:$0x0] =	wrdreg $0xFFFFFFFF;
	(pc) =	sbr.abs _section_cstart, $3  }
0xc0: {  	[dreg:$0x1] =	wrdreg $0xFFFFFFFF  }
0xc1: {  	_ =	task.clear_ibuf [dreg:s7], $0x2FFFF;
	_ =	strace $0x9FFFFFFF  }
0xc2: {  	(tm) =	ssettm $0x7FFFFFFF  }
0xc3: {  	_ =	shalt  }
tec
execute0_lowered:
.L_overlay_start_1:
0x0: {  	(tag) =	ssettag $0x1  }
0x1: {  	s0 =	srdreg.scid;
	s1 =	rddreg [dreg:$0x0]  }
0x2: {  	s5 =	stileid.u32;
	s2 =	rddreg [dreg:$0x1]  }
0x3: {  	s10 =	simm.s32 $0x0;
	s15 =	simm.s32 $0x1;
	s16 =	simm.s32 $0x8800  }
0x4: {  	s17 =	simm.s32 $0x8400;
	s18 =	simm.s32 $0x8480;
	s19 =	simm.s32 $0x8500  }
0x5: {  	s20 =	simm.s32 $0x8580;
	s21 =	simm.s32 $0x8600;
	s22 =	simm.s32 $0x8680  }
0x6: {  	s23 =	simm.s32 $0x8700;
	s24 =	simm.s32 $0x8780;
	s25 =	simm.s32 $0x8980  }
0x7: {  	s28 =	simm.s32 $0x2;
	s29 =	simm.s32 $0x10;
	s0 =	sand.u32 $0x1, s0  }
0x8: {  	s30 =	simm.s32 $0x12F80;
	[smem:$0x7FF] =	sst s10;
	s3 =	sshll.u32 s0, $0x4  }
0x9: {  	s31 =	simm.s32 $0x5800;
	_ =	strace $0x8000004A;
	s3 =	sor.u32 s5, s3  }
0xa: {  	s5 =	sshll.u32 s5, $0x7;
	s4 =	sshrl.u32 s3, $0x3;
	s26 =	smul.u32 $0x139, s3  }
0xb: {  	s5 =	sand.u32 $0x380, s5;
	s6 =	smul.u32 $0x16000, s4;
	s4 =	sshll.u32 s4, $0xA  }
0xc: {  	s0 =	ssub.s32 $0x2, s0;
	s3 =	smul.u32 $0x1390, s3;
	s4 =	sor.u32 s5, s4  }
0xd: {  	s9 =	sshrl.u32 s26, $0x3;
	s14 =	sand.u32 $0xF, s26;
	s6 =	sor.u32 s5, s6  }
0xe: {  	s4 =	sshrl.u32 s4, $0x3;
	s8 =	sand.u32 $0x7FE, s9;
	s9 =	sshrl.u32 s0, $0x1  }
0xf: {  	v1 =	vmov s14;
	s14 =	simm.s32 $0x3;
	s5 =	simm.s32 $0x0;
	s6 =	sshrl.u32 s6, $0x3  }
0x10: {  	s7 =	sadd.s32 s4, s1;
	s4 =	sadd.s32 $0x800, s1;
	s8 =	sadd.s32 s8, s1  }
0x11: {  	s0 =	ssub.s32 s0, s9;
	s6 =	sadd.s32 s6, s1;
	s13 =	sadd.s32 $0x79400, s7  }
0x12: {  	s1 =	sadd.s32 s3, s1;
	s26 =	sadd.s32 $0xE00, s8;
	[dreg:$0x5] =	wrdreg s13  }
.Ltmp0:
0x13: {  	s0 =	smax.u32 s0, $0x1;
	[dreg:$0x6] =	wrdreg s26;
	(pc) =	sbr.rel .LBB2_1-.Ltmp0, $4  }
0x14: {  	v0 =	vlaneseq.u32;
	s8 =	simm.s32 $0x4;
	s11 =	sadd.s32 $0x63400, s6;
	[dreg:$0x8] =	wrdreg s0  }
0x15: {  	v2 =	vimm.f32 $0.0e+00;
	v3 =	vor.u32 $0x10, v0;
	s12 =	sadd.s32 $0x6E400, s6;
	s1 =	sadd.s32 $0x1400, s1;
	[dreg:$0x3] =	wrdreg s11  }
0x16: {  	v4 =	vor.u32 $0x20, v0;
	v5 =	vor.u32 $0x30, v0;
	v6 =	vor.u32 $0x40, v0;
	s26 =	simm.s32 $0x12780;
	s0 =	simm.s32 $0x8B00;
	[dreg:$0x4] =	wrdreg s12  }
0x17: {  	v7 =	vor.u32 $0x50, v0;
	v8 =	vor.u32 $0x60, v0;
	v9 =	vor.u32 $0x70, v0;
	[dreg:$0x7] =	wrdreg s1;
	s11 =	simm.s32 $0x80;
	s1 =	simm.s32 $0x2C00  }
.LBB2_25:
0x18: {  	_ =	swait.ge [sflag:s28], $0x800  }
0x19: {  	s10 =	simm.s32 $0x0;
	[sflag:s28] =	ssyncset.done $0x0  }
0x1a: {  	s8 =	simm.s32 $0x4;
	s3 =	rddreg [dreg:$0x7];
	[sflag:s28] =	ssyncadd.s32 $0xFFFFF800  }
0x1b: {  	[hbm4b:s3+s10] =	stream.linear.scatter [tilespmem:s0], [sflag:$0x4], $0x9C80, $0x38;
	[tilespmem:$0x13800] =	vst v63  }
0x1c: {  	_ =	swait.ge [sflag:s8], $0x9C80  }
0x1d: {  	s5 =	rddreg [dreg:$0x9]  }
0x1e: {  	s13 =	rddreg [dreg:$0x8];
	s5 =	sadd.s32 $0x1, s5  }
0x1f: {  	p0 =	sne.s32 s5, s13  }
.Ltmp1:
0x20: {  	_ = 	snop;
	(pc) =	sbr.rel @!p0 .LBB2_26-.Ltmp1, $3  }
0x21: {  	_ =	sdelay $0x1  }
0x22: {  	[sflag:s8] =	ssyncset.done $0x0  }
0x23: {  	[sflag:s8] =	ssyncadd.s32 $0xFFFF6380  }
.LBB2_1:
0x24: {  	[dreg:$0x9] =	wrdreg s5  }
0x25: {  	s3 =	rddreg [dreg:$0x3];
	s6 =	simm.s32 $0x400  }
0x26: {  	[tilespmem:s10], [sflag:$0x4] =	stream.strided.gather [hbm4b:s3+s11], $0x2C00, s6, s11, $0x38;
	[tilespmem:$0x13800] =	vst v63  }
0x27: {  	_ =	swait.ge [sflag:s8], $0x2C00  }
0x28: {  	[sflag:s8] =	ssyncset.done $0x0  }
0x29: {  	s7 =	rddreg [dreg:$0x4];
	[sflag:s8] =	ssyncadd.s32 $0xFFFFD400  }
0x2a: {  	[tilespmem:s1], [sflag:$0x4] =	stream.strided.gather [hbm4b:s7+s11], $0x2C00, s6, s11, $0x38;
	[tilespmem:$0x13800] =	vst v63  }
0x2b: {  	_ =	swait.ge [sflag:s8], $0x2C00  }
0x2c: {  	[sflag:s8] =	ssyncset.done $0x0  }
0x2d: {  	s12 =	simm.s32 $0x13780;
	s9 =	rddreg [dreg:$0x5];
	[sflag:s8] =	ssyncadd.s32 $0xFFFFD400  }
0x2e: {  	[tilespmem:s12], [sflag:$0x4] =	stream.linear.gather [hbm4b:s9+s10], $0x80, $0x38;
	[tilespmem:$0x13800] =	vst v63  }
0x2f: {  	_ =	swait.ge [sflag:s8], $0x80  }
0x30: {  	[sflag:s8] =	ssyncset.done $0x0  }
0x31: {  	[sflag:s8] =	ssyncadd.s32 $0xFFFFFF80  }
0x32: {  	v10 =	vld [tilespmem:$0x13780];
	_ =	sdelay $0x4  }
0x33: {  	v10 =	vxor.u32 $0x80000000, v10  }
0x34: {  	(xrf0) =	vmax.scan.msk.u32 $0xffff, v10;
	_ =	sdelay $0x5  }
0x35: {  	v10, _, _ =	vpop (xrf0)  }
0x36: {  	(v2sf) =	vpush v10, $0xF;
	_ =	sdelay $0xe  }
0x37: {  	s3 =	spop (v2sf)  }
0x38: {  	s13 =	sadd.s32 $0x8000003F, s3  }
0x39: {  	s6 =	sand.u32 $0x3F, s13  }
0x3a: {  	s7 =	sshra.s32 s13, $0x1F;
	p0 =	slt.s32 s13, $0x1;
	p1 =	sne.s32 s6, $0x0  }
0x3b: {  	s7 =	sshrl.u32 s7, $0x1A;
	p0 =	por !p0, !p1  }
0x3c: {  	s6 =	simm.s32 $0x1;
	s5 =	sadd.s32 s7, s13;
	p0 =	por !p0, !p0  }
0x3d: {  	s5 =	sshrl.u32 s5, $0x6;
	s6 =	simm.s32 @!p0 $0x0  }
0x3e: {  	s5 =	ssub.s32 s5, s6  }
0x3f: {  	s5 =	sshll.u32 s5, $0x6  }
0x40: {  	[dreg:$0xa] =	wrdreg s5;
	s5 =	sadd.s32 $0x3FF, s5  }
0x41: {  	s9 =	sshra.s32 s5, $0x1F  }
0x42: {  	s12 =	sshrl.u32 s9, $0x16  }
0x43: {  	s5 =	sadd.s32 s12, s5  }
0x44: {  	s5 =	sshra.s32 s5, $0xA  }
0x45: {  	s6 =	sadd.s32 s9, s5  }
0x46: {  	p0 =	slt.s32 s6, $0x1  }
.Ltmp2:
0x47: {  	s13 =	rddreg [dreg:$0x6];
	(pc) =	sbr.rel @p0 .LBB2_5-.Ltmp2, $4  }
0x48: {  	[tilespmem:s16], [sflag:$0x4] =	stream.linear.gather [hbm4b:s13+s10], $0x150, $0x38;
	[tilespmem:$0x13800] =	vst v63  }
0x49: {  	s3 =	sxor.u32 $0x80000000, s3;
	_ =	swait.ge [sflag:s8], $0x150  }
0x4a: {  	s7 =	simm.s32 $0x0;
	s10 =	simm.s32 $0x0;
	[sflag:s8] =	ssyncset.done $0x0  }
0x4b: {  	v11 =	vimm.f32 $-3.000000010e+38;
	v10 =	vmov s3;
	[sflag:s8] =	ssyncadd.s32 $0xFFFFFEB0;
	s8 =	simm.s32 $0x5800;
	s9 =	simm.s32 $0x2C00  }
.LBB2_2:
0x4c: {  	s3 =	sshll.u32 s10, $0xA  }
0x4d: {  	[tilespmem:s17], [sflag:$0x1] =	stream.indirect.gather [hbm4b:s4+s11], $0x1, s3, s11, $0xb8;
	[tilespmem:$0x13800] =	vst v63  }
0x4e: {  	s5 =	sor.u32 $0x80, s3  }
0x4f: {  	[tilespmem:s18], [sflag:$0x1] =	stream.indirect.gather [hbm4b:s4+s11], $0x1, s5, s11, $0xb8;
	[tilespmem:$0x13800] =	vst v63  }
0x50: {  	s13 =	sor.u32 $0x100, s3  }
0x51: {  	[tilespmem:s19], [sflag:$0x1] =	stream.indirect.gather [hbm4b:s4+s11], $0x1, s13, s11, $0xb8;
	[tilespmem:$0x13800] =	vst v63  }
0x52: {  	s12 =	sor.u32 $0x180, s3  }
0x53: {  	[tilespmem:s20], [sflag:$0x1] =	stream.indirect.gather [hbm4b:s4+s11], $0x1, s12, s11, $0xb8;
	[tilespmem:$0x13800] =	vst v63  }
0x54: {  	s13 =	sor.u32 $0x200, s3  }
0x55: {  	[tilespmem:s21], [sflag:$0x1] =	stream.indirect.gather [hbm4b:s4+s11], $0x1, s13, s11, $0xb8;
	[tilespmem:$0x13800] =	vst v63  }
0x56: {  	s12 =	sor.u32 $0x280, s3  }
0x57: {  	[tilespmem:s22], [sflag:$0x1] =	stream.indirect.gather [hbm4b:s4+s11], $0x1, s12, s11, $0xb8;
	[tilespmem:$0x13800] =	vst v63  }
0x58: {  	s13 =	sor.u32 $0x300, s3  }
0x59: {  	[tilespmem:s23], [sflag:$0x1] =	stream.indirect.gather [hbm4b:s4+s11], $0x1, s13, s11, $0xb8;
	[tilespmem:$0x13800] =	vst v63  }
0x5a: {  	s3 =	sor.u32 $0x380, s3  }
0x5b: {  	[tilespmem:s24], [sflag:$0x1] =	stream.indirect.gather [hbm4b:s4+s11], $0x1, s3, s11, $0xb8;
	[tilespmem:$0x13800] =	vst v63  }
0x5c: {  	_ =	swait.ge [sflag:s15], $0x80  }
0x5d: {  	[sflag:s15] =	ssyncset.done $0x0  }
0x5e: {  	[sflag:s15] =	ssyncadd.s32 $0xFFFFFF80  }
0x5f: {  	_ =	swait.ge [sflag:s15], $0x80  }
0x60: {  	[sflag:s15] =	ssyncset.done $0x0  }
0x61: {  	[sflag:s15] =	ssyncadd.s32 $0xFFFFFF80  }
0x62: {  	_ =	swait.ge [sflag:s15], $0x80  }
0x63: {  	[sflag:s15] =	ssyncset.done $0x0  }
0x64: {  	[sflag:s15] =	ssyncadd.s32 $0xFFFFFF80  }
0x65: {  	_ =	swait.ge [sflag:s15], $0x80  }
0x66: {  	[sflag:s15] =	ssyncset.done $0x0  }
0x67: {  	[sflag:s15] =	ssyncadd.s32 $0xFFFFFF80  }
0x68: {  	_ =	swait.ge [sflag:s15], $0x80  }
0x69: {  	[sflag:s15] =	ssyncset.done $0x0  }
0x6a: {  	[sflag:s15] =	ssyncadd.s32 $0xFFFFFF80  }
0x6b: {  	_ =	swait.ge [sflag:s15], $0x80  }
0x6c: {  	[sflag:s15] =	ssyncset.done $0x0  }
0x6d: {  	[sflag:s15] =	ssyncadd.s32 $0xFFFFFF80  }
0x6e: {  	_ =	swait.ge [sflag:s15], $0x80  }
0x6f: {  	v13 =	vmov s9;
	[sflag:s15] =	ssyncset.done $0x0  }
0x70: {  	[sflag:s15] =	ssyncadd.s32 $0xFFFFFF80  }
0x71: {  	_ =	swait.ge [sflag:s15], $0x80  }
0x72: {  	[sflag:s15] =	ssyncset.done $0x0  }
0x73: {  	s3 =	simm.s32 $0x0;
	[sflag:s15] =	ssyncadd.s32 $0xFFFFFF80  }
0x74: {  	v12 =	vld.idx.msk [tilespmem:v13+s3+$0x0 ss:$0x1], $0xffff;
	_ =	sdelay $0x4  }
0x75: {  	v12 =	vadd.s32 v1, v12;
	_ =	sdelay $0x3  }
0x76: {  	v14 =	vld [tilespmem:s3+$0x8400]  }
0x77: {  	v12 =	vld.idx.msk [tilespmem:v12+s16+$0x0], $0xffff;
	_ =	sdelay $0x4  }
0x78: {  	v14 =	vadd.f32 v12, v14;
	v12 =	vmov s8;
	_ =	sdelay $0x1  }
0x79: {  	v15 =	vmul.f32 $2.000000030e-01, v14  }
0x7a: {  	v16 =	vor.u32 s7, v0;
	vm0 =	vge.f32 v14, $0.0e+00  }
0x7b: {  	s5 =	smov.u32 s7;
	s12 =	simm.s32 $0x40;
	s13 =	simm.s32 $0x80;
	v14 =	vsel vm0, v14, v15;
	vm0 =	vlt.s32 v16, v10  }
.LBB2_3:
0x7c: {  	p1 =	sne.s32 s13, $0xFC0;
	[tilespmem:v12+s3+$0x0 ss:$0x1] =	vst.idx.msk $0xffff, v14;
	s3 =	sshra.s32 s12, $0x2;
	v14 =	vnsel vm0, $0xFF61B1E6, v14;
	s12 =	smov.u32 s13  }
0x7d: {  	v15 =	vld.idx.msk [tilespmem:v13+s3+$0x0 ss:$0x1], $0xffff;
	v11 =	vmax.f32 v11, v14;
	_ =	sdelay $0x5  }
0x7e: {  	v14 =	vadd.s32 v1, v15;
	_ =	sdelay $0x4  }
0x7f: {  	v14 =	vld.idx.msk [tilespmem:v14+s16+$0x0], $0xffff  }
0x80: {  	v15 =	vld [tilespmem:s3+$0x8400];
	_ =	sdelay $0x4  }
.Ltmp3:
0x81: {  	v14 =	vadd.f32 v14, v15;
	(pc) =	sbr.rel @p1 .LBB2_3-.Ltmp3, $4  }
0x82: {  	_ = 	snop  }
0x83: {  	s5 =	sadd.s32 $0x10, s5;
	v15 =	vmul.f32 $2.000000030e-01, v14  }
0x84: {  	v16 =	vor.u32 s5, v0;
	vm0 =	vge.f32 v14, $0.0e+00  }
0x85: {  	s13 =	sadd.s32 $0x40, s13;
	v14 =	vsel vm0, v14, v15;
	vm0 =	vlt.s32 v16, v10  }
0x86: {  	_ =	sdelay $0x3  }
0x87: {  	s12 =	sshra.s32 s12, $0x2;
	[tilespmem:v12+s3+$0x0 ss:$0x1] =	vst.idx.msk $0xffff, v14  }
0x88: {  	v13 =	vld.idx.msk [tilespmem:v13+s12+$0x0 ss:$0x1], $0xffff;
	_ =	sdelay $0x4  }
0x89: {  	v13 =	vadd.s32 v1, v13;
	_ =	sdelay $0x3  }
0x8a: {  	v15 =	vld [tilespmem:s12+$0x8400]  }
0x8b: {  	v13 =	vld.idx.msk [tilespmem:v13+s16+$0x0], $0xffff;
	_ =	sdelay $0x4  }
0x8c: {  	s10 =	sadd.s32 $0x1, s10;
	v13 =	vadd.f32 v13, v15  }
0x8d: {  	p1 =	sne.s32 s10, s6  }
.Ltmp4:
0x8e: {  	s13 =	sadd.s32 $0x10, s5;
	v15 =	vmul.f32 $2.000000030e-01, v13;
	(pc) =	sbr.rel @p1 .LBB2_2-.Ltmp4, $4  }
0x8f: {  	v16 =	vor.u32 s13, v0;
	vm1 =	vge.f32 v13, $0.0e+00  }
0x90: {  	v62 =	vnsel vm0, $0xFF61B1E6, v14;
	vm15 =	vlt.s32 v16, v10;
	v13 =	vsel vm1, v13, v15  }
0x91: {  	v11 =	vmax.f32 v11, v62;
	v63 =	vnsel vm15, $0xFF61B1E6, v13  }
0x92: {  	s9 =	sadd.s32 $0x400, s9;
	s8 =	sadd.s32 $0x400, s8;
	s7 =	sadd.s32 $0x400, s7;
	[tilespmem:v12+s12+$0x0 ss:$0x1] =	vst.idx.msk $0xffff, v13;
	v11 =	vmax.f32 v11, v63  }
.LBB2_5:
0x93: {  	[tilespmem:$0x8980] =	vst v2  }
0x94: {  	[tilespmem:$0x8990] =	vst v2  }
0x95: {  	[tilespmem:$0x89A0] =	vst v2  }
0x96: {  	[tilespmem:$0x89B0] =	vst v2  }
0x97: {  	[tilespmem:$0x89C0] =	vst v2  }
0x98: {  	[tilespmem:$0x89D0] =	vst v2  }
0x99: {  	[tilespmem:$0x89E0] =	vst v2  }
0x9a: {  	[tilespmem:$0x89F0] =	vst v2  }
0x9b: {  	[tilespmem:$0x8A00] =	vst v2  }
0x9c: {  	[tilespmem:$0x8A10] =	vst v2  }
0x9d: {  	[tilespmem:$0x8A20] =	vst v2  }
0x9e: {  	[tilespmem:$0x8A30] =	vst v2  }
0x9f: {  	[tilespmem:$0x8A40] =	vst v2  }
0xa0: {  	[tilespmem:$0x8A50] =	vst v2;
	(xrf0) =	vmax.scan.msk.f32 $0xffff, v11  }
0xa1: {  	[tilespmem:$0x8A60] =	vst v2  }
.Ltmp5:
0xa2: {  	[tilespmem:$0x8A70] =	vst v2;
	(pc) =	sbr.rel @p0 .LBB2_17-.Ltmp5, $4  }
0xa3: {  	[tilespmem:$0x8A80] =	vst v2  }
0xa4: {  	[tilespmem:$0x8A90] =	vst v2  }
0xa5: {  	[tilespmem:$0x8AA0] =	vst v2  }
0xa6: {  	[tilespmem:$0x8AB0] =	vst v2;
	v11, _, _ =	vpop (xrf0)  }
0xa7: {  	s5 =	sshll.u32 s6, $0x6  }
0xa8: {  	p1 =	sne.s32 s5, $0x1  }
.Ltmp6:
0xa9: {  	_ = 	snop;
	(pc) =	sbr.rel @!p1 .LBB2_7-.Ltmp6, $3  }
0xaa: {  	_ =	sdelay $0x1  }
0xab: {  	s6 =	simm.s32 $0x5800;
	s3 =	simm.s32 $0x2C00  }
0xac: {  	v11 =	vbroadcast v11, $0xF;
	s8 =	simm.s32 $0x0;
	p0 =	por $0x0, $0x0;
	v12 =	vld [tilespmem:s6+$0x0];
	s7 =	sadd.s32 $0xFFFFFFFF, s5  }
0xad: {  	_ =	sdelay $0x3  }
0xae: {  	v12 =	vsub.f32 v12, v11;
	_ =	sdelay $0x1  }
0xaf: {  	v12 =	vmul.f32 $1.442695020e+00, v12;
	_ =	sdelay $0x1  }
0xb0: {  	(erf) = vpow2.f32 v12;
	_ =	sdelay $0x3  }
0xb1: {  	v12 =	vld [tilespmem:s3+$0x0]  }
0xb2: {  	v13 =	vor.u32 s8, v0  }
0xb3: {  	vm0 =	vlt.s32 v13, v10;
	_ =	sdelay $0x2  }
0xb4: {  	p3 =	sne.s32 s7, $0x1;
	v13 =	vpop (erf)  }
.Ltmp7:
0xb5: {  	v13 =	vnsel vm0, $0x0, v13;
	(pc) =	sbr.rel @!p3 .LBB2_9-.Ltmp7, $4  }
0xb6: {  	[tilespmem:s6+$0x0] =	vst v13  }
0xb7: {  	s9 =	simm.s32 $0x5810;
	[tilespmem:v12+s25+$0x0] =	vst.idx.add.f32.msk vm0, v13  }
0xb8: {  	s12 =	sadd.s32 $0xFFFFFFFF, s7;
	v12 =	vld [tilespmem:s9+$0x0]  }
0xb9: {  	p2 =	por $0x1, $0x1;
	s10 =	simm.s32 $0x2C00;
	s5 =	simm.s32 $0x0  }
.LBB2_10:
0xba: {  	p3 =	sne.s32 s12, $0x1;
	_ =	sdelay $0x2  }
0xbb: {  	v12 =	vsub.f32 v12, v11;
	_ =	sdelay $0x1  }
0xbc: {  	v12 =	vmul.f32 $1.442695020e+00, v12;
	_ =	sdelay $0x1  }
0xbd: {  	(erf) = vpow2.f32 v12;
	_ =	sdelay $0x2  }
0xbe: {  	s10 =	sadd.s32 $0x10, s10  }
0xbf: {  	s5 =	sadd.s32 $0x10, s5;
	v12 =	vld [tilespmem:s10+$0x0]  }
0xc0: {  	v13 =	vor.u32 s5, v0  }
0xc1: {  	vm0 =	vlt.s32 v13, v10;
	_ =	sdelay $0x2  }
0xc2: {  	v13 =	vpop (erf)  }
.Ltmp8:
0xc3: {  	v13 =	vnsel vm0, $0x0, v13;
	(pc) =	sbr.rel @p3 .LBB2_10-.Ltmp8, $4  }
0xc4: {  	[tilespmem:s9+$0x0] =	vst v13  }
0xc5: {  	s9 =	sadd.s32 $0x10, s9;
	[tilespmem:v12+s25+$0x0] =	vst.idx.add.f32.msk vm0, v13  }
0xc6: {  	v12 =	vld [tilespmem:s9+$0x0]  }
0xc7: {  	s12 =	sadd.s32 $0xFFFFFFFF, s12  }
.LBB2_11:
0xc8: {  	_ =	sdelay $0x2  }
0xc9: {  	v11 =	vsub.f32 v12, v11;
	_ =	sdelay $0x1  }
0xca: {  	v11 =	vmul.f32 $1.442695020e+00, v11;
	_ =	sdelay $0x1  }
0xcb: {  	(erf) = vpow2.f32 v11;
	_ =	sdelay $0x1  }
0xcc: {  	s10 =	sadd.s32 @p2 $0x10, s10;
	s12 =	simm.s32 $0x2C00  }
0xcd: {  	s5 =	sadd.s32 @p2 $0x10, s5;
	s12 =	smov.u32 @p2 s10  }
0xce: {  	s8 =	smov.u32 @p2 s5;
	v11 =	vld [tilespmem:s12+$0x0]  }
0xcf: {  	v63 =	vor.u32 s8, v0  }
0xd0: {  	vm0 =	vlt.s32 v63, v10;
	_ =	sdelay $0x2  }
.Ltmp9:
0xd1: {  	v10 =	vpop (erf);
	(pc) =	sbr.rel @!p1 .LBB2_12-.Ltmp9, $4  }
0xd2: {  	v10 =	vnsel vm0, $0x0, v10  }
0xd3: {  	[tilespmem:s9+$0x0] =	vst v10  }
0xd4: {  	[tilespmem:v11+s25+$0x0] =	vst.idx.add.f32.msk vm0, v10  }
0xd5: {  	v10 =	vld [tilespmem:s3+$0x0]  }
0xd6: {  	_ =	sdelay $0x7  }
0xd7: {  	v10 =	vld.idx.msk [tilespmem:v10+s25+$0x0], $0xffff;
	_ =	sdelay $0x4  }
0xd8: {  	v10 =	vadd.f32 $1.000000020e-16, v10;
	_ =	sdelay $0x1  }
0xd9: {  	(erf) = vrcp.f32 v10;
	_ =	sdelay $0x4  }
0xda: {  	v10 =	vld [tilespmem:s6+$0x0];
	_ =	sdelay $0x2  }
0xdb: {  	p1 =	sne.s32 s7, $0x1  }
.Ltmp10:
0xdc: {  	v11 =	vpop (erf);
	(pc) =	sbr.rel @!p1 .LBB2_14-.Ltmp10, $3  }
0xdd: {  	v10 =	vmul.f32 v11, v10;
	_ =	sdelay $0x1  }
0xde: {  	s5 =	simm.s32 $0x2C10;
	[tilespmem:s6+$0x0] =	vst v10  }
0xdf: {  	s7 =	sadd.s32 $0xFFFFFFFF, s7;
	p0 =	por $0x1, $0x1;
	s3 =	simm.s32 $0x5800;
	v10 =	vld [tilespmem:s5+$0x0]  }
.LBB2_15:
0xe0: {  	p1 =	sne.s32 s7, $0x1;
	_ =	sdelay $0x6  }
0xe1: {  	v10 =	vld.idx.msk [tilespmem:v10+s25+$0x0], $0xffff;
	_ =	sdelay $0x5  }
0xe2: {  	v10 =	vadd.f32 $1.000000020e-16, v10;
	_ =	sdelay $0x1  }
0xe3: {  	(erf) = vrcp.f32 v10;
	_ =	sdelay $0x3  }
0xe4: {  	s3 =	sadd.s32 $0x10, s3  }
0xe5: {  	v10 =	vld [tilespmem:s3+$0x0];
	_ =	sdelay $0x3  }
.Ltmp11:
0xe6: {  	v11 =	vpop (erf);
	(pc) =	sbr.rel @p1 .LBB2_15-.Ltmp11, $3  }
0xe7: {  	v10 =	vmul.f32 v11, v10;
	_ =	sdelay $0x1  }
0xe8: {  	s5 =	sadd.s32 $0x10, s5;
	[tilespmem:s3+$0x0] =	vst v10  }
0xe9: {  	s7 =	sadd.s32 $0xFFFFFFFF, s7;
	v10 =	vld [tilespmem:s5+$0x0]  }
.LBB2_16:
0xea: {  	_ =	sdelay $0x7  }
0xeb: {  	v10 =	vld.idx.msk [tilespmem:v10+s25+$0x0], $0xffff;
	_ =	sdelay $0x4  }
0xec: {  	v10 =	vadd.f32 $1.000000020e-16, v10;
	_ =	sdelay $0x1  }
0xed: {  	(erf) = vrcp.f32 v10;
	_ =	sdelay $0x2  }
0xee: {  	s3 =	sadd.s32 @p0 $0x10, s3  }
0xef: {  	s6 =	smov.u32 @p0 s3  }
0xf0: {  	v10 =	vld [tilespmem:s6+$0x0];
	_ =	sdelay $0x3  }
0xf1: {  	v11 =	vpop (erf)  }
0xf2: {  	v10 =	vmul.f32 v11, v10;
	_ =	sdelay $0x1  }
0xf3: {  	[tilespmem:s6+$0x0] =	vst v10  }
.LBB2_17:
0xf4: {  	s3 =	simm.s32 $0x40;
	s5 =	simm.s32 $0x0  }
.LBB2_18:
0xf5: {  	p0 =	sne.s32 s3, $0x271C0;
	[tilespmem:s5+$0x8B00] =	vst v2;
	s5 =	smov.u32 s3;
	s3 =	sadd.s32 $0x40, s3  }
.Ltmp12:
0xf6: {  	(pc) =	sbr.rel @p0 .LBB2_18-.Ltmp12, $2  }
0xf7: {  	_ =	sdelay $0x2  }
0xf8: {  	s5 =	sshra.s32 s5, $0x2  }
0xf9: {  	s3 =	rddreg [dreg:$0xa]  }
0xfa: {  	[tilespmem:s5+$0x8B00] =	vst v2;
	s5 =	sshra.s32 s3, $0x5  }
0xfb: {  	p0 =	slt.s32 s5, $0x1  }
.Ltmp13:
0xfc: {  	_ = 	snop;
	(pc) =	sbr.rel @p0 .LBB2_25-.Ltmp13, $3  }
0xfd: {  	_ =	sdelay $0x1  }
0xfe: {  	s6 =	simm.s32 $0x10;
	s7 =	simm.s32 $0x0;
	s8 =	simm.s32 $0x0  }
0xff: {  	[tilespmem:s26], [sflag:$0x2] =	stream.indirect.gather [hbm4b:s2+s6], $0x80, s7, s6, $0xb8;
	[tilespmem:$0x13800] =	vst v63  }
.LBB2_20:
0x100: {  	s3 =	sadd.s32 $0x0, s7  }
0x101: {  	v10 =	vmov s3  }
0x102: {  	_ =	swait.ge [sflag:s28], $0x800  }
0x103: {  	s12 =	sshll.u32 s8, $0x5;
	[sflag:s28] =	ssyncset.done $0x0  }
0x104: {  	s3 =	sor.u32 $0x10, s12;
	[sflag:s28] =	ssyncadd.s32 $0xFFFFF800  }
0x105: {  	[tilespmem:s30], [sflag:$0x3] =	stream.indirect.gather [hbm4b:s2+s29], $0x80, s3, s29, $0xb8;
	[tilespmem:$0x13800] =	vst v63  }
0x106: {  	v11 =	vld.idx.msk [tilespmem:v10+s1+$0x0], $0xffff;
	_ =	sdelay $0x2  }
0x107: {  	s9 =	simm.s32 $0x127C0;
	v12 =	vld.idx.msk [tilespmem:v10+s31+$0x0], $0xffff  }
0x108: {  	v10 =	vld [tilespmem:s9+$0xFFFFFFC0]  }
0x109: {  	v11 =	vshll.u32 v11, $0x7  }
0x10a: {  	v13 =	vor.u32 v0, v11;
	_ =	sdelay $0x2  }
0x10b: {  	v10 =	vmul.f32 v10, v12;
	_ =	sdelay $0x1  }
0x10c: {  	[tilespmem:v13+s0+$0x0] =	vst.idx.add.f32.msk $0xffff, v10  }
0x10d: {  	v10 =	vld [tilespmem:s9+$0xFFFFFFD0];
	_ =	sdelay $0x1  }
0x10e: {  	v13 =	vor.u32 v3, v11;
	_ =	sdelay $0x2  }
0x10f: {  	v10 =	vmul.f32 v10, v12;
	_ =	sdelay $0x1  }
0x110: {  	[tilespmem:v13+s0+$0x0] =	vst.idx.add.f32.msk $0xffff, v10  }
0x111: {  	v10 =	vld [tilespmem:s9+$0xFFFFFFE0];
	_ =	sdelay $0x1  }
0x112: {  	v13 =	vor.u32 v4, v11;
	_ =	sdelay $0x2  }
0x113: {  	v10 =	vmul.f32 v10, v12;
	_ =	sdelay $0x1  }
0x114: {  	[tilespmem:v13+s0+$0x0] =	vst.idx.add.f32.msk $0xffff, v10  }
0x115: {  	v10 =	vld [tilespmem:s9+$0xFFFFFFF0];
	_ =	sdelay $0x1  }
0x116: {  	v13 =	vor.u32 v5, v11;
	_ =	sdelay $0x2  }
0x117: {  	v10 =	vmul.f32 v10, v12;
	_ =	sdelay $0x1  }
0x118: {  	[tilespmem:v13+s0+$0x0] =	vst.idx.add.f32.msk $0xffff, v10  }
0x119: {  	v10 =	vld [tilespmem:s9+$0x0];
	_ =	sdelay $0x1  }
0x11a: {  	v13 =	vor.u32 v6, v11;
	_ =	sdelay $0x2  }
0x11b: {  	v10 =	vmul.f32 v10, v12;
	_ =	sdelay $0x1  }
0x11c: {  	[tilespmem:v13+s0+$0x0] =	vst.idx.add.f32.msk $0xffff, v10  }
0x11d: {  	v10 =	vld [tilespmem:s9+$0x10];
	_ =	sdelay $0x1  }
0x11e: {  	v13 =	vor.u32 v7, v11;
	_ =	sdelay $0x2  }
0x11f: {  	v10 =	vmul.f32 v10, v12;
	_ =	sdelay $0x1  }
0x120: {  	[tilespmem:v13+s0+$0x0] =	vst.idx.add.f32.msk $0xffff, v10  }
0x121: {  	v10 =	vld [tilespmem:s9+$0x20];
	_ =	sdelay $0x1  }
0x122: {  	v13 =	vor.u32 v8, v11;
	_ =	sdelay $0x2  }
0x123: {  	v10 =	vmul.f32 v10, v12;
	_ =	sdelay $0x1  }
0x124: {  	[tilespmem:v13+s0+$0x0] =	vst.idx.add.f32.msk $0xffff, v10  }
0x125: {  	v13 =	vld [tilespmem:s9+$0x30];
	_ =	sdelay $0x1  }
0x126: {  	s13 =	sadd.s32 $0x1, s7;
	v11 =	vor.u32 v9, v11  }
0x127: {  	v10 =	vmov s13;
	_ =	sdelay $0x1  }
0x128: {  	s10 =	simm.s32 $0x2;
	v12 =	vmul.f32 v13, v12  }
.LBB2_21:
0x129: {  	p0 =	sne.s32 s10, $0xF  }
0x12a: {  	s9 =	sadd.s32 $0x80, s9;
	s3 =	smov.u32 s10;
	s10 =	sadd.s32 $0x1, s10;
	[tilespmem:v11+s0+$0x0] =	vst.idx.add.f32.msk $0xffff, v12  }
0x12b: {  	v11 =	vld.idx.msk [tilespmem:v10+s1+$0x0], $0xffff;
	_ =	sdelay $0x3  }
0x12c: {  	v12 =	vld.idx.msk [tilespmem:v10+s31+$0x0], $0xffff  }
0x12d: {  	v10 =	vld [tilespmem:s9+$0xFFFFFFC0]  }
0x12e: {  	v11 =	vshll.u32 v11, $0x7  }
0x12f: {  	v13 =	vor.u32 v0, v11;
	_ =	sdelay $0x2  }
0x130: {  	v10 =	vmul.f32 v10, v12;
	_ =	sdelay $0x1  }
0x131: {  	[tilespmem:v13+s0+$0x0] =	vst.idx.add.f32.msk $0xffff, v10  }
0x132: {  	v10 =	vld [tilespmem:s9+$0xFFFFFFD0];
	_ =	sdelay $0x1  }
0x133: {  	v13 =	vor.u32 v3, v11;
	_ =	sdelay $0x2  }
0x134: {  	v10 =	vmul.f32 v10, v12;
	_ =	sdelay $0x1  }
0x135: {  	[tilespmem:v13+s0+$0x0] =	vst.idx.add.f32.msk $0xffff, v10  }
0x136: {  	v10 =	vld [tilespmem:s9+$0xFFFFFFE0];
	_ =	sdelay $0x1  }
0x137: {  	v13 =	vor.u32 v4, v11;
	_ =	sdelay $0x2  }
0x138: {  	v10 =	vmul.f32 v10, v12;
	_ =	sdelay $0x1  }
0x139: {  	[tilespmem:v13+s0+$0x0] =	vst.idx.add.f32.msk $0xffff, v10  }
0x13a: {  	v10 =	vld [tilespmem:s9+$0xFFFFFFF0];
	_ =	sdelay $0x1  }
0x13b: {  	v13 =	vor.u32 v5, v11;
	_ =	sdelay $0x2  }
0x13c: {  	v10 =	vmul.f32 v10, v12;
	_ =	sdelay $0x1  }
0x13d: {  	[tilespmem:v13+s0+$0x0] =	vst.idx.add.f32.msk $0xffff, v10  }
0x13e: {  	v10 =	vld [tilespmem:s9+$0x0];
	_ =	sdelay $0x1  }
0x13f: {  	v13 =	vor.u32 v6, v11;
	_ =	sdelay $0x2  }
0x140: {  	v10 =	vmul.f32 v10, v12;
	_ =	sdelay $0x1  }
0x141: {  	[tilespmem:v13+s0+$0x0] =	vst.idx.add.f32.msk $0xffff, v10  }
0x142: {  	v10 =	vld [tilespmem:s9+$0x10];
	_ =	sdelay $0x1  }
0x143: {  	v13 =	vor.u32 v7, v11;
	_ =	sdelay $0x2  }
0x144: {  	v10 =	vmul.f32 v10, v12;
	_ =	sdelay $0x1  }
0x145: {  	[tilespmem:v13+s0+$0x0] =	vst.idx.add.f32.msk $0xffff, v10  }
0x146: {  	v10 =	vld [tilespmem:s9+$0x20];
	_ =	sdelay $0x1  }
0x147: {  	v13 =	vor.u32 v8, v11;
	_ =	sdelay $0x2  }
0x148: {  	v10 =	vmul.f32 v10, v12;
	_ =	sdelay $0x1  }
0x149: {  	[tilespmem:v13+s0+$0x0] =	vst.idx.add.f32.msk $0xffff, v10  }
0x14a: {  	v13 =	vld [tilespmem:s9+$0x30]  }
.Ltmp14:
0x14b: {  	(pc) =	sbr.rel @p0 .LBB2_21-.Ltmp14, $3  }
0x14c: {  	s3 =	sadd.s32 s3, s7;
	v11 =	vor.u32 v9, v11  }
0x14d: {  	v10 =	vmov s3;
	_ =	sdelay $0x1  }
0x14e: {  	v12 =	vmul.f32 v13, v12  }
0x14f: {  	_ =	sdelay $0x3  }
0x150: {  	[tilespmem:v11+s0+$0x0] =	vst.idx.add.f32.msk $0xffff, v12  }
0x151: {  	v11 =	vld.idx.msk [tilespmem:v10+s1+$0x0], $0xffff;
	_ =	sdelay $0x2  }
0x152: {  	s3 =	sadd.s32 $0x80, s9;
	v10 =	vld.idx.msk [tilespmem:v10+s31+$0x0], $0xffff  }
0x153: {  	v12 =	vld [tilespmem:s3+$0xFFFFFFC0]  }
0x154: {  	v11 =	vshll.u32 v11, $0x7  }
0x155: {  	v13 =	vor.u32 v0, v11;
	_ =	sdelay $0x2  }
0x156: {  	v12 =	vmul.f32 v12, v10;
	_ =	sdelay $0x1  }
0x157: {  	[tilespmem:v13+s0+$0x0] =	vst.idx.add.f32.msk $0xffff, v12  }
0x158: {  	v12 =	vld [tilespmem:s3+$0xFFFFFFD0];
	_ =	sdelay $0x1  }
0x159: {  	v13 =	vor.u32 v3, v11;
	_ =	sdelay $0x2  }
0x15a: {  	v12 =	vmul.f32 v12, v10;
	_ =	sdelay $0x1  }
0x15b: {  	[tilespmem:v13+s0+$0x0] =	vst.idx.add.f32.msk $0xffff, v12  }
0x15c: {  	v12 =	vld [tilespmem:s3+$0xFFFFFFE0];
	_ =	sdelay $0x1  }
0x15d: {  	v13 =	vor.u32 v4, v11;
	_ =	sdelay $0x2  }
0x15e: {  	v12 =	vmul.f32 v12, v10;
	_ =	sdelay $0x1  }
0x15f: {  	[tilespmem:v13+s0+$0x0] =	vst.idx.add.f32.msk $0xffff, v12  }
0x160: {  	v12 =	vld [tilespmem:s3+$0xFFFFFFF0];
	_ =	sdelay $0x1  }
0x161: {  	v13 =	vor.u32 v5, v11;
	_ =	sdelay $0x2  }
0x162: {  	v12 =	vmul.f32 v12, v10;
	_ =	sdelay $0x1  }
0x163: {  	[tilespmem:v13+s0+$0x0] =	vst.idx.add.f32.msk $0xffff, v12  }
0x164: {  	v12 =	vld [tilespmem:s3+$0x0];
	_ =	sdelay $0x1  }
0x165: {  	v13 =	vor.u32 v6, v11;
	_ =	sdelay $0x2  }
0x166: {  	v12 =	vmul.f32 v12, v10;
	_ =	sdelay $0x1  }
0x167: {  	[tilespmem:v13+s0+$0x0] =	vst.idx.add.f32.msk $0xffff, v12  }
0x168: {  	v12 =	vld [tilespmem:s3+$0x10];
	_ =	sdelay $0x1  }
0x169: {  	v13 =	vor.u32 v7, v11;
	_ =	sdelay $0x2  }
0x16a: {  	v12 =	vmul.f32 v12, v10;
	_ =	sdelay $0x1  }
0x16b: {  	[tilespmem:v13+s0+$0x0] =	vst.idx.add.f32.msk $0xffff, v12  }
0x16c: {  	v12 =	vld [tilespmem:s3+$0x20];
	_ =	sdelay $0x1  }
0x16d: {  	v13 =	vor.u32 v8, v11;
	_ =	sdelay $0x2  }
0x16e: {  	v12 =	vmul.f32 v12, v10;
	_ =	sdelay $0x1  }
0x16f: {  	[tilespmem:v13+s0+$0x0] =	vst.idx.add.f32.msk $0xffff, v12  }
0x170: {  	v12 =	vld [tilespmem:s3+$0x30];
	_ =	sdelay $0x1  }
0x171: {  	v11 =	vor.u32 v9, v11;
	_ =	sdelay $0x2  }
0x172: {  	s10 =	sshll.u32 s8, $0x7;
	v10 =	vmul.f32 v12, v10  }
0x173: {  	s12 =	sadd.s32 $0x0, s6;
	s3 =	sshra.s32 s10, $0x2  }
0x174: {  	s3 =	sadd.s32 $0x20, s3;
	[tilespmem:v11+s0+$0x0] =	vst.idx.add.f32.msk $0xffff, v10;
	v10 =	vmov s12  }
0x175: {  	[tilespmem:s26], [sflag:$0x2] =	stream.indirect.gather [hbm4b:s2+s29], $0x80, s3, s29, $0xb8;
	[tilespmem:$0x13800] =	vst v63  }
0x176: {  	_ =	swait.ge [sflag:s14], $0x800  }
0x177: {  	[sflag:s14] =	ssyncset.done $0x0  }
0x178: {  	[sflag:s14] =	ssyncadd.s32 $0xFFFFF800  }
0x179: {  	v11 =	vld.idx.msk [tilespmem:v10+s1+$0x0], $0xffff;
	_ =	sdelay $0x2  }
0x17a: {  	s9 =	simm.s32 $0x12FC0;
	v12 =	vld.idx.msk [tilespmem:v10+s31+$0x0], $0xffff  }
0x17b: {  	v10 =	vld [tilespmem:s9+$0xFFFFFFC0]  }
0x17c: {  	v11 =	vshll.u32 v11, $0x7  }
0x17d: {  	v13 =	vor.u32 v0, v11;
	_ =	sdelay $0x2  }
0x17e: {  	v10 =	vmul.f32 v10, v12;
	_ =	sdelay $0x1  }
0x17f: {  	[tilespmem:v13+s0+$0x0] =	vst.idx.add.f32.msk $0xffff, v10  }
0x180: {  	v10 =	vld [tilespmem:s9+$0xFFFFFFD0];
	_ =	sdelay $0x1  }
0x181: {  	v13 =	vor.u32 v3, v11;
	_ =	sdelay $0x2  }
0x182: {  	v10 =	vmul.f32 v10, v12;
	_ =	sdelay $0x1  }
0x183: {  	[tilespmem:v13+s0+$0x0] =	vst.idx.add.f32.msk $0xffff, v10  }
0x184: {  	v10 =	vld [tilespmem:s9+$0xFFFFFFE0];
	_ =	sdelay $0x1  }
0x185: {  	v13 =	vor.u32 v4, v11;
	_ =	sdelay $0x2  }
0x186: {  	v10 =	vmul.f32 v10, v12;
	_ =	sdelay $0x1  }
0x187: {  	[tilespmem:v13+s0+$0x0] =	vst.idx.add.f32.msk $0xffff, v10  }
0x188: {  	v10 =	vld [tilespmem:s9+$0xFFFFFFF0];
	_ =	sdelay $0x1  }
0x189: {  	v13 =	vor.u32 v5, v11;
	_ =	sdelay $0x2  }
0x18a: {  	v10 =	vmul.f32 v10, v12;
	_ =	sdelay $0x1  }
0x18b: {  	[tilespmem:v13+s0+$0x0] =	vst.idx.add.f32.msk $0xffff, v10  }
0x18c: {  	v10 =	vld [tilespmem:s9+$0x0];
	_ =	sdelay $0x1  }
0x18d: {  	v13 =	vor.u32 v6, v11;
	_ =	sdelay $0x2  }
0x18e: {  	v10 =	vmul.f32 v10, v12;
	_ =	sdelay $0x1  }
0x18f: {  	[tilespmem:v13+s0+$0x0] =	vst.idx.add.f32.msk $0xffff, v10  }
0x190: {  	v10 =	vld [tilespmem:s9+$0x10];
	_ =	sdelay $0x1  }
0x191: {  	v13 =	vor.u32 v7, v11;
	_ =	sdelay $0x2  }
0x192: {  	v10 =	vmul.f32 v10, v12;
	_ =	sdelay $0x1  }
0x193: {  	[tilespmem:v13+s0+$0x0] =	vst.idx.add.f32.msk $0xffff, v10  }
0x194: {  	v10 =	vld [tilespmem:s9+$0x20];
	_ =	sdelay $0x1  }
0x195: {  	v13 =	vor.u32 v8, v11;
	_ =	sdelay $0x2  }
0x196: {  	v10 =	vmul.f32 v10, v12;
	_ =	sdelay $0x1  }
0x197: {  	[tilespmem:v13+s0+$0x0] =	vst.idx.add.f32.msk $0xffff, v10  }
0x198: {  	v13 =	vld [tilespmem:s9+$0x30];
	_ =	sdelay $0x1  }
0x199: {  	s13 =	sadd.s32 $0x1, s6;
	v11 =	vor.u32 v9, v11  }
0x19a: {  	v10 =	vmov s13;
	_ =	sdelay $0x1  }
0x19b: {  	s10 =	simm.s32 $0x2;
	v12 =	vmul.f32 v13, v12  }
.LBB2_23:
0x19c: {  	p0 =	sne.s32 s10, $0xF  }
0x19d: {  	s9 =	sadd.s32 $0x80, s9;
	s3 =	smov.u32 s10;
	s10 =	sadd.s32 $0x1, s10;
	[tilespmem:v11+s0+$0x0] =	vst.idx.add.f32.msk $0xffff, v12  }
0x19e: {  	v11 =	vld.idx.msk [tilespmem:v10+s1+$0x0], $0xffff;
	_ =	sdelay $0x3  }
0x19f: {  	v12 =	vld.idx.msk [tilespmem:v10+s31+$0x0], $0xffff  }
0x1a0: {  	v10 =	vld [tilespmem:s9+$0xFFFFFFC0]  }
0x1a1: {  	v11 =	vshll.u32 v11, $0x7  }
0x1a2: {  	v13 =	vor.u32 v0, v11;
	_ =	sdelay $0x2  }
0x1a3: {  	v10 =	vmul.f32 v10, v12;
	_ =	sdelay $0x1  }
0x1a4: {  	[tilespmem:v13+s0+$0x0] =	vst.idx.add.f32.msk $0xffff, v10  }
0x1a5: {  	v10 =	vld [tilespmem:s9+$0xFFFFFFD0];
	_ =	sdelay $0x1  }
0x1a6: {  	v13 =	vor.u32 v3, v11;
	_ =	sdelay $0x2  }
0x1a7: {  	v10 =	vmul.f32 v10, v12;
	_ =	sdelay $0x1  }
0x1a8: {  	[tilespmem:v13+s0+$0x0] =	vst.idx.add.f32.msk $0xffff, v10  }
0x1a9: {  	v10 =	vld [tilespmem:s9+$0xFFFFFFE0];
	_ =	sdelay $0x1  }
0x1aa: {  	v13 =	vor.u32 v4, v11;
	_ =	sdelay $0x2  }
0x1ab: {  	v10 =	vmul.f32 v10, v12;
	_ =	sdelay $0x1  }
0x1ac: {  	[tilespmem:v13+s0+$0x0] =	vst.idx.add.f32.msk $0xffff, v10  }
0x1ad: {  	v10 =	vld [tilespmem:s9+$0xFFFFFFF0];
	_ =	sdelay $0x1  }
0x1ae: {  	v13 =	vor.u32 v5, v11;
	_ =	sdelay $0x2  }
0x1af: {  	v10 =	vmul.f32 v10, v12;
	_ =	sdelay $0x1  }
0x1b0: {  	[tilespmem:v13+s0+$0x0] =	vst.idx.add.f32.msk $0xffff, v10  }
0x1b1: {  	v10 =	vld [tilespmem:s9+$0x0];
	_ =	sdelay $0x1  }
0x1b2: {  	v13 =	vor.u32 v6, v11;
	_ =	sdelay $0x2  }
0x1b3: {  	v10 =	vmul.f32 v10, v12;
	_ =	sdelay $0x1  }
0x1b4: {  	[tilespmem:v13+s0+$0x0] =	vst.idx.add.f32.msk $0xffff, v10  }
0x1b5: {  	v10 =	vld [tilespmem:s9+$0x10];
	_ =	sdelay $0x1  }
0x1b6: {  	v13 =	vor.u32 v7, v11;
	_ =	sdelay $0x2  }
0x1b7: {  	v10 =	vmul.f32 v10, v12;
	_ =	sdelay $0x1  }
0x1b8: {  	[tilespmem:v13+s0+$0x0] =	vst.idx.add.f32.msk $0xffff, v10  }
0x1b9: {  	v10 =	vld [tilespmem:s9+$0x20];
	_ =	sdelay $0x1  }
0x1ba: {  	v13 =	vor.u32 v8, v11;
	_ =	sdelay $0x2  }
0x1bb: {  	v10 =	vmul.f32 v10, v12;
	_ =	sdelay $0x1  }
0x1bc: {  	[tilespmem:v13+s0+$0x0] =	vst.idx.add.f32.msk $0xffff, v10  }
0x1bd: {  	v13 =	vld [tilespmem:s9+$0x30]  }
.Ltmp15:
0x1be: {  	(pc) =	sbr.rel @p0 .LBB2_23-.Ltmp15, $3  }
0x1bf: {  	s3 =	sadd.s32 s3, s6;
	v11 =	vor.u32 v9, v11  }
0x1c0: {  	v10 =	vmov s3;
	_ =	sdelay $0x1  }
0x1c1: {  	v12 =	vmul.f32 v13, v12  }
0x1c2: {  	_ =	sdelay $0x3  }
0x1c3: {  	[tilespmem:v11+s0+$0x0] =	vst.idx.add.f32.msk $0xffff, v12  }
0x1c4: {  	v11 =	vld.idx.msk [tilespmem:v10+s1+$0x0], $0xffff;
	_ =	sdelay $0x2  }
0x1c5: {  	s3 =	sadd.s32 $0x80, s9;
	v10 =	vld.idx.msk [tilespmem:v10+s31+$0x0], $0xffff  }
0x1c6: {  	v12 =	vld [tilespmem:s3+$0xFFFFFFC0]  }
0x1c7: {  	v11 =	vshll.u32 v11, $0x7  }
0x1c8: {  	v13 =	vor.u32 v0, v11;
	_ =	sdelay $0x2  }
0x1c9: {  	v12 =	vmul.f32 v12, v10;
	_ =	sdelay $0x1  }
0x1ca: {  	[tilespmem:v13+s0+$0x0] =	vst.idx.add.f32.msk $0xffff, v12  }
0x1cb: {  	v12 =	vld [tilespmem:s3+$0xFFFFFFD0];
	_ =	sdelay $0x1  }
0x1cc: {  	v58 =	vor.u32 v3, v11;
	_ =	sdelay $0x2  }
0x1cd: {  	v12 =	vmul.f32 v12, v10;
	_ =	sdelay $0x1  }
0x1ce: {  	[tilespmem:v58+s0+$0x0] =	vst.idx.add.f32.msk $0xffff, v12  }
0x1cf: {  	v12 =	vld [tilespmem:s3+$0xFFFFFFE0];
	_ =	sdelay $0x1  }
0x1d0: {  	v59 =	vor.u32 v4, v11;
	_ =	sdelay $0x2  }
0x1d1: {  	v12 =	vmul.f32 v12, v10;
	_ =	sdelay $0x1  }
0x1d2: {  	[tilespmem:v59+s0+$0x0] =	vst.idx.add.f32.msk $0xffff, v12  }
0x1d3: {  	v12 =	vld [tilespmem:s3+$0xFFFFFFF0];
	_ =	sdelay $0x1  }
0x1d4: {  	v60 =	vor.u32 v5, v11;
	_ =	sdelay $0x2  }
0x1d5: {  	v12 =	vmul.f32 v12, v10;
	_ =	sdelay $0x1  }
0x1d6: {  	[tilespmem:v60+s0+$0x0] =	vst.idx.add.f32.msk $0xffff, v12  }
0x1d7: {  	v12 =	vld [tilespmem:s3+$0x0];
	_ =	sdelay $0x1  }
0x1d8: {  	v61 =	vor.u32 v6, v11;
	_ =	sdelay $0x2  }
0x1d9: {  	v12 =	vmul.f32 v12, v10;
	_ =	sdelay $0x1  }
0x1da: {  	[tilespmem:v61+s0+$0x0] =	vst.idx.add.f32.msk $0xffff, v12  }
0x1db: {  	v12 =	vld [tilespmem:s3+$0x10];
	_ =	sdelay $0x1  }
0x1dc: {  	v62 =	vor.u32 v7, v11;
	_ =	sdelay $0x2  }
0x1dd: {  	v12 =	vmul.f32 v12, v10;
	_ =	sdelay $0x1  }
0x1de: {  	[tilespmem:v62+s0+$0x0] =	vst.idx.add.f32.msk $0xffff, v12  }
0x1df: {  	v12 =	vld [tilespmem:s3+$0x20];
	_ =	sdelay $0x1  }
0x1e0: {  	v63 =	vor.u32 v8, v11;
	_ =	sdelay $0x2  }
0x1e1: {  	v12 =	vmul.f32 v12, v10;
	_ =	sdelay $0x1  }
0x1e2: {  	[tilespmem:v63+s0+$0x0] =	vst.idx.add.f32.msk $0xffff, v12  }
0x1e3: {  	v12 =	vld [tilespmem:s3+$0x30]  }
0x1e4: {  	s8 =	sadd.s32 $0x1, s8  }
0x1e5: {  	p0 =	sne.s32 s8, s5;
	v11 =	vor.u32 v9, v11  }
.Ltmp16:
0x1e6: {  	_ = 	snop;
	(pc) =	sbr.rel @p0 .LBB2_20-.Ltmp16, $4  }
.Ltmp17:
0x1e7: {  	_ = 	snop;
	(pc) =	sbr.rel @!p0 .LBB2_25-.Ltmp17, $4  }
0x1e8: {  	v10 =	vmul.f32 v12, v10  }
0x1e9: {  	_ = 	snop  }
0x1ea: {  	s7 =	sadd.s32 $0x20, s7;
	s6 =	sadd.s32 $0x20, s6;
	[tilespmem:v11+s0+$0x0] =	vst.idx.add.f32.msk $0xffff, v10  }
0x1eb: {  	_ = 	snop  }
.LBB2_7:
.Ltmp18:
0x1ec: {  	(pc) =	sbr.rel .LBB2_11-.Ltmp18, $3  }
0x1ed: {  	_ =	sdelay $0x1  }
0x1ee: {  	s10 =	simm.s32 $0x2C00  }
0x1ef: {  	s5 =	simm.s32 $0x0;
	s9 =	simm.s32 $0x5800;
	p2 =	por $0x0, $0x0  }
.LBB2_12:
.Ltmp19:
0x1f0: {  	(pc) =	sbr.rel .LBB2_16-.Ltmp19, $2  }
0x1f1: {  	_ =	sdelay $0x2  }
0x1f2: {  	s3 =	simm.s32 $0x5800  }
.LBB2_9:
.Ltmp20:
0x1f3: {  	(pc) =	sbr.rel .LBB2_11-.Ltmp20, $2  }
0x1f4: {  	_ =	sdelay $0x2  }
0x1f5: {  	s10 =	simm.s32 $0x2C00;
	s5 =	simm.s32 $0x0  }
.LBB2_14:
.Ltmp21:
0x1f6: {  	(pc) =	sbr.rel .LBB2_16-.Ltmp21, $2  }
0x1f7: {  	_ =	sdelay $0x2  }
0x1f8: {  	s3 =	simm.s32 $0x5800  }
.LBB2_26:
0x1f9: {  	_ =	sfence.sel $0x180000  }
0x1fa: {  	[bflag:$0x0] =	sbarrier.arrive $0xFFFF  }
0x1fb: {  	_ =	strace $0x9000004A  }
0x1fc: {  	s0 =	stileid.u32;
	[bflag:$0x2] =	sbarrier.arrive $0xFFFF  }
0x1fd: {  	p0 =	sne.s32 s0, $0x0;
	s0 =	rddreg [dreg:$0x2]  }
0x1fe: {  	s0 =	sadd.s32 @!p0 $0x100000, s0  }
0x1ff: {  	[sflag:s0] =	ssyncadd.tile.s32 @!p0 $0x1;
	_ =	shalt  }
.Lfunc_end2:
_tile_overlayer_lowered:
.L_overlay_start_2:
0x200: {  	(tag) =	ssettag $0x2  }
0x201: {  	s0 =	rddreg [dreg:$0x0];
	s2 =	stileid.u32  }
0x202: {  	s1 =	rddreg [dreg:$0x1];
	p0 =	sne.s32 s2, $0x0  }
0x203: {  	s3 =	rddreg [dreg:$0x2];
	[bflag:$0x3] =	sbarrier.arrive $0xFFFF;
	s2 =	simm.s32 @!p0 $0x1C04  }
0x204: {  	[timem:s3], [sflag:s2] =	dma.local @!p0 [hbm:s0], s1  }
0x205: {  	s0 =	simm.s32 @!p0 $0x4  }
0x206: {  	_ =	swait.ge @!p0 [sflag:s0], s1  }
0x207: {  	s1 =	ssub.s32 @!p0 $0x0, s1;
	[sflag:s0] =	ssyncset.done @!p0 $0x0  }
0x208: {  	[sflag:s0] =	ssyncadd.s32 @!p0 s1  }
0x209: {  	[bflag:$0x3] =	sbarrier.arrive $0xFFFF  }
0x20a: {  	_ =	shalt  }

// kernel: kernel.7.cloned.1.call-start
scs
__scs_entry_jumppad:
0x0: {  	(pc) =	sbr.rel $0x88, $3  }
0x1: {  	(tag) =	ssettag $0x0;
	lr =	simm.s32 $0x1  }
0x2: {  	[smem:$0x3F97] =	sst lr;
	_ =	strace $0xD0000000  }
0x3: {  	_ = 	snop  }
0x4: {  	_ = 	snop  }
0x5: {  	_ = 	snop  }
0x6: {  	_ = 	snop  }
0x7: {  	_ = 	snop  }
__scs_overlays_trampoline_lowered:
0x8: {  	[smem:$0x3FA6] =	sst s0  }
0x9: {  	[smem:$0x3FA7] =	sst s1  }
0xa: {  	[smem:$0x3FA8] =	sst s2  }
0xb: {  	[smem:$0x3FA9] =	sst s3  }
0xc: {  	[smem:$0x3FAA] =	sst s4  }
0xd: {  	[smem:$0x3FAB] =	sst s5  }
0xe: {  	[smem:$0x3FAC] =	sst s6  }
0xf: {  	[smem:$0x3FAD] =	sst s7  }
0x10: {  	[smem:$0x3FAE] =	sst s8  }
0x11: {  	[smem:$0x3FAF] =	sst s9;
	s0 =	simm.s32 @!p0 $0x0  }
0x12: {  	s1 =	sld [smem:$0x3F95];
	s0 =	simm.s32 @p0 $0x1  }
0x13: {  	[smem:$0x3FB0] =	sst s0;
	s0 =	simm.s32 @!p1 $0x0  }
0x14: {  	s2 =	sld [smem:$0x3F94];
	s0 =	simm.s32 @p1 $0x1  }
0x15: {  	[smem:$0x3FB1] =	sst s0;
	s0 =	simm.s32 @!p2 $0x0  }
0x16: {  	s3 =	sld [smem:$0x3FDB];
	s0 =	simm.s32 @p2 $0x1  }
0x17: {  	s4 =	simm.s32 $0x1BF5;
	[smem:$0x3FB3] =	sst s0  }
0x18: {  	s0 =	sld [smem:$0x3F96];
	_ =	swait.ge [sflag:s4], $0x0  }
0x19: {  	s7 =	sld [smem:$0x3F97]  }
0x1a: {  	s8 =	sadd.s32 $0xFFFFE003, lr  }
0x1b: {  	s9 =	sadd.s32 $0xFFFFFEF7, lr;
	s5 =	simm.s32 $0xFFFFFFFF;
	p2 =	slt.u32 s8, $0xFFFFF086  }
0x1c: {  	p1 =	slt.u32 s9, $0xF7A;
	s5 =	simm.s32 @!p2 $0x0  }
0x1d: {  	s5 =	simm.s32 @p1 $0x1;
	p0 =	seq.s32 s7, s2  }
0x1e: {  	s7 =	smul.u32 @!p0 $0xF7A, s2;
	p2 =	seq.s32 @!p0 s5, $0x0  }
0x1f: {  	s9 =	smul.u32 $0xF7A, s1;
	s8 =	simm.s32 @!p0 $0x1BF5;
	p2 =	por !p2, p0  }
0x20: {  	[sflag:s8] =	ssyncset.s32 @!p0 $0xFFFFF086;
	s6 =	sadd.s32 @!p0 s3, s7;
	s7 =	simm.s32 @!p0 $0x108  }
0x21: {  	s3 =	sadd.s32 s3, s9;
	s6 =	sadd.s32 @!p0 $0x88, s6;
	s7 =	simm.s32 @p2 $0x1082  }
0x22: {  	[simem:s7], [sflag:s8] =	dma.local @!p0 [hbm:s6], $0xF7A  }
0x23: {  	s9 =	sor.u32 $0xD0000000, s2;
	s6 =	simm.s32 $0x108;
	_ =	swait.ge @!p0 [sflag:s8], $0x0  }
0x24: {  	s3 =	sadd.s32 $0x88, s3;
	s6 =	simm.s32 @!p1 $0x1082;
	[sflag:s4] =	ssyncset.s32 $0xFFFFF086  }
0x25: {  	[simem:s6], [sflag:s4] =	dma.local [hbm:s3], $0xF7A  }
0x26: {  	[smem:$0x3F97] =	sst s1;
	(tag) =	ssettag s2;
	_ =	strace s9  }
0x27: {  	s1 =	sld [smem:$0x3FA7]  }
0x28: {  	s2 =	sld [smem:$0x3FA8]  }
0x29: {  	s4 =	sld [smem:$0x3FAA]  }
0x2a: {  	p0 =	seq.s32 s5, $0x0;
	s5 =	sld [smem:$0x3FAB]  }
0x2b: {  	s6 =	sld [smem:$0x3FAC]  }
0x2c: {  	s7 =	sld [smem:$0x3FAD]  }
0x2d: {  	s3 =	simm.s32 $0x108;
	s8 =	sld [smem:$0x3FAE]  }
0x2e: {  	s3 =	simm.s32 @!p0 $0x1082;
	s9 =	sld [smem:$0x3FAF]  }
0x2f: {  	lr =	sadd.s32 s0, s3;
	s0 =	sld [smem:$0x3FA6]  }
0x30: {  	s3 =	sld [smem:$0x3FA9]  }
0x31: {  	[smem:$0x3FB2] =	sst s10  }
0x32: {  	s10 =	sld [smem:$0x3FB0];
	_ =	sdelay $0x3  }
0x33: {  	p0 =	seq.s32 s10, $0x1;
	s10 =	sld [smem:$0x3FB2];
	_ =	sdelay $0x3  }
0x34: {  	[smem:$0x3FB2] =	sst s10  }
0x35: {  	s10 =	sld [smem:$0x3FB1];
	_ =	sdelay $0x3  }
0x36: {  	p1 =	seq.s32 s10, $0x1;
	s10 =	sld [smem:$0x3FB2];
	_ =	sdelay $0x3  }
0x37: {  	[smem:$0x3FB2] =	sst s10  }
0x38: {  	s10 =	sld [smem:$0x3FB3]  }
0x39: {  	_ = 	snop;
	(pc) =	sbr.ind lr, $3  }
0x3a: {  	_ = 	snop  }
0x3b: {  	_ = 	snop  }
0x3c: {  	p2 =	seq.s32 s10, $0x1;
	s10 =	sld [smem:$0x3FB2]  }
0x3d: {  	_ =	shalt  }
0x3e: {  	_ =	shalt  }
0x3f: {  	_ =	shalt  }
0x40: {  	_ =	shalt  }
0x41: {  	_ =	shalt  }
0x42: {  	_ =	shalt  }
0x43: {  	_ =	shalt  }
0x44: {  	_ =	shalt  }
0x45: {  	_ =	shalt  }
0x46: {  	_ =	shalt  }
0x47: {  	_ =	shalt  }
0x48: {  	_ =	shalt  }
0x49: {  	_ =	shalt  }
0x4a: {  	_ =	shalt  }
0x4b: {  	_ =	shalt  }
0x4c: {  	_ =	shalt  }
0x4d: {  	_ =	shalt  }
0x4e: {  	_ =	shalt  }
0x4f: {  	_ =	shalt  }
0x50: {  	_ =	shalt  }
0x51: {  	_ =	shalt  }
0x52: {  	_ =	shalt  }
0x53: {  	_ =	shalt  }
0x54: {  	_ =	shalt  }
0x55: {  	_ =	shalt  }
0x56: {  	_ =	shalt  }
0x57: {  	_ =	shalt  }
0x58: {  	_ =	shalt  }
0x59: {  	_ =	shalt  }
0x5a: {  	_ =	shalt  }
0x5b: {  	_ =	shalt  }
0x5c: {  	_ =	shalt  }
0x5d: {  	_ =	shalt  }
0x5e: {  	_ =	shalt  }
0x5f: {  	_ =	shalt  }
0x60: {  	_ =	shalt  }
0x61: {  	_ =	shalt  }
0x62: {  	_ =	shalt  }
0x63: {  	_ =	shalt  }
0x64: {  	_ =	shalt  }
0x65: {  	_ =	shalt  }
0x66: {  	_ =	shalt  }
0x67: {  	_ =	shalt  }
0x68: {  	_ =	shalt  }
0x69: {  	_ =	shalt  }
0x6a: {  	_ =	shalt  }
0x6b: {  	_ =	shalt  }
0x6c: {  	_ =	shalt  }
0x6d: {  	_ =	shalt  }
0x6e: {  	_ =	shalt  }
0x6f: {  	_ =	shalt  }
0x70: {  	_ =	shalt  }
0x71: {  	_ =	shalt  }
0x72: {  	_ =	shalt  }
0x73: {  	_ =	shalt  }
0x74: {  	_ =	shalt  }
0x75: {  	_ =	shalt  }
0x76: {  	_ =	shalt  }
0x77: {  	_ =	shalt  }
0x78: {  	_ =	shalt  }
0x79: {  	_ =	shalt  }
0x7a: {  	_ =	shalt  }
0x7b: {  	_ =	shalt  }
0x7c: {  	_ =	shalt  }
0x7d: {  	_ =	shalt  }
0x7e: {  	_ =	shalt  }
0x7f: {  	_ =	shalt  }
0x80: {  	_ =	shalt  }
0x81: {  	_ =	shalt  }
0x82: {  	_ =	shalt  }
0x83: {  	_ =	shalt  }
0x84: {  	_ =	shalt  }
0x85: {  	_ =	shalt  }
0x86: {  	_ =	shalt  }
0x87: {  	_ =	shalt  }
.Lfunc_end0:
.L_simem_size_0:
called_computation_lowered:
.L_overlay_start_0:
0x88: {  	s2 =	sld [smem:$0x3FD9]  }
0x89: {  	s3 =	sld [smem:$0x3FFE];
	_ =	sdelay $0x1  }
0x8a: {  	s1 =	srdreg.scid  }
0x8b: {  	s0 =	sand.u32 $0x1, s1  }
0x8c: {  	s17 =	sshll.u32 s0, $0xA;
	s2 =	sadd.s32 s3, s2  }
0x8d: {  	s2 =	sadd.s32 s2, s17  }
0x8e: {  	[smem:$0x3FBE] =	sst s2  }
0x8f: {  	_ = 	snop  }
0x90: {  	s2 =	sld [smem:$0x3FD0];
	(tm) =	ssettm $0x1  }
0x91: {  	s18 =	sld [smem:$0x3FFB];
	_ =	sdelay $0x3  }
0x92: {  	_ =	strace s18  }
0x93: {  	s3 =	sld [smem:$0x3FFC];
	_ =	sdelay $0x3  }
0x94: {  	_ =	strace s3  }
0x95: {  	s3 =	sld [smem:$0x3FFD];
	_ =	sdelay $0x3  }
0x96: {  	_ =	strace s3  }
0x97: {  	_ =	strace $0x8FFFFFFF  }
0x98: {  	s19 =	sld [smem:$0x3FDB];
	_ =	sdelay $0x1  }
0x99: {  	s4 =	simm.s32 $_scs_section_size  }
0x9a: {  	s5 =	simm.s32 $_size__tile_overlayer_lowered;
	s6 =	simm.s32 $_tile_overlayer_lowered  }
0x9b: {  	s22 =	simm.s32 $0x1BFF;
	s21 =	sshll.u32 s6, $0x1;
	s3 =	sadd.s32 s4, s19  }
0x9c: {  	s7 =	simm.s32 $0x0;
	s20 =	sshll.u32 s5, $0x1;
	s5 =	sadd.s32 s21, s3  }
0x9d: {  	[timem:s7], [sflag:s22] =	dma.local [hbm:s5], s20  }
0x9e: {  	_ =	swait.ge [sflag:s22], s20  }
0x9f: {  	s4 =	ssub.s32 $0x0, s20;
	[sflag:s22] =	ssyncset.done $0x0  }
0xa0: {  	[sflag:s22] =	ssyncadd.s32 s4;
	_ =	sdelay $0x1  }
0xa1: {  	s23 =	simm.s32 $0x1B8B  }
0xa2: {  	_ =	swait.ge [sflag:s23], $0x1  }
0xa3: {  	[sflag:s23] =	ssyncset.done $0x0  }
0xa4: {  	s25 =	simm.s32 $0x1B8E;
	s24 =	sld [smem:$0x3FFE];
	[sflag:s23] =	ssyncadd.s32 $0xFFFFFFFF  }
0xa5: {  	s26 =	simm.s32 $execute0_lowered;
	[smem:$0x3FD2] =	sst s25  }
0xa6: {  	s5 =	sshll.u32 s26, $0x1;
	_ =	strace $0x80000046;
	[dreg:$0x1] =	wrdreg $0xFFFFFFFF  }
0xa7: {  	s28 =	simm.s32 $_size_execute0_lowered;
	s3 =	sadd.s32 s3, s5;
	[dreg:$0x0] =	wrdreg $0x0  }
0xa8: {  	s5 =	sshll.u32 s28, $0x1;
	[dreg:$0x2] =	wrdreg s3  }
0xa9: {  	[dreg:$0x3] =	wrdreg s5  }
0xaa: {  	[dreg:$0x4] =	wrdreg $0xC0  }
0xab: {  	_ =	task [dreg:s7], $0x5FFFF  }
0xac: {  	[dreg:$0x1] =	wrdreg $0xFFFFFFFF  }
0xad: {  	[dreg:$0x0] =	wrdreg $0x60  }
0xae: {  	[dreg:$0x2] =	wrdreg s24  }
0xaf: {  	[dreg:$0x3] =	wrdreg s2  }
0xb0: {  	[dreg:$0x4] =	wrdreg $0x9  }
0xb1: {  	_ =	task.clear_ibuf [dreg:s7], $0x5FFFF;
	_ =	strace $0x90000046  }
0xb2: {  	s29 =	simm.s32 $0x9;
	_ =	strace $0x80000048  }
0xb3: {  	_ =	swait.ge [sflag:s29], $0x1  }
0xb4: {  	[sflag:s29] =	ssyncadd.s32 $0xFFFFFFFF  }
0xb5: {  	_ =	strace $0x90000048  }
0xb6: {  	_ =	sfence  }
0xb7: {  	s30 =	sld [smem:$0x0];
	_ =	sdelay $0x2  }
0xb8: {  	s31 =	sshll.u32 s1, $0xD;
	s1 =	sshrl.u32 s1, $0x2  }
0xb9: {  	s3 =	sand.u32 $0x4000, s31;
	s1 =	sadd.s32 s1, s30  }
0xba: {  	s0 =	sor.u32 s3, s0;
	s1 =	sshll.u32 s1, $0x11  }
0xbb: {  	s0 =	sor.u32 s1, s0  }
0xbc: {  	s0 =	sadd.s32 $0x8F2B, s0  }
0xbd: {  	[sflag:s0] =	ssyncadd.remote.s32 $0x1  }
0xbe: {  	_ =	sfence.sel $0xFFFF  }
0xbf: {  	[dreg:$0x0] =	wrdreg $0xFFFFFFFF;
	(pc) =	sbr.abs _section_cstart, $3  }
0xc0: {  	[dreg:$0x1] =	wrdreg $0xFFFFFFFF  }
0xc1: {  	_ =	task.clear_ibuf [dreg:s7], $0x2FFFF;
	_ =	strace $0x9FFFFFFF  }
0xc2: {  	(tm) =	ssettm $0x7FFFFFFF  }
0xc3: {  	_ =	shalt  }
tec
execute0_lowered:
.L_overlay_start_1:
0x0: {  	(tag) =	ssettag $0x1  }
0x1: {  	s0 =	rddreg [dreg:$0x0]  }
0x2: {  	s1 =	rddreg [dreg:$0x1];
	s2 =	srdreg.scid  }
0x3: {  	s3 =	simm.s32 $0x0;
	s11 =	stileid.u32;
	s13 =	simm.s32 $0x8400  }
0x4: {  	s14 =	simm.s32 $0x8A80;
	s15 =	simm.s32 $0x1;
	s16 =	simm.s32 $0x2  }
0x5: {  	s17 =	simm.s32 $0x9100;
	s18 =	simm.s32 $0x9780;
	s19 =	simm.s32 $0x2C00  }
0x6: {  	s20 =	simm.s32 $0x3;
	s21 =	simm.s32 $0x4;
	s30 =	simm.s32 $0x7  }
0x7: {  	s28 =	simm.s32 $0x6;
	s2 =	sand.u32 $0x1, s2;
	[smem:$0x7FF] =	sst s3  }
0x8: {  	s5 =	sadd.s32 $0xA600, s0;
	s6 =	sadd.s32 $0x14400, s0;
	s4 =	sshll.u32 s2, $0x4  }
0x9: {  	_ =	strace $0x80000047;
	s2 =	ssub.s32 $0x2, s2;
	s7 =	sor.u32 s11, s4  }
0xa: {  	s4 =	sadd.s32 $0x800, s0;
	s11 =	sshll.u32 s11, $0x7;
	s8 =	smul.u32 $0x139, s7  }
0xb: {  	s23 =	sshrl.u32 s2, $0x1;
	s10 =	smul.u32 $0x2720, s7;
	s7 =	sshrl.u32 s7, $0x3  }
0xc: {  	s11 =	sand.u32 $0x380, s11;
	s2 =	ssub.s32 s2, s23;
	s12 =	smul.u32 $0x16000, s7  }
0xd: {  	s7 =	sshll.u32 s7, $0xA;
	s2 =	smax.u32 s2, $0x1;
	s9 =	sshrl.u32 s8, $0x3  }
0xe: {  	s10 =	sadd.s32 s10, s0;
	s7 =	sor.u32 s11, s7;
	s26 =	sand.u32 $0xF, s8  }
0xf: {  	v0 =	vlaneseq.u32;
	[dreg:$0x8] =	wrdreg s2;
	s2 =	simm.s32 $0x0;
	s9 =	sand.u32 $0x7FE, s9  }
0x10: {  	v2 =	vmul.u32 $0x2, v0;
	s12 =	sor.u32 s11, s12;
	s7 =	sshrl.u32 s7, $0x3;
	s31 =	sadd.s32 $0x15000, s10  }
0x11: {  	v3 =	vmov s26;
	s26 =	simm.s32 $0xA200;
	s10 =	simm.s32 $0x10;
	s9 =	sadd.s32 s9, s0  }
0x12: {  	v5 =	vimm.s32 $0x0;
	v6 =	vimm.f32 $0.0e+00;
	v7 =	vor.u32 $0x1, v2;
	s22 =	sshrl.u32 s12, $0x3;
	[dreg:$0x7] =	wrdreg s31;
	s12 =	simm.s32 $0x5800  }
.Ltmp0:
0x13: {  	v8 =	vor.u32 $0x20, v2;
	v9 =	vor.u32 $0x21, v2;
	v10 =	vor.u32 $0x40, v2;
	s11 =	sadd.s32 s22, s0;
	s29 =	sadd.s32 $0x14A00, s9;
	(pc) =	sbr.rel .LBB2_1-.Ltmp0, $4  }
0x14: {  	v11 =	vor.u32 $0x41, v2;
	v12 =	vor.u32 $0x60, v2;
	v13 =	vor.u32 $0x61, v2;
	s0 =	sadd.s32 s7, s0;
	s24 =	sadd.s32 $0x63400, s11;
	[dreg:$0x6] =	wrdreg s29  }
0x15: {  	v14 =	vor.u32 $0x80, v2;
	v15 =	vor.u32 $0x81, v2;
	v16 =	vor.u32 $0xA0, v2;
	s22 =	simm.s32 $0x80;
	s25 =	sadd.s32 $0x6E400, s11;
	[dreg:$0x3] =	wrdreg s24  }
0x16: {  	v17 =	vor.u32 $0xA1, v2;
	v18 =	vor.u32 $0xC0, v2;
	v1 =	vmov s8;
	s7 =	simm.s32 $0xA380;
	s0 =	sadd.s32 $0x79400, s0;
	[dreg:$0x4] =	wrdreg s25  }
0x17: {  	v19 =	vor.u32 $0xC1, v2;
	v20 =	vor.u32 $0xE0, v2;
	v4 =	vadd.s32 $0x139, v1;
	s9 =	simm.s32 $0x5;
	[dreg:$0x5] =	wrdreg s0;
	s24 =	simm.s32 $0xA500  }
.LBB2_33:
0x18: {  	_ =	swait.ge [sflag:s9], $0x800  }
0x19: {  	[sflag:s9] =	ssyncset.done $0x0  }
0x1a: {  	s30 =	simm.s32 $0x7;
	s0 =	rddreg [dreg:$0x7];
	[sflag:s9] =	ssyncadd.s32 $0xFFFFF800  }
0x1b: {  	[hbm4b:s0+s3] =	stream.linear.scatter [tilespmem:s24], [sflag:$0x7], $0x13900, $0x38;
	[tilespmem:$0x1EE80] =	vst v63  }
0x1c: {  	_ =	swait.ge [sflag:s30], $0x13900  }
0x1d: {  	s2 =	rddreg [dreg:$0x9]  }
0x1e: {  	s31 =	rddreg [dreg:$0x8];
	s2 =	sadd.s32 $0x1, s2  }
0x1f: {  	p0 =	sne.s32 s2, s31  }
.Ltmp1:
0x20: {  	_ = 	snop;
	(pc) =	sbr.rel @!p0 .LBB2_34-.Ltmp1, $3  }
0x21: {  	_ =	sdelay $0x1  }
0x22: {  	[sflag:s30] =	ssyncset.done $0x0  }
0x23: {  	[sflag:s30] =	ssyncadd.s32 $0xFFFEC700  }
.LBB2_1:
0x24: {  	[dreg:$0x9] =	wrdreg s2;
	s0 =	simm.s32 $0x40;
	s2 =	simm.s32 $0x0  }
.LBB2_2:
0x25: {  	p0 =	sne.s32 s0, $0xAFC0;
	[tilespmem:s2+$0x0] =	vst v5;
	s8 =	smov.u32 s0;
	s0 =	sadd.s32 $0x40, s0  }
.Ltmp2:
0x26: {  	[tilespmem:s2+$0x2C00] =	vst v5;
	(pc) =	sbr.rel @p0 .LBB2_2-.Ltmp2, $2  }
0x27: {  	_ =	sdelay $0x2  }
0x28: {  	s2 =	sshra.s32 s8, $0x2  }
0x29: {  	[tilespmem:s2+$0x0] =	vst v5  }
0x2a: {  	[tilespmem:s2+$0x2C00] =	vst v5;
	s0 =	simm.s32 $0x0  }
0x2b: {  	[tilespmem:s13], [sflag:$0x1] =	stream.linear.gather [hbm4b:s4+s0], $0x640, $0x38;
	[tilespmem:$0x1EE80] =	vst v63  }
0x2c: {  	s2 =	simm.s32 $0x0  }
0x2d: {  	v21 =	vimm.s32 $0x0;
	[tilespmem:s14], [sflag:$0x2] =	stream.linear.gather [hbm4b:s5+s0], $0x640, $0x38;
	[tilespmem:$0x1EE80] =	vst v63  }
.LBB2_4:
0x2e: {  	_ =	swait.ge [sflag:s15], $0x640  }
0x2f: {  	s8 =	smul.u32 $0xC80, s2;
	[sflag:s15] =	ssyncset.done $0x0  }
0x30: {  	[sflag:s15] =	ssyncadd.s32 $0xFFFFF9C0  }
0x31: {  	s23 =	sshrl.u32 s8, $0x3;
	_ =	swait.ge [sflag:s16], $0x640  }
0x32: {  	s8 =	sadd.s32 $0xC8, s23;
	[sflag:s16] =	ssyncset.done $0x0  }
0x33: {  	s11 =	sadd.s32 s4, s8;
	[sflag:s16] =	ssyncadd.s32 $0xFFFFF9C0  }
0x34: {  	[tilespmem:s17], [sflag:$0x3] =	stream.linear.gather [hbm4b:s11+s0], $0x640, $0x38;
	[tilespmem:$0x1EE80] =	vst v63  }
0x35: {  	s25 =	simm.s32 $0x0;
	s8 =	sadd.s32 s5, s8  }
0x36: {  	[tilespmem:s18], [sflag:$0x4] =	stream.linear.gather [hbm4b:s8+s0], $0x640, $0x38;
	[tilespmem:$0x1EE80] =	vst v63  }
.LBB2_5:
0x37: {  	s8 =	sshra.s32 s25, $0x2  }
0x38: {  	v22 =	vld [tilespmem:s8+$0x8A80];
	_ =	sdelay $0x4  }
0x39: {  	vm0 =	vge.s32 v22, v1;
	vm1 =	vlt.s32 v22, v4  }
0x3a: {  	vm0 =	vmand vm0, vm1  }
0x3b: {  	v23 =	vsel vm0, $0x1, v5  }
0x3c: {  	(xrf0) =	vadd.scan.msk.s32 $0xffff, v23;
	_ =	sdelay $0x5  }
0x3d: {  	v23, _, _ =	vpop (xrf0)  }
0x3e: {  	v23 =	vadd.s32 v23, v21  }
0x3f: {  	v24 =	vld [tilespmem:s8+$0x8400];
	v23 =	vadd.s32 $0xFFFFFFFF, v23;
	_ =	sdelay $0x4  }
0x40: {  	v22 =	vsub.s32 v22, v1;
	[tilespmem:v23+s3+$0x0] =	vst.idx.msk vm0, v24  }
0x41: {  	[tilespmem:v23+s19+$0x0] =	vst.idx.msk vm0, v22  }
0x42: {  	v22 =	vld [tilespmem:s8+$0x8A90];
	_ =	sdelay $0x4  }
0x43: {  	vm11 =	vge.s32 v22, v1;
	vm2 =	vlt.s32 v22, v4  }
0x44: {  	vm1 =	vmand vm11, vm2  }
0x45: {  	v23 =	vsel vm1, $0x1, v5  }
0x46: {  	(xrf0) =	vadd.scan.msk.s32 $0xffff, v23;
	_ =	sdelay $0x1  }
0x47: {  	v23 =	vmpcnt.ones.xlane vm0;
	_ =	sdelay $0x3  }
0x48: {  	v21 =	vadd.s32 v21, v23;
	v23, _, _ =	vpop (xrf0)  }
0x49: {  	v23 =	vadd.s32 v23, v21  }
0x4a: {  	v24 =	vld [tilespmem:s8+$0x8410];
	v23 =	vadd.s32 $0xFFFFFFFF, v23;
	_ =	sdelay $0x4  }
0x4b: {  	v22 =	vsub.s32 v22, v1;
	[tilespmem:v23+s3+$0x0] =	vst.idx.msk vm1, v24  }
0x4c: {  	[tilespmem:v23+s19+$0x0] =	vst.idx.msk vm1, v22  }
0x4d: {  	v22 =	vld [tilespmem:s8+$0x8AA0];
	_ =	sdelay $0x4  }
0x4e: {  	vm12 =	vge.s32 v22, v1;
	vm13 =	vlt.s32 v22, v4  }
0x4f: {  	vm0 =	vmand vm12, vm13  }
0x50: {  	v23 =	vsel vm0, $0x1, v5  }
0x51: {  	(xrf0) =	vadd.scan.msk.s32 $0xffff, v23;
	_ =	sdelay $0x1  }
0x52: {  	v23 =	vmpcnt.ones.xlane vm1;
	_ =	sdelay $0x3  }
0x53: {  	v21 =	vadd.s32 v21, v23;
	v23, _, _ =	vpop (xrf0)  }
0x54: {  	v23 =	vadd.s32 v23, v21  }
0x55: {  	v24 =	vld [tilespmem:s8+$0x8420];
	v23 =	vadd.s32 $0xFFFFFFFF, v23;
	_ =	sdelay $0x4  }
0x56: {  	v22 =	vsub.s32 v22, v1;
	[tilespmem:v23+s3+$0x0] =	vst.idx.msk vm0, v24  }
0x57: {  	[tilespmem:v23+s19+$0x0] =	vst.idx.msk vm0, v22  }
0x58: {  	v22 =	vld [tilespmem:s8+$0x8AB0];
	_ =	sdelay $0x4  }
0x59: {  	vm14 =	vge.s32 v22, v1;
	vm15 =	vlt.s32 v22, v4  }
0x5a: {  	vm1 =	vmand vm14, vm15  }
0x5b: {  	v23 =	vsel vm1, $0x1, v5  }
0x5c: {  	(xrf0) =	vadd.scan.msk.s32 $0xffff, v23;
	_ =	sdelay $0x1  }
0x5d: {  	v23 =	vmpcnt.ones.xlane vm0;
	_ =	sdelay $0x3  }
0x5e: {  	v21 =	vadd.s32 v21, v23;
	v23, _, _ =	vpop (xrf0)  }
0x5f: {  	v23 =	vadd.s32 v23, v21  }
0x60: {  	v24 =	vld [tilespmem:s8+$0x8430];
	v23 =	vadd.s32 $0xFFFFFFFF, v23  }
0x61: {  	p0 =	sne.s32 s25, $0x1800  }
.Ltmp3:
0x62: {  	_ = 	snop;
	(pc) =	sbr.rel @p0 .LBB2_5-.Ltmp3, $4  }
0x63: {  	_ = 	snop  }
0x64: {  	v25 =	vmpcnt.ones.xlane vm1  }
0x65: {  	v22 =	vsub.s32 v22, v1;
	[tilespmem:v23+s3+$0x0] =	vst.idx.msk vm1, v24  }
0x66: {  	s25 =	sadd.s32 $0x100, s25;
	v21 =	vadd.s32 v21, v25;
	[tilespmem:v23+s19+$0x0] =	vst.idx.msk vm1, v22  }
0x67: {  	s8 =	sadd.s32 $0x190, s23  }
0x68: {  	s23 =	simm.s32 $0x0;
	s11 =	sadd.s32 s4, s8  }
0x69: {  	[tilespmem:s13], [sflag:$0x1] =	stream.linear.gather [hbm4b:s11+s23], $0x640, $0x38;
	[tilespmem:$0x1EE80] =	vst v63  }
0x6a: {  	s8 =	sadd.s32 s5, s8  }
0x6b: {  	[tilespmem:s14], [sflag:$0x2] =	stream.linear.gather [hbm4b:s8+s23], $0x640, $0x38;
	[tilespmem:$0x1EE80] =	vst v63  }
0x6c: {  	_ =	swait.ge [sflag:s20], $0x640  }
0x6d: {  	[sflag:s20] =	ssyncset.done $0x0  }
0x6e: {  	[sflag:s20] =	ssyncadd.s32 $0xFFFFF9C0  }
0x6f: {  	_ =	swait.ge [sflag:s21], $0x640  }
0x70: {  	[sflag:s21] =	ssyncset.done $0x0  }
0x71: {  	[sflag:s21] =	ssyncadd.s32 $0xFFFFF9C0  }
.LBB2_7:
0x72: {  	s8 =	sshra.s32 s23, $0x2  }
0x73: {  	v22 =	vld [tilespmem:s8+$0x9780];
	_ =	sdelay $0x4  }
0x74: {  	vm0 =	vge.s32 v22, v1;
	vm1 =	vlt.s32 v22, v4  }
0x75: {  	vm0 =	vmand vm0, vm1  }
0x76: {  	v23 =	vsel vm0, $0x1, v5  }
0x77: {  	(xrf0) =	vadd.scan.msk.s32 $0xffff, v23;
	_ =	sdelay $0x5  }
0x78: {  	v23, _, _ =	vpop (xrf0)  }
0x79: {  	v23 =	vadd.s32 v23, v21  }
0x7a: {  	v24 =	vld [tilespmem:s8+$0x9100];
	v23 =	vadd.s32 $0xFFFFFFFF, v23;
	_ =	sdelay $0x4  }
0x7b: {  	v22 =	vsub.s32 v22, v1;
	[tilespmem:v23+s3+$0x0] =	vst.idx.msk vm0, v24  }
0x7c: {  	[tilespmem:v23+s19+$0x0] =	vst.idx.msk vm0, v22  }
0x7d: {  	v22 =	vld [tilespmem:s8+$0x9790];
	_ =	sdelay $0x4  }
0x7e: {  	vm11 =	vge.s32 v22, v1;
	vm2 =	vlt.s32 v22, v4  }
0x7f: {  	vm1 =	vmand vm11, vm2  }
0x80: {  	v23 =	vsel vm1, $0x1, v5  }
0x81: {  	(xrf0) =	vadd.scan.msk.s32 $0xffff, v23;
	_ =	sdelay $0x1  }
0x82: {  	v23 =	vmpcnt.ones.xlane vm0;
	_ =	sdelay $0x3  }
0x83: {  	v21 =	vadd.s32 v21, v23;
	v23, _, _ =	vpop (xrf0)  }
0x84: {  	v23 =	vadd.s32 v23, v21  }
0x85: {  	v24 =	vld [tilespmem:s8+$0x9110];
	v23 =	vadd.s32 $0xFFFFFFFF, v23;
	_ =	sdelay $0x4  }
0x86: {  	v22 =	vsub.s32 v22, v1;
	[tilespmem:v23+s3+$0x0] =	vst.idx.msk vm1, v24  }
0x87: {  	[tilespmem:v23+s19+$0x0] =	vst.idx.msk vm1, v22  }
0x88: {  	v22 =	vld [tilespmem:s8+$0x97A0];
	_ =	sdelay $0x4  }
0x89: {  	vm12 =	vge.s32 v22, v1;
	vm13 =	vlt.s32 v22, v4  }
0x8a: {  	vm0 =	vmand vm12, vm13  }
0x8b: {  	v23 =	vsel vm0, $0x1, v5  }
0x8c: {  	(xrf0) =	vadd.scan.msk.s32 $0xffff, v23;
	_ =	sdelay $0x1  }
0x8d: {  	v23 =	vmpcnt.ones.xlane vm1;
	_ =	sdelay $0x3  }
0x8e: {  	v21 =	vadd.s32 v21, v23;
	v23, _, _ =	vpop (xrf0)  }
0x8f: {  	v23 =	vadd.s32 v23, v21  }
0x90: {  	v24 =	vld [tilespmem:s8+$0x9120];
	v23 =	vadd.s32 $0xFFFFFFFF, v23;
	_ =	sdelay $0x4  }
0x91: {  	v22 =	vsub.s32 v22, v1;
	[tilespmem:v23+s3+$0x0] =	vst.idx.msk vm0, v24  }
0x92: {  	[tilespmem:v23+s19+$0x0] =	vst.idx.msk vm0, v22  }
0x93: {  	v22 =	vld [tilespmem:s8+$0x97B0];
	_ =	sdelay $0x4  }
0x94: {  	vm14 =	vge.s32 v22, v1;
	vm15 =	vlt.s32 v22, v4  }
0x95: {  	vm1 =	vmand vm14, vm15  }
0x96: {  	v23 =	vsel vm1, $0x1, v5  }
0x97: {  	(xrf0) =	vadd.scan.msk.s32 $0xffff, v23;
	_ =	sdelay $0x1  }
0x98: {  	v23 =	vmpcnt.ones.xlane vm0;
	_ =	sdelay $0x3  }
0x99: {  	v21 =	vadd.s32 v21, v23;
	v23, _, _ =	vpop (xrf0)  }
0x9a: {  	v23 =	vadd.s32 v23, v21  }
0x9b: {  	v24 =	vld [tilespmem:s8+$0x9130];
	v23 =	vadd.s32 $0xFFFFFFFF, v23  }
0x9c: {  	p0 =	sne.s32 s23, $0x1800  }
.Ltmp4:
0x9d: {  	_ = 	snop;
	(pc) =	sbr.rel @p0 .LBB2_7-.Ltmp4, $4  }
0x9e: {  	_ = 	snop  }
0x9f: {  	v25 =	vmpcnt.ones.xlane vm1  }
0xa0: {  	v22 =	vsub.s32 v22, v1;
	[tilespmem:v23+s3+$0x0] =	vst.idx.msk vm1, v24  }
0xa1: {  	s23 =	sadd.s32 $0x100, s23;
	v21 =	vadd.s32 v21, v25;
	[tilespmem:v23+s19+$0x0] =	vst.idx.msk vm1, v22  }
0xa2: {  	s2 =	sadd.s32 $0x1, s2  }
0xa3: {  	p0 =	sne.s32 s2, $0x64  }
.Ltmp5:
0xa4: {  	_ = 	snop;
	(pc) =	sbr.rel @p0 .LBB2_4-.Ltmp5, $1  }
0xa5: {  	_ =	sdelay $0x3  }
0xa6: {  	_ =	swait.ge [sflag:s15], $0x640  }
0xa7: {  	[sflag:s15] =	ssyncset.done $0x0  }
0xa8: {  	[sflag:s15] =	ssyncadd.s32 $0xFFFFF9C0  }
0xa9: {  	_ =	swait.ge [sflag:s16], $0x640  }
0xaa: {  	[sflag:s16] =	ssyncset.done $0x0  }
0xab: {  	[sflag:s16] =	ssyncadd.s32 $0xFFFFF9C0  }
0xac: {  	s2 =	simm.s32 $0x0;
	s8 =	simm.s32 $0x400;
	s0 =	rddreg [dreg:$0x3];
	[tilespmem:$0x1EE00] =	vst v21  }
0xad: {  	[hbm4b:s0+s22] =	stream.strided.scatter [tilespmem:s2], [sflag:$0x7], $0x2C00, s8, s22, $0x38;
	[tilespmem:$0x1EE80] =	vst v63  }
0xae: {  	_ =	swait.ge [sflag:s30], $0x2C00  }
0xaf: {  	[sflag:s30] =	ssyncset.done $0x0  }
0xb0: {  	s29 =	simm.s32 $0x2C00;
	s11 =	rddreg [dreg:$0x4];
	[sflag:s30] =	ssyncadd.s32 $0xFFFFD400  }
0xb1: {  	[hbm4b:s11+s22] =	stream.strided.scatter [tilespmem:s29], [sflag:$0x7], $0x2C00, s8, s22, $0x38;
	[tilespmem:$0x1EE80] =	vst v63  }
0xb2: {  	_ =	swait.ge [sflag:s30], $0x2C00  }
0xb3: {  	[sflag:s30] =	ssyncset.done $0x0  }
0xb4: {  	s25 =	simm.s32 $0x1EE00;
	s23 =	rddreg [dreg:$0x5];
	[sflag:s30] =	ssyncadd.s32 $0xFFFFD400  }
0xb5: {  	[hbm4b:s23+s2] =	stream.linear.scatter [tilespmem:s25], [sflag:$0x7], $0x80, $0x38;
	[tilespmem:$0x1EE80] =	vst v63  }
0xb6: {  	v21 =	vxor.u32 $0x80000000, v21;
	_ =	swait.ge [sflag:s30], $0x80  }
0xb7: {  	(xrf0) =	vmax.scan.msk.u32 $0xffff, v21;
	_ =	sdelay $0x5  }
0xb8: {  	v21, _, _ =	vpop (xrf0)  }
0xb9: {  	(v2sf) =	vpush v21, $0xF;
	_ =	sdelay $0xe  }
0xba: {  	s0 =	spop (v2sf)  }
0xbb: {  	s31 =	sadd.s32 $0x8000003F, s0  }
0xbc: {  	s11 =	sand.u32 $0x3F, s31  }
0xbd: {  	s23 =	sshra.s32 s31, $0x1F;
	p0 =	slt.s32 s31, $0x1;
	p1 =	sne.s32 s11, $0x0  }
0xbe: {  	s23 =	sshrl.u32 s23, $0x1A;
	p0 =	por !p0, !p1  }
0xbf: {  	s11 =	simm.s32 $0x1;
	s8 =	sadd.s32 s23, s31;
	p0 =	por !p0, !p0  }
0xc0: {  	s8 =	sshrl.u32 s8, $0x6;
	s11 =	simm.s32 @!p0 $0x0  }
0xc1: {  	s8 =	ssub.s32 s8, s11  }
0xc2: {  	s8 =	sshll.u32 s8, $0x6  }
0xc3: {  	[dreg:$0xa] =	wrdreg s8;
	s8 =	sadd.s32 $0x3FF, s8  }
0xc4: {  	s11 =	sshra.s32 s8, $0x1F  }
0xc5: {  	s25 =	sshrl.u32 s11, $0x16  }
0xc6: {  	s8 =	sadd.s32 s25, s8  }
0xc7: {  	s8 =	sshra.s32 s8, $0xA  }
0xc8: {  	s25 =	sadd.s32 s11, s8  }
0xc9: {  	[sflag:s30] =	ssyncset.done $0x0;
	p0 =	slt.s32 s25, $0x1  }
.Ltmp6:
0xca: {  	[sflag:s30] =	ssyncadd.s32 $0xFFFFFF80;
	s31 =	rddreg [dreg:$0x6];
	(pc) =	sbr.rel @p0 .LBB2_13-.Ltmp6, $4  }
0xcb: {  	[tilespmem:s26], [sflag:$0x7] =	stream.linear.gather [hbm4b:s31+s2], $0x150, $0x38;
	[tilespmem:$0x1EE80] =	vst v63  }
0xcc: {  	_ =	swait.ge [sflag:s30], $0x150  }
0xcd: {  	s0 =	sxor.u32 $0x80000000, s0;
	[sflag:s30] =	ssyncset.done $0x0  }
0xce: {  	v22 =	vimm.f32 $-3.000000010e+38;
	v21 =	vmov s0;
	s23 =	simm.s32 $0x5800;
	[sflag:s30] =	ssyncadd.s32 $0xFFFFFEB0;
	s30 =	simm.s32 $0x0  }
.LBB2_10:
0xcf: {  	s0 =	sshll.u32 s30, $0xA;
	s8 =	simm.s32 $0x9E00  }
0xd0: {  	[tilespmem:s8], [sflag:$0x1] =	stream.indirect.gather [hbm4b:s6+s22], $0x1, s0, s22, $0xb8;
	[tilespmem:$0x1EE80] =	vst v63  }
0xd1: {  	s11 =	simm.s32 $0x9E80;
	s8 =	sor.u32 $0x80, s0  }
0xd2: {  	[tilespmem:s11], [sflag:$0x1] =	stream.indirect.gather [hbm4b:s6+s22], $0x1, s8, s22, $0xb8;
	[tilespmem:$0x1EE80] =	vst v63  }
0xd3: {  	s8 =	sor.u32 $0x100, s0;
	s11 =	simm.s32 $0x9F00  }
0xd4: {  	[tilespmem:s11], [sflag:$0x1] =	stream.indirect.gather [hbm4b:s6+s22], $0x1, s8, s22, $0xb8;
	[tilespmem:$0x1EE80] =	vst v63  }
0xd5: {  	s8 =	sor.u32 $0x180, s0;
	s11 =	simm.s32 $0x9F80  }
0xd6: {  	[tilespmem:s11], [sflag:$0x1] =	stream.indirect.gather [hbm4b:s6+s22], $0x1, s8, s22, $0xb8;
	[tilespmem:$0x1EE80] =	vst v63  }
0xd7: {  	s8 =	sor.u32 $0x200, s0;
	s11 =	simm.s32 $0xA000  }
0xd8: {  	[tilespmem:s11], [sflag:$0x1] =	stream.indirect.gather [hbm4b:s6+s22], $0x1, s8, s22, $0xb8;
	[tilespmem:$0x1EE80] =	vst v63  }
0xd9: {  	s8 =	sor.u32 $0x280, s0;
	s11 =	simm.s32 $0xA080  }
0xda: {  	[tilespmem:s11], [sflag:$0x1] =	stream.indirect.gather [hbm4b:s6+s22], $0x1, s8, s22, $0xb8;
	[tilespmem:$0x1EE80] =	vst v63  }
0xdb: {  	s8 =	sor.u32 $0x300, s0;
	s11 =	simm.s32 $0xA100  }
0xdc: {  	[tilespmem:s11], [sflag:$0x1] =	stream.indirect.gather [hbm4b:s6+s22], $0x1, s8, s22, $0xb8;
	[tilespmem:$0x1EE80] =	vst v63  }
0xdd: {  	s0 =	sor.u32 $0x380, s0;
	s11 =	simm.s32 $0xA180  }
0xde: {  	[tilespmem:s11], [sflag:$0x1] =	stream.indirect.gather [hbm4b:s6+s22], $0x1, s0, s22, $0xb8;
	[tilespmem:$0x1EE80] =	vst v63  }
0xdf: {  	_ =	swait.ge [sflag:s15], $0x80  }
0xe0: {  	[sflag:s15] =	ssyncset.done $0x0  }
0xe1: {  	[sflag:s15] =	ssyncadd.s32 $0xFFFFFF80  }
0xe2: {  	_ =	swait.ge [sflag:s15], $0x80  }
0xe3: {  	[sflag:s15] =	ssyncset.done $0x0  }
0xe4: {  	[sflag:s15] =	ssyncadd.s32 $0xFFFFFF80  }
0xe5: {  	_ =	swait.ge [sflag:s15], $0x80  }
0xe6: {  	[sflag:s15] =	ssyncset.done $0x0  }
0xe7: {  	[sflag:s15] =	ssyncadd.s32 $0xFFFFFF80  }
0xe8: {  	_ =	swait.ge [sflag:s15], $0x80  }
0xe9: {  	[sflag:s15] =	ssyncset.done $0x0  }
0xea: {  	[sflag:s15] =	ssyncadd.s32 $0xFFFFFF80  }
0xeb: {  	_ =	swait.ge [sflag:s15], $0x80  }
0xec: {  	[sflag:s15] =	ssyncset.done $0x0  }
0xed: {  	[sflag:s15] =	ssyncadd.s32 $0xFFFFFF80  }
0xee: {  	_ =	swait.ge [sflag:s15], $0x80  }
0xef: {  	[sflag:s15] =	ssyncset.done $0x0  }
0xf0: {  	[sflag:s15] =	ssyncadd.s32 $0xFFFFFF80  }
0xf1: {  	_ =	swait.ge [sflag:s15], $0x80  }
0xf2: {  	v24 =	vmov s29;
	[sflag:s15] =	ssyncset.done $0x0  }
0xf3: {  	[sflag:s15] =	ssyncadd.s32 $0xFFFFFF80  }
0xf4: {  	_ =	swait.ge [sflag:s15], $0x80  }
0xf5: {  	[sflag:s15] =	ssyncset.done $0x0  }
0xf6: {  	s31 =	simm.s32 $0x0;
	[sflag:s15] =	ssyncadd.s32 $0xFFFFFF80  }
0xf7: {  	v23 =	vld.idx.msk [tilespmem:v24+s31+$0x0 ss:$0x1], $0xffff;
	_ =	sdelay $0x4  }
0xf8: {  	v23 =	vadd.s32 v3, v23;
	_ =	sdelay $0x3  }
0xf9: {  	v25 =	vld [tilespmem:s31+$0x9E00]  }
0xfa: {  	v23 =	vld.idx.msk [tilespmem:v23+s26+$0x0], $0xffff;
	_ =	sdelay $0x4  }
0xfb: {  	v25 =	vadd.f32 v23, v25;
	v23 =	vmov s23;
	_ =	sdelay $0x1  }
0xfc: {  	v26 =	vmul.f32 $2.000000030e-01, v25  }
0xfd: {  	v27 =	vor.u32 s2, v0;
	vm0 =	vge.f32 v25, $0.0e+00  }
0xfe: {  	s8 =	simm.s32 $0x80;
	s0 =	simm.s32 $0x40;
	s11 =	smov.u32 s2;
	v25 =	vsel vm0, v25, v26;
	vm0 =	vlt.s32 v27, v21  }
.LBB2_11:
0xff: {  	p1 =	sne.s32 s8, $0xFC0;
	[tilespmem:v23+s31+$0x0 ss:$0x1] =	vst.idx.msk $0xffff, v25;
	s31 =	sshra.s32 s0, $0x2;
	v25 =	vnsel vm0, $0xFF61B1E6, v25;
	s0 =	smov.u32 s8  }
0x100: {  	v26 =	vld.idx.msk [tilespmem:v24+s31+$0x0 ss:$0x1], $0xffff;
	v22 =	vmax.f32 v22, v25;
	_ =	sdelay $0x5  }
0x101: {  	v25 =	vadd.s32 v3, v26;
	_ =	sdelay $0x4  }
0x102: {  	v25 =	vld.idx.msk [tilespmem:v25+s26+$0x0], $0xffff  }
0x103: {  	v26 =	vld [tilespmem:s31+$0x9E00];
	_ =	sdelay $0x4  }
.Ltmp7:
0x104: {  	v25 =	vadd.f32 v25, v26;
	(pc) =	sbr.rel @p1 .LBB2_11-.Ltmp7, $4  }
0x105: {  	_ = 	snop  }
0x106: {  	s11 =	sadd.s32 $0x10, s11;
	v26 =	vmul.f32 $2.000000030e-01, v25  }
0x107: {  	v27 =	vor.u32 s11, v0;
	vm0 =	vge.f32 v25, $0.0e+00  }
0x108: {  	s8 =	sadd.s32 $0x40, s8;
	v25 =	vsel vm0, v25, v26;
	vm0 =	vlt.s32 v27, v21  }
0x109: {  	_ =	sdelay $0x3  }
0x10a: {  	s0 =	sshra.s32 s0, $0x2;
	[tilespmem:v23+s31+$0x0 ss:$0x1] =	vst.idx.msk $0xffff, v25  }
0x10b: {  	v24 =	vld.idx.msk [tilespmem:v24+s0+$0x0 ss:$0x1], $0xffff;
	_ =	sdelay $0x4  }
0x10c: {  	v24 =	vadd.s32 v3, v24;
	_ =	sdelay $0x3  }
0x10d: {  	v26 =	vld [tilespmem:s0+$0x9E00]  }
0x10e: {  	v24 =	vld.idx.msk [tilespmem:v24+s26+$0x0], $0xffff;
	_ =	sdelay $0x4  }
0x10f: {  	s30 =	sadd.s32 $0x1, s30;
	v24 =	vadd.f32 v24, v26  }
0x110: {  	p1 =	sne.s32 s30, s25  }
.Ltmp8:
0x111: {  	s8 =	sadd.s32 $0x10, s11;
	v26 =	vmul.f32 $2.000000030e-01, v24;
	(pc) =	sbr.rel @p1 .LBB2_10-.Ltmp8, $4  }
0x112: {  	v27 =	vor.u32 s8, v0;
	vm1 =	vge.f32 v24, $0.0e+00  }
0x113: {  	v62 =	vnsel vm0, $0xFF61B1E6, v25;
	vm15 =	vlt.s32 v27, v21;
	v24 =	vsel vm1, v24, v26  }
0x114: {  	v22 =	vmax.f32 v22, v62;
	v63 =	vnsel vm15, $0xFF61B1E6, v24  }
0x115: {  	s29 =	sadd.s32 $0x400, s29;
	s23 =	sadd.s32 $0x400, s23;
	s2 =	sadd.s32 $0x400, s2;
	[tilespmem:v23+s0+$0x0 ss:$0x1] =	vst.idx.msk $0xffff, v24;
	v22 =	vmax.f32 v22, v63  }
.LBB2_13:
0x116: {  	[tilespmem:$0xA380] =	vst v6  }
0x117: {  	[tilespmem:$0xA390] =	vst v6  }
0x118: {  	[tilespmem:$0xA3A0] =	vst v6  }
0x119: {  	[tilespmem:$0xA3B0] =	vst v6  }
0x11a: {  	[tilespmem:$0xA3C0] =	vst v6  }
0x11b: {  	[tilespmem:$0xA3D0] =	vst v6  }
0x11c: {  	[tilespmem:$0xA3E0] =	vst v6  }
0x11d: {  	[tilespmem:$0xA3F0] =	vst v6  }
0x11e: {  	[tilespmem:$0xA400] =	vst v6  }
0x11f: {  	[tilespmem:$0xA410] =	vst v6  }
0x120: {  	[tilespmem:$0xA420] =	vst v6  }
0x121: {  	[tilespmem:$0xA430] =	vst v6  }
0x122: {  	[tilespmem:$0xA440] =	vst v6  }
0x123: {  	[tilespmem:$0xA450] =	vst v6;
	(xrf0) =	vmax.scan.msk.f32 $0xffff, v22  }
0x124: {  	[tilespmem:$0xA460] =	vst v6  }
.Ltmp9:
0x125: {  	[tilespmem:$0xA470] =	vst v6;
	(pc) =	sbr.rel @p0 .LBB2_25-.Ltmp9, $4  }
0x126: {  	[tilespmem:$0xA480] =	vst v6  }
0x127: {  	[tilespmem:$0xA490] =	vst v6  }
0x128: {  	[tilespmem:$0xA4A0] =	vst v6  }
0x129: {  	[tilespmem:$0xA4B0] =	vst v6;
	v22, _, _ =	vpop (xrf0)  }
0x12a: {  	s0 =	sshll.u32 s25, $0x6  }
0x12b: {  	p1 =	sne.s32 s0, $0x1  }
.Ltmp10:
0x12c: {  	_ = 	snop;
	(pc) =	sbr.rel @!p1 .LBB2_15-.Ltmp10, $3  }
0x12d: {  	_ =	sdelay $0x1  }
0x12e: {  	s2 =	simm.s32 $0x5800;
	s25 =	simm.s32 $0x2C00  }
0x12f: {  	v22 =	vbroadcast v22, $0xF;
	s29 =	simm.s32 $0x0;
	p0 =	por $0x0, $0x0;
	v23 =	vld [tilespmem:s2+$0x0];
	s23 =	sadd.s32 $0xFFFFFFFF, s0  }
0x130: {  	_ =	sdelay $0x3  }
0x131: {  	v23 =	vsub.f32 v23, v22;
	_ =	sdelay $0x1  }
0x132: {  	v23 =	vmul.f32 $1.442695020e+00, v23;
	_ =	sdelay $0x1  }
0x133: {  	(erf) = vpow2.f32 v23;
	_ =	sdelay $0x3  }
0x134: {  	v23 =	vld [tilespmem:s25+$0x0]  }
0x135: {  	v24 =	vor.u32 s29, v0  }
0x136: {  	vm0 =	vlt.s32 v24, v21;
	_ =	sdelay $0x2  }
0x137: {  	p3 =	sne.s32 s23, $0x1;
	v63 =	vpop (erf)  }
.Ltmp11:
0x138: {  	v24 =	vnsel vm0, $0x0, v63;
	(pc) =	sbr.rel @!p3 .LBB2_17-.Ltmp11, $4  }
0x139: {  	[tilespmem:s2+$0x0] =	vst v24  }
0x13a: {  	s30 =	simm.s32 $0x5810;
	[tilespmem:v23+s7+$0x0] =	vst.idx.add.f32.msk vm0, v24  }
0x13b: {  	s0 =	sadd.s32 $0xFFFFFFFF, s23;
	v23 =	vld [tilespmem:s30+$0x0]  }
0x13c: {  	p2 =	por $0x1, $0x1;
	s31 =	simm.s32 $0x2C00;
	s11 =	simm.s32 $0x0  }
.LBB2_18:
0x13d: {  	p3 =	sne.s32 s0, $0x1;
	_ =	sdelay $0x2  }
0x13e: {  	v23 =	vsub.f32 v23, v22;
	_ =	sdelay $0x1  }
0x13f: {  	v23 =	vmul.f32 $1.442695020e+00, v23;
	_ =	sdelay $0x1  }
0x140: {  	(erf) = vpow2.f32 v23;
	_ =	sdelay $0x2  }
0x141: {  	s31 =	sadd.s32 $0x10, s31  }
0x142: {  	s11 =	sadd.s32 $0x10, s11;
	v23 =	vld [tilespmem:s31+$0x0]  }
0x143: {  	v24 =	vor.u32 s11, v0  }
0x144: {  	vm0 =	vlt.s32 v24, v21;
	_ =	sdelay $0x2  }
0x145: {  	v24 =	vpop (erf)  }
.Ltmp12:
0x146: {  	v24 =	vnsel vm0, $0x0, v24;
	(pc) =	sbr.rel @p3 .LBB2_18-.Ltmp12, $4  }
0x147: {  	[tilespmem:s30+$0x0] =	vst v24  }
0x148: {  	s30 =	sadd.s32 $0x10, s30;
	[tilespmem:v23+s7+$0x0] =	vst.idx.add.f32.msk vm0, v24  }
0x149: {  	v23 =	vld [tilespmem:s30+$0x0]  }
0x14a: {  	s0 =	sadd.s32 $0xFFFFFFFF, s0  }
.LBB2_19:
0x14b: {  	_ =	sdelay $0x2  }
0x14c: {  	v22 =	vsub.f32 v23, v22;
	_ =	sdelay $0x1  }
0x14d: {  	v22 =	vmul.f32 $1.442695020e+00, v22;
	_ =	sdelay $0x1  }
0x14e: {  	(erf) = vpow2.f32 v22;
	_ =	sdelay $0x1  }
0x14f: {  	s0 =	sadd.s32 @p2 $0x10, s31;
	s8 =	simm.s32 $0x2C00  }
0x150: {  	s8 =	smov.u32 @p2 s0;
	s0 =	sadd.s32 @p2 $0x10, s11  }
0x151: {  	s29 =	smov.u32 @p2 s0;
	v22 =	vld [tilespmem:s8+$0x0]  }
0x152: {  	v23 =	vor.u32 s29, v0  }
0x153: {  	vm0 =	vlt.s32 v23, v21;
	_ =	sdelay $0x2  }
.Ltmp13:
0x154: {  	v21 =	vpop (erf);
	(pc) =	sbr.rel @!p1 .LBB2_20-.Ltmp13, $4  }
0x155: {  	v21 =	vnsel vm0, $0x0, v21  }
0x156: {  	[tilespmem:s30+$0x0] =	vst v21  }
0x157: {  	[tilespmem:v22+s7+$0x0] =	vst.idx.add.f32.msk vm0, v21  }
0x158: {  	v21 =	vld [tilespmem:s25+$0x0]  }
0x159: {  	_ =	sdelay $0x7  }
0x15a: {  	v21 =	vld.idx.msk [tilespmem:v21+s7+$0x0], $0xffff;
	_ =	sdelay $0x4  }
0x15b: {  	v21 =	vadd.f32 $1.000000020e-16, v21;
	_ =	sdelay $0x1  }
0x15c: {  	(erf) = vrcp.f32 v21;
	_ =	sdelay $0x4  }
0x15d: {  	v21 =	vld [tilespmem:s2+$0x0];
	_ =	sdelay $0x2  }
0x15e: {  	p1 =	sne.s32 s23, $0x1  }
.Ltmp14:
0x15f: {  	v22 =	vpop (erf);
	(pc) =	sbr.rel @!p1 .LBB2_22-.Ltmp14, $3  }
0x160: {  	v21 =	vmul.f32 v22, v21;
	_ =	sdelay $0x1  }
0x161: {  	s25 =	simm.s32 $0x2C10;
	[tilespmem:s2+$0x0] =	vst v21  }
0x162: {  	s0 =	sadd.s32 $0xFFFFFFFF, s23;
	p0 =	por $0x1, $0x1;
	s11 =	simm.s32 $0x5800;
	v21 =	vld [tilespmem:s25+$0x0]  }
.LBB2_23:
0x163: {  	p1 =	sne.s32 s0, $0x1;
	_ =	sdelay $0x6  }
0x164: {  	v21 =	vld.idx.msk [tilespmem:v21+s7+$0x0], $0xffff;
	_ =	sdelay $0x5  }
0x165: {  	v21 =	vadd.f32 $1.000000020e-16, v21;
	_ =	sdelay $0x1  }
0x166: {  	(erf) = vrcp.f32 v21;
	_ =	sdelay $0x3  }
0x167: {  	s11 =	sadd.s32 $0x10, s11  }
0x168: {  	v21 =	vld [tilespmem:s11+$0x0];
	_ =	sdelay $0x3  }
.Ltmp15:
0x169: {  	v22 =	vpop (erf);
	(pc) =	sbr.rel @p1 .LBB2_23-.Ltmp15, $3  }
0x16a: {  	v21 =	vmul.f32 v22, v21;
	_ =	sdelay $0x1  }
0x16b: {  	s25 =	sadd.s32 $0x10, s25;
	[tilespmem:s11+$0x0] =	vst v21  }
0x16c: {  	s0 =	sadd.s32 $0xFFFFFFFF, s0;
	v21 =	vld [tilespmem:s25+$0x0]  }
.LBB2_24:
0x16d: {  	_ =	sdelay $0x7  }
0x16e: {  	v21 =	vld.idx.msk [tilespmem:v21+s7+$0x0], $0xffff;
	_ =	sdelay $0x4  }
0x16f: {  	v21 =	vadd.f32 $1.000000020e-16, v21;
	_ =	sdelay $0x1  }
0x170: {  	(erf) = vrcp.f32 v21;
	_ =	sdelay $0x2  }
0x171: {  	s0 =	sadd.s32 @p0 $0x10, s11  }
0x172: {  	s2 =	smov.u32 @p0 s0  }
0x173: {  	v21 =	vld [tilespmem:s2+$0x0];
	_ =	sdelay $0x3  }
0x174: {  	v22 =	vpop (erf)  }
0x175: {  	v21 =	vmul.f32 v22, v21;
	_ =	sdelay $0x1  }
0x176: {  	[tilespmem:s2+$0x0] =	vst v21  }
.LBB2_25:
0x177: {  	s0 =	simm.s32 $0x40;
	s2 =	simm.s32 $0x0  }
.LBB2_26:
0x178: {  	p0 =	sne.s32 s0, $0x4E3C0;
	[tilespmem:s2+$0xA500] =	vst v6;
	s2 =	smov.u32 s0;
	s0 =	sadd.s32 $0x40, s0  }
.Ltmp16:
0x179: {  	(pc) =	sbr.rel @p0 .LBB2_26-.Ltmp16, $2  }
0x17a: {  	_ =	sdelay $0x2  }
0x17b: {  	s2 =	sshra.s32 s2, $0x2  }
0x17c: {  	s0 =	rddreg [dreg:$0xa]  }
0x17d: {  	s29 =	sshra.s32 s0, $0x5  }
0x17e: {  	p0 =	slt.s32 s29, $0x1  }
.Ltmp17:
0x17f: {  	_ = 	snop;
	(pc) =	sbr.rel @p0 .LBB2_33-.Ltmp17, $4  }
0x180: {  	_ = 	snop  }
0x181: {  	[tilespmem:s2+$0xA500] =	vst v6;
	s30 =	simm.s32 $0x10;
	s31 =	simm.s32 $0x0;
	s11 =	simm.s32 $0x1DE00  }
0x182: {  	[tilespmem:s11], [sflag:$0x5] =	stream.indirect.gather [hbm4b:s1+s30], $0x80, s31, s30, $0xb8;
	[tilespmem:$0x1EE80] =	vst v63  }
0x183: {  	s0 =	simm.s32 $0x0  }
.LBB2_28:
0x184: {  	s2 =	sadd.s32 $0x0, s31  }
0x185: {  	v21 =	vmov s2  }
0x186: {  	_ =	swait.ge [sflag:s9], $0x800  }
0x187: {  	s8 =	sshll.u32 s0, $0x5;
	[sflag:s9] =	ssyncset.done $0x0  }
0x188: {  	s2 =	sor.u32 $0x10, s8;
	s8 =	simm.s32 $0x1E600;
	[sflag:s9] =	ssyncadd.s32 $0xFFFFF800  }
0x189: {  	[tilespmem:s8], [sflag:$0x6] =	stream.indirect.gather [hbm4b:s1+s10], $0x80, s2, s10, $0xb8;
	[tilespmem:$0x1EE80] =	vst v63  }
0x18a: {  	v22 =	vld.idx.msk [tilespmem:v21+s19+$0x0], $0xffff;
	_ =	sdelay $0x1  }
0x18b: {  	s2 =	simm.s32 $0x1DE40  }
0x18c: {  	v23 =	vld [tilespmem:s2+$0xFFFFFFC0]  }
0x18d: {  	v25 =	vld.idx.msk [tilespmem:v21+s12+$0x0], $0xffff  }
0x18e: {  	v22 =	vshll.u32 v22, $0x8  }
0x18f: {  	v21 =	vor.u32 v2, v22  }
0x190: {  	v24 =	vor.u32 v7, v22  }
0x191: {  	v26 =	vshll.u32 v23, $0x10  }
0x192: {  	v23 =	vand.u32 $0xFFFF0000, v23;
	v26 =	vmul.f32 v26, v25  }
0x193: {  	v23 =	vmul.f32 v23, v25  }
0x194: {  	[tilespmem:v21+s24+$0x0] =	vst.idx.add.f32.msk $0xffff, v26  }
0x195: {  	[tilespmem:v24+s24+$0x0] =	vst.idx.add.f32.msk $0xffff, v23  }
0x196: {  	v21 =	vld [tilespmem:s2+$0xFFFFFFD0];
	_ =	sdelay $0x2  }
0x197: {  	v23 =	vor.u32 v8, v22  }
0x198: {  	v24 =	vor.u32 v9, v22  }
0x199: {  	v26 =	vshll.u32 v21, $0x10  }
0x19a: {  	v21 =	vand.u32 $0xFFFF0000, v21;
	v26 =	vmul.f32 v26, v25  }
0x19b: {  	v21 =	vmul.f32 v21, v25  }
0x19c: {  	[tilespmem:v23+s24+$0x0] =	vst.idx.add.f32.msk $0xffff, v26  }
0x19d: {  	[tilespmem:v24+s24+$0x0] =	vst.idx.add.f32.msk $0xffff, v21  }
0x19e: {  	v21 =	vld [tilespmem:s2+$0xFFFFFFE0];
	_ =	sdelay $0x2  }
0x19f: {  	v23 =	vor.u32 v10, v22  }
0x1a0: {  	v24 =	vor.u32 v11, v22  }
0x1a1: {  	v26 =	vshll.u32 v21, $0x10  }
0x1a2: {  	v21 =	vand.u32 $0xFFFF0000, v21;
	v26 =	vmul.f32 v26, v25  }
0x1a3: {  	v21 =	vmul.f32 v21, v25  }
0x1a4: {  	[tilespmem:v23+s24+$0x0] =	vst.idx.add.f32.msk $0xffff, v26  }
0x1a5: {  	[tilespmem:v24+s24+$0x0] =	vst.idx.add.f32.msk $0xffff, v21  }
0x1a6: {  	v21 =	vld [tilespmem:s2+$0xFFFFFFF0];
	_ =	sdelay $0x2  }
0x1a7: {  	v23 =	vor.u32 v12, v22  }
0x1a8: {  	v24 =	vor.u32 v13, v22  }
0x1a9: {  	v26 =	vshll.u32 v21, $0x10  }
0x1aa: {  	v21 =	vand.u32 $0xFFFF0000, v21;
	v26 =	vmul.f32 v26, v25  }
0x1ab: {  	v21 =	vmul.f32 v21, v25  }
0x1ac: {  	[tilespmem:v23+s24+$0x0] =	vst.idx.add.f32.msk $0xffff, v26  }
0x1ad: {  	[tilespmem:v24+s24+$0x0] =	vst.idx.add.f32.msk $0xffff, v21  }
0x1ae: {  	v21 =	vld [tilespmem:s2+$0x0];
	_ =	sdelay $0x2  }
0x1af: {  	v23 =	vor.u32 v14, v22  }
0x1b0: {  	v24 =	vor.u32 v15, v22  }
0x1b1: {  	v26 =	vshll.u32 v21, $0x10  }
0x1b2: {  	v21 =	vand.u32 $0xFFFF0000, v21;
	v26 =	vmul.f32 v26, v25  }
0x1b3: {  	v21 =	vmul.f32 v21, v25  }
0x1b4: {  	[tilespmem:v23+s24+$0x0] =	vst.idx.add.f32.msk $0xffff, v26  }
0x1b5: {  	[tilespmem:v24+s24+$0x0] =	vst.idx.add.f32.msk $0xffff, v21  }
0x1b6: {  	v21 =	vld [tilespmem:s2+$0x10];
	_ =	sdelay $0x2  }
0x1b7: {  	v23 =	vor.u32 v16, v22  }
0x1b8: {  	v24 =	vor.u32 v17, v22  }
0x1b9: {  	v26 =	vshll.u32 v21, $0x10  }
0x1ba: {  	v21 =	vand.u32 $0xFFFF0000, v21;
	v26 =	vmul.f32 v26, v25  }
0x1bb: {  	v21 =	vmul.f32 v21, v25  }
0x1bc: {  	[tilespmem:v23+s24+$0x0] =	vst.idx.add.f32.msk $0xffff, v26  }
0x1bd: {  	[tilespmem:v24+s24+$0x0] =	vst.idx.add.f32.msk $0xffff, v21  }
0x1be: {  	v21 =	vld [tilespmem:s2+$0x20];
	_ =	sdelay $0x2  }
0x1bf: {  	v23 =	vor.u32 v18, v22  }
0x1c0: {  	v24 =	vor.u32 v19, v22  }
0x1c1: {  	v26 =	vshll.u32 v21, $0x10  }
0x1c2: {  	v21 =	vand.u32 $0xFFFF0000, v21;
	v26 =	vmul.f32 v26, v25  }
0x1c3: {  	v21 =	vmul.f32 v21, v25  }
0x1c4: {  	[tilespmem:v23+s24+$0x0] =	vst.idx.add.f32.msk $0xffff, v26  }
0x1c5: {  	[tilespmem:v24+s24+$0x0] =	vst.idx.add.f32.msk $0xffff, v21  }
0x1c6: {  	v23 =	vld [tilespmem:s2+$0x30];
	_ =	sdelay $0x4  }
0x1c7: {  	v26 =	vor.u32 v20, v22;
	v21 =	vshll.u32 v23, $0x10  }
0x1c8: {  	v27 =	vmul.f32 v21, v25;
	v21 =	vor.u32 $0xE1, v2  }
0x1c9: {  	s23 =	sadd.s32 $0x1, s31;
	v24 =	vor.u32 v21, v22  }
0x1ca: {  	v28 =	vand.u32 $0xFFFF0000, v23;
	v23 =	vmov s23;
	_ =	sdelay $0x1  }
0x1cb: {  	s25 =	simm.s32 $0x2;
	v22 =	vmul.f32 v28, v25;
	[tilespmem:v26+s24+$0x0] =	vst.idx.add.f32.msk $0xffff, v27  }
.LBB2_29:
0x1cc: {  	p0 =	sne.s32 s25, $0xF  }
0x1cd: {  	[tilespmem:v24+s24+$0x0] =	vst.idx.add.f32.msk $0xffff, v22;
	s2 =	sadd.s32 $0x80, s2;
	s23 =	smov.u32 s25;
	s25 =	sadd.s32 $0x1, s25  }
0x1ce: {  	v24 =	vld.idx.msk [tilespmem:v23+s19+$0x0], $0xffff;
	_ =	sdelay $0x2  }
0x1cf: {  	v25 =	vld [tilespmem:s2+$0xFFFFFFC0]  }
0x1d0: {  	v22 =	vld.idx.msk [tilespmem:v23+s12+$0x0], $0xffff;
	_ =	sdelay $0x1  }
0x1d1: {  	v23 =	vshll.u32 v24, $0x8  }
0x1d2: {  	v24 =	vor.u32 v2, v23  }
0x1d3: {  	v27 =	vor.u32 v7, v23;
	v26 =	vshll.u32 v25, $0x10;
	_ =	sdelay $0x1  }
0x1d4: {  	v25 =	vand.u32 $0xFFFF0000, v25;
	v26 =	vmul.f32 v26, v22  }
0x1d5: {  	v25 =	vmul.f32 v25, v22  }
0x1d6: {  	[tilespmem:v24+s24+$0x0] =	vst.idx.add.f32.msk $0xffff, v26  }
0x1d7: {  	[tilespmem:v27+s24+$0x0] =	vst.idx.add.f32.msk $0xffff, v25  }
0x1d8: {  	v24 =	vld [tilespmem:s2+$0xFFFFFFD0];
	_ =	sdelay $0x2  }
0x1d9: {  	v25 =	vor.u32 v8, v23  }
0x1da: {  	v26 =	vor.u32 v9, v23  }
0x1db: {  	v27 =	vshll.u32 v24, $0x10;
	v24 =	vand.u32 $0xFFFF0000, v24  }
0x1dc: {  	v27 =	vmul.f32 v27, v22  }
0x1dd: {  	v24 =	vmul.f32 v24, v22  }
0x1de: {  	[tilespmem:v25+s24+$0x0] =	vst.idx.add.f32.msk $0xffff, v27  }
0x1df: {  	[tilespmem:v26+s24+$0x0] =	vst.idx.add.f32.msk $0xffff, v24  }
0x1e0: {  	v24 =	vld [tilespmem:s2+$0xFFFFFFE0];
	_ =	sdelay $0x2  }
0x1e1: {  	v25 =	vor.u32 v10, v23  }
0x1e2: {  	v26 =	vor.u32 v11, v23  }
0x1e3: {  	v27 =	vshll.u32 v24, $0x10;
	v24 =	vand.u32 $0xFFFF0000, v24  }
0x1e4: {  	v27 =	vmul.f32 v27, v22  }
0x1e5: {  	v24 =	vmul.f32 v24, v22  }
0x1e6: {  	[tilespmem:v25+s24+$0x0] =	vst.idx.add.f32.msk $0xffff, v27  }
0x1e7: {  	[tilespmem:v26+s24+$0x0] =	vst.idx.add.f32.msk $0xffff, v24  }
0x1e8: {  	v24 =	vld [tilespmem:s2+$0xFFFFFFF0];
	_ =	sdelay $0x2  }
0x1e9: {  	v25 =	vor.u32 v12, v23  }
0x1ea: {  	v26 =	vor.u32 v13, v23  }
0x1eb: {  	v27 =	vshll.u32 v24, $0x10;
	v24 =	vand.u32 $0xFFFF0000, v24  }
0x1ec: {  	v27 =	vmul.f32 v27, v22  }
0x1ed: {  	v24 =	vmul.f32 v24, v22  }
0x1ee: {  	[tilespmem:v25+s24+$0x0] =	vst.idx.add.f32.msk $0xffff, v27  }
0x1ef: {  	[tilespmem:v26+s24+$0x0] =	vst.idx.add.f32.msk $0xffff, v24  }
0x1f0: {  	v24 =	vld [tilespmem:s2+$0x0];
	_ =	sdelay $0x2  }
0x1f1: {  	v25 =	vor.u32 v14, v23  }
0x1f2: {  	v26 =	vor.u32 v15, v23  }
0x1f3: {  	v27 =	vshll.u32 v24, $0x10;
	v24 =	vand.u32 $0xFFFF0000, v24  }
0x1f4: {  	v27 =	vmul.f32 v27, v22  }
0x1f5: {  	v24 =	vmul.f32 v24, v22  }
0x1f6: {  	[tilespmem:v25+s24+$0x0] =	vst.idx.add.f32.msk $0xffff, v27  }
0x1f7: {  	[tilespmem:v26+s24+$0x0] =	vst.idx.add.f32.msk $0xffff, v24  }
0x1f8: {  	v24 =	vld [tilespmem:s2+$0x10];
	_ =	sdelay $0x2  }
0x1f9: {  	v25 =	vor.u32 v16, v23  }
0x1fa: {  	v26 =	vor.u32 v17, v23  }
0x1fb: {  	v27 =	vshll.u32 v24, $0x10;
	v24 =	vand.u32 $0xFFFF0000, v24  }
0x1fc: {  	v27 =	vmul.f32 v27, v22  }
0x1fd: {  	v24 =	vmul.f32 v24, v22  }
0x1fe: {  	[tilespmem:v25+s24+$0x0] =	vst.idx.add.f32.msk $0xffff, v27  }
0x1ff: {  	[tilespmem:v26+s24+$0x0] =	vst.idx.add.f32.msk $0xffff, v24  }
0x200: {  	v24 =	vld [tilespmem:s2+$0x20];
	_ =	sdelay $0x2  }
0x201: {  	v25 =	vor.u32 v18, v23  }
0x202: {  	v26 =	vor.u32 v19, v23  }
0x203: {  	v27 =	vshll.u32 v24, $0x10;
	v24 =	vand.u32 $0xFFFF0000, v24  }
0x204: {  	v27 =	vmul.f32 v27, v22  }
0x205: {  	v24 =	vmul.f32 v24, v22  }
0x206: {  	[tilespmem:v25+s24+$0x0] =	vst.idx.add.f32.msk $0xffff, v27  }
0x207: {  	[tilespmem:v26+s24+$0x0] =	vst.idx.add.f32.msk $0xffff, v24  }
0x208: {  	v25 =	vld [tilespmem:s2+$0x30];
	_ =	sdelay $0x2  }
0x209: {  	v26 =	vor.u32 v20, v23  }
.Ltmp18:
0x20a: {  	s8 =	sadd.s32 s23, s31;
	v24 =	vor.u32 v21, v23;
	(pc) =	sbr.rel @p0 .LBB2_29-.Ltmp18, $4  }
0x20b: {  	v23 =	vmov s8;
	v27 =	vshll.u32 v25, $0x10;
	v25 =	vand.u32 $0xFFFF0000, v25  }
0x20c: {  	v27 =	vmul.f32 v27, v22  }
0x20d: {  	v22 =	vmul.f32 v25, v22  }
0x20e: {  	[tilespmem:v26+s24+$0x0] =	vst.idx.add.f32.msk $0xffff, v27  }
0x20f: {  	_ =	sdelay $0x3  }
0x210: {  	[tilespmem:v24+s24+$0x0] =	vst.idx.add.f32.msk $0xffff, v22  }
0x211: {  	v22 =	vld.idx.msk [tilespmem:v23+s19+$0x0], $0xffff;
	_ =	sdelay $0x1  }
0x212: {  	s2 =	sadd.s32 $0x80, s2  }
0x213: {  	v24 =	vld [tilespmem:s2+$0xFFFFFFC0]  }
0x214: {  	v23 =	vld.idx.msk [tilespmem:v23+s12+$0x0], $0xffff  }
0x215: {  	v22 =	vshll.u32 v22, $0x8  }
0x216: {  	v25 =	vor.u32 v2, v22  }
0x217: {  	v26 =	vor.u32 v7, v22  }
0x218: {  	v27 =	vshll.u32 v24, $0x10  }
0x219: {  	v24 =	vand.u32 $0xFFFF0000, v24;
	v27 =	vmul.f32 v27, v23  }
0x21a: {  	v24 =	vmul.f32 v24, v23  }
0x21b: {  	[tilespmem:v25+s24+$0x0] =	vst.idx.add.f32.msk $0xffff, v27  }
0x21c: {  	[tilespmem:v26+s24+$0x0] =	vst.idx.add.f32.msk $0xffff, v24  }
0x21d: {  	v24 =	vld [tilespmem:s2+$0xFFFFFFD0];
	_ =	sdelay $0x2  }
0x21e: {  	v25 =	vor.u32 v8, v22  }
0x21f: {  	v26 =	vor.u32 v9, v22  }
0x220: {  	v27 =	vshll.u32 v24, $0x10  }
0x221: {  	v24 =	vand.u32 $0xFFFF0000, v24;
	v27 =	vmul.f32 v27, v23  }
0x222: {  	v24 =	vmul.f32 v24, v23  }
0x223: {  	[tilespmem:v25+s24+$0x0] =	vst.idx.add.f32.msk $0xffff, v27  }
0x224: {  	[tilespmem:v26+s24+$0x0] =	vst.idx.add.f32.msk $0xffff, v24  }
0x225: {  	v24 =	vld [tilespmem:s2+$0xFFFFFFE0];
	_ =	sdelay $0x2  }
0x226: {  	v25 =	vor.u32 v10, v22  }
0x227: {  	v26 =	vor.u32 v11, v22  }
0x228: {  	v27 =	vshll.u32 v24, $0x10  }
0x229: {  	v24 =	vand.u32 $0xFFFF0000, v24;
	v27 =	vmul.f32 v27, v23  }
0x22a: {  	v24 =	vmul.f32 v24, v23  }
0x22b: {  	[tilespmem:v25+s24+$0x0] =	vst.idx.add.f32.msk $0xffff, v27  }
0x22c: {  	[tilespmem:v26+s24+$0x0] =	vst.idx.add.f32.msk $0xffff, v24  }
0x22d: {  	v24 =	vld [tilespmem:s2+$0xFFFFFFF0];
	_ =	sdelay $0x2  }
0x22e: {  	v25 =	vor.u32 v12, v22  }
0x22f: {  	v26 =	vor.u32 v13, v22  }
0x230: {  	v27 =	vshll.u32 v24, $0x10  }
0x231: {  	v24 =	vand.u32 $0xFFFF0000, v24;
	v27 =	vmul.f32 v27, v23  }
0x232: {  	v24 =	vmul.f32 v24, v23  }
0x233: {  	[tilespmem:v25+s24+$0x0] =	vst.idx.add.f32.msk $0xffff, v27  }
0x234: {  	[tilespmem:v26+s24+$0x0] =	vst.idx.add.f32.msk $0xffff, v24  }
0x235: {  	v24 =	vld [tilespmem:s2+$0x0];
	_ =	sdelay $0x2  }
0x236: {  	v25 =	vor.u32 v14, v22  }
0x237: {  	v26 =	vor.u32 v15, v22  }
0x238: {  	v27 =	vshll.u32 v24, $0x10  }
0x239: {  	v24 =	vand.u32 $0xFFFF0000, v24;
	v27 =	vmul.f32 v27, v23  }
0x23a: {  	v24 =	vmul.f32 v24, v23  }
0x23b: {  	[tilespmem:v25+s24+$0x0] =	vst.idx.add.f32.msk $0xffff, v27  }
0x23c: {  	[tilespmem:v26+s24+$0x0] =	vst.idx.add.f32.msk $0xffff, v24  }
0x23d: {  	v24 =	vld [tilespmem:s2+$0x10];
	_ =	sdelay $0x2  }
0x23e: {  	v25 =	vor.u32 v16, v22  }
0x23f: {  	v26 =	vor.u32 v17, v22  }
0x240: {  	v27 =	vshll.u32 v24, $0x10  }
0x241: {  	v24 =	vand.u32 $0xFFFF0000, v24;
	v27 =	vmul.f32 v27, v23  }
0x242: {  	v24 =	vmul.f32 v24, v23  }
0x243: {  	[tilespmem:v25+s24+$0x0] =	vst.idx.add.f32.msk $0xffff, v27  }
0x244: {  	[tilespmem:v26+s24+$0x0] =	vst.idx.add.f32.msk $0xffff, v24  }
0x245: {  	v24 =	vld [tilespmem:s2+$0x20];
	_ =	sdelay $0x2  }
0x246: {  	v25 =	vor.u32 v18, v22  }
0x247: {  	v26 =	vor.u32 v19, v22  }
0x248: {  	v27 =	vshll.u32 v24, $0x10  }
0x249: {  	v24 =	vand.u32 $0xFFFF0000, v24;
	v27 =	vmul.f32 v27, v23  }
0x24a: {  	v24 =	vmul.f32 v24, v23  }
0x24b: {  	[tilespmem:v25+s24+$0x0] =	vst.idx.add.f32.msk $0xffff, v27  }
0x24c: {  	[tilespmem:v26+s24+$0x0] =	vst.idx.add.f32.msk $0xffff, v24  }
0x24d: {  	v24 =	vld [tilespmem:s2+$0x30];
	_ =	sdelay $0x2  }
0x24e: {  	v25 =	vor.u32 v20, v22  }
0x24f: {  	v22 =	vor.u32 v21, v22  }
0x250: {  	v26 =	vshll.u32 v24, $0x10  }
0x251: {  	v24 =	vand.u32 $0xFFFF0000, v24;
	v26 =	vmul.f32 v26, v23  }
0x252: {  	s8 =	sshll.u32 s0, $0x7;
	v23 =	vmul.f32 v24, v23  }
0x253: {  	s2 =	sshra.s32 s8, $0x2;
	s8 =	sadd.s32 $0x0, s30;
	[tilespmem:v25+s24+$0x0] =	vst.idx.add.f32.msk $0xffff, v26  }
0x254: {  	s2 =	sadd.s32 $0x20, s2;
	[tilespmem:v22+s24+$0x0] =	vst.idx.add.f32.msk $0xffff, v23;
	v22 =	vmov s8  }
0x255: {  	[tilespmem:s11], [sflag:$0x5] =	stream.indirect.gather [hbm4b:s1+s10], $0x80, s2, s10, $0xb8;
	[tilespmem:$0x1EE80] =	vst v63  }
0x256: {  	_ =	swait.ge [sflag:s28], $0x800  }
0x257: {  	[sflag:s28] =	ssyncset.done $0x0  }
0x258: {  	[sflag:s28] =	ssyncadd.s32 $0xFFFFF800  }
0x259: {  	v23 =	vld.idx.msk [tilespmem:v22+s19+$0x0], $0xffff;
	_ =	sdelay $0x1  }
0x25a: {  	s2 =	simm.s32 $0x1E640  }
0x25b: {  	v24 =	vld [tilespmem:s2+$0xFFFFFFC0]  }
0x25c: {  	v22 =	vld.idx.msk [tilespmem:v22+s12+$0x0], $0xffff  }
0x25d: {  	v23 =	vshll.u32 v23, $0x8  }
0x25e: {  	v25 =	vor.u32 v2, v23  }
0x25f: {  	v26 =	vor.u32 v7, v23  }
0x260: {  	v27 =	vshll.u32 v24, $0x10  }
0x261: {  	v24 =	vand.u32 $0xFFFF0000, v24;
	v27 =	vmul.f32 v27, v22  }
0x262: {  	v24 =	vmul.f32 v24, v22  }
0x263: {  	[tilespmem:v25+s24+$0x0] =	vst.idx.add.f32.msk $0xffff, v27  }
0x264: {  	[tilespmem:v26+s24+$0x0] =	vst.idx.add.f32.msk $0xffff, v24  }
0x265: {  	v24 =	vld [tilespmem:s2+$0xFFFFFFD0];
	_ =	sdelay $0x2  }
0x266: {  	v25 =	vor.u32 v8, v23  }
0x267: {  	v26 =	vor.u32 v9, v23  }
0x268: {  	v27 =	vshll.u32 v24, $0x10  }
0x269: {  	v24 =	vand.u32 $0xFFFF0000, v24;
	v27 =	vmul.f32 v27, v22  }
0x26a: {  	v24 =	vmul.f32 v24, v22  }
0x26b: {  	[tilespmem:v25+s24+$0x0] =	vst.idx.add.f32.msk $0xffff, v27  }
0x26c: {  	[tilespmem:v26+s24+$0x0] =	vst.idx.add.f32.msk $0xffff, v24  }
0x26d: {  	v24 =	vld [tilespmem:s2+$0xFFFFFFE0];
	_ =	sdelay $0x2  }
0x26e: {  	v25 =	vor.u32 v10, v23  }
0x26f: {  	v26 =	vor.u32 v11, v23  }
0x270: {  	v27 =	vshll.u32 v24, $0x10  }
0x271: {  	v24 =	vand.u32 $0xFFFF0000, v24;
	v27 =	vmul.f32 v27, v22  }
0x272: {  	v24 =	vmul.f32 v24, v22  }
0x273: {  	[tilespmem:v25+s24+$0x0] =	vst.idx.add.f32.msk $0xffff, v27  }
0x274: {  	[tilespmem:v26+s24+$0x0] =	vst.idx.add.f32.msk $0xffff, v24  }
0x275: {  	v24 =	vld [tilespmem:s2+$0xFFFFFFF0];
	_ =	sdelay $0x2  }
0x276: {  	v25 =	vor.u32 v12, v23  }
0x277: {  	v26 =	vor.u32 v13, v23  }
0x278: {  	v27 =	vshll.u32 v24, $0x10  }
0x279: {  	v24 =	vand.u32 $0xFFFF0000, v24;
	v27 =	vmul.f32 v27, v22  }
0x27a: {  	v24 =	vmul.f32 v24, v22  }
0x27b: {  	[tilespmem:v25+s24+$0x0] =	vst.idx.add.f32.msk $0xffff, v27  }
0x27c: {  	[tilespmem:v26+s24+$0x0] =	vst.idx.add.f32.msk $0xffff, v24  }
0x27d: {  	v24 =	vld [tilespmem:s2+$0x0];
	_ =	sdelay $0x2  }
0x27e: {  	v25 =	vor.u32 v14, v23  }
0x27f: {  	v26 =	vor.u32 v15, v23  }
0x280: {  	v27 =	vshll.u32 v24, $0x10  }
0x281: {  	v24 =	vand.u32 $0xFFFF0000, v24;
	v27 =	vmul.f32 v27, v22  }
0x282: {  	v24 =	vmul.f32 v24, v22  }
0x283: {  	[tilespmem:v25+s24+$0x0] =	vst.idx.add.f32.msk $0xffff, v27  }
0x284: {  	[tilespmem:v26+s24+$0x0] =	vst.idx.add.f32.msk $0xffff, v24  }
0x285: {  	v24 =	vld [tilespmem:s2+$0x10];
	_ =	sdelay $0x2  }
0x286: {  	v25 =	vor.u32 v16, v23  }
0x287: {  	v26 =	vor.u32 v17, v23  }
0x288: {  	v27 =	vshll.u32 v24, $0x10  }
0x289: {  	v24 =	vand.u32 $0xFFFF0000, v24;
	v27 =	vmul.f32 v27, v22  }
0x28a: {  	v24 =	vmul.f32 v24, v22  }
0x28b: {  	[tilespmem:v25+s24+$0x0] =	vst.idx.add.f32.msk $0xffff, v27  }
0x28c: {  	[tilespmem:v26+s24+$0x0] =	vst.idx.add.f32.msk $0xffff, v24  }
0x28d: {  	v24 =	vld [tilespmem:s2+$0x20];
	_ =	sdelay $0x2  }
0x28e: {  	v25 =	vor.u32 v18, v23  }
0x28f: {  	v26 =	vor.u32 v19, v23  }
0x290: {  	v27 =	vshll.u32 v24, $0x10  }
0x291: {  	v24 =	vand.u32 $0xFFFF0000, v24;
	v27 =	vmul.f32 v27, v22  }
0x292: {  	v24 =	vmul.f32 v24, v22  }
0x293: {  	[tilespmem:v25+s24+$0x0] =	vst.idx.add.f32.msk $0xffff, v27  }
0x294: {  	[tilespmem:v26+s24+$0x0] =	vst.idx.add.f32.msk $0xffff, v24  }
0x295: {  	v24 =	vld [tilespmem:s2+$0x30];
	_ =	sdelay $0x2  }
0x296: {  	v25 =	vor.u32 v20, v23;
	_ =	sdelay $0x1  }
0x297: {  	s23 =	sadd.s32 $0x1, s30;
	v26 =	vshll.u32 v24, $0x10;
	v27 =	vand.u32 $0xFFFF0000, v24;
	v24 =	vor.u32 v21, v23  }
0x298: {  	v23 =	vmov s23;
	v26 =	vmul.f32 v26, v22;
	_ =	sdelay $0x1  }
0x299: {  	s25 =	simm.s32 $0x2;
	v22 =	vmul.f32 v27, v22;
	[tilespmem:v25+s24+$0x0] =	vst.idx.add.f32.msk $0xffff, v26  }
.LBB2_31:
0x29a: {  	p0 =	sne.s32 s25, $0xF  }
0x29b: {  	[tilespmem:v24+s24+$0x0] =	vst.idx.add.f32.msk $0xffff, v22;
	s2 =	sadd.s32 $0x80, s2;
	s23 =	smov.u32 s25;
	s25 =	sadd.s32 $0x1, s25  }
0x29c: {  	v24 =	vld.idx.msk [tilespmem:v23+s19+$0x0], $0xffff;
	_ =	sdelay $0x2  }
0x29d: {  	v25 =	vld [tilespmem:s2+$0xFFFFFFC0]  }
0x29e: {  	v22 =	vld.idx.msk [tilespmem:v23+s12+$0x0], $0xffff;
	_ =	sdelay $0x1  }
0x29f: {  	v23 =	vshll.u32 v24, $0x8  }
0x2a0: {  	v24 =	vor.u32 v2, v23  }
0x2a1: {  	v27 =	vor.u32 v7, v23;
	v26 =	vand.u32 $0xFFFF0000, v25  }
0x2a2: {  	v25 =	vshll.u32 v25, $0x10  }
0x2a3: {  	v25 =	vmul.f32 v25, v22;
	v26 =	vmul.f32 v26, v22;
	_ =	sdelay $0x1  }
0x2a4: {  	[tilespmem:v24+s24+$0x0] =	vst.idx.add.f32.msk $0xffff, v25  }
0x2a5: {  	[tilespmem:v27+s24+$0x0] =	vst.idx.add.f32.msk $0xffff, v26  }
0x2a6: {  	v24 =	vld [tilespmem:s2+$0xFFFFFFD0];
	_ =	sdelay $0x2  }
0x2a7: {  	v25 =	vor.u32 v8, v23  }
0x2a8: {  	v26 =	vor.u32 v9, v23  }
0x2a9: {  	v27 =	vshll.u32 v24, $0x10;
	v24 =	vand.u32 $0xFFFF0000, v24  }
0x2aa: {  	v27 =	vmul.f32 v27, v22  }
0x2ab: {  	v24 =	vmul.f32 v24, v22  }
0x2ac: {  	[tilespmem:v25+s24+$0x0] =	vst.idx.add.f32.msk $0xffff, v27  }
0x2ad: {  	[tilespmem:v26+s24+$0x0] =	vst.idx.add.f32.msk $0xffff, v24  }
0x2ae: {  	v24 =	vld [tilespmem:s2+$0xFFFFFFE0];
	_ =	sdelay $0x2  }
0x2af: {  	v25 =	vor.u32 v10, v23  }
0x2b0: {  	v26 =	vor.u32 v11, v23  }
0x2b1: {  	v27 =	vshll.u32 v24, $0x10;
	v24 =	vand.u32 $0xFFFF0000, v24  }
0x2b2: {  	v27 =	vmul.f32 v27, v22  }
0x2b3: {  	v24 =	vmul.f32 v24, v22  }
0x2b4: {  	[tilespmem:v25+s24+$0x0] =	vst.idx.add.f32.msk $0xffff, v27  }
0x2b5: {  	[tilespmem:v26+s24+$0x0] =	vst.idx.add.f32.msk $0xffff, v24  }
0x2b6: {  	v24 =	vld [tilespmem:s2+$0xFFFFFFF0];
	_ =	sdelay $0x2  }
0x2b7: {  	v25 =	vor.u32 v12, v23  }
0x2b8: {  	v26 =	vor.u32 v13, v23  }
0x2b9: {  	v27 =	vshll.u32 v24, $0x10;
	v24 =	vand.u32 $0xFFFF0000, v24  }
0x2ba: {  	v27 =	vmul.f32 v27, v22  }
0x2bb: {  	v24 =	vmul.f32 v24, v22  }
0x2bc: {  	[tilespmem:v25+s24+$0x0] =	vst.idx.add.f32.msk $0xffff, v27  }
0x2bd: {  	[tilespmem:v26+s24+$0x0] =	vst.idx.add.f32.msk $0xffff, v24  }
0x2be: {  	v24 =	vld [tilespmem:s2+$0x0];
	_ =	sdelay $0x2  }
0x2bf: {  	v25 =	vor.u32 v14, v23  }
0x2c0: {  	v26 =	vor.u32 v15, v23  }
0x2c1: {  	v27 =	vshll.u32 v24, $0x10;
	v24 =	vand.u32 $0xFFFF0000, v24  }
0x2c2: {  	v27 =	vmul.f32 v27, v22  }
0x2c3: {  	v24 =	vmul.f32 v24, v22  }
0x2c4: {  	[tilespmem:v25+s24+$0x0] =	vst.idx.add.f32.msk $0xffff, v27  }
0x2c5: {  	[tilespmem:v26+s24+$0x0] =	vst.idx.add.f32.msk $0xffff, v24  }
0x2c6: {  	v24 =	vld [tilespmem:s2+$0x10];
	_ =	sdelay $0x2  }
0x2c7: {  	v25 =	vor.u32 v16, v23  }
0x2c8: {  	v26 =	vor.u32 v17, v23  }
0x2c9: {  	v27 =	vshll.u32 v24, $0x10;
	v24 =	vand.u32 $0xFFFF0000, v24  }
0x2ca: {  	v27 =	vmul.f32 v27, v22  }
0x2cb: {  	v24 =	vmul.f32 v24, v22  }
0x2cc: {  	[tilespmem:v25+s24+$0x0] =	vst.idx.add.f32.msk $0xffff, v27  }
0x2cd: {  	[tilespmem:v26+s24+$0x0] =	vst.idx.add.f32.msk $0xffff, v24  }
0x2ce: {  	v24 =	vld [tilespmem:s2+$0x20];
	_ =	sdelay $0x2  }
0x2cf: {  	v25 =	vor.u32 v18, v23  }
0x2d0: {  	v26 =	vor.u32 v19, v23  }
0x2d1: {  	v27 =	vshll.u32 v24, $0x10;
	v24 =	vand.u32 $0xFFFF0000, v24  }
0x2d2: {  	v27 =	vmul.f32 v27, v22  }
0x2d3: {  	v24 =	vmul.f32 v24, v22  }
0x2d4: {  	[tilespmem:v25+s24+$0x0] =	vst.idx.add.f32.msk $0xffff, v27  }
0x2d5: {  	[tilespmem:v26+s24+$0x0] =	vst.idx.add.f32.msk $0xffff, v24  }
0x2d6: {  	v25 =	vld [tilespmem:s2+$0x30];
	_ =	sdelay $0x2  }
0x2d7: {  	v26 =	vor.u32 v20, v23  }
.Ltmp19:
0x2d8: {  	s8 =	sadd.s32 s23, s30;
	v24 =	vor.u32 v21, v23;
	(pc) =	sbr.rel @p0 .LBB2_31-.Ltmp19, $4  }
0x2d9: {  	v23 =	vmov s8;
	v27 =	vshll.u32 v25, $0x10;
	v25 =	vand.u32 $0xFFFF0000, v25  }
0x2da: {  	v27 =	vmul.f32 v27, v22  }
0x2db: {  	v22 =	vmul.f32 v25, v22  }
0x2dc: {  	[tilespmem:v26+s24+$0x0] =	vst.idx.add.f32.msk $0xffff, v27  }
0x2dd: {  	_ =	sdelay $0x3  }
0x2de: {  	[tilespmem:v24+s24+$0x0] =	vst.idx.add.f32.msk $0xffff, v22  }
0x2df: {  	v22 =	vld.idx.msk [tilespmem:v23+s19+$0x0], $0xffff;
	_ =	sdelay $0x1  }
0x2e0: {  	s2 =	sadd.s32 $0x80, s2  }
0x2e1: {  	v24 =	vld [tilespmem:s2+$0xFFFFFFC0]  }
0x2e2: {  	v23 =	vld.idx.msk [tilespmem:v23+s12+$0x0], $0xffff  }
0x2e3: {  	v22 =	vshll.u32 v22, $0x8  }
0x2e4: {  	v25 =	vor.u32 v2, v22  }
0x2e5: {  	v26 =	vor.u32 v7, v22  }
0x2e6: {  	v27 =	vshll.u32 v24, $0x10  }
0x2e7: {  	v24 =	vand.u32 $0xFFFF0000, v24;
	v27 =	vmul.f32 v27, v23  }
0x2e8: {  	v24 =	vmul.f32 v24, v23  }
0x2e9: {  	[tilespmem:v25+s24+$0x0] =	vst.idx.add.f32.msk $0xffff, v27  }
0x2ea: {  	[tilespmem:v26+s24+$0x0] =	vst.idx.add.f32.msk $0xffff, v24  }
0x2eb: {  	v24 =	vld [tilespmem:s2+$0xFFFFFFD0];
	_ =	sdelay $0x2  }
0x2ec: {  	v45 =	vor.u32 v8, v22  }
0x2ed: {  	v46 =	vor.u32 v9, v22  }
0x2ee: {  	v47 =	vshll.u32 v24, $0x10  }
0x2ef: {  	v24 =	vand.u32 $0xFFFF0000, v24;
	v27 =	vmul.f32 v47, v23  }
0x2f0: {  	v24 =	vmul.f32 v24, v23  }
0x2f1: {  	[tilespmem:v45+s24+$0x0] =	vst.idx.add.f32.msk $0xffff, v27  }
0x2f2: {  	[tilespmem:v46+s24+$0x0] =	vst.idx.add.f32.msk $0xffff, v24  }
0x2f3: {  	v24 =	vld [tilespmem:s2+$0xFFFFFFE0];
	_ =	sdelay $0x2  }
0x2f4: {  	v48 =	vor.u32 v10, v22  }
0x2f5: {  	v49 =	vor.u32 v11, v22  }
0x2f6: {  	v50 =	vshll.u32 v24, $0x10  }
0x2f7: {  	v24 =	vand.u32 $0xFFFF0000, v24;
	v27 =	vmul.f32 v50, v23  }
0x2f8: {  	v24 =	vmul.f32 v24, v23  }
0x2f9: {  	[tilespmem:v48+s24+$0x0] =	vst.idx.add.f32.msk $0xffff, v27  }
0x2fa: {  	[tilespmem:v49+s24+$0x0] =	vst.idx.add.f32.msk $0xffff, v24  }
0x2fb: {  	v24 =	vld [tilespmem:s2+$0xFFFFFFF0];
	_ =	sdelay $0x2  }
0x2fc: {  	v51 =	vor.u32 v12, v22  }
0x2fd: {  	v52 =	vor.u32 v13, v22  }
0x2fe: {  	v53 =	vshll.u32 v24, $0x10  }
0x2ff: {  	v24 =	vand.u32 $0xFFFF0000, v24;
	v27 =	vmul.f32 v53, v23  }
0x300: {  	v24 =	vmul.f32 v24, v23  }
0x301: {  	[tilespmem:v51+s24+$0x0] =	vst.idx.add.f32.msk $0xffff, v27  }
0x302: {  	[tilespmem:v52+s24+$0x0] =	vst.idx.add.f32.msk $0xffff, v24  }
0x303: {  	v24 =	vld [tilespmem:s2+$0x0];
	_ =	sdelay $0x2  }
0x304: {  	v54 =	vor.u32 v14, v22  }
0x305: {  	v55 =	vor.u32 v15, v22  }
0x306: {  	v56 =	vshll.u32 v24, $0x10  }
0x307: {  	v24 =	vand.u32 $0xFFFF0000, v24;
	v27 =	vmul.f32 v56, v23  }
0x308: {  	v24 =	vmul.f32 v24, v23  }
0x309: {  	[tilespmem:v54+s24+$0x0] =	vst.idx.add.f32.msk $0xffff, v27  }
0x30a: {  	[tilespmem:v55+s24+$0x0] =	vst.idx.add.f32.msk $0xffff, v24  }
0x30b: {  	v24 =	vld [tilespmem:s2+$0x10];
	_ =	sdelay $0x2  }
0x30c: {  	v57 =	vor.u32 v16, v22  }
0x30d: {  	v58 =	vor.u32 v17, v22  }
0x30e: {  	v59 =	vshll.u32 v24, $0x10  }
0x30f: {  	v24 =	vand.u32 $0xFFFF0000, v24;
	v27 =	vmul.f32 v59, v23  }
0x310: {  	v24 =	vmul.f32 v24, v23  }
0x311: {  	[tilespmem:v57+s24+$0x0] =	vst.idx.add.f32.msk $0xffff, v27  }
0x312: {  	[tilespmem:v58+s24+$0x0] =	vst.idx.add.f32.msk $0xffff, v24  }
0x313: {  	v24 =	vld [tilespmem:s2+$0x20];
	_ =	sdelay $0x2  }
0x314: {  	v60 =	vor.u32 v18, v22  }
0x315: {  	v61 =	vor.u32 v19, v22  }
0x316: {  	v62 =	vshll.u32 v24, $0x10  }
0x317: {  	v24 =	vand.u32 $0xFFFF0000, v24;
	v27 =	vmul.f32 v62, v23  }
0x318: {  	v24 =	vmul.f32 v24, v23  }
0x319: {  	[tilespmem:v60+s24+$0x0] =	vst.idx.add.f32.msk $0xffff, v27  }
0x31a: {  	[tilespmem:v61+s24+$0x0] =	vst.idx.add.f32.msk $0xffff, v24  }
0x31b: {  	v24 =	vld [tilespmem:s2+$0x30];
	_ =	sdelay $0x2  }
0x31c: {  	s0 =	sadd.s32 $0x1, s0;
	v63 =	vor.u32 v20, v22  }
0x31d: {  	p0 =	sne.s32 s0, s29;
	v21 =	vor.u32 v21, v22  }
.Ltmp20:
0x31e: {  	v22 =	vshll.u32 v24, $0x10;
	(pc) =	sbr.rel @p0 .LBB2_28-.Ltmp20, $4  }
.Ltmp21:
0x31f: {  	v24 =	vand.u32 $0xFFFF0000, v24;
	v22 =	vmul.f32 v22, v23;
	(pc) =	sbr.rel @!p0 .LBB2_33-.Ltmp21, $4  }
0x320: {  	v23 =	vmul.f32 v24, v23  }
0x321: {  	[tilespmem:v63+s24+$0x0] =	vst.idx.add.f32.msk $0xffff, v22  }
0x322: {  	s31 =	sadd.s32 $0x20, s31;
	s30 =	sadd.s32 $0x20, s30;
	[tilespmem:v21+s24+$0x0] =	vst.idx.add.f32.msk $0xffff, v23  }
0x323: {  	_ = 	snop  }
.LBB2_15:
.Ltmp22:
0x324: {  	(pc) =	sbr.rel .LBB2_19-.Ltmp22, $3  }
0x325: {  	_ =	sdelay $0x1  }
0x326: {  	s31 =	simm.s32 $0x2C00  }
0x327: {  	s11 =	simm.s32 $0x0;
	s30 =	simm.s32 $0x5800;
	p2 =	por $0x0, $0x0  }
.LBB2_20:
.Ltmp23:
0x328: {  	(pc) =	sbr.rel .LBB2_24-.Ltmp23, $2  }
0x329: {  	_ =	sdelay $0x2  }
0x32a: {  	s11 =	simm.s32 $0x5800  }
.LBB2_17:
.Ltmp24:
0x32b: {  	(pc) =	sbr.rel .LBB2_19-.Ltmp24, $2  }
0x32c: {  	_ =	sdelay $0x2  }
0x32d: {  	s31 =	simm.s32 $0x2C00;
	s11 =	simm.s32 $0x0  }
.LBB2_22:
.Ltmp25:
0x32e: {  	(pc) =	sbr.rel .LBB2_24-.Ltmp25, $2  }
0x32f: {  	_ =	sdelay $0x2  }
0x330: {  	s11 =	simm.s32 $0x5800  }
.LBB2_34:
0x331: {  	_ =	sfence.sel $0x180000  }
0x332: {  	[bflag:$0x0] =	sbarrier.arrive $0xFFFF  }
0x333: {  	_ =	strace $0x90000047  }
0x334: {  	s0 =	stileid.u32;
	[bflag:$0x2] =	sbarrier.arrive $0xFFFF  }
0x335: {  	p0 =	sne.s32 s0, $0x0;
	s0 =	rddreg [dreg:$0x2]  }
0x336: {  	s0 =	sadd.s32 @!p0 $0x100000, s0  }
0x337: {  	[sflag:s0] =	ssyncadd.tile.s32 @!p0 $0x1;
	_ =	shalt  }
.Lfunc_end2:
_tile_overlayer_lowered:
.L_overlay_start_2:
0x338: {  	(tag) =	ssettag $0x2  }
0x339: {  	s0 =	rddreg [dreg:$0x0];
	s2 =	stileid.u32  }
0x33a: {  	s1 =	rddreg [dreg:$0x1];
	p0 =	sne.s32 s2, $0x0  }
0x33b: {  	s3 =	rddreg [dreg:$0x2];
	[bflag:$0x3] =	sbarrier.arrive $0xFFFF;
	s2 =	simm.s32 @!p0 $0x1C07  }
0x33c: {  	[timem:s3], [sflag:s2] =	dma.local @!p0 [hbm:s0], s1  }
0x33d: {  	s0 =	simm.s32 @!p0 $0x7  }
0x33e: {  	_ =	swait.ge @!p0 [sflag:s0], s1  }
0x33f: {  	s1 =	ssub.s32 @!p0 $0x0, s1;
	[sflag:s0] =	ssyncset.done @!p0 $0x0  }
0x340: {  	[sflag:s0] =	ssyncadd.s32 @!p0 s1  }
0x341: {  	[bflag:$0x3] =	sbarrier.arrive $0xFFFF  }
0x342: {  	_ =	shalt  }

</sc_bundles>
